<compile_context>
chip_gen: v7x
topology: tpu7x:2x2x1
jax: 0.10.2.dev20260603
libtpu: 0.0.44.dev20260713+nightly
codegen_flags: <defaults>
</compile_context>

<pallas_src>
import dataclasses
import functools

import jax
import jax.numpy as jnp
from jax import lax
from jax.experimental import pallas as pl
from jax.experimental.pallas import tpu as pltpu
from jax.experimental.pallas import tpu_sc as plsc

_N = 10000
_E = 320000
_H = 128
_NC = 2
_NS = 16
_TILES = _NC * _NS
_EPT = _E // _TILES
_C = 80
_HC = _C // 2
_CHUNKS = _EPT // _C
_NHALF = 2 * _CHUNKS
_RPT = 624
_WB = 208
_TAIL = _N - _RPT * _NS



def _tc_in_body(x_ref, w_ref, b_ref, a_ref, v_ref, h_ref, s_ref):
    h = jnp.dot(x_ref[...], w_ref[...], preferred_element_type=jnp.float32) + b_ref[...]
    h = jnp.maximum(h, 0.0)
    h_ref[...] = h
    s_ref[...] = jnp.dot(h, a_ref[...], preferred_element_type=jnp.float32) + v_ref[...]


def _tc_combine_body(h_ref, p0_ref, p1_ref, e_ref, a_ref, v_ref,
                     h2_ref, s_ref):
    e = e_ref[...]
    agg = p0_ref[...] + p1_ref[...]
    h2 = jnp.maximum(e * h_ref[...] + (1.0 - e) * agg, 0.0)
    h2_ref[...] = h2
    s_ref[...] = jnp.dot(h2, a_ref[...], preferred_element_type=jnp.float32) + v_ref[...]


def _tc_final_body(h_ref, p0_ref, p1_ref, e_ref, w_ref, b_ref, o_ref):
    e = e_ref[...]
    agg = p0_ref[...] + p1_ref[...]
    h2 = jnp.maximum(e * h_ref[...] + (1.0 - e) * agg, 0.0)
    o_ref[...] = jnp.dot(h2, w_ref[...], preferred_element_type=jnp.float32) + b_ref[...]


def _tc_in(x, w, b, a, v):
    return pl.pallas_call(
        _tc_in_body,
        out_shape=(jax.ShapeDtypeStruct((_N, _H), jnp.float32),
                   jax.ShapeDtypeStruct((_N, _H), jnp.float32)),
    )(x, w, b, a, v)


def _tc_combine(h, p0, p1, e, a, v):
    return pl.pallas_call(
        _tc_combine_body,
        out_shape=(jax.ShapeDtypeStruct((_N, _H), jnp.float32),
                   jax.ShapeDtypeStruct((_N, _H), jnp.float32)),
    )(h, p0, p1, e, a, v)


def _tc_final(h, p0, p1, e, w, b):
    return pl.pallas_call(
        _tc_final_body,
        out_shape=jax.ShapeDtypeStruct((_N, b.shape[-1]), jnp.float32),
    )(h, p0, p1, e, w, b)



def _sc_edge_body(h_hbm, rc_hbm, s1_hbm, s2_hbm, out_hbm,
                  s1_v, s2_v, idx_ring, alpha_v, rows_ring,
                  acc_sh, isems, gsems, ssems):
    c = lax.axis_index("c")
    s = lax.axis_index("s")

    pltpu.sync_copy(s1_hbm, s1_v)
    pltpu.sync_copy(s2_hbm, s2_v)

    @pl.loop(0, _HC)
    def _zero_rows(i):
        for j in range(_H // 16):
            rows_ring[0, i, pl.ds(j * 16, 16)] = jnp.zeros((16,), jnp.float32)

    for k in range(15):
        pltpu.sync_copy(rows_ring.at[0],
                        acc_sh.at[pl.ds(s * _RPT + k * _HC, _HC)])
    pltpu.sync_copy(rows_ring.at[0, pl.ds(0, 24)],
                    acc_sh.at[pl.ds(s * _RPT + 600, 24)])

    @pl.when(s == _NS - 1)
    def _zero_tail():
        pltpu.sync_copy(rows_ring.at[0, pl.ds(0, _TAIL)],
                        acc_sh.at[pl.ds(_RPT * _NS, _TAIL)])

    plsc.subcore_barrier()

    cbase = (c * _NS + s) * _CHUNKS

    def idx_start(k):
        q = lax.rem(k, 4)
        pltpu.async_copy(rc_hbm.at[cbase + k], idx_ring.at[q], isems.at[q])

    def idx_wait(k):
        q = lax.rem(k, 4)
        pltpu.make_async_copy(rc_hbm.at[cbase], idx_ring.at[q],
                              isems.at[q]).wait()

    def _slots(j):
        q = lax.rem(lax.div(j, 2), 4)
        jh = lax.rem(j, 2)
        r = lax.rem(j, 4)
        return q, jh, r

    def gather_start(j):
        q, jh, r = _slots(j)
        pltpu.async_copy(h_hbm.at[idx_ring.at[q, 0, jh]], rows_ring.at[r],
                         gsems.at[r])

    def gather_wait(j):
        q, jh, r = _slots(j)
        pltpu.make_async_copy(h_hbm.at[idx_ring.at[q, 0, jh]],
                              rows_ring.at[r], gsems.at[r]).wait()

    def scatter_start(j):
        q, jh, r = _slots(j)
        pltpu.async_copy(rows_ring.at[r], acc_sh.at[idx_ring.at[q, 1, jh]],
                         ssems.at[r], add=True)

    def scatter_wait(j):
        q, jh, r = _slots(j)
        pltpu.make_async_copy(rows_ring.at[r],
                              acc_sh.at[idx_ring.at[q, 1, jh]],
                              ssems.at[r]).wait()

    def compute(j):
        q, jh, r = _slots(j)
        irf = idx_ring.at[q, 0, jh]
        icf = idx_ring.at[q, 1, jh]
        rv = rows_ring.at[r]

        for off in (0, 16, 24):
            ir = irf[pl.ds(off, 16)]
            ic = icf[pl.ds(off, 16)]
            z = plsc.load_gather(s1_v, [ir]) + plsc.load_gather(s2_v, [ic])
            t = jnp.exp(-2.0 * jnp.abs(z))
            m = (1.0 - t) / (1.0 + t)
            alpha_v[pl.ds(off, 16)] = jnp.sign(z) * m

        @plsc.parallel_loop(0, _HC, unroll=4)
        def _scale(e):
            av = plsc.load_gather(alpha_v, [jnp.broadcast_to(e, (16,))])
            for jj in range(_H // 16):
                sl = pl.ds(jj * 16, 16)
                rv[e, sl] = rv[e, sl] * av

    idx_start(0)
    idx_start(1)
    idx_start(2)
    idx_wait(0)
    gather_start(0)
    gather_start(1)

    @pl.loop(0, _CHUNKS)
    def _main(k):
        j = k * 2
        gather_wait(j)

        @pl.when(j >= 2)
        def _drain_scatter0():
            scatter_wait(j - 2)

        @pl.when(j + 2 < _NHALF)
        def _next_gather0():
            idx_wait(k + 1)
            gather_start(j + 2)

        compute(j)
        scatter_start(j)

        gather_wait(j + 1)

        @pl.when(j >= 1)
        def _drain_scatter1():
            scatter_wait(j - 1)

        @pl.when(j + 3 < _NHALF)
        def _next_gather1():
            gather_start(j + 3)

        @pl.when(k + 3 < _CHUNKS)
        def _prefetch_idx():
            idx_start(k + 3)

        compute(j + 1)
        scatter_start(j + 1)

    scatter_wait(_NHALF - 2)
    scatter_wait(_NHALF - 1)

    plsc.subcore_barrier()

    for k in range(_RPT // _WB):
        r0 = s * _RPT + k * _WB
        pltpu.sync_copy(acc_sh.at[pl.ds(r0, _WB)],
                        out_hbm.at[c, pl.ds(r0, _WB)])

    @pl.when(s == _NS - 1)
    def _write_tail():
        pltpu.sync_copy(acc_sh.at[pl.ds(_RPT * _NS, _TAIL)],
                        out_hbm.at[c, pl.ds(_RPT * _NS, _TAIL)])


def _sc_edge(h, rc, s1, s2):
    mesh = plsc.VectorSubcoreMesh(core_axis_name="c", subcore_axis_name="s")
    cp = pltpu.CompilerParams()
    if "needs_layout_passes" in pltpu.CompilerParams.__dataclass_fields__:
        cp = dataclasses.replace(cp, needs_layout_passes=False)
    kfn = pl.kernel(
        _sc_edge_body,
        out_type=jax.ShapeDtypeStruct((_NC, _N, _H), jnp.float32),
        mesh=mesh,
        scratch_types=[
            pltpu.VMEM((_N,), jnp.float32),
            pltpu.VMEM((_N,), jnp.float32),
            pltpu.VMEM((4, 2, 2, _HC), jnp.int32),
            pltpu.VMEM((_HC,), jnp.float32),
            pltpu.VMEM((4, _HC, _H), jnp.float32),
            pltpu.VMEM_SHARED((_N, _H), jnp.float32),
            pltpu.SemaphoreType.DMA((4,)),
            pltpu.SemaphoreType.DMA((4,)),
            pltpu.SemaphoreType.DMA((4,)),
        ],
        compiler_params=cp,
    )
    return kfn(h, rc, s1, s2)



@jax.jit
def kernel(x, edge_index, W_in, b_in, W_att1, b_att1, eps1,
           W_att2, b_att2, eps2, W_cls, b_cls):
    ei = edge_index.astype(jnp.int32)
    rc = jnp.stack([ei[0].reshape(-1, 2, _HC), ei[1].reshape(-1, 2, _HC)],
                   axis=1)

    def att_pad(w_att, b_att):
        a = jnp.zeros((_H, 128), jnp.float32)
        a = a.at[:, 0].set(w_att[:_H, 0])
        a = a.at[:, 1].set(w_att[_H:, 0])
        v = jnp.zeros((1, 128), jnp.float32).at[0, 0].set(b_att[0])
        return a, v

    a1, v1 = att_pad(W_att1, b_att1)
    a2, v2 = att_pad(W_att2, b_att2)
    b_in2 = b_in.reshape(1, _H)
    bcls2 = b_cls.reshape(1, -1)
    e1 = jnp.broadcast_to(eps1, (1, _H)).astype(jnp.float32)
    e2 = jnp.broadcast_to(eps2, (1, _H)).astype(jnp.float32)

    h1, s = _tc_in(x, W_in, b_in2, a1, v1)
    p = _sc_edge(h1, rc, s[:, 0], s[:, 1])
    h2, s = _tc_combine(h1, p[0], p[1], e1, a2, v2)
    q = _sc_edge(h2, rc, s[:, 0], s[:, 1])
    return _tc_final(h2, q[0], q[1], e2, W_cls, bcls2)

# --- scband reference (transcript-rebuilt; emitter-appended) ---
"""Pipeline reference for scband-fagcn-68143951118645 (READ-ONLY COPY).

The authoritative reference and input builder live on the scoring server;
editing this copy changes nothing except your own understanding.
"""

import jax, jax.numpy as jnp
import numpy as np

N = 10000
E = 320000
D_IN = 128
H = 128
D_OUT = 64


def setup_inputs(seed: int = 0) -> dict:
    key = jax.random.key(seed)
    ks = jax.random.split(key, 16)
    x = jax.random.normal(ks[0], (N, D_IN), dtype=jnp.float32)
    edge_index = jax.random.randint(ks[1], (2, E), 0, N, dtype=jnp.int64)
    W_in = jax.random.normal(ks[2], (D_IN, H), dtype=jnp.float32) * 0.05
    b_in = jnp.zeros((H,), dtype=jnp.float32)
    W_att1 = jax.random.normal(ks[3], (2 * H, 1), dtype=jnp.float32) * 0.05
    b_att1 = jnp.zeros((1,), dtype=jnp.float32)
    eps1 = jnp.asarray(0.1, dtype=jnp.float32)
    W_att2 = jax.random.normal(ks[4], (2 * H, 1), dtype=jnp.float32) * 0.05
    b_att2 = jnp.zeros((1,), dtype=jnp.float32)
    eps2 = jnp.asarray(0.1, dtype=jnp.float32)
    W_cls = jax.random.normal(ks[5], (H, D_OUT), dtype=jnp.float32) * 0.05
    b_cls = jnp.zeros((D_OUT,), dtype=jnp.float32)
    return {"x": x, "edge_index": edge_index, "W_in": W_in, "b_in": b_in,
            "W_att1": W_att1, "b_att1": b_att1, "eps1": eps1,
            "W_att2": W_att2, "b_att2": b_att2, "eps2": eps2,
            "W_cls": W_cls, "b_cls": b_cls}


def _fagcn_layer(x, row, col, W_att, b_att, eps):
    xr = x[row]
    xc = x[col]
    feat = jnp.concatenate([xr, xc], axis=-1)
    alpha = jnp.tanh(feat @ W_att + b_att)[:, 0]
    msg = alpha[:, None] * xr
    out = jnp.zeros_like(x).at[col].add(msg)
    return eps * x + (1.0 - eps) * out


def reference(x, edge_index, W_in, b_in, W_att1, b_att1, eps1, W_att2, b_att2, eps2, W_cls, b_cls):
    row = edge_index[0]
    col = edge_index[1]
    h = jax.nn.relu(x @ W_in + b_in)
    # dropout is identity in eval mode
    h = jax.nn.relu(_fagcn_layer(h, row, col, W_att1, b_att1, eps1))
    h = jax.nn.relu(_fagcn_layer(h, row, col, W_att2, b_att2, eps2))
    return h @ W_cls + b_cls

if __name__ == "__main__":
    import jax
    _d = setup_inputs()
    print(jax.jit(kernel)(*tuple(_d.values())))

</pallas_src>

<mosaic_0001>
#map = affine_map<(d0, d1) -> (0, 0)>
#map1 = affine_map<(d0, d1) -> (0, 0, 0, 0)>
#map2 = affine_map<(d0, d1) -> (0)>
#map3 = affine_map<(d0, d1) -> (0, 0, 0)>
module attributes {stable_mosaic.version = 14 : i64} {
  func.func @_sc_edge_body(%arg0: i32, %arg1: i32, %arg2: memref<10000x128xf32, #tpu.memory_space<hbm>>, %arg3: memref<4000x2x2x40xi32, #tpu.memory_space<hbm>>, %arg4: memref<10000xf32, #tpu.memory_space<hbm>>, %arg5: memref<10000xf32, #tpu.memory_space<hbm>>, %arg6: memref<2x10000x128xf32, #tpu.memory_space<hbm>>, %arg7: memref<10000xf32, #tpu.memory_space<vmem>>, %arg8: memref<10000xf32, #tpu.memory_space<vmem>>, %arg9: memref<4x2x2x40xi32, #tpu.memory_space<vmem>>, %arg10: memref<40xf32, #tpu.memory_space<vmem>>, %arg11: memref<4x40x128xf32, #tpu.memory_space<vmem>>, %arg12: memref<10000x128xf32, #tpu.memory_space<vmem_shared>>, %arg13: memref<4x!tpu.dma_semaphore, #tpu.memory_space<semaphore_mem>>, %arg14: memref<4x!tpu.dma_semaphore, #tpu.memory_space<semaphore_mem>>, %arg15: memref<4x!tpu.dma_semaphore, #tpu.memory_space<semaphore_mem>>) attributes {dimension_semantics = [#tpu.dimension_semantics<core_parallel>, #tpu.dimension_semantics<subcore_parallel>], iteration_bounds = array<i64: 2, 16>, scalar_prefetch = 0 : i64, scratch_operands = 9 : i64, tpu.core_type = #tpu.core_type<sc_vector_subcore>, window_params = [{transform_indices = #map}, {transform_indices = #map1}, {transform_indices = #map2}, {transform_indices = #map2}, {transform_indices = #map3}]} {
    "tpu.region"() ({
      %run_scoped3A_309 = tpu.sem_alloc : memref<!tpu.dma_semaphore, #tpu.memory_space<semaphore_mem>>
      tpu.enqueue_dma source(%arg4 : memref<10000xf32, #tpu.memory_space<hbm>>) target(%arg7 : memref<10000xf32, #tpu.memory_space<vmem>>) target_semaphore(%run_scoped3A_309 : memref<!tpu.dma_semaphore, #tpu.memory_space<semaphore_mem>>)
      tpu.wait_dma2 semaphore(%run_scoped3A_309 : memref<!tpu.dma_semaphore, #tpu.memory_space<semaphore_mem>>) src(%arg4 : memref<10000xf32, #tpu.memory_space<hbm>>) dst(%arg7 : memref<10000xf32, #tpu.memory_space<vmem>>)
      tpu.yield
    }) : () -> ()
    "tpu.region"() ({
      %run_scoped3A_309 = tpu.sem_alloc : memref<!tpu.dma_semaphore, #tpu.memory_space<semaphore_mem>>
      tpu.enqueue_dma source(%arg5 : memref<10000xf32, #tpu.memory_space<hbm>>) target(%arg8 : memref<10000xf32, #tpu.memory_space<vmem>>) target_semaphore(%run_scoped3A_309 : memref<!tpu.dma_semaphore, #tpu.memory_space<semaphore_mem>>)
      tpu.wait_dma2 semaphore(%run_scoped3A_309 : memref<!tpu.dma_semaphore, #tpu.memory_space<semaphore_mem>>) src(%arg5 : memref<10000xf32, #tpu.memory_space<hbm>>) dst(%arg8 : memref<10000xf32, #tpu.memory_space<vmem>>)
      tpu.yield
    }) : () -> ()
    %scan3A = arith.constant 0 : i32
    %scan3A_0 = arith.constant 40 : i32
    %scan3A_1 = arith.addi %scan3A, %scan3A_0 : i32
    %scan3A_2 = arith.constant 1 : i32
    scf.for %scan3A_309 = %scan3A to %scan3A_1 step %scan3A_2  : i32 {
      %mul3A_310 = arith.constant 1 : i32
      %mul3A_311 = arith.muli %scan3A_309, %mul3A_310 : i32
      %add3A_312 = arith.constant 0 : i32
      %add3A_313 = arith.addi %add3A_312, %mul3A_311 : i32
      %broadcast_in_dim3A = arith.constant 0.000000e+00 : f32
      %broadcast_in_dim3A_314 = vector.broadcast %broadcast_in_dim3A : f32 to vector<16xf32>
      %swap3A = arith.constant 0 : i32
      %swap3A_315 = arith.index_cast %swap3A : i32 to index
      %swap3A_316 = arith.index_cast %add3A_313 : i32 to index
      %swap3A_317 = arith.constant 0 : index
      %swap3A_318 = tpu.vector_load %arg11[%swap3A_315, %swap3A_316, %swap3A_317] {strides = array<i32>} : memref<4x40x128xf32, #tpu.memory_space<vmem>>, vector<16xf32>,
      tpu.vector_store %arg11[%swap3A_315, %swap3A_316, %swap3A_317], %broadcast_in_dim3A_314 {strides = array<i32>} : memref<4x40x128xf32, #tpu.memory_space<vmem>>, vector<16xf32>,
      %broadcast_in_dim3A_319 = arith.constant 0.000000e+00 : f32
      %broadcast_in_dim3A_320 = vector.broadcast %broadcast_in_dim3A_319 : f32 to vector<16xf32>
      %swap3A_321 = arith.constant 0 : i32
      %swap3A_322 = arith.index_cast %swap3A_321 : i32 to index
      %swap3A_323 = arith.index_cast %add3A_313 : i32 to index
      %swap3A_324 = arith.constant 16 : index
      %swap3A_325 = tpu.vector_load %arg11[%swap3A_322, %swap3A_323, %swap3A_324] {strides = array<i32>} : memref<4x40x128xf32, #tpu.memory_space<vmem>>, vector<16xf32>,
      tpu.vector_store %arg11[%swap3A_322, %swap3A_323, %swap3A_324], %broadcast_in_dim3A_320 {strides = array<i32>} : memref<4x40x128xf32, #tpu.memory_space<vmem>>, vector<16xf32>,
      %broadcast_in_dim3A_326 = arith.constant 0.000000e+00 : f32
      %broadcast_in_dim3A_327 = vector.broadcast %broadcast_in_dim3A_326 : f32 to vector<16xf32>
      %swap3A_328 = arith.constant 0 : i32
      %swap3A_329 = arith.index_cast %swap3A_328 : i32 to index
      %swap3A_330 = arith.index_cast %add3A_313 : i32 to index
      %swap3A_331 = arith.constant 32 : index
      %swap3A_332 = tpu.vector_load %arg11[%swap3A_329, %swap3A_330, %swap3A_331] {strides = array<i32>} : memref<4x40x128xf32, #tpu.memory_space<vmem>>, vector<16xf32>,
      tpu.vector_store %arg11[%swap3A_329, %swap3A_330, %swap3A_331], %broadcast_in_dim3A_327 {strides = array<i32>} : memref<4x40x128xf32, #tpu.memory_space<vmem>>, vector<16xf32>,
      %broadcast_in_dim3A_333 = arith.constant 0.000000e+00 : f32
      %broadcast_in_dim3A_334 = vector.broadcast %broadcast_in_dim3A_333 : f32 to vector<16xf32>
      %swap3A_335 = arith.constant 0 : i32
      %swap3A_336 = arith.index_cast %swap3A_335 : i32 to index
      %swap3A_337 = arith.index_cast %add3A_313 : i32 to index
      %swap3A_338 = arith.constant 48 : index
      %swap3A_339 = tpu.vector_load %arg11[%swap3A_336, %swap3A_337, %swap3A_338] {strides = array<i32>} : memref<4x40x128xf32, #tpu.memory_space<vmem>>, vector<16xf32>,
      tpu.vector_store %arg11[%swap3A_336, %swap3A_337, %swap3A_338], %broadcast_in_dim3A_334 {strides = array<i32>} : memref<4x40x128xf32, #tpu.memory_space<vmem>>, vector<16xf32>,
      %broadcast_in_dim3A_340 = arith.constant 0.000000e+00 : f32
      %broadcast_in_dim3A_341 = vector.broadcast %broadcast_in_dim3A_340 : f32 to vector<16xf32>
      %swap3A_342 = arith.constant 0 : i32
      %swap3A_343 = arith.index_cast %swap3A_342 : i32 to index
      %swap3A_344 = arith.index_cast %add3A_313 : i32 to index
      %swap3A_345 = arith.constant 64 : index
      %swap3A_346 = tpu.vector_load %arg11[%swap3A_343, %swap3A_344, %swap3A_345] {strides = array<i32>} : memref<4x40x128xf32, #tpu.memory_space<vmem>>, vector<16xf32>,
      tpu.vector_store %arg11[%swap3A_343, %swap3A_344, %swap3A_345], %broadcast_in_dim3A_341 {strides = array<i32>} : memref<4x40x128xf32, #tpu.memory_space<vmem>>, vector<16xf32>,
      %broadcast_in_dim3A_347 = arith.constant 0.000000e+00 : f32
      %broadcast_in_dim3A_348 = vector.broadcast %broadcast_in_dim3A_347 : f32 to vector<16xf32>
      %swap3A_349 = arith.constant 0 : i32
      %swap3A_350 = arith.index_cast %swap3A_349 : i32 to index
      %swap3A_351 = arith.index_cast %add3A_313 : i32 to index
      %swap3A_352 = arith.constant 80 : index
      %swap3A_353 = tpu.vector_load %arg11[%swap3A_350, %swap3A_351, %swap3A_352] {strides = array<i32>} : memref<4x40x128xf32, #tpu.memory_space<vmem>>, vector<16xf32>,
      tpu.vector_store %arg11[%swap3A_350, %swap3A_351, %swap3A_352], %broadcast_in_dim3A_348 {strides = array<i32>} : memref<4x40x128xf32, #tpu.memory_space<vmem>>, vector<16xf32>,
      %broadcast_in_dim3A_354 = arith.constant 0.000000e+00 : f32
      %broadcast_in_dim3A_355 = vector.broadcast %broadcast_in_dim3A_354 : f32 to vector<16xf32>
      %swap3A_356 = arith.constant 0 : i32
      %swap3A_357 = arith.index_cast %swap3A_356 : i32 to index
      %swap3A_358 = arith.index_cast %add3A_313 : i32 to index
      %swap3A_359 = arith.constant 96 : index
      %swap3A_360 = tpu.vector_load %arg11[%swap3A_357, %swap3A_358, %swap3A_359] {strides = array<i32>} : memref<4x40x128xf32, #tpu.memory_space<vmem>>, vector<16xf32>,
      tpu.vector_store %arg11[%swap3A_357, %swap3A_358, %swap3A_359], %broadcast_in_dim3A_355 {strides = array<i32>} : memref<4x40x128xf32, #tpu.memory_space<vmem>>, vector<16xf32>,
      %broadcast_in_dim3A_361 = arith.constant 0.000000e+00 : f32
      %broadcast_in_dim3A_362 = vector.broadcast %broadcast_in_dim3A_361 : f32 to vector<16xf32>
      %swap3A_363 = arith.constant 0 : i32
      %swap3A_364 = arith.index_cast %swap3A_363 : i32 to index
      %swap3A_365 = arith.index_cast %add3A_313 : i32 to index
      %swap3A_366 = arith.constant 112 : index
      %swap3A_367 = tpu.vector_load %arg11[%swap3A_364, %swap3A_365, %swap3A_366] {strides = array<i32>} : memref<4x40x128xf32, #tpu.memory_space<vmem>>, vector<16xf32>,
      tpu.vector_store %arg11[%swap3A_364, %swap3A_365, %swap3A_366], %broadcast_in_dim3A_362 {strides = array<i32>} : memref<4x40x128xf32, #tpu.memory_space<vmem>>, vector<16xf32>,
    }
    %scan3A_3 = arith.constant 40 : i32
    %mul3A = arith.constant 624 : i32
    %mul3A_4 = arith.muli %arg1, %mul3A : i32
    %add3A = arith.constant 0 : i32
    %add3A_5 = arith.addi %mul3A_4, %add3A : i32
    %run_scoped3A = arith.constant 0 : i32
    "tpu.region"() ({
      %run_scoped3A_309 = tpu.sem_alloc : memref<!tpu.dma_semaphore, #tpu.memory_space<semaphore_mem>>
      %dma_start3A_310 = arith.constant 0 : i32
      %dma_start3A_311 = arith.constant 0 : i32
      %dma_start3A_312 = tpu.memref_slice %arg11[%run_scoped3A, %dma_start3A_310, %dma_start3A_311] : memref<4x40x128xf32, #tpu.memory_space<vmem>> -> memref<1x40x128xf32, #tpu.memory_space<vmem>>
      %dma_start3A_313 = tpu.memref_squeeze %dma_start3A_312 : memref<1x40x128xf32, #tpu.memory_space<vmem>> -> memref<40x128xf32, #tpu.memory_space<vmem>>
      %dma_start3A_314 = arith.constant 0 : i32
      %dma_start3A_315 = tpu.memref_slice %arg12[%add3A_5, %dma_start3A_314] : memref<10000x128xf32, #tpu.memory_space<vmem_shared>> -> memref<40x128xf32, #tpu.memory_space<vmem_shared>>
      %dma_start3A_316 = arith.constant 0 : i32
      %dma_start3A_317 = tpu.memref_slice %arg12[%add3A_5, %dma_start3A_316] : memref<10000x128xf32, #tpu.memory_space<vmem_shared>> -> memref<40x128xf32, #tpu.memory_space<vmem_shared>>
      %dma_start3A_318 = arith.constant 0 : i32
      %dma_start3A_319 = arith.constant 0 : i32
      %dma_start3A_320 = tpu.memref_slice %arg11[%run_scoped3A, %dma_start3A_318, %dma_start3A_319] : memref<4x40x128xf32, #tpu.memory_space<vmem>> -> memref<1x40x128xf32, #tpu.memory_space<vmem>>
      %dma_start3A_321 = tpu.memref_squeeze %dma_start3A_320 : memref<1x40x128xf32, #tpu.memory_space<vmem>> -> memref<40x128xf32, #tpu.memory_space<vmem>>
      tpu.enqueue_dma source(%dma_start3A_321 : memref<40x128xf32, #tpu.memory_space<vmem>>) target(%dma_start3A_317 : memref<40x128xf32, #tpu.memory_space<vmem_shared>>) target_semaphore(%run_scoped3A_309 : memref<!tpu.dma_semaphore, #tpu.memory_space<semaphore_mem>>)
      %dma_wait3A_322 = arith.constant 0 : i32
      %dma_wait3A_323 = arith.constant 0 : i32
      %dma_wait3A_324 = tpu.memref_slice %arg11[%run_scoped3A, %dma_wait3A_322, %dma_wait3A_323] : memref<4x40x128xf32, #tpu.memory_space<vmem>> -> memref<1x40x128xf32, #tpu.memory_space<vmem>>
      %dma_wait3A_325 = tpu.memref_squeeze %dma_wait3A_324 : memref<1x40x128xf32, #tpu.memory_space<vmem>> -> memref<40x128xf32, #tpu.memory_space<vmem>>
      %dma_wait3A_326 = arith.constant 0 : i32
      %dma_wait3A_327 = tpu.memref_slice %arg12[%add3A_5, %dma_wait3A_326] : memref<10000x128xf32, #tpu.memory_space<vmem_shared>> -> memref<40x128xf32, #tpu.memory_space<vmem_shared>>
      %dma_wait3A_328 = arith.constant 0 : i32
      %dma_wait3A_329 = tpu.memref_slice %arg12[%add3A_5, %dma_wait3A_328] : memref<10000x128xf32, #tpu.memory_space<vmem_shared>> -> memref<40x128xf32, #tpu.memory_space<vmem_shared>>
      %dma_wait3A_330 = arith.constant 0 : i32
      %dma_wait3A_331 = arith.constant 0 : i32
      %dma_wait3A_332 = tpu.memref_slice %arg11[%run_scoped3A, %dma_wait3A_330, %dma_wait3A_331] : memref<4x40x128xf32, #tpu.memory_space<vmem>> -> memref<1x40x128xf32, #tpu.memory_space<vmem>>
      %dma_wait3A_333 = tpu.memref_squeeze %dma_wait3A_332 : memref<1x40x128xf32, #tpu.memory_space<vmem>> -> memref<40x128xf32, #tpu.memory_space<vmem>>
      tpu.wait_dma2 semaphore(%run_scoped3A_309 : memref<!tpu.dma_semaphore, #tpu.memory_space<semaphore_mem>>) src(%dma_wait3A_333 : memref<40x128xf32, #tpu.memory_space<vmem>>) dst(%dma_wait3A_329 : memref<40x128xf32, #tpu.memory_space<vmem_shared>>)
      tpu.yield
    }) : () -> ()
    %mul3A_6 = arith.constant 624 : i32
    %mul3A_7 = arith.muli %arg1, %mul3A_6 : i32
    %add3A_8 = arith.constant 40 : i32
    %add3A_9 = arith.addi %mul3A_7, %add3A_8 : i32
    %run_scoped3A_10 = arith.constant 0 : i32
    "tpu.region"() ({
      %run_scoped3A_309 = tpu.sem_alloc : memref<!tpu.dma_semaphore, #tpu.memory_space<semaphore_mem>>
      %dma_start3A_310 = arith.constant 0 : i32
      %dma_start3A_311 = arith.constant 0 : i32
      %dma_start3A_312 = tpu.memref_slice %arg11[%run_scoped3A_10, %dma_start3A_310, %dma_start3A_311] : memref<4x40x128xf32, #tpu.memory_space<vmem>> -> memref<1x40x128xf32, #tpu.memory_space<vmem>>
      %dma_start3A_313 = tpu.memref_squeeze %dma_start3A_312 : memref<1x40x128xf32, #tpu.memory_space<vmem>> -> memref<40x128xf32, #tpu.memory_space<vmem>>
      %dma_start3A_314 = arith.constant 0 : i32
      %dma_start3A_315 = tpu.memref_slice %arg12[%add3A_9, %dma_start3A_314] : memref<10000x128xf32, #tpu.memory_space<vmem_shared>> -> memref<40x128xf32, #tpu.memory_space<vmem_shared>>
      %dma_start3A_316 = arith.constant 0 : i32
      %dma_start3A_317 = tpu.memref_slice %arg12[%add3A_9, %dma_start3A_316] : memref<10000x128xf32, #tpu.memory_space<vmem_shared>> -> memref<40x128xf32, #tpu.memory_space<vmem_shared>>
      %dma_start3A_318 = arith.constant 0 : i32
      %dma_start3A_319 = arith.constant 0 : i32
      %dma_start3A_320 = tpu.memref_slice %arg11[%run_scoped3A_10, %dma_start3A_318, %dma_start3A_319] : memref<4x40x128xf32, #tpu.memory_space<vmem>> -> memref<1x40x128xf32, #tpu.memory_space<vmem>>
      %dma_start3A_321 = tpu.memref_squeeze %dma_start3A_320 : memref<1x40x128xf32, #tpu.memory_space<vmem>> -> memref<40x128xf32, #tpu.memory_space<vmem>>
      tpu.enqueue_dma source(%dma_start3A_321 : memref<40x128xf32, #tpu.memory_space<vmem>>) target(%dma_start3A_317 : memref<40x128xf32, #tpu.memory_space<vmem_shared>>) target_semaphore(%run_scoped3A_309 : memref<!tpu.dma_semaphore, #tpu.memory_space<semaphore_mem>>)
      %dma_wait3A_322 = arith.constant 0 : i32
      %dma_wait3A_323 = arith.constant 0 : i32
      %dma_wait3A_324 = tpu.memref_slice %arg11[%run_scoped3A_10, %dma_wait3A_322, %dma_wait3A_323] : memref<4x40x128xf32, #tpu.memory_space<vmem>> -> memref<1x40x128xf32, #tpu.memory_space<vmem>>
      %dma_wait3A_325 = tpu.memref_squeeze %dma_wait3A_324 : memref<1x40x128xf32, #tpu.memory_space<vmem>> -> memref<40x128xf32, #tpu.memory_space<vmem>>
      %dma_wait3A_326 = arith.constant 0 : i32
      %dma_wait3A_327 = tpu.memref_slice %arg12[%add3A_9, %dma_wait3A_326] : memref<10000x128xf32, #tpu.memory_space<vmem_shared>> -> memref<40x128xf32, #tpu.memory_space<vmem_shared>>
      %dma_wait3A_328 = arith.constant 0 : i32
      %dma_wait3A_329 = tpu.memref_slice %arg12[%add3A_9, %dma_wait3A_328] : memref<10000x128xf32, #tpu.memory_space<vmem_shared>> -> memref<40x128xf32, #tpu.memory_space<vmem_shared>>
      %dma_wait3A_330 = arith.constant 0 : i32
      %dma_wait3A_331 = arith.constant 0 : i32
      %dma_wait3A_332 = tpu.memref_slice %arg11[%run_scoped3A_10, %dma_wait3A_330, %dma_wait3A_331] : memref<4x40x128xf32, #tpu.memory_space<vmem>> -> memref<1x40x128xf32, #tpu.memory_space<vmem>>
      %dma_wait3A_333 = tpu.memref_squeeze %dma_wait3A_332 : memref<1x40x128xf32, #tpu.memory_space<vmem>> -> memref<40x128xf32, #tpu.memory_space<vmem>>
      tpu.wait_dma2 semaphore(%run_scoped3A_309 : memref<!tpu.dma_semaphore, #tpu.memory_space<semaphore_mem>>) src(%dma_wait3A_333 : memref<40x128xf32, #tpu.memory_space<vmem>>) dst(%dma_wait3A_329 : memref<40x128xf32, #tpu.memory_space<vmem_shared>>)
      tpu.yield
    }) : () -> ()
    %mul3A_11 = arith.constant 624 : i32
    %mul3A_12 = arith.muli %arg1, %mul3A_11 : i32
    %add3A_13 = arith.constant 80 : i32
    %add3A_14 = arith.addi %mul3A_12, %add3A_13 : i32
    %run_scoped3A_15 = arith.constant 0 : i32
    "tpu.region"() ({
      %run_scoped3A_309 = tpu.sem_alloc : memref<!tpu.dma_semaphore, #tpu.memory_space<semaphore_mem>>
      %dma_start3A_310 = arith.constant 0 : i32
      %dma_start3A_311 = arith.constant 0 : i32
      %dma_start3A_312 = tpu.memref_slice %arg11[%run_scoped3A_15, %dma_start3A_310, %dma_start3A_311] : memref<4x40x128xf32, #tpu.memory_space<vmem>> -> memref<1x40x128xf32, #tpu.memory_space<vmem>>
      %dma_start3A_313 = tpu.memref_squeeze %dma_start3A_312 : memref<1x40x128xf32, #tpu.memory_space<vmem>> -> memref<40x128xf32, #tpu.memory_space<vmem>>
      %dma_start3A_314 = arith.constant 0 : i32
      %dma_start3A_315 = tpu.memref_slice %arg12[%add3A_14, %dma_start3A_314] : memref<10000x128xf32, #tpu.memory_space<vmem_shared>> -> memref<40x128xf32, #tpu.memory_space<vmem_shared>>
      %dma_start3A_316 = arith.constant 0 : i32
      %dma_start3A_317 = tpu.memref_slice %arg12[%add3A_14, %dma_start3A_316] : memref<10000x128xf32, #tpu.memory_space<vmem_shared>> -> memref<40x128xf32, #tpu.memory_space<vmem_shared>>
      %dma_start3A_318 = arith.constant 0 : i32
      %dma_start3A_319 = arith.constant 0 : i32
      %dma_start3A_320 = tpu.memref_slice %arg11[%run_scoped3A_15, %dma_start3A_318, %dma_start3A_319] : memref<4x40x128xf32, #tpu.memory_space<vmem>> -> memref<1x40x128xf32, #tpu.memory_space<vmem>>
      %dma_start3A_321 = tpu.memref_squeeze %dma_start3A_320 : memref<1x40x128xf32, #tpu.memory_space<vmem>> -> memref<40x128xf32, #tpu.memory_space<vmem>>
      tpu.enqueue_dma source(%dma_start3A_321 : memref<40x128xf32, #tpu.memory_space<vmem>>) target(%dma_start3A_317 : memref<40x128xf32, #tpu.memory_space<vmem_shared>>) target_semaphore(%run_scoped3A_309 : memref<!tpu.dma_semaphore, #tpu.memory_space<semaphore_mem>>)
      %dma_wait3A_322 = arith.constant 0 : i32
      %dma_wait3A_323 = arith.constant 0 : i32
      %dma_wait3A_324 = tpu.memref_slice %arg11[%run_scoped3A_15, %dma_wait3A_322, %dma_wait3A_323] : memref<4x40x128xf32, #tpu.memory_space<vmem>> -> memref<1x40x128xf32, #tpu.memory_space<vmem>>
      %dma_wait3A_325 = tpu.memref_squeeze %dma_wait3A_324 : memref<1x40x128xf32, #tpu.memory_space<vmem>> -> memref<40x128xf32, #tpu.memory_space<vmem>>
      %dma_wait3A_326 = arith.constant 0 : i32
      %dma_wait3A_327 = tpu.memref_slice %arg12[%add3A_14, %dma_wait3A_326] : memref<10000x128xf32, #tpu.memory_space<vmem_shared>> -> memref<40x128xf32, #tpu.memory_space<vmem_shared>>
      %dma_wait3A_328 = arith.constant 0 : i32
      %dma_wait3A_329 = tpu.memref_slice %arg12[%add3A_14, %dma_wait3A_328] : memref<10000x128xf32, #tpu.memory_space<vmem_shared>> -> memref<40x128xf32, #tpu.memory_space<vmem_shared>>
      %dma_wait3A_330 = arith.constant 0 : i32
      %dma_wait3A_331 = arith.constant 0 : i32
      %dma_wait3A_332 = tpu.memref_slice %arg11[%run_scoped3A_15, %dma_wait3A_330, %dma_wait3A_331] : memref<4x40x128xf32, #tpu.memory_space<vmem>> -> memref<1x40x128xf32, #tpu.memory_space<vmem>>
      %dma_wait3A_333 = tpu.memref_squeeze %dma_wait3A_332 : memref<1x40x128xf32, #tpu.memory_space<vmem>> -> memref<40x128xf32, #tpu.memory_space<vmem>>
      tpu.wait_dma2 semaphore(%run_scoped3A_309 : memref<!tpu.dma_semaphore, #tpu.memory_space<semaphore_mem>>) src(%dma_wait3A_333 : memref<40x128xf32, #tpu.memory_space<vmem>>) dst(%dma_wait3A_329 : memref<40x128xf32, #tpu.memory_space<vmem_shared>>)
      tpu.yield
    }) : () -> ()
    %mul3A_16 = arith.constant 624 : i32
    %mul3A_17 = arith.muli %arg1, %mul3A_16 : i32
    %add3A_18 = arith.constant 120 : i32
    %add3A_19 = arith.addi %mul3A_17, %add3A_18 : i32
    %run_scoped3A_20 = arith.constant 0 : i32
    "tpu.region"() ({
      %run_scoped3A_309 = tpu.sem_alloc : memref<!tpu.dma_semaphore, #tpu.memory_space<semaphore_mem>>
      %dma_start3A_310 = arith.constant 0 : i32
      %dma_start3A_311 = arith.constant 0 : i32
      %dma_start3A_312 = tpu.memref_slice %arg11[%run_scoped3A_20, %dma_start3A_310, %dma_start3A_311] : memref<4x40x128xf32, #tpu.memory_space<vmem>> -> memref<1x40x128xf32, #tpu.memory_space<vmem>>
      %dma_start3A_313 = tpu.memref_squeeze %dma_start3A_312 : memref<1x40x128xf32, #tpu.memory_space<vmem>> -> memref<40x128xf32, #tpu.memory_space<vmem>>
      %dma_start3A_314 = arith.constant 0 : i32
      %dma_start3A_315 = tpu.memref_slice %arg12[%add3A_19, %dma_start3A_314] : memref<10000x128xf32, #tpu.memory_space<vmem_shared>> -> memref<40x128xf32, #tpu.memory_space<vmem_shared>>
      %dma_start3A_316 = arith.constant 0 : i32
      %dma_start3A_317 = tpu.memref_slice %arg12[%add3A_19, %dma_start3A_316] : memref<10000x128xf32, #tpu.memory_space<vmem_shared>> -> memref<40x128xf32, #tpu.memory_space<vmem_shared>>
      %dma_start3A_318 = arith.constant 0 : i32
      %dma_start3A_319 = arith.constant 0 : i32
      %dma_start3A_320 = tpu.memref_slice %arg11[%run_scoped3A_20, %dma_start3A_318, %dma_start3A_319] : memref<4x40x128xf32, #tpu.memory_space<vmem>> -> memref<1x40x128xf32, #tpu.memory_space<vmem>>
      %dma_start3A_321 = tpu.memref_squeeze %dma_start3A_320 : memref<1x40x128xf32, #tpu.memory_space<vmem>> -> memref<40x128xf32, #tpu.memory_space<vmem>>
      tpu.enqueue_dma source(%dma_start3A_321 : memref<40x128xf32, #tpu.memory_space<vmem>>) target(%dma_start3A_317 : memref<40x128xf32, #tpu.memory_space<vmem_shared>>) target_semaphore(%run_scoped3A_309 : memref<!tpu.dma_semaphore, #tpu.memory_space<semaphore_mem>>)
      %dma_wait3A_322 = arith.constant 0 : i32
      %dma_wait3A_323 = arith.constant 0 : i32
      %dma_wait3A_324 = tpu.memref_slice %arg11[%run_scoped3A_20, %dma_wait3A_322, %dma_wait3A_323] : memref<4x40x128xf32, #tpu.memory_space<vmem>> -> memref<1x40x128xf32, #tpu.memory_space<vmem>>
      %dma_wait3A_325 = tpu.memref_squeeze %dma_wait3A_324 : memref<1x40x128xf32, #tpu.memory_space<vmem>> -> memref<40x128xf32, #tpu.memory_space<vmem>>
      %dma_wait3A_326 = arith.constant 0 : i32
      %dma_wait3A_327 = tpu.memref_slice %arg12[%add3A_19, %dma_wait3A_326] : memref<10000x128xf32, #tpu.memory_space<vmem_shared>> -> memref<40x128xf32, #tpu.memory_space<vmem_shared>>
      %dma_wait3A_328 = arith.constant 0 : i32
      %dma_wait3A_329 = tpu.memref_slice %arg12[%add3A_19, %dma_wait3A_328] : memref<10000x128xf32, #tpu.memory_space<vmem_shared>> -> memref<40x128xf32, #tpu.memory_space<vmem_shared>>
      %dma_wait3A_330 = arith.constant 0 : i32
      %dma_wait3A_331 = arith.constant 0 : i32
      %dma_wait3A_332 = tpu.memref_slice %arg11[%run_scoped3A_20, %dma_wait3A_330, %dma_wait3A_331] : memref<4x40x128xf32, #tpu.memory_space<vmem>> -> memref<1x40x128xf32, #tpu.memory_space<vmem>>
      %dma_wait3A_333 = tpu.memref_squeeze %dma_wait3A_332 : memref<1x40x128xf32, #tpu.memory_space<vmem>> -> memref<40x128xf32, #tpu.memory_space<vmem>>
      tpu.wait_dma2 semaphore(%run_scoped3A_309 : memref<!tpu.dma_semaphore, #tpu.memory_space<semaphore_mem>>) src(%dma_wait3A_333 : memref<40x128xf32, #tpu.memory_space<vmem>>) dst(%dma_wait3A_329 : memref<40x128xf32, #tpu.memory_space<vmem_shared>>)
      tpu.yield
    }) : () -> ()
    %mul3A_21 = arith.constant 624 : i32
    %mul3A_22 = arith.muli %arg1, %mul3A_21 : i32
    %add3A_23 = arith.constant 160 : i32
    %add3A_24 = arith.addi %mul3A_22, %add3A_23 : i32
    %run_scoped3A_25 = arith.constant 0 : i32
    "tpu.region"() ({
      %run_scoped3A_309 = tpu.sem_alloc : memref<!tpu.dma_semaphore, #tpu.memory_space<semaphore_mem>>
      %dma_start3A_310 = arith.constant 0 : i32
      %dma_start3A_311 = arith.constant 0 : i32
      %dma_start3A_312 = tpu.memref_slice %arg11[%run_scoped3A_25, %dma_start3A_310, %dma_start3A_311] : memref<4x40x128xf32, #tpu.memory_space<vmem>> -> memref<1x40x128xf32, #tpu.memory_space<vmem>>
      %dma_start3A_313 = tpu.memref_squeeze %dma_start3A_312 : memref<1x40x128xf32, #tpu.memory_space<vmem>> -> memref<40x128xf32, #tpu.memory_space<vmem>>
      %dma_start3A_314 = arith.constant 0 : i32
      %dma_start3A_315 = tpu.memref_slice %arg12[%add3A_24, %dma_start3A_314] : memref<10000x128xf32, #tpu.memory_space<vmem_shared>> -> memref<40x128xf32, #tpu.memory_space<vmem_shared>>
      %dma_start3A_316 = arith.constant 0 : i32
      %dma_start3A_317 = tpu.memref_slice %arg12[%add3A_24, %dma_start3A_316] : memref<10000x128xf32, #tpu.memory_space<vmem_shared>> -> memref<40x128xf32, #tpu.memory_space<vmem_shared>>
      %dma_start3A_318 = arith.constant 0 : i32
      %dma_start3A_319 = arith.constant 0 : i32
      %dma_start3A_320 = tpu.memref_slice %arg11[%run_scoped3A_25, %dma_start3A_318, %dma_start3A_319] : memref<4x40x128xf32, #tpu.memory_space<vmem>> -> memref<1x40x128xf32, #tpu.memory_space<vmem>>
      %dma_start3A_321 = tpu.memref_squeeze %dma_start3A_320 : memref<1x40x128xf32, #tpu.memory_space<vmem>> -> memref<40x128xf32, #tpu.memory_space<vmem>>
      tpu.enqueue_dma source(%dma_start3A_321 : memref<40x128xf32, #tpu.memory_space<vmem>>) target(%dma_start3A_317 : memref<40x128xf32, #tpu.memory_space<vmem_shared>>) target_semaphore(%run_scoped3A_309 : memref<!tpu.dma_semaphore, #tpu.memory_space<semaphore_mem>>)
      %dma_wait3A_322 = arith.constant 0 : i32
      %dma_wait3A_323 = arith.constant 0 : i32
      %dma_wait3A_324 = tpu.memref_slice %arg11[%run_scoped3A_25, %dma_wait3A_322, %dma_wait3A_323] : memref<4x40x128xf32, #tpu.memory_space<vmem>> -> memref<1x40x128xf32, #tpu.memory_space<vmem>>
      %dma_wait3A_325 = tpu.memref_squeeze %dma_wait3A_324 : memref<1x40x128xf32, #tpu.memory_space<vmem>> -> memref<40x128xf32, #tpu.memory_space<vmem>>
      %dma_wait3A_326 = arith.constant 0 : i32
      %dma_wait3A_327 = tpu.memref_slice %arg12[%add3A_24, %dma_wait3A_326] : memref<10000x128xf32, #tpu.memory_space<vmem_shared>> -> memref<40x128xf32, #tpu.memory_space<vmem_shared>>
      %dma_wait3A_328 = arith.constant 0 : i32
      %dma_wait3A_329 = tpu.memref_slice %arg12[%add3A_24, %dma_wait3A_328] : memref<10000x128xf32, #tpu.memory_space<vmem_shared>> -> memref<40x128xf32, #tpu.memory_space<vmem_shared>>
      %dma_wait3A_330 = arith.constant 0 : i32
      %dma_wait3A_331 = arith.constant 0 : i32
      %dma_wait3A_332 = tpu.memref_slice %arg11[%run_scoped3A_25, %dma_wait3A_330, %dma_wait3A_331] : memref<4x40x128xf32, #tpu.memory_space<vmem>> -> memref<1x40x128xf32, #tpu.memory_space<vmem>>
      %dma_wait3A_333 = tpu.memref_squeeze %dma_wait3A_332 : memref<1x40x128xf32, #tpu.memory_space<vmem>> -> memref<40x128xf32, #tpu.memory_space<vmem>>
      tpu.wait_dma2 semaphore(%run_scoped3A_309 : memref<!tpu.dma_semaphore, #tpu.memory_space<semaphore_mem>>) src(%dma_wait3A_333 : memref<40x128xf32, #tpu.memory_space<vmem>>) dst(%dma_wait3A_329 : memref<40x128xf32, #tpu.memory_space<vmem_shared>>)
      tpu.yield
    }) : () -> ()
    %mul3A_26 = arith.constant 624 : i32
    %mul3A_27 = arith.muli %arg1, %mul3A_26 : i32
    %add3A_28 = arith.constant 200 : i32
    %add3A_29 = arith.addi %mul3A_27, %add3A_28 : i32
    %run_scoped3A_30 = arith.constant 0 : i32
    "tpu.region"() ({
      %run_scoped3A_309 = tpu.sem_alloc : memref<!tpu.dma_semaphore, #tpu.memory_space<semaphore_mem>>
      %dma_start3A_310 = arith.constant 0 : i32
      %dma_start3A_311 = arith.constant 0 : i32
      %dma_start3A_312 = tpu.memref_slice %arg11[%run_scoped3A_30, %dma_start3A_310, %dma_start3A_311] : memref<4x40x128xf32, #tpu.memory_space<vmem>> -> memref<1x40x128xf32, #tpu.memory_space<vmem>>
      %dma_start3A_313 = tpu.memref_squeeze %dma_start3A_312 : memref<1x40x128xf32, #tpu.memory_space<vmem>> -> memref<40x128xf32, #tpu.memory_space<vmem>>
      %dma_start3A_314 = arith.constant 0 : i32
      %dma_start3A_315 = tpu.memref_slice %arg12[%add3A_29, %dma_start3A_314] : memref<10000x128xf32, #tpu.memory_space<vmem_shared>> -> memref<40x128xf32, #tpu.memory_space<vmem_shared>>
      %dma_start3A_316 = arith.constant 0 : i32
      %dma_start3A_317 = tpu.memref_slice %arg12[%add3A_29, %dma_start3A_316] : memref<10000x128xf32, #tpu.memory_space<vmem_shared>> -> memref<40x128xf32, #tpu.memory_space<vmem_shared>>
      %dma_start3A_318 = arith.constant 0 : i32
      %dma_start3A_319 = arith.constant 0 : i32
      %dma_start3A_320 = tpu.memref_slice %arg11[%run_scoped3A_30, %dma_start3A_318, %dma_start3A_319] : memref<4x40x128xf32, #tpu.memory_space<vmem>> -> memref<1x40x128xf32, #tpu.memory_space<vmem>>
      %dma_start3A_321 = tpu.memref_squeeze %dma_start3A_320 : memref<1x40x128xf32, #tpu.memory_space<vmem>> -> memref<40x128xf32, #tpu.memory_space<vmem>>
      tpu.enqueue_dma source(%dma_start3A_321 : memref<40x128xf32, #tpu.memory_space<vmem>>) target(%dma_start3A_317 : memref<40x128xf32, #tpu.memory_space<vmem_shared>>) target_semaphore(%run_scoped3A_309 : memref<!tpu.dma_semaphore, #tpu.memory_space<semaphore_mem>>)
      %dma_wait3A_322 = arith.constant 0 : i32
      %dma_wait3A_323 = arith.constant 0 : i32
      %dma_wait3A_324 = tpu.memref_slice %arg11[%run_scoped3A_30, %dma_wait3A_322, %dma_wait3A_323] : memref<4x40x128xf32, #tpu.memory_space<vmem>> -> memref<1x40x128xf32, #tpu.memory_space<vmem>>
      %dma_wait3A_325 = tpu.memref_squeeze %dma_wait3A_324 : memref<1x40x128xf32, #tpu.memory_space<vmem>> -> memref<40x128xf32, #tpu.memory_space<vmem>>
      %dma_wait3A_326 = arith.constant 0 : i32
      %dma_wait3A_327 = tpu.memref_slice %arg12[%add3A_29, %dma_wait3A_326] : memref<10000x128xf32, #tpu.memory_space<vmem_shared>> -> memref<40x128xf32, #tpu.memory_space<vmem_shared>>
      %dma_wait3A_328 = arith.constant 0 : i32
      %dma_wait3A_329 = tpu.memref_slice %arg12[%add3A_29, %dma_wait3A_328] : memref<10000x128xf32, #tpu.memory_space<vmem_shared>> -> memref<40x128xf32, #tpu.memory_space<vmem_shared>>
      %dma_wait3A_330 = arith.constant 0 : i32
      %dma_wait3A_331 = arith.constant 0 : i32
      %dma_wait3A_332 = tpu.memref_slice %arg11[%run_scoped3A_30, %dma_wait3A_330, %dma_wait3A_331] : memref<4x40x128xf32, #tpu.memory_space<vmem>> -> memref<1x40x128xf32, #tpu.memory_space<vmem>>
      %dma_wait3A_333 = tpu.memref_squeeze %dma_wait3A_332 : memref<1x40x128xf32, #tpu.memory_space<vmem>> -> memref<40x128xf32, #tpu.memory_space<vmem>>
      tpu.wait_dma2 semaphore(%run_scoped3A_309 : memref<!tpu.dma_semaphore, #tpu.memory_space<semaphore_mem>>) src(%dma_wait3A_333 : memref<40x128xf32, #tpu.memory_space<vmem>>) dst(%dma_wait3A_329 : memref<40x128xf32, #tpu.memory_space<vmem_shared>>)
      tpu.yield
    }) : () -> ()
    %mul3A_31 = arith.constant 624 : i32
    %mul3A_32 = arith.muli %arg1, %mul3A_31 : i32
    %add3A_33 = arith.constant 240 : i32
    %add3A_34 = arith.addi %mul3A_32, %add3A_33 : i32
    %run_scoped3A_35 = arith.constant 0 : i32
    "tpu.region"() ({
      %run_scoped3A_309 = tpu.sem_alloc : memref<!tpu.dma_semaphore, #tpu.memory_space<semaphore_mem>>
      %dma_start3A_310 = arith.constant 0 : i32
      %dma_start3A_311 = arith.constant 0 : i32
      %dma_start3A_312 = tpu.memref_slice %arg11[%run_scoped3A_35, %dma_start3A_310, %dma_start3A_311] : memref<4x40x128xf32, #tpu.memory_space<vmem>> -> memref<1x40x128xf32, #tpu.memory_space<vmem>>
      %dma_start3A_313 = tpu.memref_squeeze %dma_start3A_312 : memref<1x40x128xf32, #tpu.memory_space<vmem>> -> memref<40x128xf32, #tpu.memory_space<vmem>>
      %dma_start3A_314 = arith.constant 0 : i32
      %dma_start3A_315 = tpu.memref_slice %arg12[%add3A_34, %dma_start3A_314] : memref<10000x128xf32, #tpu.memory_space<vmem_shared>> -> memref<40x128xf32, #tpu.memory_space<vmem_shared>>
      %dma_start3A_316 = arith.constant 0 : i32
      %dma_start3A_317 = tpu.memref_slice %arg12[%add3A_34, %dma_start3A_316] : memref<10000x128xf32, #tpu.memory_space<vmem_shared>> -> memref<40x128xf32, #tpu.memory_space<vmem_shared>>
      %dma_start3A_318 = arith.constant 0 : i32
      %dma_start3A_319 = arith.constant 0 : i32
      %dma_start3A_320 = tpu.memref_slice %arg11[%run_scoped3A_35, %dma_start3A_318, %dma_start3A_319] : memref<4x40x128xf32, #tpu.memory_space<vmem>> -> memref<1x40x128xf32, #tpu.memory_space<vmem>>
      %dma_start3A_321 = tpu.memref_squeeze %dma_start3A_320 : memref<1x40x128xf32, #tpu.memory_space<vmem>> -> memref<40x128xf32, #tpu.memory_space<vmem>>
      tpu.enqueue_dma source(%dma_start3A_321 : memref<40x128xf32, #tpu.memory_space<vmem>>) target(%dma_start3A_317 : memref<40x128xf32, #tpu.memory_space<vmem_shared>>) target_semaphore(%run_scoped3A_309 : memref<!tpu.dma_semaphore, #tpu.memory_space<semaphore_mem>>)
      %dma_wait3A_322 = arith.constant 0 : i32
      %dma_wait3A_323 = arith.constant 0 : i32
      %dma_wait3A_324 = tpu.memref_slice %arg11[%run_scoped3A_35, %dma_wait3A_322, %dma_wait3A_323] : memref<4x40x128xf32, #tpu.memory_space<vmem>> -> memref<1x40x128xf32, #tpu.memory_space<vmem>>
      %dma_wait3A_325 = tpu.memref_squeeze %dma_wait3A_324 : memref<1x40x128xf32, #tpu.memory_space<vmem>> -> memref<40x128xf32, #tpu.memory_space<vmem>>
      %dma_wait3A_326 = arith.constant 0 : i32
      %dma_wait3A_327 = tpu.memref_slice %arg12[%add3A_34, %dma_wait3A_326] : memref<10000x128xf32, #tpu.memory_space<vmem_shared>> -> memref<40x128xf32, #tpu.memory_space<vmem_shared>>
      %dma_wait3A_328 = arith.constant 0 : i32
      %dma_wait3A_329 = tpu.memref_slice %arg12[%add3A_34, %dma_wait3A_328] : memref<10000x128xf32, #tpu.memory_space<vmem_shared>> -> memref<40x128xf32, #tpu.memory_space<vmem_shared>>
      %dma_wait3A_330 = arith.constant 0 : i32
      %dma_wait3A_331 = arith.constant 0 : i32
      %dma_wait3A_332 = tpu.memref_slice %arg11[%run_scoped3A_35, %dma_wait3A_330, %dma_wait3A_331] : memref<4x40x128xf32, #tpu.memory_space<vmem>> -> memref<1x40x128xf32, #tpu.memory_space<vmem>>
      %dma_wait3A_333 = tpu.memref_squeeze %dma_wait3A_332 : memref<1x40x128xf32, #tpu.memory_space<vmem>> -> memref<40x128xf32, #tpu.memory_space<vmem>>
      tpu.wait_dma2 semaphore(%run_scoped3A_309 : memref<!tpu.dma_semaphore, #tpu.memory_space<semaphore_mem>>) src(%dma_wait3A_333 : memref<40x128xf32, #tpu.memory_space<vmem>>) dst(%dma_wait3A_329 : memref<40x128xf32, #tpu.memory_space<vmem_shared>>)
      tpu.yield
    }) : () -> ()
    %mul3A_36 = arith.constant 624 : i32
    %mul3A_37 = arith.muli %arg1, %mul3A_36 : i32
    %add3A_38 = arith.constant 280 : i32
    %add3A_39 = arith.addi %mul3A_37, %add3A_38 : i32
    %run_scoped3A_40 = arith.constant 0 : i32
    "tpu.region"() ({
      %run_scoped3A_309 = tpu.sem_alloc : memref<!tpu.dma_semaphore, #tpu.memory_space<semaphore_mem>>
      %dma_start3A_310 = arith.constant 0 : i32
      %dma_start3A_311 = arith.constant 0 : i32
      %dma_start3A_312 = tpu.memref_slice %arg11[%run_scoped3A_40, %dma_start3A_310, %dma_start3A_311] : memref<4x40x128xf32, #tpu.memory_space<vmem>> -> memref<1x40x128xf32, #tpu.memory_space<vmem>>
      %dma_start3A_313 = tpu.memref_squeeze %dma_start3A_312 : memref<1x40x128xf32, #tpu.memory_space<vmem>> -> memref<40x128xf32, #tpu.memory_space<vmem>>
      %dma_start3A_314 = arith.constant 0 : i32
      %dma_start3A_315 = tpu.memref_slice %arg12[%add3A_39, %dma_start3A_314] : memref<10000x128xf32, #tpu.memory_space<vmem_shared>> -> memref<40x128xf32, #tpu.memory_space<vmem_shared>>
      %dma_start3A_316 = arith.constant 0 : i32
      %dma_start3A_317 = tpu.memref_slice %arg12[%add3A_39, %dma_start3A_316] : memref<10000x128xf32, #tpu.memory_space<vmem_shared>> -> memref<40x128xf32, #tpu.memory_space<vmem_shared>>
      %dma_start3A_318 = arith.constant 0 : i32
      %dma_start3A_319 = arith.constant 0 : i32
      %dma_start3A_320 = tpu.memref_slice %arg11[%run_scoped3A_40, %dma_start3A_318, %dma_start3A_319] : memref<4x40x128xf32, #tpu.memory_space<vmem>> -> memref<1x40x128xf32, #tpu.memory_space<vmem>>
      %dma_start3A_321 = tpu.memref_squeeze %dma_start3A_320 : memref<1x40x128xf32, #tpu.memory_space<vmem>> -> memref<40x128xf32, #tpu.memory_space<vmem>>
      tpu.enqueue_dma source(%dma_start3A_321 : memref<40x128xf32, #tpu.memory_space<vmem>>) target(%dma_start3A_317 : memref<40x128xf32, #tpu.memory_space<vmem_shared>>) target_semaphore(%run_scoped3A_309 : memref<!tpu.dma_semaphore, #tpu.memory_space<semaphore_mem>>)
      %dma_wait3A_322 = arith.constant 0 : i32
      %dma_wait3A_323 = arith.constant 0 : i32
      %dma_wait3A_324 = tpu.memref_slice %arg11[%run_scoped3A_40, %dma_wait3A_322, %dma_wait3A_323] : memref<4x40x128xf32, #tpu.memory_space<vmem>> -> memref<1x40x128xf32, #tpu.memory_space<vmem>>
      %dma_wait3A_325 = tpu.memref_squeeze %dma_wait3A_324 : memref<1x40x128xf32, #tpu.memory_space<vmem>> -> memref<40x128xf32, #tpu.memory_space<vmem>>
      %dma_wait3A_326 = arith.constant 0 : i32
      %dma_wait3A_327 = tpu.memref_slice %arg12[%add3A_39, %dma_wait3A_326] : memref<10000x128xf32, #tpu.memory_space<vmem_shared>> -> memref<40x128xf32, #tpu.memory_space<vmem_shared>>
      %dma_wait3A_328 = arith.constant 0 : i32
      %dma_wait3A_329 = tpu.memref_slice %arg12[%add3A_39, %dma_wait3A_328] : memref<10000x128xf32, #tpu.memory_space<vmem_shared>> -> memref<40x128xf32, #tpu.memory_space<vmem_shared>>
      %dma_wait3A_330 = arith.constant 0 : i32
      %dma_wait3A_331 = arith.constant 0 : i32
      %dma_wait3A_332 = tpu.memref_slice %arg11[%run_scoped3A_40, %dma_wait3A_330, %dma_wait3A_331] : memref<4x40x128xf32, #tpu.memory_space<vmem>> -> memref<1x40x128xf32, #tpu.memory_space<vmem>>
      %dma_wait3A_333 = tpu.memref_squeeze %dma_wait3A_332 : memref<1x40x128xf32, #tpu.memory_space<vmem>> -> memref<40x128xf32, #tpu.memory_space<vmem>>
      tpu.wait_dma2 semaphore(%run_scoped3A_309 : memref<!tpu.dma_semaphore, #tpu.memory_space<semaphore_mem>>) src(%dma_wait3A_333 : memref<40x128xf32, #tpu.memory_space<vmem>>) dst(%dma_wait3A_329 : memref<40x128xf32, #tpu.memory_space<vmem_shared>>)
      tpu.yield
    }) : () -> ()
    %mul3A_41 = arith.constant 624 : i32
    %mul3A_42 = arith.muli %arg1, %mul3A_41 : i32
    %add3A_43 = arith.constant 320 : i32
    %add3A_44 = arith.addi %mul3A_42, %add3A_43 : i32
    %run_scoped3A_45 = arith.constant 0 : i32
    "tpu.region"() ({
      %run_scoped3A_309 = tpu.sem_alloc : memref<!tpu.dma_semaphore, #tpu.memory_space<semaphore_mem>>
      %dma_start3A_310 = arith.constant 0 : i32
      %dma_start3A_311 = arith.constant 0 : i32
      %dma_start3A_312 = tpu.memref_slice %arg11[%run_scoped3A_45, %dma_start3A_310, %dma_start3A_311] : memref<4x40x128xf32, #tpu.memory_space<vmem>> -> memref<1x40x128xf32, #tpu.memory_space<vmem>>
      %dma_start3A_313 = tpu.memref_squeeze %dma_start3A_312 : memref<1x40x128xf32, #tpu.memory_space<vmem>> -> memref<40x128xf32, #tpu.memory_space<vmem>>
      %dma_start3A_314 = arith.constant 0 : i32
      %dma_start3A_315 = tpu.memref_slice %arg12[%add3A_44, %dma_start3A_314] : memref<10000x128xf32, #tpu.memory_space<vmem_shared>> -> memref<40x128xf32, #tpu.memory_space<vmem_shared>>
      %dma_start3A_316 = arith.constant 0 : i32
      %dma_start3A_317 = tpu.memref_slice %arg12[%add3A_44, %dma_start3A_316] : memref<10000x128xf32, #tpu.memory_space<vmem_shared>> -> memref<40x128xf32, #tpu.memory_space<vmem_shared>>
      %dma_start3A_318 = arith.constant 0 : i32
      %dma_start3A_319 = arith.constant 0 : i32
      %dma_start3A_320 = tpu.memref_slice %arg11[%run_scoped3A_45, %dma_start3A_318, %dma_start3A_319] : memref<4x40x128xf32, #tpu.memory_space<vmem>> -> memref<1x40x128xf32, #tpu.memory_space<vmem>>
      %dma_start3A_321 = tpu.memref_squeeze %dma_start3A_320 : memref<1x40x128xf32, #tpu.memory_space<vmem>> -> memref<40x128xf32, #tpu.memory_space<vmem>>
      tpu.enqueue_dma source(%dma_start3A_321 : memref<40x128xf32, #tpu.memory_space<vmem>>) target(%dma_start3A_317 : memref<40x128xf32, #tpu.memory_space<vmem_shared>>) target_semaphore(%run_scoped3A_309 : memref<!tpu.dma_semaphore, #tpu.memory_space<semaphore_mem>>)
      %dma_wait3A_322 = arith.constant 0 : i32
      %dma_wait3A_323 = arith.constant 0 : i32
      %dma_wait3A_324 = tpu.memref_slice %arg11[%run_scoped3A_45, %dma_wait3A_322, %dma_wait3A_323] : memref<4x40x128xf32, #tpu.memory_space<vmem>> -> memref<1x40x128xf32, #tpu.memory_space<vmem>>
      %dma_wait3A_325 = tpu.memref_squeeze %dma_wait3A_324 : memref<1x40x128xf32, #tpu.memory_space<vmem>> -> memref<40x128xf32, #tpu.memory_space<vmem>>
      %dma_wait3A_326 = arith.constant 0 : i32
      %dma_wait3A_327 = tpu.memref_slice %arg12[%add3A_44, %dma_wait3A_326] : memref<10000x128xf32, #tpu.memory_space<vmem_shared>> -> memref<40x128xf32, #tpu.memory_space<vmem_shared>>
      %dma_wait3A_328 = arith.constant 0 : i32
      %dma_wait3A_329 = tpu.memref_slice %arg12[%add3A_44, %dma_wait3A_328] : memref<10000x128xf32, #tpu.memory_space<vmem_shared>> -> memref<40x128xf32, #tpu.memory_space<vmem_shared>>
      %dma_wait3A_330 = arith.constant 0 : i32
      %dma_wait3A_331 = arith.constant 0 : i32
      %dma_wait3A_332 = tpu.memref_slice %arg11[%run_scoped3A_45, %dma_wait3A_330, %dma_wait3A_331] : memref<4x40x128xf32, #tpu.memory_space<vmem>> -> memref<1x40x128xf32, #tpu.memory_space<vmem>>
      %dma_wait3A_333 = tpu.memref_squeeze %dma_wait3A_332 : memref<1x40x128xf32, #tpu.memory_space<vmem>> -> memref<40x128xf32, #tpu.memory_space<vmem>>
      tpu.wait_dma2 semaphore(%run_scoped3A_309 : memref<!tpu.dma_semaphore, #tpu.memory_space<semaphore_mem>>) src(%dma_wait3A_333 : memref<40x128xf32, #tpu.memory_space<vmem>>) dst(%dma_wait3A_329 : memref<40x128xf32, #tpu.memory_space<vmem_shared>>)
      tpu.yield
    }) : () -> ()
    %mul3A_46 = arith.constant 624 : i32
    %mul3A_47 = arith.muli %arg1, %mul3A_46 : i32
    %add3A_48 = arith.constant 360 : i32
    %add3A_49 = arith.addi %mul3A_47, %add3A_48 : i32
    %run_scoped3A_50 = arith.constant 0 : i32
    "tpu.region"() ({
      %run_scoped3A_309 = tpu.sem_alloc : memref<!tpu.dma_semaphore, #tpu.memory_space<semaphore_mem>>
      %dma_start3A_310 = arith.constant 0 : i32
      %dma_start3A_311 = arith.constant 0 : i32
      %dma_start3A_312 = tpu.memref_slice %arg11[%run_scoped3A_50, %dma_start3A_310, %dma_start3A_311] : memref<4x40x128xf32, #tpu.memory_space<vmem>> -> memref<1x40x128xf32, #tpu.memory_space<vmem>>
      %dma_start3A_313 = tpu.memref_squeeze %dma_start3A_312 : memref<1x40x128xf32, #tpu.memory_space<vmem>> -> memref<40x128xf32, #tpu.memory_space<vmem>>
      %dma_start3A_314 = arith.constant 0 : i32
      %dma_start3A_315 = tpu.memref_slice %arg12[%add3A_49, %dma_start3A_314] : memref<10000x128xf32, #tpu.memory_space<vmem_shared>> -> memref<40x128xf32, #tpu.memory_space<vmem_shared>>
      %dma_start3A_316 = arith.constant 0 : i32
      %dma_start3A_317 = tpu.memref_slice %arg12[%add3A_49, %dma_start3A_316] : memref<10000x128xf32, #tpu.memory_space<vmem_shared>> -> memref<40x128xf32, #tpu.memory_space<vmem_shared>>
      %dma_start3A_318 = arith.constant 0 : i32
      %dma_start3A_319 = arith.constant 0 : i32
      %dma_start3A_320 = tpu.memref_slice %arg11[%run_scoped3A_50, %dma_start3A_318, %dma_start3A_319] : memref<4x40x128xf32, #tpu.memory_space<vmem>> -> memref<1x40x128xf32, #tpu.memory_space<vmem>>
      %dma_start3A_321 = tpu.memref_squeeze %dma_start3A_320 : memref<1x40x128xf32, #tpu.memory_space<vmem>> -> memref<40x128xf32, #tpu.memory_space<vmem>>
      tpu.enqueue_dma source(%dma_start3A_321 : memref<40x128xf32, #tpu.memory_space<vmem>>) target(%dma_start3A_317 : memref<40x128xf32, #tpu.memory_space<vmem_shared>>) target_semaphore(%run_scoped3A_309 : memref<!tpu.dma_semaphore, #tpu.memory_space<semaphore_mem>>)
      %dma_wait3A_322 = arith.constant 0 : i32
      %dma_wait3A_323 = arith.constant 0 : i32
      %dma_wait3A_324 = tpu.memref_slice %arg11[%run_scoped3A_50, %dma_wait3A_322, %dma_wait3A_323] : memref<4x40x128xf32, #tpu.memory_space<vmem>> -> memref<1x40x128xf32, #tpu.memory_space<vmem>>
      %dma_wait3A_325 = tpu.memref_squeeze %dma_wait3A_324 : memref<1x40x128xf32, #tpu.memory_space<vmem>> -> memref<40x128xf32, #tpu.memory_space<vmem>>
      %dma_wait3A_326 = arith.constant 0 : i32
      %dma_wait3A_327 = tpu.memref_slice %arg12[%add3A_49, %dma_wait3A_326] : memref<10000x128xf32, #tpu.memory_space<vmem_shared>> -> memref<40x128xf32, #tpu.memory_space<vmem_shared>>
      %dma_wait3A_328 = arith.constant 0 : i32
      %dma_wait3A_329 = tpu.memref_slice %arg12[%add3A_49, %dma_wait3A_328] : memref<10000x128xf32, #tpu.memory_space<vmem_shared>> -> memref<40x128xf32, #tpu.memory_space<vmem_shared>>
      %dma_wait3A_330 = arith.constant 0 : i32
      %dma_wait3A_331 = arith.constant 0 : i32
      %dma_wait3A_332 = tpu.memref_slice %arg11[%run_scoped3A_50, %dma_wait3A_330, %dma_wait3A_331] : memref<4x40x128xf32, #tpu.memory_space<vmem>> -> memref<1x40x128xf32, #tpu.memory_space<vmem>>
      %dma_wait3A_333 = tpu.memref_squeeze %dma_wait3A_332 : memref<1x40x128xf32, #tpu.memory_space<vmem>> -> memref<40x128xf32, #tpu.memory_space<vmem>>
      tpu.wait_dma2 semaphore(%run_scoped3A_309 : memref<!tpu.dma_semaphore, #tpu.memory_space<semaphore_mem>>) src(%dma_wait3A_333 : memref<40x128xf32, #tpu.memory_space<vmem>>) dst(%dma_wait3A_329 : memref<40x128xf32, #tpu.memory_space<vmem_shared>>)
      tpu.yield
    }) : () -> ()
    %mul3A_51 = arith.constant 624 : i32
    %mul3A_52 = arith.muli %arg1, %mul3A_51 : i32
    %add3A_53 = arith.constant 400 : i32
    %add3A_54 = arith.addi %mul3A_52, %add3A_53 : i32
    %run_scoped3A_55 = arith.constant 0 : i32
    "tpu.region"() ({
      %run_scoped3A_309 = tpu.sem_alloc : memref<!tpu.dma_semaphore, #tpu.memory_space<semaphore_mem>>
      %dma_start3A_310 = arith.constant 0 : i32
      %dma_start3A_311 = arith.constant 0 : i32
      %dma_start3A_312 = tpu.memref_slice %arg11[%run_scoped3A_55, %dma_start3A_310, %dma_start3A_311] : memref<4x40x128xf32, #tpu.memory_space<vmem>> -> memref<1x40x128xf32, #tpu.memory_space<vmem>>
      %dma_start3A_313 = tpu.memref_squeeze %dma_start3A_312 : memref<1x40x128xf32, #tpu.memory_space<vmem>> -> memref<40x128xf32, #tpu.memory_space<vmem>>
      %dma_start3A_314 = arith.constant 0 : i32
      %dma_start3A_315 = tpu.memref_slice %arg12[%add3A_54, %dma_start3A_314] : memref<10000x128xf32, #tpu.memory_space<vmem_shared>> -> memref<40x128xf32, #tpu.memory_space<vmem_shared>>
      %dma_start3A_316 = arith.constant 0 : i32
      %dma_start3A_317 = tpu.memref_slice %arg12[%add3A_54, %dma_start3A_316] : memref<10000x128xf32, #tpu.memory_space<vmem_shared>> -> memref<40x128xf32, #tpu.memory_space<vmem_shared>>
      %dma_start3A_318 = arith.constant 0 : i32
      %dma_start3A_319 = arith.constant 0 : i32
      %dma_start3A_320 = tpu.memref_slice %arg11[%run_scoped3A_55, %dma_start3A_318, %dma_start3A_319] : memref<4x40x128xf32, #tpu.memory_space<vmem>> -> memref<1x40x128xf32, #tpu.memory_space<vmem>>
      %dma_start3A_321 = tpu.memref_squeeze %dma_start3A_320 : memref<1x40x128xf32, #tpu.memory_space<vmem>> -> memref<40x128xf32, #tpu.memory_space<vmem>>
      tpu.enqueue_dma source(%dma_start3A_321 : memref<40x128xf32, #tpu.memory_space<vmem>>) target(%dma_start3A_317 : memref<40x128xf32, #tpu.memory_space<vmem_shared>>) target_semaphore(%run_scoped3A_309 : memref<!tpu.dma_semaphore, #tpu.memory_space<semaphore_mem>>)
      %dma_wait3A_322 = arith.constant 0 : i32
      %dma_wait3A_323 = arith.constant 0 : i32
      %dma_wait3A_324 = tpu.memref_slice %arg11[%run_scoped3A_55, %dma_wait3A_322, %dma_wait3A_323] : memref<4x40x128xf32, #tpu.memory_space<vmem>> -> memref<1x40x128xf32, #tpu.memory_space<vmem>>
      %dma_wait3A_325 = tpu.memref_squeeze %dma_wait3A_324 : memref<1x40x128xf32, #tpu.memory_space<vmem>> -> memref<40x128xf32, #tpu.memory_space<vmem>>
      %dma_wait3A_326 = arith.constant 0 : i32
      %dma_wait3A_327 = tpu.memref_slice %arg12[%add3A_54, %dma_wait3A_326] : memref<10000x128xf32, #tpu.memory_space<vmem_shared>> -> memref<40x128xf32, #tpu.memory_space<vmem_shared>>
      %dma_wait3A_328 = arith.constant 0 : i32
      %dma_wait3A_329 = tpu.memref_slice %arg12[%add3A_54, %dma_wait3A_328] : memref<10000x128xf32, #tpu.memory_space<vmem_shared>> -> memref<40x128xf32, #tpu.memory_space<vmem_shared>>
      %dma_wait3A_330 = arith.constant 0 : i32
      %dma_wait3A_331 = arith.constant 0 : i32
      %dma_wait3A_332 = tpu.memref_slice %arg11[%run_scoped3A_55, %dma_wait3A_330, %dma_wait3A_331] : memref<4x40x128xf32, #tpu.memory_space<vmem>> -> memref<1x40x128xf32, #tpu.memory_space<vmem>>
      %dma_wait3A_333 = tpu.memref_squeeze %dma_wait3A_332 : memref<1x40x128xf32, #tpu.memory_space<vmem>> -> memref<40x128xf32, #tpu.memory_space<vmem>>
      tpu.wait_dma2 semaphore(%run_scoped3A_309 : memref<!tpu.dma_semaphore, #tpu.memory_space<semaphore_mem>>) src(%dma_wait3A_333 : memref<40x128xf32, #tpu.memory_space<vmem>>) dst(%dma_wait3A_329 : memref<40x128xf32, #tpu.memory_space<vmem_shared>>)
      tpu.yield
    }) : () -> ()
    %mul3A_56 = arith.constant 624 : i32
    %mul3A_57 = arith.muli %arg1, %mul3A_56 : i32
    %add3A_58 = arith.constant 440 : i32
    %add3A_59 = arith.addi %mul3A_57, %add3A_58 : i32
    %run_scoped3A_60 = arith.constant 0 : i32
    "tpu.region"() ({
      %run_scoped3A_309 = tpu.sem_alloc : memref<!tpu.dma_semaphore, #tpu.memory_space<semaphore_mem>>
      %dma_start3A_310 = arith.constant 0 : i32
      %dma_start3A_311 = arith.constant 0 : i32
      %dma_start3A_312 = tpu.memref_slice %arg11[%run_scoped3A_60, %dma_start3A_310, %dma_start3A_311] : memref<4x40x128xf32, #tpu.memory_space<vmem>> -> memref<1x40x128xf32, #tpu.memory_space<vmem>>
      %dma_start3A_313 = tpu.memref_squeeze %dma_start3A_312 : memref<1x40x128xf32, #tpu.memory_space<vmem>> -> memref<40x128xf32, #tpu.memory_space<vmem>>
      %dma_start3A_314 = arith.constant 0 : i32
      %dma_start3A_315 = tpu.memref_slice %arg12[%add3A_59, %dma_start3A_314] : memref<10000x128xf32, #tpu.memory_space<vmem_shared>> -> memref<40x128xf32, #tpu.memory_space<vmem_shared>>
      %dma_start3A_316 = arith.constant 0 : i32
      %dma_start3A_317 = tpu.memref_slice %arg12[%add3A_59, %dma_start3A_316] : memref<10000x128xf32, #tpu.memory_space<vmem_shared>> -> memref<40x128xf32, #tpu.memory_space<vmem_shared>>
      %dma_start3A_318 = arith.constant 0 : i32
      %dma_start3A_319 = arith.constant 0 : i32
      %dma_start3A_320 = tpu.memref_slice %arg11[%run_scoped3A_60, %dma_start3A_318, %dma_start3A_319] : memref<4x40x128xf32, #tpu.memory_space<vmem>> -> memref<1x40x128xf32, #tpu.memory_space<vmem>>
      %dma_start3A_321 = tpu.memref_squeeze %dma_start3A_320 : memref<1x40x128xf32, #tpu.memory_space<vmem>> -> memref<40x128xf32, #tpu.memory_space<vmem>>
      tpu.enqueue_dma source(%dma_start3A_321 : memref<40x128xf32, #tpu.memory_space<vmem>>) target(%dma_start3A_317 : memref<40x128xf32, #tpu.memory_space<vmem_shared>>) target_semaphore(%run_scoped3A_309 : memref<!tpu.dma_semaphore, #tpu.memory_space<semaphore_mem>>)
      %dma_wait3A_322 = arith.constant 0 : i32
      %dma_wait3A_323 = arith.constant 0 : i32
      %dma_wait3A_324 = tpu.memref_slice %arg11[%run_scoped3A_60, %dma_wait3A_322, %dma_wait3A_323] : memref<4x40x128xf32, #tpu.memory_space<vmem>> -> memref<1x40x128xf32, #tpu.memory_space<vmem>>
      %dma_wait3A_325 = tpu.memref_squeeze %dma_wait3A_324 : memref<1x40x128xf32, #tpu.memory_space<vmem>> -> memref<40x128xf32, #tpu.memory_space<vmem>>
      %dma_wait3A_326 = arith.constant 0 : i32
      %dma_wait3A_327 = tpu.memref_slice %arg12[%add3A_59, %dma_wait3A_326] : memref<10000x128xf32, #tpu.memory_space<vmem_shared>> -> memref<40x128xf32, #tpu.memory_space<vmem_shared>>
      %dma_wait3A_328 = arith.constant 0 : i32
      %dma_wait3A_329 = tpu.memref_slice %arg12[%add3A_59, %dma_wait3A_328] : memref<10000x128xf32, #tpu.memory_space<vmem_shared>> -> memref<40x128xf32, #tpu.memory_space<vmem_shared>>
      %dma_wait3A_330 = arith.constant 0 : i32
      %dma_wait3A_331 = arith.constant 0 : i32
      %dma_wait3A_332 = tpu.memref_slice %arg11[%run_scoped3A_60, %dma_wait3A_330, %dma_wait3A_331] : memref<4x40x128xf32, #tpu.memory_space<vmem>> -> memref<1x40x128xf32, #tpu.memory_space<vmem>>
      %dma_wait3A_333 = tpu.memref_squeeze %dma_wait3A_332 : memref<1x40x128xf32, #tpu.memory_space<vmem>> -> memref<40x128xf32, #tpu.memory_space<vmem>>
      tpu.wait_dma2 semaphore(%run_scoped3A_309 : memref<!tpu.dma_semaphore, #tpu.memory_space<semaphore_mem>>) src(%dma_wait3A_333 : memref<40x128xf32, #tpu.memory_space<vmem>>) dst(%dma_wait3A_329 : memref<40x128xf32, #tpu.memory_space<vmem_shared>>)
      tpu.yield
    }) : () -> ()
    %mul3A_61 = arith.constant 624 : i32
    %mul3A_62 = arith.muli %arg1, %mul3A_61 : i32
    %add3A_63 = arith.constant 480 : i32
    %add3A_64 = arith.addi %mul3A_62, %add3A_63 : i32
    %run_scoped3A_65 = arith.constant 0 : i32
    "tpu.region"() ({
      %run_scoped3A_309 = tpu.sem_alloc : memref<!tpu.dma_semaphore, #tpu.memory_space<semaphore_mem>>
      %dma_start3A_310 = arith.constant 0 : i32
      %dma_start3A_311 = arith.constant 0 : i32
      %dma_start3A_312 = tpu.memref_slice %arg11[%run_scoped3A_65, %dma_start3A_310, %dma_start3A_311] : memref<4x40x128xf32, #tpu.memory_space<vmem>> -> memref<1x40x128xf32, #tpu.memory_space<vmem>>
      %dma_start3A_313 = tpu.memref_squeeze %dma_start3A_312 : memref<1x40x128xf32, #tpu.memory_space<vmem>> -> memref<40x128xf32, #tpu.memory_space<vmem>>
      %dma_start3A_314 = arith.constant 0 : i32
      %dma_start3A_315 = tpu.memref_slice %arg12[%add3A_64, %dma_start3A_314] : memref<10000x128xf32, #tpu.memory_space<vmem_shared>> -> memref<40x128xf32, #tpu.memory_space<vmem_shared>>
      %dma_start3A_316 = arith.constant 0 : i32
      %dma_start3A_317 = tpu.memref_slice %arg12[%add3A_64, %dma_start3A_316] : memref<10000x128xf32, #tpu.memory_space<vmem_shared>> -> memref<40x128xf32, #tpu.memory_space<vmem_shared>>
      %dma_start3A_318 = arith.constant 0 : i32
      %dma_start3A_319 = arith.constant 0 : i32
      %dma_start3A_320 = tpu.memref_slice %arg11[%run_scoped3A_65, %dma_start3A_318, %dma_start3A_319] : memref<4x40x128xf32, #tpu.memory_space<vmem>> -> memref<1x40x128xf32, #tpu.memory_space<vmem>>
      %dma_start3A_321 = tpu.memref_squeeze %dma_start3A_320 : memref<1x40x128xf32, #tpu.memory_space<vmem>> -> memref<40x128xf32, #tpu.memory_space<vmem>>
      tpu.enqueue_dma source(%dma_start3A_321 : memref<40x128xf32, #tpu.memory_space<vmem>>) target(%dma_start3A_317 : memref<40x128xf32, #tpu.memory_space<vmem_shared>>) target_semaphore(%run_scoped3A_309 : memref<!tpu.dma_semaphore, #tpu.memory_space<semaphore_mem>>)
      %dma_wait3A_322 = arith.constant 0 : i32
      %dma_wait3A_323 = arith.constant 0 : i32
      %dma_wait3A_324 = tpu.memref_slice %arg11[%run_scoped3A_65, %dma_wait3A_322, %dma_wait3A_323] : memref<4x40x128xf32, #tpu.memory_space<vmem>> -> memref<1x40x128xf32, #tpu.memory_space<vmem>>
      %dma_wait3A_325 = tpu.memref_squeeze %dma_wait3A_324 : memref<1x40x128xf32, #tpu.memory_space<vmem>> -> memref<40x128xf32, #tpu.memory_space<vmem>>
      %dma_wait3A_326 = arith.constant 0 : i32
      %dma_wait3A_327 = tpu.memref_slice %arg12[%add3A_64, %dma_wait3A_326] : memref<10000x128xf32, #tpu.memory_space<vmem_shared>> -> memref<40x128xf32, #tpu.memory_space<vmem_shared>>
      %dma_wait3A_328 = arith.constant 0 : i32
      %dma_wait3A_329 = tpu.memref_slice %arg12[%add3A_64, %dma_wait3A_328] : memref<10000x128xf32, #tpu.memory_space<vmem_shared>> -> memref<40x128xf32, #tpu.memory_space<vmem_shared>>
      %dma_wait3A_330 = arith.constant 0 : i32
      %dma_wait3A_331 = arith.constant 0 : i32
      %dma_wait3A_332 = tpu.memref_slice %arg11[%run_scoped3A_65, %dma_wait3A_330, %dma_wait3A_331] : memref<4x40x128xf32, #tpu.memory_space<vmem>> -> memref<1x40x128xf32, #tpu.memory_space<vmem>>
      %dma_wait3A_333 = tpu.memref_squeeze %dma_wait3A_332 : memref<1x40x128xf32, #tpu.memory_space<vmem>> -> memref<40x128xf32, #tpu.memory_space<vmem>>
      tpu.wait_dma2 semaphore(%run_scoped3A_309 : memref<!tpu.dma_semaphore, #tpu.memory_space<semaphore_mem>>) src(%dma_wait3A_333 : memref<40x128xf32, #tpu.memory_space<vmem>>) dst(%dma_wait3A_329 : memref<40x128xf32, #tpu.memory_space<vmem_shared>>)
      tpu.yield
    }) : () -> ()
    %mul3A_66 = arith.constant 624 : i32
    %mul3A_67 = arith.muli %arg1, %mul3A_66 : i32
    %add3A_68 = arith.constant 520 : i32
    %add3A_69 = arith.addi %mul3A_67, %add3A_68 : i32
    %run_scoped3A_70 = arith.constant 0 : i32
    "tpu.region"() ({
      %run_scoped3A_309 = tpu.sem_alloc : memref<!tpu.dma_semaphore, #tpu.memory_space<semaphore_mem>>
      %dma_start3A_310 = arith.constant 0 : i32
      %dma_start3A_311 = arith.constant 0 : i32
      %dma_start3A_312 = tpu.memref_slice %arg11[%run_scoped3A_70, %dma_start3A_310, %dma_start3A_311] : memref<4x40x128xf32, #tpu.memory_space<vmem>> -> memref<1x40x128xf32, #tpu.memory_space<vmem>>
      %dma_start3A_313 = tpu.memref_squeeze %dma_start3A_312 : memref<1x40x128xf32, #tpu.memory_space<vmem>> -> memref<40x128xf32, #tpu.memory_space<vmem>>
      %dma_start3A_314 = arith.constant 0 : i32
      %dma_start3A_315 = tpu.memref_slice %arg12[%add3A_69, %dma_start3A_314] : memref<10000x128xf32, #tpu.memory_space<vmem_shared>> -> memref<40x128xf32, #tpu.memory_space<vmem_shared>>
      %dma_start3A_316 = arith.constant 0 : i32
      %dma_start3A_317 = tpu.memref_slice %arg12[%add3A_69, %dma_start3A_316] : memref<10000x128xf32, #tpu.memory_space<vmem_shared>> -> memref<40x128xf32, #tpu.memory_space<vmem_shared>>
      %dma_start3A_318 = arith.constant 0 : i32
      %dma_start3A_319 = arith.constant 0 : i32
      %dma_start3A_320 = tpu.memref_slice %arg11[%run_scoped3A_70, %dma_start3A_318, %dma_start3A_319] : memref<4x40x128xf32, #tpu.memory_space<vmem>> -> memref<1x40x128xf32, #tpu.memory_space<vmem>>
      %dma_start3A_321 = tpu.memref_squeeze %dma_start3A_320 : memref<1x40x128xf32, #tpu.memory_space<vmem>> -> memref<40x128xf32, #tpu.memory_space<vmem>>
      tpu.enqueue_dma source(%dma_start3A_321 : memref<40x128xf32, #tpu.memory_space<vmem>>) target(%dma_start3A_317 : memref<40x128xf32, #tpu.memory_space<vmem_shared>>) target_semaphore(%run_scoped3A_309 : memref<!tpu.dma_semaphore, #tpu.memory_space<semaphore_mem>>)
      %dma_wait3A_322 = arith.constant 0 : i32
      %dma_wait3A_323 = arith.constant 0 : i32
      %dma_wait3A_324 = tpu.memref_slice %arg11[%run_scoped3A_70, %dma_wait3A_322, %dma_wait3A_323] : memref<4x40x128xf32, #tpu.memory_space<vmem>> -> memref<1x40x128xf32, #tpu.memory_space<vmem>>
      %dma_wait3A_325 = tpu.memref_squeeze %dma_wait3A_324 : memref<1x40x128xf32, #tpu.memory_space<vmem>> -> memref<40x128xf32, #tpu.memory_space<vmem>>
      %dma_wait3A_326 = arith.constant 0 : i32
      %dma_wait3A_327 = tpu.memref_slice %arg12[%add3A_69, %dma_wait3A_326] : memref<10000x128xf32, #tpu.memory_space<vmem_shared>> -> memref<40x128xf32, #tpu.memory_space<vmem_shared>>
      %dma_wait3A_328 = arith.constant 0 : i32
      %dma_wait3A_329 = tpu.memref_slice %arg12[%add3A_69, %dma_wait3A_328] : memref<10000x128xf32, #tpu.memory_space<vmem_shared>> -> memref<40x128xf32, #tpu.memory_space<vmem_shared>>
      %dma_wait3A_330 = arith.constant 0 : i32
      %dma_wait3A_331 = arith.constant 0 : i32
      %dma_wait3A_332 = tpu.memref_slice %arg11[%run_scoped3A_70, %dma_wait3A_330, %dma_wait3A_331] : memref<4x40x128xf32, #tpu.memory_space<vmem>> -> memref<1x40x128xf32, #tpu.memory_space<vmem>>
      %dma_wait3A_333 = tpu.memref_squeeze %dma_wait3A_332 : memref<1x40x128xf32, #tpu.memory_space<vmem>> -> memref<40x128xf32, #tpu.memory_space<vmem>>
      tpu.wait_dma2 semaphore(%run_scoped3A_309 : memref<!tpu.dma_semaphore, #tpu.memory_space<semaphore_mem>>) src(%dma_wait3A_333 : memref<40x128xf32, #tpu.memory_space<vmem>>) dst(%dma_wait3A_329 : memref<40x128xf32, #tpu.memory_space<vmem_shared>>)
      tpu.yield
    }) : () -> ()
    %mul3A_71 = arith.constant 624 : i32
    %mul3A_72 = arith.muli %arg1, %mul3A_71 : i32
    %add3A_73 = arith.constant 560 : i32
    %add3A_74 = arith.addi %mul3A_72, %add3A_73 : i32
    %run_scoped3A_75 = arith.constant 0 : i32
    "tpu.region"() ({
      %run_scoped3A_309 = tpu.sem_alloc : memref<!tpu.dma_semaphore, #tpu.memory_space<semaphore_mem>>
      %dma_start3A_310 = arith.constant 0 : i32
      %dma_start3A_311 = arith.constant 0 : i32
      %dma_start3A_312 = tpu.memref_slice %arg11[%run_scoped3A_75, %dma_start3A_310, %dma_start3A_311] : memref<4x40x128xf32, #tpu.memory_space<vmem>> -> memref<1x40x128xf32, #tpu.memory_space<vmem>>
      %dma_start3A_313 = tpu.memref_squeeze %dma_start3A_312 : memref<1x40x128xf32, #tpu.memory_space<vmem>> -> memref<40x128xf32, #tpu.memory_space<vmem>>
      %dma_start3A_314 = arith.constant 0 : i32
      %dma_start3A_315 = tpu.memref_slice %arg12[%add3A_74, %dma_start3A_314] : memref<10000x128xf32, #tpu.memory_space<vmem_shared>> -> memref<40x128xf32, #tpu.memory_space<vmem_shared>>
      %dma_start3A_316 = arith.constant 0 : i32
      %dma_start3A_317 = tpu.memref_slice %arg12[%add3A_74, %dma_start3A_316] : memref<10000x128xf32, #tpu.memory_space<vmem_shared>> -> memref<40x128xf32, #tpu.memory_space<vmem_shared>>
      %dma_start3A_318 = arith.constant 0 : i32
      %dma_start3A_319 = arith.constant 0 : i32
      %dma_start3A_320 = tpu.memref_slice %arg11[%run_scoped3A_75, %dma_start3A_318, %dma_start3A_319] : memref<4x40x128xf32, #tpu.memory_space<vmem>> -> memref<1x40x128xf32, #tpu.memory_space<vmem>>
      %dma_start3A_321 = tpu.memref_squeeze %dma_start3A_320 : memref<1x40x128xf32, #tpu.memory_space<vmem>> -> memref<40x128xf32, #tpu.memory_space<vmem>>
      tpu.enqueue_dma source(%dma_start3A_321 : memref<40x128xf32, #tpu.memory_space<vmem>>) target(%dma_start3A_317 : memref<40x128xf32, #tpu.memory_space<vmem_shared>>) target_semaphore(%run_scoped3A_309 : memref<!tpu.dma_semaphore, #tpu.memory_space<semaphore_mem>>)
      %dma_wait3A_322 = arith.constant 0 : i32
      %dma_wait3A_323 = arith.constant 0 : i32
      %dma_wait3A_324 = tpu.memref_slice %arg11[%run_scoped3A_75, %dma_wait3A_322, %dma_wait3A_323] : memref<4x40x128xf32, #tpu.memory_space<vmem>> -> memref<1x40x128xf32, #tpu.memory_space<vmem>>
      %dma_wait3A_325 = tpu.memref_squeeze %dma_wait3A_324 : memref<1x40x128xf32, #tpu.memory_space<vmem>> -> memref<40x128xf32, #tpu.memory_space<vmem>>
      %dma_wait3A_326 = arith.constant 0 : i32
      %dma_wait3A_327 = tpu.memref_slice %arg12[%add3A_74, %dma_wait3A_326] : memref<10000x128xf32, #tpu.memory_space<vmem_shared>> -> memref<40x128xf32, #tpu.memory_space<vmem_shared>>
      %dma_wait3A_328 = arith.constant 0 : i32
      %dma_wait3A_329 = tpu.memref_slice %arg12[%add3A_74, %dma_wait3A_328] : memref<10000x128xf32, #tpu.memory_space<vmem_shared>> -> memref<40x128xf32, #tpu.memory_space<vmem_shared>>
      %dma_wait3A_330 = arith.constant 0 : i32
      %dma_wait3A_331 = arith.constant 0 : i32
      %dma_wait3A_332 = tpu.memref_slice %arg11[%run_scoped3A_75, %dma_wait3A_330, %dma_wait3A_331] : memref<4x40x128xf32, #tpu.memory_space<vmem>> -> memref<1x40x128xf32, #tpu.memory_space<vmem>>
      %dma_wait3A_333 = tpu.memref_squeeze %dma_wait3A_332 : memref<1x40x128xf32, #tpu.memory_space<vmem>> -> memref<40x128xf32, #tpu.memory_space<vmem>>
      tpu.wait_dma2 semaphore(%run_scoped3A_309 : memref<!tpu.dma_semaphore, #tpu.memory_space<semaphore_mem>>) src(%dma_wait3A_333 : memref<40x128xf32, #tpu.memory_space<vmem>>) dst(%dma_wait3A_329 : memref<40x128xf32, #tpu.memory_space<vmem_shared>>)
      tpu.yield
    }) : () -> ()
    %mul3A_76 = arith.constant 624 : i32
    %mul3A_77 = arith.muli %arg1, %mul3A_76 : i32
    %add3A_78 = arith.constant 600 : i32
    %add3A_79 = arith.addi %mul3A_77, %add3A_78 : i32
    %run_scoped3A_80 = arith.constant 0 : i32
    "tpu.region"() ({
      %run_scoped3A_309 = tpu.sem_alloc : memref<!tpu.dma_semaphore, #tpu.memory_space<semaphore_mem>>
      %dma_start3A_310 = arith.constant 0 : i32
      %dma_start3A_311 = arith.constant 0 : i32
      %dma_start3A_312 = tpu.memref_slice %arg11[%run_scoped3A_80, %dma_start3A_310, %dma_start3A_311] : memref<4x40x128xf32, #tpu.memory_space<vmem>> -> memref<1x24x128xf32, #tpu.memory_space<vmem>>
      %dma_start3A_313 = tpu.memref_squeeze %dma_start3A_312 : memref<1x24x128xf32, #tpu.memory_space<vmem>> -> memref<24x128xf32, #tpu.memory_space<vmem>>
      %dma_start3A_314 = arith.constant 0 : i32
      %dma_start3A_315 = tpu.memref_slice %arg12[%add3A_79, %dma_start3A_314] : memref<10000x128xf32, #tpu.memory_space<vmem_shared>> -> memref<24x128xf32, #tpu.memory_space<vmem_shared>>
      %dma_start3A_316 = arith.constant 0 : i32
      %dma_start3A_317 = tpu.memref_slice %arg12[%add3A_79, %dma_start3A_316] : memref<10000x128xf32, #tpu.memory_space<vmem_shared>> -> memref<24x128xf32, #tpu.memory_space<vmem_shared>>
      %dma_start3A_318 = arith.constant 0 : i32
      %dma_start3A_319 = arith.constant 0 : i32
      %dma_start3A_320 = tpu.memref_slice %arg11[%run_scoped3A_80, %dma_start3A_318, %dma_start3A_319] : memref<4x40x128xf32, #tpu.memory_space<vmem>> -> memref<1x24x128xf32, #tpu.memory_space<vmem>>
      %dma_start3A_321 = tpu.memref_squeeze %dma_start3A_320 : memref<1x24x128xf32, #tpu.memory_space<vmem>> -> memref<24x128xf32, #tpu.memory_space<vmem>>
      tpu.enqueue_dma source(%dma_start3A_321 : memref<24x128xf32, #tpu.memory_space<vmem>>) target(%dma_start3A_317 : memref<24x128xf32, #tpu.memory_space<vmem_shared>>) target_semaphore(%run_scoped3A_309 : memref<!tpu.dma_semaphore, #tpu.memory_space<semaphore_mem>>)
      %dma_wait3A_322 = arith.constant 0 : i32
      %dma_wait3A_323 = arith.constant 0 : i32
      %dma_wait3A_324 = tpu.memref_slice %arg11[%run_scoped3A_80, %dma_wait3A_322, %dma_wait3A_323] : memref<4x40x128xf32, #tpu.memory_space<vmem>> -> memref<1x24x128xf32, #tpu.memory_space<vmem>>
      %dma_wait3A_325 = tpu.memref_squeeze %dma_wait3A_324 : memref<1x24x128xf32, #tpu.memory_space<vmem>> -> memref<24x128xf32, #tpu.memory_space<vmem>>
      %dma_wait3A_326 = arith.constant 0 : i32
      %dma_wait3A_327 = tpu.memref_slice %arg12[%add3A_79, %dma_wait3A_326] : memref<10000x128xf32, #tpu.memory_space<vmem_shared>> -> memref<24x128xf32, #tpu.memory_space<vmem_shared>>
      %dma_wait3A_328 = arith.constant 0 : i32
      %dma_wait3A_329 = tpu.memref_slice %arg12[%add3A_79, %dma_wait3A_328] : memref<10000x128xf32, #tpu.memory_space<vmem_shared>> -> memref<24x128xf32, #tpu.memory_space<vmem_shared>>
      %dma_wait3A_330 = arith.constant 0 : i32
      %dma_wait3A_331 = arith.constant 0 : i32
      %dma_wait3A_332 = tpu.memref_slice %arg11[%run_scoped3A_80, %dma_wait3A_330, %dma_wait3A_331] : memref<4x40x128xf32, #tpu.memory_space<vmem>> -> memref<1x24x128xf32, #tpu.memory_space<vmem>>
      %dma_wait3A_333 = tpu.memref_squeeze %dma_wait3A_332 : memref<1x24x128xf32, #tpu.memory_space<vmem>> -> memref<24x128xf32, #tpu.memory_space<vmem>>
      tpu.wait_dma2 semaphore(%run_scoped3A_309 : memref<!tpu.dma_semaphore, #tpu.memory_space<semaphore_mem>>) src(%dma_wait3A_333 : memref<24x128xf32, #tpu.memory_space<vmem>>) dst(%dma_wait3A_329 : memref<24x128xf32, #tpu.memory_space<vmem_shared>>)
      tpu.yield
    }) : () -> ()
    %eq3A = arith.constant 15 : i32
    %eq3A_81 = arith.cmpi eq, %arg1, %eq3A : i32
    %convert_element_type3A = arith.extui %eq3A_81 : i1 to i32
    %cond3A = arith.constant 0 : i32
    %cond3A_82 = arith.cmpi ne, %convert_element_type3A, %cond3A : i32
    scf.if %cond3A_82 {
      %run_scoped3A_309 = arith.constant 0 : i32
      "tpu.region"() ({
        %run_scoped3A_310 = tpu.sem_alloc : memref<!tpu.dma_semaphore, #tpu.memory_space<semaphore_mem>>
        %dma_start3A_311 = arith.constant 0 : i32
        %dma_start3A_312 = arith.constant 0 : i32
        %dma_start3A_313 = tpu.memref_slice %arg11[%run_scoped3A_309, %dma_start3A_311, %dma_start3A_312] : memref<4x40x128xf32, #tpu.memory_space<vmem>> -> memref<1x16x128xf32, #tpu.memory_space<vmem>>
        %dma_start3A_314 = tpu.memref_squeeze %dma_start3A_313 : memref<1x16x128xf32, #tpu.memory_space<vmem>> -> memref<16x128xf32, #tpu.memory_space<vmem>>
        %dma_start3A_315 = arith.constant 9984 : i32
        %dma_start3A_316 = arith.constant 0 : i32
        %dma_start3A_317 = tpu.memref_slice %arg12[%dma_start3A_315, %dma_start3A_316] : memref<10000x128xf32, #tpu.memory_space<vmem_shared>> -> memref<16x128xf32, #tpu.memory_space<vmem_shared>>
        %dma_start3A_318 = arith.constant 9984 : i32
        %dma_start3A_319 = arith.constant 0 : i32
        %dma_start3A_320 = tpu.memref_slice %arg12[%dma_start3A_318, %dma_start3A_319] : memref<10000x128xf32, #tpu.memory_space<vmem_shared>> -> memref<16x128xf32, #tpu.memory_space<vmem_shared>>
        %dma_start3A_321 = arith.constant 0 : i32
        %dma_start3A_322 = arith.constant 0 : i32
        %dma_start3A_323 = tpu.memref_slice %arg11[%run_scoped3A_309, %dma_start3A_321, %dma_start3A_322] : memref<4x40x128xf32, #tpu.memory_space<vmem>> -> memref<1x16x128xf32, #tpu.memory_space<vmem>>
        %dma_start3A_324 = tpu.memref_squeeze %dma_start3A_323 : memref<1x16x128xf32, #tpu.memory_space<vmem>> -> memref<16x128xf32, #tpu.memory_space<vmem>>
        tpu.enqueue_dma source(%dma_start3A_324 : memref<16x128xf32, #tpu.memory_space<vmem>>) target(%dma_start3A_320 : memref<16x128xf32, #tpu.memory_space<vmem_shared>>) target_semaphore(%run_scoped3A_310 : memref<!tpu.dma_semaphore, #tpu.memory_space<semaphore_mem>>)
        %dma_wait3A_325 = arith.constant 0 : i32
        %dma_wait3A_326 = arith.constant 0 : i32
        %dma_wait3A_327 = tpu.memref_slice %arg11[%run_scoped3A_309, %dma_wait3A_325, %dma_wait3A_326] : memref<4x40x128xf32, #tpu.memory_space<vmem>> -> memref<1x16x128xf32, #tpu.memory_space<vmem>>
        %dma_wait3A_328 = tpu.memref_squeeze %dma_wait3A_327 : memref<1x16x128xf32, #tpu.memory_space<vmem>> -> memref<16x128xf32, #tpu.memory_space<vmem>>
        %dma_wait3A_329 = arith.constant 9984 : i32
        %dma_wait3A_330 = arith.constant 0 : i32
        %dma_wait3A_331 = tpu.memref_slice %arg12[%dma_wait3A_329, %dma_wait3A_330] : memref<10000x128xf32, #tpu.memory_space<vmem_shared>> -> memref<16x128xf32, #tpu.memory_space<vmem_shared>>
        %dma_wait3A_332 = arith.constant 9984 : i32
        %dma_wait3A_333 = arith.constant 0 : i32
        %dma_wait3A_334 = tpu.memref_slice %arg12[%dma_wait3A_332, %dma_wait3A_333] : memref<10000x128xf32, #tpu.memory_space<vmem_shared>> -> memref<16x128xf32, #tpu.memory_space<vmem_shared>>
        %dma_wait3A_335 = arith.constant 0 : i32
        %dma_wait3A_336 = arith.constant 0 : i32
        %dma_wait3A_337 = tpu.memref_slice %arg11[%run_scoped3A_309, %dma_wait3A_335, %dma_wait3A_336] : memref<4x40x128xf32, #tpu.memory_space<vmem>> -> memref<1x16x128xf32, #tpu.memory_space<vmem>>
        %dma_wait3A_338 = tpu.memref_squeeze %dma_wait3A_337 : memref<1x16x128xf32, #tpu.memory_space<vmem>> -> memref<16x128xf32, #tpu.memory_space<vmem>>
        tpu.wait_dma2 semaphore(%run_scoped3A_310 : memref<!tpu.dma_semaphore, #tpu.memory_space<semaphore_mem>>) src(%dma_wait3A_338 : memref<16x128xf32, #tpu.memory_space<vmem>>) dst(%dma_wait3A_334 : memref<16x128xf32, #tpu.memory_space<vmem_shared>>)
        tpu.yield
      }) : () -> ()
    } else {
    }
    %barrier3A = arith.constant 0 : index
    tpu.barrier barrier_id(%barrier3A)
    %mul3A_83 = arith.constant 16 : i32
    %mul3A_84 = arith.muli %arg0, %mul3A_83 : i32
    %add3A_85 = arith.addi %mul3A_84, %arg1 : i32
    %mul3A_86 = arith.constant 125 : i32
    %mul3A_87 = arith.muli %add3A_85, %mul3A_86 : i32
    %rem3A = arith.constant 0 : i32
    %rem3A_88 = arith.constant 4 : i32
    %rem3A_89 = arith.remsi %rem3A, %rem3A_88 : i32
    %add3A_90 = arith.constant 0 : i32
    %add3A_91 = arith.addi %mul3A_87, %add3A_90 : i32
    %dma_start3A = arith.constant 0 : i32
    %dma_start3A_92 = arith.constant 0 : i32
    %dma_start3A_93 = arith.constant 0 : i32
    %dma_start3A_94 = tpu.memref_slice %arg9[%rem3A_89, %dma_start3A, %dma_start3A_92, %dma_start3A_93] : memref<4x2x2x40xi32, #tpu.memory_space<vmem>> -> memref<1x2x2x40xi32, #tpu.memory_space<vmem>>
    %dma_start3A_95 = tpu.memref_squeeze %dma_start3A_94 : memref<1x2x2x40xi32, #tpu.memory_space<vmem>> -> memref<2x2x40xi32, #tpu.memory_space<vmem>>
    %dma_start3A_96 = arith.constant 0 : i32
    %dma_start3A_97 = arith.constant 0 : i32
    %dma_start3A_98 = arith.constant 0 : i32
    %dma_start3A_99 = tpu.memref_slice %arg3[%add3A_91, %dma_start3A_96, %dma_start3A_97, %dma_start3A_98] : memref<4000x2x2x40xi32, #tpu.memory_space<hbm>> -> memref<1x2x2x40xi32, #tpu.memory_space<hbm>>
    %dma_start3A_100 = tpu.memref_squeeze %dma_start3A_99 : memref<1x2x2x40xi32, #tpu.memory_space<hbm>> -> memref<2x2x40xi32, #tpu.memory_space<hbm>>
    %dma_start3A_101 = tpu.memref_slice %arg13[%rem3A_89] : memref<4x!tpu.dma_semaphore, #tpu.memory_space<semaphore_mem>> -> memref<1x!tpu.dma_semaphore, #tpu.memory_space<semaphore_mem>>
    %dma_start3A_102 = tpu.memref_squeeze %dma_start3A_101 : memref<1x!tpu.dma_semaphore, #tpu.memory_space<semaphore_mem>> -> memref<!tpu.dma_semaphore, #tpu.memory_space<semaphore_mem>>
    %dma_start3A_103 = arith.constant 0 : i32
    %dma_start3A_104 = arith.constant 0 : i32
    %dma_start3A_105 = arith.constant 0 : i32
    %dma_start3A_106 = tpu.memref_slice %arg9[%rem3A_89, %dma_start3A_103, %dma_start3A_104, %dma_start3A_105] : memref<4x2x2x40xi32, #tpu.memory_space<vmem>> -> memref<1x2x2x40xi32, #tpu.memory_space<vmem>>
    %dma_start3A_107 = tpu.memref_squeeze %dma_start3A_106 : memref<1x2x2x40xi32, #tpu.memory_space<vmem>> -> memref<2x2x40xi32, #tpu.memory_space<vmem>>
    %dma_start3A_108 = arith.constant 0 : i32
    %dma_start3A_109 = arith.constant 0 : i32
    %dma_start3A_110 = arith.constant 0 : i32
    %dma_start3A_111 = tpu.memref_slice %arg3[%add3A_91, %dma_start3A_108, %dma_start3A_109, %dma_start3A_110] : memref<4000x2x2x40xi32, #tpu.memory_space<hbm>> -> memref<1x2x2x40xi32, #tpu.memory_space<hbm>>
    %dma_start3A_112 = tpu.memref_squeeze %dma_start3A_111 : memref<1x2x2x40xi32, #tpu.memory_space<hbm>> -> memref<2x2x40xi32, #tpu.memory_space<hbm>>
    tpu.enqueue_dma source(%dma_start3A_112 : memref<2x2x40xi32, #tpu.memory_space<hbm>>) target(%dma_start3A_107 : memref<2x2x40xi32, #tpu.memory_space<vmem>>) target_semaphore(%dma_start3A_102 : memref<!tpu.dma_semaphore, #tpu.memory_space<semaphore_mem>>)
    %rem3A_113 = arith.constant 1 : i32
    %rem3A_114 = arith.constant 4 : i32
    %rem3A_115 = arith.remsi %rem3A_113, %rem3A_114 : i32
    %add3A_116 = arith.constant 1 : i32
    %add3A_117 = arith.addi %mul3A_87, %add3A_116 : i32
    %dma_start3A_118 = arith.constant 0 : i32
    %dma_start3A_119 = arith.constant 0 : i32
    %dma_start3A_120 = arith.constant 0 : i32
    %dma_start3A_121 = tpu.memref_slice %arg9[%rem3A_115, %dma_start3A_118, %dma_start3A_119, %dma_start3A_120] : memref<4x2x2x40xi32, #tpu.memory_space<vmem>> -> memref<1x2x2x40xi32, #tpu.memory_space<vmem>>
    %dma_start3A_122 = tpu.memref_squeeze %dma_start3A_121 : memref<1x2x2x40xi32, #tpu.memory_space<vmem>> -> memref<2x2x40xi32, #tpu.memory_space<vmem>>
    %dma_start3A_123 = arith.constant 0 : i32
    %dma_start3A_124 = arith.constant 0 : i32
    %dma_start3A_125 = arith.constant 0 : i32
    %dma_start3A_126 = tpu.memref_slice %arg3[%add3A_117, %dma_start3A_123, %dma_start3A_124, %dma_start3A_125] : memref<4000x2x2x40xi32, #tpu.memory_space<hbm>> -> memref<1x2x2x40xi32, #tpu.memory_space<hbm>>
    %dma_start3A_127 = tpu.memref_squeeze %dma_start3A_126 : memref<1x2x2x40xi32, #tpu.memory_space<hbm>> -> memref<2x2x40xi32, #tpu.memory_space<hbm>>
    %dma_start3A_128 = tpu.memref_slice %arg13[%rem3A_115] : memref<4x!tpu.dma_semaphore, #tpu.memory_space<semaphore_mem>> -> memref<1x!tpu.dma_semaphore, #tpu.memory_space<semaphore_mem>>
    %dma_start3A_129 = tpu.memref_squeeze %dma_start3A_128 : memref<1x!tpu.dma_semaphore, #tpu.memory_space<semaphore_mem>> -> memref<!tpu.dma_semaphore, #tpu.memory_space<semaphore_mem>>
    %dma_start3A_130 = arith.constant 0 : i32
    %dma_start3A_131 = arith.constant 0 : i32
    %dma_start3A_132 = arith.constant 0 : i32
    %dma_start3A_133 = tpu.memref_slice %arg9[%rem3A_115, %dma_start3A_130, %dma_start3A_131, %dma_start3A_132] : memref<4x2x2x40xi32, #tpu.memory_space<vmem>> -> memref<1x2x2x40xi32, #tpu.memory_space<vmem>>
    %dma_start3A_134 = tpu.memref_squeeze %dma_start3A_133 : memref<1x2x2x40xi32, #tpu.memory_space<vmem>> -> memref<2x2x40xi32, #tpu.memory_space<vmem>>
    %dma_start3A_135 = arith.constant 0 : i32
    %dma_start3A_136 = arith.constant 0 : i32
    %dma_start3A_137 = arith.constant 0 : i32
    %dma_start3A_138 = tpu.memref_slice %arg3[%add3A_117, %dma_start3A_135, %dma_start3A_136, %dma_start3A_137] : memref<4000x2x2x40xi32, #tpu.memory_space<hbm>> -> memref<1x2x2x40xi32, #tpu.memory_space<hbm>>
    %dma_start3A_139 = tpu.memref_squeeze %dma_start3A_138 : memref<1x2x2x40xi32, #tpu.memory_space<hbm>> -> memref<2x2x40xi32, #tpu.memory_space<hbm>>
    tpu.enqueue_dma source(%dma_start3A_139 : memref<2x2x40xi32, #tpu.memory_space<hbm>>) target(%dma_start3A_134 : memref<2x2x40xi32, #tpu.memory_space<vmem>>) target_semaphore(%dma_start3A_129 : memref<!tpu.dma_semaphore, #tpu.memory_space<semaphore_mem>>)
    %rem3A_140 = arith.constant 2 : i32
    %rem3A_141 = arith.constant 4 : i32
    %rem3A_142 = arith.remsi %rem3A_140, %rem3A_141 : i32
    %add3A_143 = arith.constant 2 : i32
    %add3A_144 = arith.addi %mul3A_87, %add3A_143 : i32
    %dma_start3A_145 = arith.constant 0 : i32
    %dma_start3A_146 = arith.constant 0 : i32
    %dma_start3A_147 = arith.constant 0 : i32
    %dma_start3A_148 = tpu.memref_slice %arg9[%rem3A_142, %dma_start3A_145, %dma_start3A_146, %dma_start3A_147] : memref<4x2x2x40xi32, #tpu.memory_space<vmem>> -> memref<1x2x2x40xi32, #tpu.memory_space<vmem>>
    %dma_start3A_149 = tpu.memref_squeeze %dma_start3A_148 : memref<1x2x2x40xi32, #tpu.memory_space<vmem>> -> memref<2x2x40xi32, #tpu.memory_space<vmem>>
    %dma_start3A_150 = arith.constant 0 : i32
    %dma_start3A_151 = arith.constant 0 : i32
    %dma_start3A_152 = arith.constant 0 : i32
    %dma_start3A_153 = tpu.memref_slice %arg3[%add3A_144, %dma_start3A_150, %dma_start3A_151, %dma_start3A_152] : memref<4000x2x2x40xi32, #tpu.memory_space<hbm>> -> memref<1x2x2x40xi32, #tpu.memory_space<hbm>>
    %dma_start3A_154 = tpu.memref_squeeze %dma_start3A_153 : memref<1x2x2x40xi32, #tpu.memory_space<hbm>> -> memref<2x2x40xi32, #tpu.memory_space<hbm>>
    %dma_start3A_155 = tpu.memref_slice %arg13[%rem3A_142] : memref<4x!tpu.dma_semaphore, #tpu.memory_space<semaphore_mem>> -> memref<1x!tpu.dma_semaphore, #tpu.memory_space<semaphore_mem>>
    %dma_start3A_156 = tpu.memref_squeeze %dma_start3A_155 : memref<1x!tpu.dma_semaphore, #tpu.memory_space<semaphore_mem>> -> memref<!tpu.dma_semaphore, #tpu.memory_space<semaphore_mem>>
    %dma_start3A_157 = arith.constant 0 : i32
    %dma_start3A_158 = arith.constant 0 : i32
    %dma_start3A_159 = arith.constant 0 : i32
    %dma_start3A_160 = tpu.memref_slice %arg9[%rem3A_142, %dma_start3A_157, %dma_start3A_158, %dma_start3A_159] : memref<4x2x2x40xi32, #tpu.memory_space<vmem>> -> memref<1x2x2x40xi32, #tpu.memory_space<vmem>>
    %dma_start3A_161 = tpu.memref_squeeze %dma_start3A_160 : memref<1x2x2x40xi32, #tpu.memory_space<vmem>> -> memref<2x2x40xi32, #tpu.memory_space<vmem>>
    %dma_start3A_162 = arith.constant 0 : i32
    %dma_start3A_163 = arith.constant 0 : i32
    %dma_start3A_164 = arith.constant 0 : i32
    %dma_start3A_165 = tpu.memref_slice %arg3[%add3A_144, %dma_start3A_162, %dma_start3A_163, %dma_start3A_164] : memref<4000x2x2x40xi32, #tpu.memory_space<hbm>> -> memref<1x2x2x40xi32, #tpu.memory_space<hbm>>
    %dma_start3A_166 = tpu.memref_squeeze %dma_start3A_165 : memref<1x2x2x40xi32, #tpu.memory_space<hbm>> -> memref<2x2x40xi32, #tpu.memory_space<hbm>>
    tpu.enqueue_dma source(%dma_start3A_166 : memref<2x2x40xi32, #tpu.memory_space<hbm>>) target(%dma_start3A_161 : memref<2x2x40xi32, #tpu.memory_space<vmem>>) target_semaphore(%dma_start3A_156 : memref<!tpu.dma_semaphore, #tpu.memory_space<semaphore_mem>>)
    %rem3A_167 = arith.constant 0 : i32
    %rem3A_168 = arith.constant 4 : i32
    %rem3A_169 = arith.remsi %rem3A_167, %rem3A_168 : i32
    %dma_wait3A = arith.constant 0 : i32
    %dma_wait3A_170 = arith.constant 0 : i32
    %dma_wait3A_171 = arith.constant 0 : i32
    %dma_wait3A_172 = tpu.memref_slice %arg9[%rem3A_169, %dma_wait3A, %dma_wait3A_170, %dma_wait3A_171] : memref<4x2x2x40xi32, #tpu.memory_space<vmem>> -> memref<1x2x2x40xi32, #tpu.memory_space<vmem>>
    %dma_wait3A_173 = tpu.memref_squeeze %dma_wait3A_172 : memref<1x2x2x40xi32, #tpu.memory_space<vmem>> -> memref<2x2x40xi32, #tpu.memory_space<vmem>>
    %dma_wait3A_174 = arith.constant 0 : i32
    %dma_wait3A_175 = arith.constant 0 : i32
    %dma_wait3A_176 = arith.constant 0 : i32
    %dma_wait3A_177 = tpu.memref_slice %arg3[%mul3A_87, %dma_wait3A_174, %dma_wait3A_175, %dma_wait3A_176] : memref<4000x2x2x40xi32, #tpu.memory_space<hbm>> -> memref<1x2x2x40xi32, #tpu.memory_space<hbm>>
    %dma_wait3A_178 = tpu.memref_squeeze %dma_wait3A_177 : memref<1x2x2x40xi32, #tpu.memory_space<hbm>> -> memref<2x2x40xi32, #tpu.memory_space<hbm>>
    %dma_wait3A_179 = tpu.memref_slice %arg13[%rem3A_169] : memref<4x!tpu.dma_semaphore, #tpu.memory_space<semaphore_mem>> -> memref<1x!tpu.dma_semaphore, #tpu.memory_space<semaphore_mem>>
    %dma_wait3A_180 = tpu.memref_squeeze %dma_wait3A_179 : memref<1x!tpu.dma_semaphore, #tpu.memory_space<semaphore_mem>> -> memref<!tpu.dma_semaphore, #tpu.memory_space<semaphore_mem>>
    %dma_wait3A_181 = arith.constant 0 : i32
    %dma_wait3A_182 = arith.constant 0 : i32
    %dma_wait3A_183 = arith.constant 0 : i32
    %dma_wait3A_184 = tpu.memref_slice %arg9[%rem3A_169, %dma_wait3A_181, %dma_wait3A_182, %dma_wait3A_183] : memref<4x2x2x40xi32, #tpu.memory_space<vmem>> -> memref<1x2x2x40xi32, #tpu.memory_space<vmem>>
    %dma_wait3A_185 = tpu.memref_squeeze %dma_wait3A_184 : memref<1x2x2x40xi32, #tpu.memory_space<vmem>> -> memref<2x2x40xi32, #tpu.memory_space<vmem>>
    %dma_wait3A_186 = arith.constant 0 : i32
    %dma_wait3A_187 = arith.constant 0 : i32
    %dma_wait3A_188 = arith.constant 0 : i32
    %dma_wait3A_189 = tpu.memref_slice %arg3[%mul3A_87, %dma_wait3A_186, %dma_wait3A_187, %dma_wait3A_188] : memref<4000x2x2x40xi32, #tpu.memory_space<hbm>> -> memref<1x2x2x40xi32, #tpu.memory_space<hbm>>
    %dma_wait3A_190 = tpu.memref_squeeze %dma_wait3A_189 : memref<1x2x2x40xi32, #tpu.memory_space<hbm>> -> memref<2x2x40xi32, #tpu.memory_space<hbm>>
    tpu.wait_dma2 semaphore(%dma_wait3A_180 : memref<!tpu.dma_semaphore, #tpu.memory_space<semaphore_mem>>) src(%dma_wait3A_190 : memref<2x2x40xi32, #tpu.memory_space<hbm>>) dst(%dma_wait3A_185 : memref<2x2x40xi32, #tpu.memory_space<vmem>>)
    %div3A = arith.constant 0 : i32
    %div3A_191 = arith.constant 2 : i32
    %div3A_192 = arith.divsi %div3A, %div3A_191 : i32
    %rem3A_193 = arith.constant 4 : i32
    %rem3A_194 = arith.remsi %div3A_192, %rem3A_193 : i32
    %rem3A_195 = arith.constant 0 : i32
    %rem3A_196 = arith.constant 2 : i32
    %rem3A_197 = arith.remsi %rem3A_195, %rem3A_196 : i32
    %rem3A_198 = arith.constant 0 : i32
    %rem3A_199 = arith.constant 4 : i32
    %rem3A_200 = arith.remsi %rem3A_198, %rem3A_199 : i32
    %dma_start3A_201 = arith.constant 0 : i32
    %dma_start3A_202 = arith.constant 0 : i32
    %dma_start3A_203 = arith.constant 0 : i32
    %dma_start3A_204 = tpu.memref_slice %arg11[%rem3A_200, %dma_start3A_202, %dma_start3A_203] : memref<4x40x128xf32, #tpu.memory_space<vmem>> -> memref<1x40x128xf32, #tpu.memory_space<vmem>>
    %dma_start3A_205 = tpu.memref_squeeze %dma_start3A_204 : memref<1x40x128xf32, #tpu.memory_space<vmem>> -> memref<40x128xf32, #tpu.memory_space<vmem>>
    %dma_start3A_206 = arith.constant 0 : i32
    %dma_start3A_207 = tpu.memref_slice %arg9[%rem3A_194, %dma_start3A_201, %rem3A_197, %dma_start3A_206] : memref<4x2x2x40xi32, #tpu.memory_space<vmem>> -> memref<1x1x1x40xi32, #tpu.memory_space<vmem>>
    %dma_start3A_208 = tpu.memref_squeeze %dma_start3A_207 : memref<1x1x1x40xi32, #tpu.memory_space<vmem>> -> memref<40xi32, #tpu.memory_space<vmem>>
    %dma_start3A_209 = arith.constant 0 : i32
    %dma_start3A_210 = arith.constant 0 : i32
    %dma_start3A_211 = tpu.memref_slice %arg2[%dma_start3A_209, %dma_start3A_210] : memref<10000x128xf32, #tpu.memory_space<hbm>> -> memref<10000x128xf32, #tpu.memory_space<hbm>>
    %dma_start3A_212 = tpu.memref_slice %arg14[%rem3A_200] : memref<4x!tpu.dma_semaphore, #tpu.memory_space<semaphore_mem>> -> memref<1x!tpu.dma_semaphore, #tpu.memory_space<semaphore_mem>>
    %dma_start3A_213 = tpu.memref_squeeze %dma_start3A_212 : memref<1x!tpu.dma_semaphore, #tpu.memory_space<semaphore_mem>> -> memref<!tpu.dma_semaphore, #tpu.memory_space<semaphore_mem>>
    tpu.enqueue_indirect_dma source(%dma_start3A_211 : memref<10000x128xf32, #tpu.memory_space<hbm>>) target(%dma_start3A_205 : memref<40x128xf32, #tpu.memory_space<vmem>>) offsets(%dma_start3A_208 : memref<40xi32, #tpu.memory_space<vmem>>) semaphore(%dma_start3A_213 : memref<!tpu.dma_semaphore, #tpu.memory_space<semaphore_mem>>)
    %div3A_214 = arith.constant 1 : i32
    %div3A_215 = arith.constant 2 : i32
    %div3A_216 = arith.divsi %div3A_214, %div3A_215 : i32
    %rem3A_217 = arith.constant 4 : i32
    %rem3A_218 = arith.remsi %div3A_216, %rem3A_217 : i32
    %rem3A_219 = arith.constant 1 : i32
    %rem3A_220 = arith.constant 2 : i32
    %rem3A_221 = arith.remsi %rem3A_219, %rem3A_220 : i32
    %rem3A_222 = arith.constant 1 : i32
    %rem3A_223 = arith.constant 4 : i32
    %rem3A_224 = arith.remsi %rem3A_222, %rem3A_223 : i32
    %dma_start3A_225 = arith.constant 0 : i32
    %dma_start3A_226 = arith.constant 0 : i32
    %dma_start3A_227 = arith.constant 0 : i32
    %dma_start3A_228 = tpu.memref_slice %arg11[%rem3A_224, %dma_start3A_226, %dma_start3A_227] : memref<4x40x128xf32, #tpu.memory_space<vmem>> -> memref<1x40x128xf32, #tpu.memory_space<vmem>>
    %dma_start3A_229 = tpu.memref_squeeze %dma_start3A_228 : memref<1x40x128xf32, #tpu.memory_space<vmem>> -> memref<40x128xf32, #tpu.memory_space<vmem>>
    %dma_start3A_230 = arith.constant 0 : i32
    %dma_start3A_231 = tpu.memref_slice %arg9[%rem3A_218, %dma_start3A_225, %rem3A_221, %dma_start3A_230] : memref<4x2x2x40xi32, #tpu.memory_space<vmem>> -> memref<1x1x1x40xi32, #tpu.memory_space<vmem>>
    %dma_start3A_232 = tpu.memref_squeeze %dma_start3A_231 : memref<1x1x1x40xi32, #tpu.memory_space<vmem>> -> memref<40xi32, #tpu.memory_space<vmem>>
    %dma_start3A_233 = arith.constant 0 : i32
    %dma_start3A_234 = arith.constant 0 : i32
    %dma_start3A_235 = tpu.memref_slice %arg2[%dma_start3A_233, %dma_start3A_234] : memref<10000x128xf32, #tpu.memory_space<hbm>> -> memref<10000x128xf32, #tpu.memory_space<hbm>>
    %dma_start3A_236 = tpu.memref_slice %arg14[%rem3A_224] : memref<4x!tpu.dma_semaphore, #tpu.memory_space<semaphore_mem>> -> memref<1x!tpu.dma_semaphore, #tpu.memory_space<semaphore_mem>>
    %dma_start3A_237 = tpu.memref_squeeze %dma_start3A_236 : memref<1x!tpu.dma_semaphore, #tpu.memory_space<semaphore_mem>> -> memref<!tpu.dma_semaphore, #tpu.memory_space<semaphore_mem>>
    tpu.enqueue_indirect_dma source(%dma_start3A_235 : memref<10000x128xf32, #tpu.memory_space<hbm>>) target(%dma_start3A_229 : memref<40x128xf32, #tpu.memory_space<vmem>>) offsets(%dma_start3A_232 : memref<40xi32, #tpu.memory_space<vmem>>) semaphore(%dma_start3A_237 : memref<!tpu.dma_semaphore, #tpu.memory_space<semaphore_mem>>)
    %scan3A_238 = arith.constant 0 : i32
    %scan3A_239 = arith.constant 125 : i32
    %scan3A_240 = arith.addi %scan3A_238, %scan3A_239 : i32
    %scan3A_241 = arith.constant 1 : i32
    scf.for %scan3A_309 = %scan3A_238 to %scan3A_240 step %scan3A_241  : i32 {
      %mul3A_310 = arith.constant 1 : i32
      %mul3A_311 = arith.muli %scan3A_309, %mul3A_310 : i32
      %add3A_312 = arith.constant 0 : i32
      %add3A_313 = arith.addi %add3A_312, %mul3A_311 : i32
      %mul3A_314 = arith.constant 2 : i32
      %mul3A_315 = arith.muli %add3A_313, %mul3A_314 : i32
      %div3A_316 = arith.constant 2 : i32
      %div3A_317 = arith.divsi %mul3A_315, %div3A_316 : i32
      %rem3A_318 = arith.constant 4 : i32
      %rem3A_319 = arith.remsi %div3A_317, %rem3A_318 : i32
      %rem3A_320 = arith.constant 2 : i32
      %rem3A_321 = arith.remsi %mul3A_315, %rem3A_320 : i32
      %rem3A_322 = arith.constant 4 : i32
      %rem3A_323 = arith.remsi %mul3A_315, %rem3A_322 : i32
      %dma_wait3A_324 = arith.constant 0 : i32
      %dma_wait3A_325 = arith.constant 0 : i32
      %dma_wait3A_326 = arith.constant 0 : i32
      %dma_wait3A_327 = tpu.memref_slice %arg11[%rem3A_323, %dma_wait3A_325, %dma_wait3A_326] : memref<4x40x128xf32, #tpu.memory_space<vmem>> -> memref<1x40x128xf32, #tpu.memory_space<vmem>>
      %dma_wait3A_328 = tpu.memref_squeeze %dma_wait3A_327 : memref<1x40x128xf32, #tpu.memory_space<vmem>> -> memref<40x128xf32, #tpu.memory_space<vmem>>
      %dma_wait3A_329 = arith.constant 0 : i32
      %dma_wait3A_330 = tpu.memref_slice %arg9[%rem3A_319, %dma_wait3A_324, %rem3A_321, %dma_wait3A_329] : memref<4x2x2x40xi32, #tpu.memory_space<vmem>> -> memref<1x1x1x40xi32, #tpu.memory_space<vmem>>
      %dma_wait3A_331 = tpu.memref_squeeze %dma_wait3A_330 : memref<1x1x1x40xi32, #tpu.memory_space<vmem>> -> memref<40xi32, #tpu.memory_space<vmem>>
      %dma_wait3A_332 = arith.constant 0 : i32
      %dma_wait3A_333 = arith.constant 0 : i32
      %dma_wait3A_334 = tpu.memref_slice %arg2[%dma_wait3A_332, %dma_wait3A_333] : memref<10000x128xf32, #tpu.memory_space<hbm>> -> memref<10000x128xf32, #tpu.memory_space<hbm>>
      %dma_wait3A_335 = tpu.memref_slice %arg14[%rem3A_323] : memref<4x!tpu.dma_semaphore, #tpu.memory_space<semaphore_mem>> -> memref<1x!tpu.dma_semaphore, #tpu.memory_space<semaphore_mem>>
      %dma_wait3A_336 = tpu.memref_squeeze %dma_wait3A_335 : memref<1x!tpu.dma_semaphore, #tpu.memory_space<semaphore_mem>> -> memref<!tpu.dma_semaphore, #tpu.memory_space<semaphore_mem>>
      tpu.wait_indirect_dma semaphore(%dma_wait3A_336 : memref<!tpu.dma_semaphore, #tpu.memory_space<semaphore_mem>>) src(%dma_wait3A_334 : memref<10000x128xf32, #tpu.memory_space<hbm>>) dst(%dma_wait3A_328 : memref<40x128xf32, #tpu.memory_space<vmem>>)
      %ge3A = arith.constant 2 : i32
      %ge3A_337 = arith.cmpi sge, %mul3A_315, %ge3A : i32
      %convert_element_type3A_338 = arith.extui %ge3A_337 : i1 to i32
      %cond3A_339 = arith.constant 0 : i32
      %cond3A_340 = arith.cmpi ne, %convert_element_type3A_338, %cond3A_339 : i32
      scf.if %cond3A_340 {
        %sub3A_707 = arith.constant 2 : i32
        %sub3A_708 = arith.subi %mul3A_315, %sub3A_707 : i32
        %div3A_709 = arith.constant 2 : i32
        %div3A_710 = arith.divsi %sub3A_708, %div3A_709 : i32
        %rem3A_711 = arith.constant 4 : i32
        %rem3A_712 = arith.remsi %div3A_710, %rem3A_711 : i32
        %rem3A_713 = arith.constant 2 : i32
        %rem3A_714 = arith.remsi %sub3A_708, %rem3A_713 : i32
        %rem3A_715 = arith.constant 4 : i32
        %rem3A_716 = arith.remsi %sub3A_708, %rem3A_715 : i32
        %dma_wait3A_717 = arith.constant 1 : i32
        %dma_wait3A_718 = arith.constant 0 : i32
        %dma_wait3A_719 = arith.constant 0 : i32
        %dma_wait3A_720 = tpu.memref_slice %arg11[%rem3A_716, %dma_wait3A_718, %dma_wait3A_719] : memref<4x40x128xf32, #tpu.memory_space<vmem>> -> memref<1x40x128xf32, #tpu.memory_space<vmem>>
        %dma_wait3A_721 = tpu.memref_squeeze %dma_wait3A_720 : memref<1x40x128xf32, #tpu.memory_space<vmem>> -> memref<40x128xf32, #tpu.memory_space<vmem>>
        %dma_wait3A_722 = arith.constant 0 : i32
        %dma_wait3A_723 = tpu.memref_slice %arg9[%rem3A_712, %dma_wait3A_717, %rem3A_714, %dma_wait3A_722] : memref<4x2x2x40xi32, #tpu.memory_space<vmem>> -> memref<1x1x1x40xi32, #tpu.memory_space<vmem>>
        %dma_wait3A_724 = tpu.memref_squeeze %dma_wait3A_723 : memref<1x1x1x40xi32, #tpu.memory_space<vmem>> -> memref<40xi32, #tpu.memory_space<vmem>>
        %dma_wait3A_725 = arith.constant 0 : i32
        %dma_wait3A_726 = arith.constant 0 : i32
        %dma_wait3A_727 = tpu.memref_slice %arg12[%dma_wait3A_725, %dma_wait3A_726] : memref<10000x128xf32, #tpu.memory_space<vmem_shared>> -> memref<10000x128xf32, #tpu.memory_space<vmem_shared>>
        %dma_wait3A_728 = tpu.memref_slice %arg15[%rem3A_716] : memref<4x!tpu.dma_semaphore, #tpu.memory_space<semaphore_mem>> -> memref<1x!tpu.dma_semaphore, #tpu.memory_space<semaphore_mem>>
        %dma_wait3A_729 = tpu.memref_squeeze %dma_wait3A_728 : memref<1x!tpu.dma_semaphore, #tpu.memory_space<semaphore_mem>> -> memref<!tpu.dma_semaphore, #tpu.memory_space<semaphore_mem>>
        tpu.wait_indirect_dma semaphore(%dma_wait3A_729 : memref<!tpu.dma_semaphore, #tpu.memory_space<semaphore_mem>>) src(%dma_wait3A_721 : memref<40x128xf32, #tpu.memory_space<vmem>>) dst(%dma_wait3A_727 : memref<10000x128xf32, #tpu.memory_space<vmem_shared>>)
      } else {
      }
      %add3A_341 = arith.constant 2 : i32
      %add3A_342 = arith.addi %mul3A_315, %add3A_341 : i32
      %lt3A = arith.constant 250 : i32
      %lt3A_343 = arith.cmpi slt, %add3A_342, %lt3A : i32
      %convert_element_type3A_344 = arith.extui %lt3A_343 : i1 to i32
      %cond3A_345 = arith.constant 0 : i32
      %cond3A_346 = arith.cmpi ne, %convert_element_type3A_344, %cond3A_345 : i32
      scf.if %cond3A_346 {
        %add3A_707 = arith.constant 1 : i32
        %add3A_708 = arith.addi %add3A_313, %add3A_707 : i32
        %rem3A_709 = arith.constant 4 : i32
        %rem3A_710 = arith.remsi %add3A_708, %rem3A_709 : i32
        %dma_wait3A_711 = arith.constant 0 : i32
        %dma_wait3A_712 = arith.constant 0 : i32
        %dma_wait3A_713 = arith.constant 0 : i32
        %dma_wait3A_714 = tpu.memref_slice %arg9[%rem3A_710, %dma_wait3A_711, %dma_wait3A_712, %dma_wait3A_713] : memref<4x2x2x40xi32, #tpu.memory_space<vmem>> -> memref<1x2x2x40xi32, #tpu.memory_space<vmem>>
        %dma_wait3A_715 = tpu.memref_squeeze %dma_wait3A_714 : memref<1x2x2x40xi32, #tpu.memory_space<vmem>> -> memref<2x2x40xi32, #tpu.memory_space<vmem>>
        %dma_wait3A_716 = arith.constant 0 : i32
        %dma_wait3A_717 = arith.constant 0 : i32
        %dma_wait3A_718 = arith.constant 0 : i32
        %dma_wait3A_719 = tpu.memref_slice %arg3[%mul3A_87, %dma_wait3A_716, %dma_wait3A_717, %dma_wait3A_718] : memref<4000x2x2x40xi32, #tpu.memory_space<hbm>> -> memref<1x2x2x40xi32, #tpu.memory_space<hbm>>
        %dma_wait3A_720 = tpu.memref_squeeze %dma_wait3A_719 : memref<1x2x2x40xi32, #tpu.memory_space<hbm>> -> memref<2x2x40xi32, #tpu.memory_space<hbm>>
        %dma_wait3A_721 = tpu.memref_slice %arg13[%rem3A_710] : memref<4x!tpu.dma_semaphore, #tpu.memory_space<semaphore_mem>> -> memref<1x!tpu.dma_semaphore, #tpu.memory_space<semaphore_mem>>
        %dma_wait3A_722 = tpu.memref_squeeze %dma_wait3A_721 : memref<1x!tpu.dma_semaphore, #tpu.memory_space<semaphore_mem>> -> memref<!tpu.dma_semaphore, #tpu.memory_space<semaphore_mem>>
        %dma_wait3A_723 = arith.constant 0 : i32
        %dma_wait3A_724 = arith.constant 0 : i32
        %dma_wait3A_725 = arith.constant 0 : i32
        %dma_wait3A_726 = tpu.memref_slice %arg9[%rem3A_710, %dma_wait3A_723, %dma_wait3A_724, %dma_wait3A_725] : memref<4x2x2x40xi32, #tpu.memory_space<vmem>> -> memref<1x2x2x40xi32, #tpu.memory_space<vmem>>
        %dma_wait3A_727 = tpu.memref_squeeze %dma_wait3A_726 : memref<1x2x2x40xi32, #tpu.memory_space<vmem>> -> memref<2x2x40xi32, #tpu.memory_space<vmem>>
        %dma_wait3A_728 = arith.constant 0 : i32
        %dma_wait3A_729 = arith.constant 0 : i32
        %dma_wait3A_730 = arith.constant 0 : i32
        %dma_wait3A_731 = tpu.memref_slice %arg3[%mul3A_87, %dma_wait3A_728, %dma_wait3A_729, %dma_wait3A_730] : memref<4000x2x2x40xi32, #tpu.memory_space<hbm>> -> memref<1x2x2x40xi32, #tpu.memory_space<hbm>>
        %dma_wait3A_732 = tpu.memref_squeeze %dma_wait3A_731 : memref<1x2x2x40xi32, #tpu.memory_space<hbm>> -> memref<2x2x40xi32, #tpu.memory_space<hbm>>
        tpu.wait_dma2 semaphore(%dma_wait3A_722 : memref<!tpu.dma_semaphore, #tpu.memory_space<semaphore_mem>>) src(%dma_wait3A_732 : memref<2x2x40xi32, #tpu.memory_space<hbm>>) dst(%dma_wait3A_727 : memref<2x2x40xi32, #tpu.memory_space<vmem>>)
        %add3A_733 = arith.constant 2 : i32
        %add3A_734 = arith.addi %mul3A_315, %add3A_733 : i32
        %div3A_735 = arith.constant 2 : i32
        %div3A_736 = arith.divsi %add3A_734, %div3A_735 : i32
        %rem3A_737 = arith.constant 4 : i32
        %rem3A_738 = arith.remsi %div3A_736, %rem3A_737 : i32
        %rem3A_739 = arith.constant 2 : i32
        %rem3A_740 = arith.remsi %add3A_734, %rem3A_739 : i32
        %rem3A_741 = arith.constant 4 : i32
        %rem3A_742 = arith.remsi %add3A_734, %rem3A_741 : i32
        %dma_start3A_743 = arith.constant 0 : i32
        %dma_start3A_744 = arith.constant 0 : i32
        %dma_start3A_745 = arith.constant 0 : i32
        %dma_start3A_746 = tpu.memref_slice %arg11[%rem3A_742, %dma_start3A_744, %dma_start3A_745] : memref<4x40x128xf32, #tpu.memory_space<vmem>> -> memref<1x40x128xf32, #tpu.memory_space<vmem>>
        %dma_start3A_747 = tpu.memref_squeeze %dma_start3A_746 : memref<1x40x128xf32, #tpu.memory_space<vmem>> -> memref<40x128xf32, #tpu.memory_space<vmem>>
        %dma_start3A_748 = arith.constant 0 : i32
        %dma_start3A_749 = tpu.memref_slice %arg9[%rem3A_738, %dma_start3A_743, %rem3A_740, %dma_start3A_748] : memref<4x2x2x40xi32, #tpu.memory_space<vmem>> -> memref<1x1x1x40xi32, #tpu.memory_space<vmem>>
        %dma_start3A_750 = tpu.memref_squeeze %dma_start3A_749 : memref<1x1x1x40xi32, #tpu.memory_space<vmem>> -> memref<40xi32, #tpu.memory_space<vmem>>
        %dma_start3A_751 = arith.constant 0 : i32
        %dma_start3A_752 = arith.constant 0 : i32
        %dma_start3A_753 = tpu.memref_slice %arg2[%dma_start3A_751, %dma_start3A_752] : memref<10000x128xf32, #tpu.memory_space<hbm>> -> memref<10000x128xf32, #tpu.memory_space<hbm>>
        %dma_start3A_754 = tpu.memref_slice %arg14[%rem3A_742] : memref<4x!tpu.dma_semaphore, #tpu.memory_space<semaphore_mem>> -> memref<1x!tpu.dma_semaphore, #tpu.memory_space<semaphore_mem>>
        %dma_start3A_755 = tpu.memref_squeeze %dma_start3A_754 : memref<1x!tpu.dma_semaphore, #tpu.memory_space<semaphore_mem>> -> memref<!tpu.dma_semaphore, #tpu.memory_space<semaphore_mem>>
        tpu.enqueue_indirect_dma source(%dma_start3A_753 : memref<10000x128xf32, #tpu.memory_space<hbm>>) target(%dma_start3A_747 : memref<40x128xf32, #tpu.memory_space<vmem>>) offsets(%dma_start3A_750 : memref<40xi32, #tpu.memory_space<vmem>>) semaphore(%dma_start3A_755 : memref<!tpu.dma_semaphore, #tpu.memory_space<semaphore_mem>>)
      } else {
      }
      %div3A_347 = arith.constant 2 : i32
      %div3A_348 = arith.divsi %mul3A_315, %div3A_347 : i32
      %rem3A_349 = arith.constant 4 : i32
      %rem3A_350 = arith.remsi %div3A_348, %rem3A_349 : i32
      %rem3A_351 = arith.constant 2 : i32
      %rem3A_352 = arith.remsi %mul3A_315, %rem3A_351 : i32
      %rem3A_353 = arith.constant 4 : i32
      %rem3A_354 = arith.remsi %mul3A_315, %rem3A_353 : i32
      %get3A = arith.constant 0 : i32
      %get3A_355 = arith.constant 0 : i32
      %get3A_356 = tpu.memref_slice %arg9[%rem3A_350, %get3A, %rem3A_352, %get3A_355] : memref<4x2x2x40xi32, #tpu.memory_space<vmem>> -> memref<1x1x1x40xi32, #tpu.memory_space<vmem>>
      %get3A_357 = tpu.memref_squeeze %get3A_356 : memref<1x1x1x40xi32, #tpu.memory_space<vmem>> -> memref<40xi32, #tpu.memory_space<vmem>>
      %get3A_358 = arith.constant 0 : index
      %get3A_359 = tpu.vector_load %get3A_357[%get3A_358] {strides = array<i32>} : memref<40xi32, #tpu.memory_space<vmem>>, vector<16xi32>,
      %get3A_360 = arith.constant 1 : i32
      %get3A_361 = arith.constant 0 : i32
      %get3A_362 = tpu.memref_slice %arg9[%rem3A_350, %get3A_360, %rem3A_352, %get3A_361] : memref<4x2x2x40xi32, #tpu.memory_space<vmem>> -> memref<1x1x1x40xi32, #tpu.memory_space<vmem>>
      %get3A_363 = tpu.memref_squeeze %get3A_362 : memref<1x1x1x40xi32, #tpu.memory_space<vmem>> -> memref<40xi32, #tpu.memory_space<vmem>>
      %get3A_364 = arith.constant 0 : index
      %get3A_365 = tpu.vector_load %get3A_363[%get3A_364] {strides = array<i32>} : memref<40xi32, #tpu.memory_space<vmem>>, vector<16xi32>,
      %gather3A = tpu.vector_load_idx %arg7[%get3A_359] : memref<10000xf32, #tpu.memory_space<vmem>>[vector<16xi32>], vector<16xf32>,
      %gather3A_366 = tpu.vector_load_idx %arg8[%get3A_365] : memref<10000xf32, #tpu.memory_space<vmem>>[vector<16xi32>], vector<16xf32>,
      %add3A_367 = arith.addf %gather3A, %gather3A_366 : vector<16xf32>
      %abs3A = math.absf %add3A_367 : vector<16xf32>
      %mul3A_368 = arith.constant -2.000000e+00 : f32
      %mul3A_369 = vector.broadcast %mul3A_368 : f32 to vector<16xf32>
      %mul3A_370 = arith.mulf %mul3A_369, %abs3A : vector<16xf32>
      %exp3A = math.exp %mul3A_370 : vector<16xf32>
      %sub3A = arith.constant 1.000000e+00 : f32
      %sub3A_371 = vector.broadcast %sub3A : f32 to vector<16xf32>
      %sub3A_372 = arith.subf %sub3A_371, %exp3A : vector<16xf32>
      %add3A_373 = arith.constant 1.000000e+00 : f32
      %add3A_374 = vector.broadcast %add3A_373 : f32 to vector<16xf32>
      %add3A_375 = arith.addf %add3A_374, %exp3A : vector<16xf32>
      %div3A_376 = arith.divf %sub3A_372, %add3A_375 : vector<16xf32>
      %sign3A = tpu.bitcast %add3A_367 : vector<16xf32> -> vector<16xi32>
      %sign3A_377 = arith.constant -2147483648 : i32
      %sign3A_378 = vector.broadcast %sign3A_377 : i32 to vector<16xi32>
      %sign3A_379 = arith.andi %sign3A, %sign3A_378 : vector<16xi32>
      %sign3A_380 = arith.constant 1065353216 : i32
      %sign3A_381 = vector.broadcast %sign3A_380 : i32 to vector<16xi32>
      %sign3A_382 = arith.ori %sign3A_381, %sign3A_379 : vector<16xi32>
      %sign3A_383 = tpu.bitcast %sign3A_382 : vector<16xi32> -> vector<16xf32>
      %sign3A_384 = math.absf %add3A_367 : vector<16xf32>
      %sign3A_385 = arith.constant 0.000000e+00 : f32
      %sign3A_386 = vector.broadcast %sign3A_385 : f32 to vector<16xf32>
      %sign3A_387 = arith.cmpf ogt, %sign3A_384, %sign3A_386 : vector<16xf32>
      %sign3A_388 = arith.select %sign3A_387, %sign3A_383, %add3A_367 : vector<16xi1>, vector<16xf32>
      %mul3A_389 = arith.mulf %sign3A_388, %div3A_376 : vector<16xf32>
      %swap3A = arith.constant 0 : index
      %swap3A_390 = tpu.vector_load %arg10[%swap3A] {strides = array<i32>} : memref<40xf32, #tpu.memory_space<vmem>>, vector<16xf32>,
      tpu.vector_store %arg10[%swap3A], %mul3A_389 {strides = array<i32>} : memref<40xf32, #tpu.memory_space<vmem>>, vector<16xf32>,
      %get3A_391 = arith.constant 0 : i32
      %get3A_392 = arith.constant 0 : i32
      %get3A_393 = tpu.memref_slice %arg9[%rem3A_350, %get3A_391, %rem3A_352, %get3A_392] : memref<4x2x2x40xi32, #tpu.memory_space<vmem>> -> memref<1x1x1x40xi32, #tpu.memory_space<vmem>>
      %get3A_394 = tpu.memref_squeeze %get3A_393 : memref<1x1x1x40xi32, #tpu.memory_space<vmem>> -> memref<40xi32, #tpu.memory_space<vmem>>
      %get3A_395 = arith.constant 16 : index
      %get3A_396 = tpu.vector_load %get3A_394[%get3A_395] {strides = array<i32>} : memref<40xi32, #tpu.memory_space<vmem>>, vector<16xi32>,
      %get3A_397 = arith.constant 1 : i32
      %get3A_398 = arith.constant 0 : i32
      %get3A_399 = tpu.memref_slice %arg9[%rem3A_350, %get3A_397, %rem3A_352, %get3A_398] : memref<4x2x2x40xi32, #tpu.memory_space<vmem>> -> memref<1x1x1x40xi32, #tpu.memory_space<vmem>>
      %get3A_400 = tpu.memref_squeeze %get3A_399 : memref<1x1x1x40xi32, #tpu.memory_space<vmem>> -> memref<40xi32, #tpu.memory_space<vmem>>
      %get3A_401 = arith.constant 16 : index
      %get3A_402 = tpu.vector_load %get3A_400[%get3A_401] {strides = array<i32>} : memref<40xi32, #tpu.memory_space<vmem>>, vector<16xi32>,
      %gather3A_403 = tpu.vector_load_idx %arg7[%get3A_396] : memref<10000xf32, #tpu.memory_space<vmem>>[vector<16xi32>], vector<16xf32>,
      %gather3A_404 = tpu.vector_load_idx %arg8[%get3A_402] : memref<10000xf32, #tpu.memory_space<vmem>>[vector<16xi32>], vector<16xf32>,
      %add3A_405 = arith.addf %gather3A_403, %gather3A_404 : vector<16xf32>
      %abs3A_406 = math.absf %add3A_405 : vector<16xf32>
      %mul3A_407 = arith.constant -2.000000e+00 : f32
      %mul3A_408 = vector.broadcast %mul3A_407 : f32 to vector<16xf32>
      %mul3A_409 = arith.mulf %mul3A_408, %abs3A_406 : vector<16xf32>
      %exp3A_410 = math.exp %mul3A_409 : vector<16xf32>
      %sub3A_411 = arith.constant 1.000000e+00 : f32
      %sub3A_412 = vector.broadcast %sub3A_411 : f32 to vector<16xf32>
      %sub3A_413 = arith.subf %sub3A_412, %exp3A_410 : vector<16xf32>
      %add3A_414 = arith.constant 1.000000e+00 : f32
      %add3A_415 = vector.broadcast %add3A_414 : f32 to vector<16xf32>
      %add3A_416 = arith.addf %add3A_415, %exp3A_410 : vector<16xf32>
      %div3A_417 = arith.divf %sub3A_413, %add3A_416 : vector<16xf32>
      %sign3A_418 = tpu.bitcast %add3A_405 : vector<16xf32> -> vector<16xi32>
      %sign3A_419 = arith.constant -2147483648 : i32
      %sign3A_420 = vector.broadcast %sign3A_419 : i32 to vector<16xi32>
      %sign3A_421 = arith.andi %sign3A_418, %sign3A_420 : vector<16xi32>
      %sign3A_422 = arith.constant 1065353216 : i32
      %sign3A_423 = vector.broadcast %sign3A_422 : i32 to vector<16xi32>
      %sign3A_424 = arith.ori %sign3A_423, %sign3A_421 : vector<16xi32>
      %sign3A_425 = tpu.bitcast %sign3A_424 : vector<16xi32> -> vector<16xf32>
      %sign3A_426 = math.absf %add3A_405 : vector<16xf32>
      %sign3A_427 = arith.constant 0.000000e+00 : f32
      %sign3A_428 = vector.broadcast %sign3A_427 : f32 to vector<16xf32>
      %sign3A_429 = arith.cmpf ogt, %sign3A_426, %sign3A_428 : vector<16xf32>
      %sign3A_430 = arith.select %sign3A_429, %sign3A_425, %add3A_405 : vector<16xi1>, vector<16xf32>
      %mul3A_431 = arith.mulf %sign3A_430, %div3A_417 : vector<16xf32>
      %swap3A_432 = arith.constant 16 : index
      %swap3A_433 = tpu.vector_load %arg10[%swap3A_432] {strides = array<i32>} : memref<40xf32, #tpu.memory_space<vmem>>, vector<16xf32>,
      tpu.vector_store %arg10[%swap3A_432], %mul3A_431 {strides = array<i32>} : memref<40xf32, #tpu.memory_space<vmem>>, vector<16xf32>,
      %get3A_434 = arith.constant 0 : i32
      %get3A_435 = arith.constant 0 : i32
      %get3A_436 = tpu.memref_slice %arg9[%rem3A_350, %get3A_434, %rem3A_352, %get3A_435] : memref<4x2x2x40xi32, #tpu.memory_space<vmem>> -> memref<1x1x1x40xi32, #tpu.memory_space<vmem>>
      %get3A_437 = tpu.memref_squeeze %get3A_436 : memref<1x1x1x40xi32, #tpu.memory_space<vmem>> -> memref<40xi32, #tpu.memory_space<vmem>>
      %get3A_438 = arith.constant 24 : index
      %get3A_439 = tpu.vector_load %get3A_437[%get3A_438] {strides = array<i32>} : memref<40xi32, #tpu.memory_space<vmem>>, vector<16xi32>,
      %get3A_440 = arith.constant 1 : i32
      %get3A_441 = arith.constant 0 : i32
      %get3A_442 = tpu.memref_slice %arg9[%rem3A_350, %get3A_440, %rem3A_352, %get3A_441] : memref<4x2x2x40xi32, #tpu.memory_space<vmem>> -> memref<1x1x1x40xi32, #tpu.memory_space<vmem>>
      %get3A_443 = tpu.memref_squeeze %get3A_442 : memref<1x1x1x40xi32, #tpu.memory_space<vmem>> -> memref<40xi32, #tpu.memory_space<vmem>>
      %get3A_444 = arith.constant 24 : index
      %get3A_445 = tpu.vector_load %get3A_443[%get3A_444] {strides = array<i32>} : memref<40xi32, #tpu.memory_space<vmem>>, vector<16xi32>,
      %gather3A_446 = tpu.vector_load_idx %arg7[%get3A_439] : memref<10000xf32, #tpu.memory_space<vmem>>[vector<16xi32>], vector<16xf32>,
      %gather3A_447 = tpu.vector_load_idx %arg8[%get3A_445] : memref<10000xf32, #tpu.memory_space<vmem>>[vector<16xi32>], vector<16xf32>,
      %add3A_448 = arith.addf %gather3A_446, %gather3A_447 : vector<16xf32>
      %abs3A_449 = math.absf %add3A_448 : vector<16xf32>
      %mul3A_450 = arith.constant -2.000000e+00 : f32
      %mul3A_451 = vector.broadcast %mul3A_450 : f32 to vector<16xf32>
      %mul3A_452 = arith.mulf %mul3A_451, %abs3A_449 : vector<16xf32>
      %exp3A_453 = math.exp %mul3A_452 : vector<16xf32>
      %sub3A_454 = arith.constant 1.000000e+00 : f32
      %sub3A_455 = vector.broadcast %sub3A_454 : f32 to vector<16xf32>
      %sub3A_456 = arith.subf %sub3A_455, %exp3A_453 : vector<16xf32>
      %add3A_457 = arith.constant 1.000000e+00 : f32
      %add3A_458 = vector.broadcast %add3A_457 : f32 to vector<16xf32>
      %add3A_459 = arith.addf %add3A_458, %exp3A_453 : vector<16xf32>
      %div3A_460 = arith.divf %sub3A_456, %add3A_459 : vector<16xf32>
      %sign3A_461 = tpu.bitcast %add3A_448 : vector<16xf32> -> vector<16xi32>
      %sign3A_462 = arith.constant -2147483648 : i32
      %sign3A_463 = vector.broadcast %sign3A_462 : i32 to vector<16xi32>
      %sign3A_464 = arith.andi %sign3A_461, %sign3A_463 : vector<16xi32>
      %sign3A_465 = arith.constant 1065353216 : i32
      %sign3A_466 = vector.broadcast %sign3A_465 : i32 to vector<16xi32>
      %sign3A_467 = arith.ori %sign3A_466, %sign3A_464 : vector<16xi32>
      %sign3A_468 = tpu.bitcast %sign3A_467 : vector<16xi32> -> vector<16xf32>
      %sign3A_469 = math.absf %add3A_448 : vector<16xf32>
      %sign3A_470 = arith.constant 0.000000e+00 : f32
      %sign3A_471 = vector.broadcast %sign3A_470 : f32 to vector<16xf32>
      %sign3A_472 = arith.cmpf ogt, %sign3A_469, %sign3A_471 : vector<16xf32>
      %sign3A_473 = arith.select %sign3A_472, %sign3A_468, %add3A_448 : vector<16xi1>, vector<16xf32>
      %mul3A_474 = arith.mulf %sign3A_473, %div3A_460 : vector<16xf32>
      %swap3A_475 = arith.constant 24 : index
      %swap3A_476 = tpu.vector_load %arg10[%swap3A_475] {strides = array<i32>} : memref<40xf32, #tpu.memory_space<vmem>>, vector<16xf32>,
      tpu.vector_store %arg10[%swap3A_475], %mul3A_474 {strides = array<i32>} : memref<40xf32, #tpu.memory_space<vmem>>, vector<16xf32>,
      %parallel_loop3A = arith.constant 0 : i32
      %parallel_loop3A_477 = arith.constant 40 : i32
      %parallel_loop3A_478 = arith.constant 1 : i32
      scf.for %parallel_loop3A_707 = %parallel_loop3A to %parallel_loop3A_477 step %parallel_loop3A_478  : i32 {
        %parallel_loop3A_708 = vector.broadcast %parallel_loop3A_707 : i32 to vector<16xi32>
        %parallel_loop3A_709 = tpu.vector_load_idx %arg10[%parallel_loop3A_708] : memref<40xf32, #tpu.memory_space<vmem>>[vector<16xi32>], vector<16xf32>,
        %parallel_loop3A_710 = arith.constant 0 : i32
        %parallel_loop3A_711 = arith.constant 0 : i32
        %parallel_loop3A_712 = tpu.memref_slice %arg11[%rem3A_354, %parallel_loop3A_710, %parallel_loop3A_711] : memref<4x40x128xf32, #tpu.memory_space<vmem>> -> memref<1x40x128xf32, #tpu.memory_space<vmem>>
        %parallel_loop3A_713 = tpu.memref_squeeze %parallel_loop3A_712 : memref<1x40x128xf32, #tpu.memory_space<vmem>> -> memref<40x128xf32, #tpu.memory_space<vmem>>
        %parallel_loop3A_714 = arith.index_cast %parallel_loop3A_707 : i32 to index
        %parallel_loop3A_715 = arith.constant 0 : index
        %parallel_loop3A_716 = tpu.vector_load %parallel_loop3A_713[%parallel_loop3A_714, %parallel_loop3A_715] {strides = array<i32>} : memref<40x128xf32, #tpu.memory_space<vmem>>, vector<16xf32>,
        %parallel_loop3A_717 = arith.mulf %parallel_loop3A_716, %parallel_loop3A_709 : vector<16xf32>
        %parallel_loop3A_718 = arith.constant 0 : i32
        %parallel_loop3A_719 = arith.constant 0 : i32
        %parallel_loop3A_720 = tpu.memref_slice %arg11[%rem3A_354, %parallel_loop3A_718, %parallel_loop3A_719] : memref<4x40x128xf32, #tpu.memory_space<vmem>> -> memref<1x40x128xf32, #tpu.memory_space<vmem>>
        %parallel_loop3A_721 = tpu.memref_squeeze %parallel_loop3A_720 : memref<1x40x128xf32, #tpu.memory_space<vmem>> -> memref<40x128xf32, #tpu.memory_space<vmem>>
        %parallel_loop3A_722 = arith.index_cast %parallel_loop3A_707 : i32 to index
        %parallel_loop3A_723 = arith.constant 0 : index
        %parallel_loop3A_724 = tpu.vector_load %parallel_loop3A_721[%parallel_loop3A_722, %parallel_loop3A_723] {strides = array<i32>} : memref<40x128xf32, #tpu.memory_space<vmem>>, vector<16xf32>,
        tpu.vector_store %parallel_loop3A_721[%parallel_loop3A_722, %parallel_loop3A_723], %parallel_loop3A_717 {strides = array<i32>} : memref<40x128xf32, #tpu.memory_space<vmem>>, vector<16xf32>,
        %parallel_loop3A_725 = arith.constant 0 : i32
        %parallel_loop3A_726 = arith.constant 0 : i32
        %parallel_loop3A_727 = tpu.memref_slice %arg11[%rem3A_354, %parallel_loop3A_725, %parallel_loop3A_726] : memref<4x40x128xf32, #tpu.memory_space<vmem>> -> memref<1x40x128xf32, #tpu.memory_space<vmem>>
        %parallel_loop3A_728 = tpu.memref_squeeze %parallel_loop3A_727 : memref<1x40x128xf32, #tpu.memory_space<vmem>> -> memref<40x128xf32, #tpu.memory_space<vmem>>
        %parallel_loop3A_729 = arith.index_cast %parallel_loop3A_707 : i32 to index
        %parallel_loop3A_730 = arith.constant 16 : index
        %parallel_loop3A_731 = tpu.vector_load %parallel_loop3A_728[%parallel_loop3A_729, %parallel_loop3A_730] {strides = array<i32>} : memref<40x128xf32, #tpu.memory_space<vmem>>, vector<16xf32>,
        %parallel_loop3A_732 = arith.mulf %parallel_loop3A_731, %parallel_loop3A_709 : vector<16xf32>
        %parallel_loop3A_733 = arith.constant 0 : i32
        %parallel_loop3A_734 = arith.constant 0 : i32
        %parallel_loop3A_735 = tpu.memref_slice %arg11[%rem3A_354, %parallel_loop3A_733, %parallel_loop3A_734] : memref<4x40x128xf32, #tpu.memory_space<vmem>> -> memref<1x40x128xf32, #tpu.memory_space<vmem>>
        %parallel_loop3A_736 = tpu.memref_squeeze %parallel_loop3A_735 : memref<1x40x128xf32, #tpu.memory_space<vmem>> -> memref<40x128xf32, #tpu.memory_space<vmem>>
        %parallel_loop3A_737 = arith.index_cast %parallel_loop3A_707 : i32 to index
        %parallel_loop3A_738 = arith.constant 16 : index
        %parallel_loop3A_739 = tpu.vector_load %parallel_loop3A_736[%parallel_loop3A_737, %parallel_loop3A_738] {strides = array<i32>} : memref<40x128xf32, #tpu.memory_space<vmem>>, vector<16xf32>,
        tpu.vector_store %parallel_loop3A_736[%parallel_loop3A_737, %parallel_loop3A_738], %parallel_loop3A_732 {strides = array<i32>} : memref<40x128xf32, #tpu.memory_space<vmem>>, vector<16xf32>,
        %parallel_loop3A_740 = arith.constant 0 : i32
        %parallel_loop3A_741 = arith.constant 0 : i32
        %parallel_loop3A_742 = tpu.memref_slice %arg11[%rem3A_354, %parallel_loop3A_740, %parallel_loop3A_741] : memref<4x40x128xf32, #tpu.memory_space<vmem>> -> memref<1x40x128xf32, #tpu.memory_space<vmem>>
        %parallel_loop3A_743 = tpu.memref_squeeze %parallel_loop3A_742 : memref<1x40x128xf32, #tpu.memory_space<vmem>> -> memref<40x128xf32, #tpu.memory_space<vmem>>
        %parallel_loop3A_744 = arith.index_cast %parallel_loop3A_707 : i32 to index
        %parallel_loop3A_745 = arith.constant 32 : index
        %parallel_loop3A_746 = tpu.vector_load %parallel_loop3A_743[%parallel_loop3A_744, %parallel_loop3A_745] {strides = array<i32>} : memref<40x128xf32, #tpu.memory_space<vmem>>, vector<16xf32>,
        %parallel_loop3A_747 = arith.mulf %parallel_loop3A_746, %parallel_loop3A_709 : vector<16xf32>
        %parallel_loop3A_748 = arith.constant 0 : i32
        %parallel_loop3A_749 = arith.constant 0 : i32
        %parallel_loop3A_750 = tpu.memref_slice %arg11[%rem3A_354, %parallel_loop3A_748, %parallel_loop3A_749] : memref<4x40x128xf32, #tpu.memory_space<vmem>> -> memref<1x40x128xf32, #tpu.memory_space<vmem>>
        %parallel_loop3A_751 = tpu.memref_squeeze %parallel_loop3A_750 : memref<1x40x128xf32, #tpu.memory_space<vmem>> -> memref<40x128xf32, #tpu.memory_space<vmem>>
        %parallel_loop3A_752 = arith.index_cast %parallel_loop3A_707 : i32 to index
        %parallel_loop3A_753 = arith.constant 32 : index
        %parallel_loop3A_754 = tpu.vector_load %parallel_loop3A_751[%parallel_loop3A_752, %parallel_loop3A_753] {strides = array<i32>} : memref<40x128xf32, #tpu.memory_space<vmem>>, vector<16xf32>,
        tpu.vector_store %parallel_loop3A_751[%parallel_loop3A_752, %parallel_loop3A_753], %parallel_loop3A_747 {strides = array<i32>} : memref<40x128xf32, #tpu.memory_space<vmem>>, vector<16xf32>,
        %parallel_loop3A_755 = arith.constant 0 : i32
        %parallel_loop3A_756 = arith.constant 0 : i32
        %parallel_loop3A_757 = tpu.memref_slice %arg11[%rem3A_354, %parallel_loop3A_755, %parallel_loop3A_756] : memref<4x40x128xf32, #tpu.memory_space<vmem>> -> memref<1x40x128xf32, #tpu.memory_space<vmem>>
        %parallel_loop3A_758 = tpu.memref_squeeze %parallel_loop3A_757 : memref<1x40x128xf32, #tpu.memory_space<vmem>> -> memref<40x128xf32, #tpu.memory_space<vmem>>
        %parallel_loop3A_759 = arith.index_cast %parallel_loop3A_707 : i32 to index
        %parallel_loop3A_760 = arith.constant 48 : index
        %parallel_loop3A_761 = tpu.vector_load %parallel_loop3A_758[%parallel_loop3A_759, %parallel_loop3A_760] {strides = array<i32>} : memref<40x128xf32, #tpu.memory_space<vmem>>, vector<16xf32>,
        %parallel_loop3A_762 = arith.mulf %parallel_loop3A_761, %parallel_loop3A_709 : vector<16xf32>
        %parallel_loop3A_763 = arith.constant 0 : i32
        %parallel_loop3A_764 = arith.constant 0 : i32
        %parallel_loop3A_765 = tpu.memref_slice %arg11[%rem3A_354, %parallel_loop3A_763, %parallel_loop3A_764] : memref<4x40x128xf32, #tpu.memory_space<vmem>> -> memref<1x40x128xf32, #tpu.memory_space<vmem>>
        %parallel_loop3A_766 = tpu.memref_squeeze %parallel_loop3A_765 : memref<1x40x128xf32, #tpu.memory_space<vmem>> -> memref<40x128xf32, #tpu.memory_space<vmem>>
        %parallel_loop3A_767 = arith.index_cast %parallel_loop3A_707 : i32 to index
        %parallel_loop3A_768 = arith.constant 48 : index
        %parallel_loop3A_769 = tpu.vector_load %parallel_loop3A_766[%parallel_loop3A_767, %parallel_loop3A_768] {strides = array<i32>} : memref<40x128xf32, #tpu.memory_space<vmem>>, vector<16xf32>,
        tpu.vector_store %parallel_loop3A_766[%parallel_loop3A_767, %parallel_loop3A_768], %parallel_loop3A_762 {strides = array<i32>} : memref<40x128xf32, #tpu.memory_space<vmem>>, vector<16xf32>,
        %parallel_loop3A_770 = arith.constant 0 : i32
        %parallel_loop3A_771 = arith.constant 0 : i32
        %parallel_loop3A_772 = tpu.memref_slice %arg11[%rem3A_354, %parallel_loop3A_770, %parallel_loop3A_771] : memref<4x40x128xf32, #tpu.memory_space<vmem>> -> memref<1x40x128xf32, #tpu.memory_space<vmem>>
        %parallel_loop3A_773 = tpu.memref_squeeze %parallel_loop3A_772 : memref<1x40x128xf32, #tpu.memory_space<vmem>> -> memref<40x128xf32, #tpu.memory_space<vmem>>
        %parallel_loop3A_774 = arith.index_cast %parallel_loop3A_707 : i32 to index
        %parallel_loop3A_775 = arith.constant 64 : index
        %parallel_loop3A_776 = tpu.vector_load %parallel_loop3A_773[%parallel_loop3A_774, %parallel_loop3A_775] {strides = array<i32>} : memref<40x128xf32, #tpu.memory_space<vmem>>, vector<16xf32>,
        %parallel_loop3A_777 = arith.mulf %parallel_loop3A_776, %parallel_loop3A_709 : vector<16xf32>
        %parallel_loop3A_778 = arith.constant 0 : i32
        %parallel_loop3A_779 = arith.constant 0 : i32
        %parallel_loop3A_780 = tpu.memref_slice %arg11[%rem3A_354, %parallel_loop3A_778, %parallel_loop3A_779] : memref<4x40x128xf32, #tpu.memory_space<vmem>> -> memref<1x40x128xf32, #tpu.memory_space<vmem>>
        %parallel_loop3A_781 = tpu.memref_squeeze %parallel_loop3A_780 : memref<1x40x128xf32, #tpu.memory_space<vmem>> -> memref<40x128xf32, #tpu.memory_space<vmem>>
        %parallel_loop3A_782 = arith.index_cast %parallel_loop3A_707 : i32 to index
        %parallel_loop3A_783 = arith.constant 64 : index
        %parallel_loop3A_784 = tpu.vector_load %parallel_loop3A_781[%parallel_loop3A_782, %parallel_loop3A_783] {strides = array<i32>} : memref<40x128xf32, #tpu.memory_space<vmem>>, vector<16xf32>,
        tpu.vector_store %parallel_loop3A_781[%parallel_loop3A_782, %parallel_loop3A_783], %parallel_loop3A_777 {strides = array<i32>} : memref<40x128xf32, #tpu.memory_space<vmem>>, vector<16xf32>,
        %parallel_loop3A_785 = arith.constant 0 : i32
        %parallel_loop3A_786 = arith.constant 0 : i32
        %parallel_loop3A_787 = tpu.memref_slice %arg11[%rem3A_354, %parallel_loop3A_785, %parallel_loop3A_786] : memref<4x40x128xf32, #tpu.memory_space<vmem>> -> memref<1x40x128xf32, #tpu.memory_space<vmem>>
        %parallel_loop3A_788 = tpu.memref_squeeze %parallel_loop3A_787 : memref<1x40x128xf32, #tpu.memory_space<vmem>> -> memref<40x128xf32, #tpu.memory_space<vmem>>
        %parallel_loop3A_789 = arith.index_cast %parallel_loop3A_707 : i32 to index
        %parallel_loop3A_790 = arith.constant 80 : index
        %parallel_loop3A_791 = tpu.vector_load %parallel_loop3A_788[%parallel_loop3A_789, %parallel_loop3A_790] {strides = array<i32>} : memref<40x128xf32, #tpu.memory_space<vmem>>, vector<16xf32>,
        %parallel_loop3A_792 = arith.mulf %parallel_loop3A_791, %parallel_loop3A_709 : vector<16xf32>
        %parallel_loop3A_793 = arith.constant 0 : i32
        %parallel_loop3A_794 = arith.constant 0 : i32
        %parallel_loop3A_795 = tpu.memref_slice %arg11[%rem3A_354, %parallel_loop3A_793, %parallel_loop3A_794] : memref<4x40x128xf32, #tpu.memory_space<vmem>> -> memref<1x40x128xf32, #tpu.memory_space<vmem>>
        %parallel_loop3A_796 = tpu.memref_squeeze %parallel_loop3A_795 : memref<1x40x128xf32, #tpu.memory_space<vmem>> -> memref<40x128xf32, #tpu.memory_space<vmem>>
        %parallel_loop3A_797 = arith.index_cast %parallel_loop3A_707 : i32 to index
        %parallel_loop3A_798 = arith.constant 80 : index
        %parallel_loop3A_799 = tpu.vector_load %parallel_loop3A_796[%parallel_loop3A_797, %parallel_loop3A_798] {strides = array<i32>} : memref<40x128xf32, #tpu.memory_space<vmem>>, vector<16xf32>,
        tpu.vector_store %parallel_loop3A_796[%parallel_loop3A_797, %parallel_loop3A_798], %parallel_loop3A_792 {strides = array<i32>} : memref<40x128xf32, #tpu.memory_space<vmem>>, vector<16xf32>,
        %parallel_loop3A_800 = arith.constant 0 : i32
        %parallel_loop3A_801 = arith.constant 0 : i32
        %parallel_loop3A_802 = tpu.memref_slice %arg11[%rem3A_354, %parallel_loop3A_800, %parallel_loop3A_801] : memref<4x40x128xf32, #tpu.memory_space<vmem>> -> memref<1x40x128xf32, #tpu.memory_space<vmem>>
        %parallel_loop3A_803 = tpu.memref_squeeze %parallel_loop3A_802 : memref<1x40x128xf32, #tpu.memory_space<vmem>> -> memref<40x128xf32, #tpu.memory_space<vmem>>
        %parallel_loop3A_804 = arith.index_cast %parallel_loop3A_707 : i32 to index
        %parallel_loop3A_805 = arith.constant 96 : index
        %parallel_loop3A_806 = tpu.vector_load %parallel_loop3A_803[%parallel_loop3A_804, %parallel_loop3A_805] {strides = array<i32>} : memref<40x128xf32, #tpu.memory_space<vmem>>, vector<16xf32>,
        %parallel_loop3A_807 = arith.mulf %parallel_loop3A_806, %parallel_loop3A_709 : vector<16xf32>
        %parallel_loop3A_808 = arith.constant 0 : i32
        %parallel_loop3A_809 = arith.constant 0 : i32
        %parallel_loop3A_810 = tpu.memref_slice %arg11[%rem3A_354, %parallel_loop3A_808, %parallel_loop3A_809] : memref<4x40x128xf32, #tpu.memory_space<vmem>> -> memref<1x40x128xf32, #tpu.memory_space<vmem>>
        %parallel_loop3A_811 = tpu.memref_squeeze %parallel_loop3A_810 : memref<1x40x128xf32, #tpu.memory_space<vmem>> -> memref<40x128xf32, #tpu.memory_space<vmem>>
        %parallel_loop3A_812 = arith.index_cast %parallel_loop3A_707 : i32 to index
        %parallel_loop3A_813 = arith.constant 96 : index
        %parallel_loop3A_814 = tpu.vector_load %parallel_loop3A_811[%parallel_loop3A_812, %parallel_loop3A_813] {strides = array<i32>} : memref<40x128xf32, #tpu.memory_space<vmem>>, vector<16xf32>,
        tpu.vector_store %parallel_loop3A_811[%parallel_loop3A_812, %parallel_loop3A_813], %parallel_loop3A_807 {strides = array<i32>} : memref<40x128xf32, #tpu.memory_space<vmem>>, vector<16xf32>,
        %parallel_loop3A_815 = arith.constant 0 : i32
        %parallel_loop3A_816 = arith.constant 0 : i32
        %parallel_loop3A_817 = tpu.memref_slice %arg11[%rem3A_354, %parallel_loop3A_815, %parallel_loop3A_816] : memref<4x40x128xf32, #tpu.memory_space<vmem>> -> memref<1x40x128xf32, #tpu.memory_space<vmem>>
        %parallel_loop3A_818 = tpu.memref_squeeze %parallel_loop3A_817 : memref<1x40x128xf32, #tpu.memory_space<vmem>> -> memref<40x128xf32, #tpu.memory_space<vmem>>
        %parallel_loop3A_819 = arith.index_cast %parallel_loop3A_707 : i32 to index
        %parallel_loop3A_820 = arith.constant 112 : index
        %parallel_loop3A_821 = tpu.vector_load %parallel_loop3A_818[%parallel_loop3A_819, %parallel_loop3A_820] {strides = array<i32>} : memref<40x128xf32, #tpu.memory_space<vmem>>, vector<16xf32>,
        %parallel_loop3A_822 = arith.mulf %parallel_loop3A_821, %parallel_loop3A_709 : vector<16xf32>
        %parallel_loop3A_823 = arith.constant 0 : i32
        %parallel_loop3A_824 = arith.constant 0 : i32
        %parallel_loop3A_825 = tpu.memref_slice %arg11[%rem3A_354, %parallel_loop3A_823, %parallel_loop3A_824] : memref<4x40x128xf32, #tpu.memory_space<vmem>> -> memref<1x40x128xf32, #tpu.memory_space<vmem>>
        %parallel_loop3A_826 = tpu.memref_squeeze %parallel_loop3A_825 : memref<1x40x128xf32, #tpu.memory_space<vmem>> -> memref<40x128xf32, #tpu.memory_space<vmem>>
        %parallel_loop3A_827 = arith.index_cast %parallel_loop3A_707 : i32 to index
        %parallel_loop3A_828 = arith.constant 112 : index
        %parallel_loop3A_829 = tpu.vector_load %parallel_loop3A_826[%parallel_loop3A_827, %parallel_loop3A_828] {strides = array<i32>} : memref<40x128xf32, #tpu.memory_space<vmem>>, vector<16xf32>,
        tpu.vector_store %parallel_loop3A_826[%parallel_loop3A_827, %parallel_loop3A_828], %parallel_loop3A_822 {strides = array<i32>} : memref<40x128xf32, #tpu.memory_space<vmem>>, vector<16xf32>,
      } {sc.loop_unroll_factor = 4 : i64, sc.parallel_access}
      %div3A_479 = arith.constant 2 : i32
      %div3A_480 = arith.divsi %mul3A_315, %div3A_479 : i32
      %rem3A_481 = arith.constant 4 : i32
      %rem3A_482 = arith.remsi %div3A_480, %rem3A_481 : i32
      %rem3A_483 = arith.constant 2 : i32
      %rem3A_484 = arith.remsi %mul3A_315, %rem3A_483 : i32
      %rem3A_485 = arith.constant 4 : i32
      %rem3A_486 = arith.remsi %mul3A_315, %rem3A_485 : i32
      %dma_start3A_487 = arith.constant 1 : i32
      %dma_start3A_488 = arith.constant 0 : i32
      %dma_start3A_489 = arith.constant 0 : i32
      %dma_start3A_490 = tpu.memref_slice %arg11[%rem3A_486, %dma_start3A_488, %dma_start3A_489] : memref<4x40x128xf32, #tpu.memory_space<vmem>> -> memref<1x40x128xf32, #tpu.memory_space<vmem>>
      %dma_start3A_491 = tpu.memref_squeeze %dma_start3A_490 : memref<1x40x128xf32, #tpu.memory_space<vmem>> -> memref<40x128xf32, #tpu.memory_space<vmem>>
      %dma_start3A_492 = arith.constant 0 : i32
      %dma_start3A_493 = tpu.memref_slice %arg9[%rem3A_482, %dma_start3A_487, %rem3A_484, %dma_start3A_492] : memref<4x2x2x40xi32, #tpu.memory_space<vmem>> -> memref<1x1x1x40xi32, #tpu.memory_space<vmem>>
      %dma_start3A_494 = tpu.memref_squeeze %dma_start3A_493 : memref<1x1x1x40xi32, #tpu.memory_space<vmem>> -> memref<40xi32, #tpu.memory_space<vmem>>
      %dma_start3A_495 = arith.constant 0 : i32
      %dma_start3A_496 = arith.constant 0 : i32
      %dma_start3A_497 = tpu.memref_slice %arg12[%dma_start3A_495, %dma_start3A_496] : memref<10000x128xf32, #tpu.memory_space<vmem_shared>> -> memref<10000x128xf32, #tpu.memory_space<vmem_shared>>
      %dma_start3A_498 = tpu.memref_slice %arg15[%rem3A_486] : memref<4x!tpu.dma_semaphore, #tpu.memory_space<semaphore_mem>> -> memref<1x!tpu.dma_semaphore, #tpu.memory_space<semaphore_mem>>
      %dma_start3A_499 = tpu.memref_squeeze %dma_start3A_498 : memref<1x!tpu.dma_semaphore, #tpu.memory_space<semaphore_mem>> -> memref<!tpu.dma_semaphore, #tpu.memory_space<semaphore_mem>>
      tpu.enqueue_indirect_dma source(%dma_start3A_491 : memref<40x128xf32, #tpu.memory_space<vmem>>) target(%dma_start3A_497 : memref<10000x128xf32, #tpu.memory_space<vmem_shared>>) offsets(%dma_start3A_494 : memref<40xi32, #tpu.memory_space<vmem>>) semaphore(%dma_start3A_499 : memref<!tpu.dma_semaphore, #tpu.memory_space<semaphore_mem>>) {add = true}
      %add3A_500 = arith.constant 1 : i32
      %add3A_501 = arith.addi %mul3A_315, %add3A_500 : i32
      %div3A_502 = arith.constant 2 : i32
      %div3A_503 = arith.divsi %add3A_501, %div3A_502 : i32
      %rem3A_504 = arith.constant 4 : i32
      %rem3A_505 = arith.remsi %div3A_503, %rem3A_504 : i32
      %rem3A_506 = arith.constant 2 : i32
      %rem3A_507 = arith.remsi %add3A_501, %rem3A_506 : i32
      %rem3A_508 = arith.constant 4 : i32
      %rem3A_509 = arith.remsi %add3A_501, %rem3A_508 : i32
      %dma_wait3A_510 = arith.constant 0 : i32
      %dma_wait3A_511 = arith.constant 0 : i32
      %dma_wait3A_512 = arith.constant 0 : i32
      %dma_wait3A_513 = tpu.memref_slice %arg11[%rem3A_509, %dma_wait3A_511, %dma_wait3A_512] : memref<4x40x128xf32, #tpu.memory_space<vmem>> -> memref<1x40x128xf32, #tpu.memory_space<vmem>>
      %dma_wait3A_514 = tpu.memref_squeeze %dma_wait3A_513 : memref<1x40x128xf32, #tpu.memory_space<vmem>> -> memref<40x128xf32, #tpu.memory_space<vmem>>
      %dma_wait3A_515 = arith.constant 0 : i32
      %dma_wait3A_516 = tpu.memref_slice %arg9[%rem3A_505, %dma_wait3A_510, %rem3A_507, %dma_wait3A_515] : memref<4x2x2x40xi32, #tpu.memory_space<vmem>> -> memref<1x1x1x40xi32, #tpu.memory_space<vmem>>
      %dma_wait3A_517 = tpu.memref_squeeze %dma_wait3A_516 : memref<1x1x1x40xi32, #tpu.memory_space<vmem>> -> memref<40xi32, #tpu.memory_space<vmem>>
      %dma_wait3A_518 = arith.constant 0 : i32
      %dma_wait3A_519 = arith.constant 0 : i32
      %dma_wait3A_520 = tpu.memref_slice %arg2[%dma_wait3A_518, %dma_wait3A_519] : memref<10000x128xf32, #tpu.memory_space<hbm>> -> memref<10000x128xf32, #tpu.memory_space<hbm>>
      %dma_wait3A_521 = tpu.memref_slice %arg14[%rem3A_509] : memref<4x!tpu.dma_semaphore, #tpu.memory_space<semaphore_mem>> -> memref<1x!tpu.dma_semaphore, #tpu.memory_space<semaphore_mem>>
      %dma_wait3A_522 = tpu.memref_squeeze %dma_wait3A_521 : memref<1x!tpu.dma_semaphore, #tpu.memory_space<semaphore_mem>> -> memref<!tpu.dma_semaphore, #tpu.memory_space<semaphore_mem>>
      tpu.wait_indirect_dma semaphore(%dma_wait3A_522 : memref<!tpu.dma_semaphore, #tpu.memory_space<semaphore_mem>>) src(%dma_wait3A_520 : memref<10000x128xf32, #tpu.memory_space<hbm>>) dst(%dma_wait3A_514 : memref<40x128xf32, #tpu.memory_space<vmem>>)
      %ge3A_523 = arith.constant 1 : i32
      %ge3A_524 = arith.cmpi sge, %mul3A_315, %ge3A_523 : i32
      %convert_element_type3A_525 = arith.extui %ge3A_524 : i1 to i32
      %cond3A_526 = arith.constant 0 : i32
      %cond3A_527 = arith.cmpi ne, %convert_element_type3A_525, %cond3A_526 : i32
      scf.if %cond3A_527 {
        %sub3A_707 = arith.constant 1 : i32
        %sub3A_708 = arith.subi %mul3A_315, %sub3A_707 : i32
        %div3A_709 = arith.constant 2 : i32
        %div3A_710 = arith.divsi %sub3A_708, %div3A_709 : i32
        %rem3A_711 = arith.constant 4 : i32
        %rem3A_712 = arith.remsi %div3A_710, %rem3A_711 : i32
        %rem3A_713 = arith.constant 2 : i32
        %rem3A_714 = arith.remsi %sub3A_708, %rem3A_713 : i32
        %rem3A_715 = arith.constant 4 : i32
        %rem3A_716 = arith.remsi %sub3A_708, %rem3A_715 : i32
        %dma_wait3A_717 = arith.constant 1 : i32
        %dma_wait3A_718 = arith.constant 0 : i32
        %dma_wait3A_719 = arith.constant 0 : i32
        %dma_wait3A_720 = tpu.memref_slice %arg11[%rem3A_716, %dma_wait3A_718, %dma_wait3A_719] : memref<4x40x128xf32, #tpu.memory_space<vmem>> -> memref<1x40x128xf32, #tpu.memory_space<vmem>>
        %dma_wait3A_721 = tpu.memref_squeeze %dma_wait3A_720 : memref<1x40x128xf32, #tpu.memory_space<vmem>> -> memref<40x128xf32, #tpu.memory_space<vmem>>
        %dma_wait3A_722 = arith.constant 0 : i32
        %dma_wait3A_723 = tpu.memref_slice %arg9[%rem3A_712, %dma_wait3A_717, %rem3A_714, %dma_wait3A_722] : memref<4x2x2x40xi32, #tpu.memory_space<vmem>> -> memref<1x1x1x40xi32, #tpu.memory_space<vmem>>
        %dma_wait3A_724 = tpu.memref_squeeze %dma_wait3A_723 : memref<1x1x1x40xi32, #tpu.memory_space<vmem>> -> memref<40xi32, #tpu.memory_space<vmem>>
        %dma_wait3A_725 = arith.constant 0 : i32
        %dma_wait3A_726 = arith.constant 0 : i32
        %dma_wait3A_727 = tpu.memref_slice %arg12[%dma_wait3A_725, %dma_wait3A_726] : memref<10000x128xf32, #tpu.memory_space<vmem_shared>> -> memref<10000x128xf32, #tpu.memory_space<vmem_shared>>
        %dma_wait3A_728 = tpu.memref_slice %arg15[%rem3A_716] : memref<4x!tpu.dma_semaphore, #tpu.memory_space<semaphore_mem>> -> memref<1x!tpu.dma_semaphore, #tpu.memory_space<semaphore_mem>>
        %dma_wait3A_729 = tpu.memref_squeeze %dma_wait3A_728 : memref<1x!tpu.dma_semaphore, #tpu.memory_space<semaphore_mem>> -> memref<!tpu.dma_semaphore, #tpu.memory_space<semaphore_mem>>
        tpu.wait_indirect_dma semaphore(%dma_wait3A_729 : memref<!tpu.dma_semaphore, #tpu.memory_space<semaphore_mem>>) src(%dma_wait3A_721 : memref<40x128xf32, #tpu.memory_space<vmem>>) dst(%dma_wait3A_727 : memref<10000x128xf32, #tpu.memory_space<vmem_shared>>)
      } else {
      }
      %add3A_528 = arith.constant 3 : i32
      %add3A_529 = arith.addi %mul3A_315, %add3A_528 : i32
      %lt3A_530 = arith.constant 250 : i32
      %lt3A_531 = arith.cmpi slt, %add3A_529, %lt3A_530 : i32
      %convert_element_type3A_532 = arith.extui %lt3A_531 : i1 to i32
      %cond3A_533 = arith.constant 0 : i32
      %cond3A_534 = arith.cmpi ne, %convert_element_type3A_532, %cond3A_533 : i32
      scf.if %cond3A_534 {
        %add3A_707 = arith.constant 3 : i32
        %add3A_708 = arith.addi %mul3A_315, %add3A_707 : i32
        %div3A_709 = arith.constant 2 : i32
        %div3A_710 = arith.divsi %add3A_708, %div3A_709 : i32
        %rem3A_711 = arith.constant 4 : i32
        %rem3A_712 = arith.remsi %div3A_710, %rem3A_711 : i32
        %rem3A_713 = arith.constant 2 : i32
        %rem3A_714 = arith.remsi %add3A_708, %rem3A_713 : i32
        %rem3A_715 = arith.constant 4 : i32
        %rem3A_716 = arith.remsi %add3A_708, %rem3A_715 : i32
        %dma_start3A_717 = arith.constant 0 : i32
        %dma_start3A_718 = arith.constant 0 : i32
        %dma_start3A_719 = arith.constant 0 : i32
        %dma_start3A_720 = tpu.memref_slice %arg11[%rem3A_716, %dma_start3A_718, %dma_start3A_719] : memref<4x40x128xf32, #tpu.memory_space<vmem>> -> memref<1x40x128xf32, #tpu.memory_space<vmem>>
        %dma_start3A_721 = tpu.memref_squeeze %dma_start3A_720 : memref<1x40x128xf32, #tpu.memory_space<vmem>> -> memref<40x128xf32, #tpu.memory_space<vmem>>
        %dma_start3A_722 = arith.constant 0 : i32
        %dma_start3A_723 = tpu.memref_slice %arg9[%rem3A_712, %dma_start3A_717, %rem3A_714, %dma_start3A_722] : memref<4x2x2x40xi32, #tpu.memory_space<vmem>> -> memref<1x1x1x40xi32, #tpu.memory_space<vmem>>
        %dma_start3A_724 = tpu.memref_squeeze %dma_start3A_723 : memref<1x1x1x40xi32, #tpu.memory_space<vmem>> -> memref<40xi32, #tpu.memory_space<vmem>>
        %dma_start3A_725 = arith.constant 0 : i32
        %dma_start3A_726 = arith.constant 0 : i32
        %dma_start3A_727 = tpu.memref_slice %arg2[%dma_start3A_725, %dma_start3A_726] : memref<10000x128xf32, #tpu.memory_space<hbm>> -> memref<10000x128xf32, #tpu.memory_space<hbm>>
        %dma_start3A_728 = tpu.memref_slice %arg14[%rem3A_716] : memref<4x!tpu.dma_semaphore, #tpu.memory_space<semaphore_mem>> -> memref<1x!tpu.dma_semaphore, #tpu.memory_space<semaphore_mem>>
        %dma_start3A_729 = tpu.memref_squeeze %dma_start3A_728 : memref<1x!tpu.dma_semaphore, #tpu.memory_space<semaphore_mem>> -> memref<!tpu.dma_semaphore, #tpu.memory_space<semaphore_mem>>
        tpu.enqueue_indirect_dma source(%dma_start3A_727 : memref<10000x128xf32, #tpu.memory_space<hbm>>) target(%dma_start3A_721 : memref<40x128xf32, #tpu.memory_space<vmem>>) offsets(%dma_start3A_724 : memref<40xi32, #tpu.memory_space<vmem>>) semaphore(%dma_start3A_729 : memref<!tpu.dma_semaphore, #tpu.memory_space<semaphore_mem>>)
      } else {
      }
      %add3A_535 = arith.constant 3 : i32
      %add3A_536 = arith.addi %add3A_313, %add3A_535 : i32
      %lt3A_537 = arith.constant 125 : i32
      %lt3A_538 = arith.cmpi slt, %add3A_536, %lt3A_537 : i32
      %convert_element_type3A_539 = arith.extui %lt3A_538 : i1 to i32
      %cond3A_540 = arith.constant 0 : i32
      %cond3A_541 = arith.cmpi ne, %convert_element_type3A_539, %cond3A_540 : i32
      scf.if %cond3A_541 {
        %add3A_707 = arith.constant 3 : i32
        %add3A_708 = arith.addi %add3A_313, %add3A_707 : i32
        %rem3A_709 = arith.constant 4 : i32
        %rem3A_710 = arith.remsi %add3A_708, %rem3A_709 : i32
        %add3A_711 = arith.addi %mul3A_87, %add3A_708 : i32
        %dma_start3A_712 = arith.constant 0 : i32
        %dma_start3A_713 = arith.constant 0 : i32
        %dma_start3A_714 = arith.constant 0 : i32
        %dma_start3A_715 = tpu.memref_slice %arg9[%rem3A_710, %dma_start3A_712, %dma_start3A_713, %dma_start3A_714] : memref<4x2x2x40xi32, #tpu.memory_space<vmem>> -> memref<1x2x2x40xi32, #tpu.memory_space<vmem>>
        %dma_start3A_716 = tpu.memref_squeeze %dma_start3A_715 : memref<1x2x2x40xi32, #tpu.memory_space<vmem>> -> memref<2x2x40xi32, #tpu.memory_space<vmem>>
        %dma_start3A_717 = arith.constant 0 : i32
        %dma_start3A_718 = arith.constant 0 : i32
        %dma_start3A_719 = arith.constant 0 : i32
        %dma_start3A_720 = tpu.memref_slice %arg3[%add3A_711, %dma_start3A_717, %dma_start3A_718, %dma_start3A_719] : memref<4000x2x2x40xi32, #tpu.memory_space<hbm>> -> memref<1x2x2x40xi32, #tpu.memory_space<hbm>>
        %dma_start3A_721 = tpu.memref_squeeze %dma_start3A_720 : memref<1x2x2x40xi32, #tpu.memory_space<hbm>> -> memref<2x2x40xi32, #tpu.memory_space<hbm>>
        %dma_start3A_722 = tpu.memref_slice %arg13[%rem3A_710] : memref<4x!tpu.dma_semaphore, #tpu.memory_space<semaphore_mem>> -> memref<1x!tpu.dma_semaphore, #tpu.memory_space<semaphore_mem>>
        %dma_start3A_723 = tpu.memref_squeeze %dma_start3A_722 : memref<1x!tpu.dma_semaphore, #tpu.memory_space<semaphore_mem>> -> memref<!tpu.dma_semaphore, #tpu.memory_space<semaphore_mem>>
        %dma_start3A_724 = arith.constant 0 : i32
        %dma_start3A_725 = arith.constant 0 : i32
        %dma_start3A_726 = arith.constant 0 : i32
        %dma_start3A_727 = tpu.memref_slice %arg9[%rem3A_710, %dma_start3A_724, %dma_start3A_725, %dma_start3A_726] : memref<4x2x2x40xi32, #tpu.memory_space<vmem>> -> memref<1x2x2x40xi32, #tpu.memory_space<vmem>>
        %dma_start3A_728 = tpu.memref_squeeze %dma_start3A_727 : memref<1x2x2x40xi32, #tpu.memory_space<vmem>> -> memref<2x2x40xi32, #tpu.memory_space<vmem>>
        %dma_start3A_729 = arith.constant 0 : i32
        %dma_start3A_730 = arith.constant 0 : i32
        %dma_start3A_731 = arith.constant 0 : i32
        %dma_start3A_732 = tpu.memref_slice %arg3[%add3A_711, %dma_start3A_729, %dma_start3A_730, %dma_start3A_731] : memref<4000x2x2x40xi32, #tpu.memory_space<hbm>> -> memref<1x2x2x40xi32, #tpu.memory_space<hbm>>
        %dma_start3A_733 = tpu.memref_squeeze %dma_start3A_732 : memref<1x2x2x40xi32, #tpu.memory_space<hbm>> -> memref<2x2x40xi32, #tpu.memory_space<hbm>>
        tpu.enqueue_dma source(%dma_start3A_733 : memref<2x2x40xi32, #tpu.memory_space<hbm>>) target(%dma_start3A_728 : memref<2x2x40xi32, #tpu.memory_space<vmem>>) target_semaphore(%dma_start3A_723 : memref<!tpu.dma_semaphore, #tpu.memory_space<semaphore_mem>>)
      } else {
      }
      %add3A_542 = arith.constant 1 : i32
      %add3A_543 = arith.addi %mul3A_315, %add3A_542 : i32
      %div3A_544 = arith.constant 2 : i32
      %div3A_545 = arith.divsi %add3A_543, %div3A_544 : i32
      %rem3A_546 = arith.constant 4 : i32
      %rem3A_547 = arith.remsi %div3A_545, %rem3A_546 : i32
      %rem3A_548 = arith.constant 2 : i32
      %rem3A_549 = arith.remsi %add3A_543, %rem3A_548 : i32
      %rem3A_550 = arith.constant 4 : i32
      %rem3A_551 = arith.remsi %add3A_543, %rem3A_550 : i32
      %get3A_552 = arith.constant 0 : i32
      %get3A_553 = arith.constant 0 : i32
      %get3A_554 = tpu.memref_slice %arg9[%rem3A_547, %get3A_552, %rem3A_549, %get3A_553] : memref<4x2x2x40xi32, #tpu.memory_space<vmem>> -> memref<1x1x1x40xi32, #tpu.memory_space<vmem>>
      %get3A_555 = tpu.memref_squeeze %get3A_554 : memref<1x1x1x40xi32, #tpu.memory_space<vmem>> -> memref<40xi32, #tpu.memory_space<vmem>>
      %get3A_556 = arith.constant 0 : index
      %get3A_557 = tpu.vector_load %get3A_555[%get3A_556] {strides = array<i32>} : memref<40xi32, #tpu.memory_space<vmem>>, vector<16xi32>,
      %get3A_558 = arith.constant 1 : i32
      %get3A_559 = arith.constant 0 : i32
      %get3A_560 = tpu.memref_slice %arg9[%rem3A_547, %get3A_558, %rem3A_549, %get3A_559] : memref<4x2x2x40xi32, #tpu.memory_space<vmem>> -> memref<1x1x1x40xi32, #tpu.memory_space<vmem>>
      %get3A_561 = tpu.memref_squeeze %get3A_560 : memref<1x1x1x40xi32, #tpu.memory_space<vmem>> -> memref<40xi32, #tpu.memory_space<vmem>>
      %get3A_562 = arith.constant 0 : index
      %get3A_563 = tpu.vector_load %get3A_561[%get3A_562] {strides = array<i32>} : memref<40xi32, #tpu.memory_space<vmem>>, vector<16xi32>,
      %gather3A_564 = tpu.vector_load_idx %arg7[%get3A_557] : memref<10000xf32, #tpu.memory_space<vmem>>[vector<16xi32>], vector<16xf32>,
      %gather3A_565 = tpu.vector_load_idx %arg8[%get3A_563] : memref<10000xf32, #tpu.memory_space<vmem>>[vector<16xi32>], vector<16xf32>,
      %add3A_566 = arith.addf %gather3A_564, %gather3A_565 : vector<16xf32>
      %abs3A_567 = math.absf %add3A_566 : vector<16xf32>
      %mul3A_568 = arith.constant -2.000000e+00 : f32
      %mul3A_569 = vector.broadcast %mul3A_568 : f32 to vector<16xf32>
      %mul3A_570 = arith.mulf %mul3A_569, %abs3A_567 : vector<16xf32>
      %exp3A_571 = math.exp %mul3A_570 : vector<16xf32>
      %sub3A_572 = arith.constant 1.000000e+00 : f32
      %sub3A_573 = vector.broadcast %sub3A_572 : f32 to vector<16xf32>
      %sub3A_574 = arith.subf %sub3A_573, %exp3A_571 : vector<16xf32>
      %add3A_575 = arith.constant 1.000000e+00 : f32
      %add3A_576 = vector.broadcast %add3A_575 : f32 to vector<16xf32>
      %add3A_577 = arith.addf %add3A_576, %exp3A_571 : vector<16xf32>
      %div3A_578 = arith.divf %sub3A_574, %add3A_577 : vector<16xf32>
      %sign3A_579 = tpu.bitcast %add3A_566 : vector<16xf32> -> vector<16xi32>
      %sign3A_580 = arith.constant -2147483648 : i32
      %sign3A_581 = vector.broadcast %sign3A_580 : i32 to vector<16xi32>
      %sign3A_582 = arith.andi %sign3A_579, %sign3A_581 : vector<16xi32>
      %sign3A_583 = arith.constant 1065353216 : i32
      %sign3A_584 = vector.broadcast %sign3A_583 : i32 to vector<16xi32>
      %sign3A_585 = arith.ori %sign3A_584, %sign3A_582 : vector<16xi32>
      %sign3A_586 = tpu.bitcast %sign3A_585 : vector<16xi32> -> vector<16xf32>
      %sign3A_587 = math.absf %add3A_566 : vector<16xf32>
      %sign3A_588 = arith.constant 0.000000e+00 : f32
      %sign3A_589 = vector.broadcast %sign3A_588 : f32 to vector<16xf32>
      %sign3A_590 = arith.cmpf ogt, %sign3A_587, %sign3A_589 : vector<16xf32>
      %sign3A_591 = arith.select %sign3A_590, %sign3A_586, %add3A_566 : vector<16xi1>, vector<16xf32>
      %mul3A_592 = arith.mulf %sign3A_591, %div3A_578 : vector<16xf32>
      %swap3A_593 = arith.constant 0 : index
      %swap3A_594 = tpu.vector_load %arg10[%swap3A_593] {strides = array<i32>} : memref<40xf32, #tpu.memory_space<vmem>>, vector<16xf32>,
      tpu.vector_store %arg10[%swap3A_593], %mul3A_592 {strides = array<i32>} : memref<40xf32, #tpu.memory_space<vmem>>, vector<16xf32>,
      %get3A_595 = arith.constant 0 : i32
      %get3A_596 = arith.constant 0 : i32
      %get3A_597 = tpu.memref_slice %arg9[%rem3A_547, %get3A_595, %rem3A_549, %get3A_596] : memref<4x2x2x40xi32, #tpu.memory_space<vmem>> -> memref<1x1x1x40xi32, #tpu.memory_space<vmem>>
      %get3A_598 = tpu.memref_squeeze %get3A_597 : memref<1x1x1x40xi32, #tpu.memory_space<vmem>> -> memref<40xi32, #tpu.memory_space<vmem>>
      %get3A_599 = arith.constant 16 : index
      %get3A_600 = tpu.vector_load %get3A_598[%get3A_599] {strides = array<i32>} : memref<40xi32, #tpu.memory_space<vmem>>, vector<16xi32>,
      %get3A_601 = arith.constant 1 : i32
      %get3A_602 = arith.constant 0 : i32
      %get3A_603 = tpu.memref_slice %arg9[%rem3A_547, %get3A_601, %rem3A_549, %get3A_602] : memref<4x2x2x40xi32, #tpu.memory_space<vmem>> -> memref<1x1x1x40xi32, #tpu.memory_space<vmem>>
      %get3A_604 = tpu.memref_squeeze %get3A_603 : memref<1x1x1x40xi32, #tpu.memory_space<vmem>> -> memref<40xi32, #tpu.memory_space<vmem>>
      %get3A_605 = arith.constant 16 : index
      %get3A_606 = tpu.vector_load %get3A_604[%get3A_605] {strides = array<i32>} : memref<40xi32, #tpu.memory_space<vmem>>, vector<16xi32>,
      %gather3A_607 = tpu.vector_load_idx %arg7[%get3A_600] : memref<10000xf32, #tpu.memory_space<vmem>>[vector<16xi32>], vector<16xf32>,
      %gather3A_608 = tpu.vector_load_idx %arg8[%get3A_606] : memref<10000xf32, #tpu.memory_space<vmem>>[vector<16xi32>], vector<16xf32>,
      %add3A_609 = arith.addf %gather3A_607, %gather3A_608 : vector<16xf32>
      %abs3A_610 = math.absf %add3A_609 : vector<16xf32>
      %mul3A_611 = arith.constant -2.000000e+00 : f32
      %mul3A_612 = vector.broadcast %mul3A_611 : f32 to vector<16xf32>
      %mul3A_613 = arith.mulf %mul3A_612, %abs3A_610 : vector<16xf32>
      %exp3A_614 = math.exp %mul3A_613 : vector<16xf32>
      %sub3A_615 = arith.constant 1.000000e+00 : f32
      %sub3A_616 = vector.broadcast %sub3A_615 : f32 to vector<16xf32>
      %sub3A_617 = arith.subf %sub3A_616, %exp3A_614 : vector<16xf32>
      %add3A_618 = arith.constant 1.000000e+00 : f32
      %add3A_619 = vector.broadcast %add3A_618 : f32 to vector<16xf32>
      %add3A_620 = arith.addf %add3A_619, %exp3A_614 : vector<16xf32>
      %div3A_621 = arith.divf %sub3A_617, %add3A_620 : vector<16xf32>
      %sign3A_622 = tpu.bitcast %add3A_609 : vector<16xf32> -> vector<16xi32>
      %sign3A_623 = arith.constant -2147483648 : i32
      %sign3A_624 = vector.broadcast %sign3A_623 : i32 to vector<16xi32>
      %sign3A_625 = arith.andi %sign3A_622, %sign3A_624 : vector<16xi32>
      %sign3A_626 = arith.constant 1065353216 : i32
      %sign3A_627 = vector.broadcast %sign3A_626 : i32 to vector<16xi32>
      %sign3A_628 = arith.ori %sign3A_627, %sign3A_625 : vector<16xi32>
      %sign3A_629 = tpu.bitcast %sign3A_628 : vector<16xi32> -> vector<16xf32>
      %sign3A_630 = math.absf %add3A_609 : vector<16xf32>
      %sign3A_631 = arith.constant 0.000000e+00 : f32
      %sign3A_632 = vector.broadcast %sign3A_631 : f32 to vector<16xf32>
      %sign3A_633 = arith.cmpf ogt, %sign3A_630, %sign3A_632 : vector<16xf32>
      %sign3A_634 = arith.select %sign3A_633, %sign3A_629, %add3A_609 : vector<16xi1>, vector<16xf32>
      %mul3A_635 = arith.mulf %sign3A_634, %div3A_621 : vector<16xf32>
      %swap3A_636 = arith.constant 16 : index
      %swap3A_637 = tpu.vector_load %arg10[%swap3A_636] {strides = array<i32>} : memref<40xf32, #tpu.memory_space<vmem>>, vector<16xf32>,
      tpu.vector_store %arg10[%swap3A_636], %mul3A_635 {strides = array<i32>} : memref<40xf32, #tpu.memory_space<vmem>>, vector<16xf32>,
      %get3A_638 = arith.constant 0 : i32
      %get3A_639 = arith.constant 0 : i32
      %get3A_640 = tpu.memref_slice %arg9[%rem3A_547, %get3A_638, %rem3A_549, %get3A_639] : memref<4x2x2x40xi32, #tpu.memory_space<vmem>> -> memref<1x1x1x40xi32, #tpu.memory_space<vmem>>
      %get3A_641 = tpu.memref_squeeze %get3A_640 : memref<1x1x1x40xi32, #tpu.memory_space<vmem>> -> memref<40xi32, #tpu.memory_space<vmem>>
      %get3A_642 = arith.constant 24 : index
      %get3A_643 = tpu.vector_load %get3A_641[%get3A_642] {strides = array<i32>} : memref<40xi32, #tpu.memory_space<vmem>>, vector<16xi32>,
      %get3A_644 = arith.constant 1 : i32
      %get3A_645 = arith.constant 0 : i32
      %get3A_646 = tpu.memref_slice %arg9[%rem3A_547, %get3A_644, %rem3A_549, %get3A_645] : memref<4x2x2x40xi32, #tpu.memory_space<vmem>> -> memref<1x1x1x40xi32, #tpu.memory_space<vmem>>
      %get3A_647 = tpu.memref_squeeze %get3A_646 : memref<1x1x1x40xi32, #tpu.memory_space<vmem>> -> memref<40xi32, #tpu.memory_space<vmem>>
      %get3A_648 = arith.constant 24 : index
      %get3A_649 = tpu.vector_load %get3A_647[%get3A_648] {strides = array<i32>} : memref<40xi32, #tpu.memory_space<vmem>>, vector<16xi32>,
      %gather3A_650 = tpu.vector_load_idx %arg7[%get3A_643] : memref<10000xf32, #tpu.memory_space<vmem>>[vector<16xi32>], vector<16xf32>,
      %gather3A_651 = tpu.vector_load_idx %arg8[%get3A_649] : memref<10000xf32, #tpu.memory_space<vmem>>[vector<16xi32>], vector<16xf32>,
      %add3A_652 = arith.addf %gather3A_650, %gather3A_651 : vector<16xf32>
      %abs3A_653 = math.absf %add3A_652 : vector<16xf32>
      %mul3A_654 = arith.constant -2.000000e+00 : f32
      %mul3A_655 = vector.broadcast %mul3A_654 : f32 to vector<16xf32>
      %mul3A_656 = arith.mulf %mul3A_655, %abs3A_653 : vector<16xf32>
      %exp3A_657 = math.exp %mul3A_656 : vector<16xf32>
      %sub3A_658 = arith.constant 1.000000e+00 : f32
      %sub3A_659 = vector.broadcast %sub3A_658 : f32 to vector<16xf32>
      %sub3A_660 = arith.subf %sub3A_659, %exp3A_657 : vector<16xf32>
      %add3A_661 = arith.constant 1.000000e+00 : f32
      %add3A_662 = vector.broadcast %add3A_661 : f32 to vector<16xf32>
      %add3A_663 = arith.addf %add3A_662, %exp3A_657 : vector<16xf32>
      %div3A_664 = arith.divf %sub3A_660, %add3A_663 : vector<16xf32>
      %sign3A_665 = tpu.bitcast %add3A_652 : vector<16xf32> -> vector<16xi32>
      %sign3A_666 = arith.constant -2147483648 : i32
      %sign3A_667 = vector.broadcast %sign3A_666 : i32 to vector<16xi32>
      %sign3A_668 = arith.andi %sign3A_665, %sign3A_667 : vector<16xi32>
      %sign3A_669 = arith.constant 1065353216 : i32
      %sign3A_670 = vector.broadcast %sign3A_669 : i32 to vector<16xi32>
      %sign3A_671 = arith.ori %sign3A_670, %sign3A_668 : vector<16xi32>
      %sign3A_672 = tpu.bitcast %sign3A_671 : vector<16xi32> -> vector<16xf32>
      %sign3A_673 = math.absf %add3A_652 : vector<16xf32>
      %sign3A_674 = arith.constant 0.000000e+00 : f32
      %sign3A_675 = vector.broadcast %sign3A_674 : f32 to vector<16xf32>
      %sign3A_676 = arith.cmpf ogt, %sign3A_673, %sign3A_675 : vector<16xf32>
      %sign3A_677 = arith.select %sign3A_676, %sign3A_672, %add3A_652 : vector<16xi1>, vector<16xf32>
      %mul3A_678 = arith.mulf %sign3A_677, %div3A_664 : vector<16xf32>
      %swap3A_679 = arith.constant 24 : index
      %swap3A_680 = tpu.vector_load %arg10[%swap3A_679] {strides = array<i32>} : memref<40xf32, #tpu.memory_space<vmem>>, vector<16xf32>,
      tpu.vector_store %arg10[%swap3A_679], %mul3A_678 {strides = array<i32>} : memref<40xf32, #tpu.memory_space<vmem>>, vector<16xf32>,
      %parallel_loop3A_681 = arith.constant 0 : i32
      %parallel_loop3A_682 = arith.constant 40 : i32
      %parallel_loop3A_683 = arith.constant 1 : i32
      scf.for %parallel_loop3A_707 = %parallel_loop3A_681 to %parallel_loop3A_682 step %parallel_loop3A_683  : i32 {
        %parallel_loop3A_708 = vector.broadcast %parallel_loop3A_707 : i32 to vector<16xi32>
        %parallel_loop3A_709 = tpu.vector_load_idx %arg10[%parallel_loop3A_708] : memref<40xf32, #tpu.memory_space<vmem>>[vector<16xi32>], vector<16xf32>,
        %parallel_loop3A_710 = arith.constant 0 : i32
        %parallel_loop3A_711 = arith.constant 0 : i32
        %parallel_loop3A_712 = tpu.memref_slice %arg11[%rem3A_551, %parallel_loop3A_710, %parallel_loop3A_711] : memref<4x40x128xf32, #tpu.memory_space<vmem>> -> memref<1x40x128xf32, #tpu.memory_space<vmem>>
        %parallel_loop3A_713 = tpu.memref_squeeze %parallel_loop3A_712 : memref<1x40x128xf32, #tpu.memory_space<vmem>> -> memref<40x128xf32, #tpu.memory_space<vmem>>
        %parallel_loop3A_714 = arith.index_cast %parallel_loop3A_707 : i32 to index
        %parallel_loop3A_715 = arith.constant 0 : index
        %parallel_loop3A_716 = tpu.vector_load %parallel_loop3A_713[%parallel_loop3A_714, %parallel_loop3A_715] {strides = array<i32>} : memref<40x128xf32, #tpu.memory_space<vmem>>, vector<16xf32>,
        %parallel_loop3A_717 = arith.mulf %parallel_loop3A_716, %parallel_loop3A_709 : vector<16xf32>
        %parallel_loop3A_718 = arith.constant 0 : i32
        %parallel_loop3A_719 = arith.constant 0 : i32
        %parallel_loop3A_720 = tpu.memref_slice %arg11[%rem3A_551, %parallel_loop3A_718, %parallel_loop3A_719] : memref<4x40x128xf32, #tpu.memory_space<vmem>> -> memref<1x40x128xf32, #tpu.memory_space<vmem>>
        %parallel_loop3A_721 = tpu.memref_squeeze %parallel_loop3A_720 : memref<1x40x128xf32, #tpu.memory_space<vmem>> -> memref<40x128xf32, #tpu.memory_space<vmem>>
        %parallel_loop3A_722 = arith.index_cast %parallel_loop3A_707 : i32 to index
        %parallel_loop3A_723 = arith.constant 0 : index
        %parallel_loop3A_724 = tpu.vector_load %parallel_loop3A_721[%parallel_loop3A_722, %parallel_loop3A_723] {strides = array<i32>} : memref<40x128xf32, #tpu.memory_space<vmem>>, vector<16xf32>,
        tpu.vector_store %parallel_loop3A_721[%parallel_loop3A_722, %parallel_loop3A_723], %parallel_loop3A_717 {strides = array<i32>} : memref<40x128xf32, #tpu.memory_space<vmem>>, vector<16xf32>,
        %parallel_loop3A_725 = arith.constant 0 : i32
        %parallel_loop3A_726 = arith.constant 0 : i32
        %parallel_loop3A_727 = tpu.memref_slice %arg11[%rem3A_551, %parallel_loop3A_725, %parallel_loop3A_726] : memref<4x40x128xf32, #tpu.memory_space<vmem>> -> memref<1x40x128xf32, #tpu.memory_space<vmem>>
        %parallel_loop3A_728 = tpu.memref_squeeze %parallel_loop3A_727 : memref<1x40x128xf32, #tpu.memory_space<vmem>> -> memref<40x128xf32, #tpu.memory_space<vmem>>
        %parallel_loop3A_729 = arith.index_cast %parallel_loop3A_707 : i32 to index
        %parallel_loop3A_730 = arith.constant 16 : index
        %parallel_loop3A_731 = tpu.vector_load %parallel_loop3A_728[%parallel_loop3A_729, %parallel_loop3A_730] {strides = array<i32>} : memref<40x128xf32, #tpu.memory_space<vmem>>, vector<16xf32>,
        %parallel_loop3A_732 = arith.mulf %parallel_loop3A_731, %parallel_loop3A_709 : vector<16xf32>
        %parallel_loop3A_733 = arith.constant 0 : i32
        %parallel_loop3A_734 = arith.constant 0 : i32
        %parallel_loop3A_735 = tpu.memref_slice %arg11[%rem3A_551, %parallel_loop3A_733, %parallel_loop3A_734] : memref<4x40x128xf32, #tpu.memory_space<vmem>> -> memref<1x40x128xf32, #tpu.memory_space<vmem>>
        %parallel_loop3A_736 = tpu.memref_squeeze %parallel_loop3A_735 : memref<1x40x128xf32, #tpu.memory_space<vmem>> -> memref<40x128xf32, #tpu.memory_space<vmem>>
        %parallel_loop3A_737 = arith.index_cast %parallel_loop3A_707 : i32 to index
        %parallel_loop3A_738 = arith.constant 16 : index
        %parallel_loop3A_739 = tpu.vector_load %parallel_loop3A_736[%parallel_loop3A_737, %parallel_loop3A_738] {strides = array<i32>} : memref<40x128xf32, #tpu.memory_space<vmem>>, vector<16xf32>,
        tpu.vector_store %parallel_loop3A_736[%parallel_loop3A_737, %parallel_loop3A_738], %parallel_loop3A_732 {strides = array<i32>} : memref<40x128xf32, #tpu.memory_space<vmem>>, vector<16xf32>,
        %parallel_loop3A_740 = arith.constant 0 : i32
        %parallel_loop3A_741 = arith.constant 0 : i32
        %parallel_loop3A_742 = tpu.memref_slice %arg11[%rem3A_551, %parallel_loop3A_740, %parallel_loop3A_741] : memref<4x40x128xf32, #tpu.memory_space<vmem>> -> memref<1x40x128xf32, #tpu.memory_space<vmem>>
        %parallel_loop3A_743 = tpu.memref_squeeze %parallel_loop3A_742 : memref<1x40x128xf32, #tpu.memory_space<vmem>> -> memref<40x128xf32, #tpu.memory_space<vmem>>
        %parallel_loop3A_744 = arith.index_cast %parallel_loop3A_707 : i32 to index
        %parallel_loop3A_745 = arith.constant 32 : index
        %parallel_loop3A_746 = tpu.vector_load %parallel_loop3A_743[%parallel_loop3A_744, %parallel_loop3A_745] {strides = array<i32>} : memref<40x128xf32, #tpu.memory_space<vmem>>, vector<16xf32>,
        %parallel_loop3A_747 = arith.mulf %parallel_loop3A_746, %parallel_loop3A_709 : vector<16xf32>
        %parallel_loop3A_748 = arith.constant 0 : i32
        %parallel_loop3A_749 = arith.constant 0 : i32
        %parallel_loop3A_750 = tpu.memref_slice %arg11[%rem3A_551, %parallel_loop3A_748, %parallel_loop3A_749] : memref<4x40x128xf32, #tpu.memory_space<vmem>> -> memref<1x40x128xf32, #tpu.memory_space<vmem>>
        %parallel_loop3A_751 = tpu.memref_squeeze %parallel_loop3A_750 : memref<1x40x128xf32, #tpu.memory_space<vmem>> -> memref<40x128xf32, #tpu.memory_space<vmem>>
        %parallel_loop3A_752 = arith.index_cast %parallel_loop3A_707 : i32 to index
        %parallel_loop3A_753 = arith.constant 32 : index
        %parallel_loop3A_754 = tpu.vector_load %parallel_loop3A_751[%parallel_loop3A_752, %parallel_loop3A_753] {strides = array<i32>} : memref<40x128xf32, #tpu.memory_space<vmem>>, vector<16xf32>,
        tpu.vector_store %parallel_loop3A_751[%parallel_loop3A_752, %parallel_loop3A_753], %parallel_loop3A_747 {strides = array<i32>} : memref<40x128xf32, #tpu.memory_space<vmem>>, vector<16xf32>,
        %parallel_loop3A_755 = arith.constant 0 : i32
        %parallel_loop3A_756 = arith.constant 0 : i32
        %parallel_loop3A_757 = tpu.memref_slice %arg11[%rem3A_551, %parallel_loop3A_755, %parallel_loop3A_756] : memref<4x40x128xf32, #tpu.memory_space<vmem>> -> memref<1x40x128xf32, #tpu.memory_space<vmem>>
        %parallel_loop3A_758 = tpu.memref_squeeze %parallel_loop3A_757 : memref<1x40x128xf32, #tpu.memory_space<vmem>> -> memref<40x128xf32, #tpu.memory_space<vmem>>
        %parallel_loop3A_759 = arith.index_cast %parallel_loop3A_707 : i32 to index
        %parallel_loop3A_760 = arith.constant 48 : index
        %parallel_loop3A_761 = tpu.vector_load %parallel_loop3A_758[%parallel_loop3A_759, %parallel_loop3A_760] {strides = array<i32>} : memref<40x128xf32, #tpu.memory_space<vmem>>, vector<16xf32>,
        %parallel_loop3A_762 = arith.mulf %parallel_loop3A_761, %parallel_loop3A_709 : vector<16xf32>
        %parallel_loop3A_763 = arith.constant 0 : i32
        %parallel_loop3A_764 = arith.constant 0 : i32
        %parallel_loop3A_765 = tpu.memref_slice %arg11[%rem3A_551, %parallel_loop3A_763, %parallel_loop3A_764] : memref<4x40x128xf32, #tpu.memory_space<vmem>> -> memref<1x40x128xf32, #tpu.memory_space<vmem>>
        %parallel_loop3A_766 = tpu.memref_squeeze %parallel_loop3A_765 : memref<1x40x128xf32, #tpu.memory_space<vmem>> -> memref<40x128xf32, #tpu.memory_space<vmem>>
        %parallel_loop3A_767 = arith.index_cast %parallel_loop3A_707 : i32 to index
        %parallel_loop3A_768 = arith.constant 48 : index
        %parallel_loop3A_769 = tpu.vector_load %parallel_loop3A_766[%parallel_loop3A_767, %parallel_loop3A_768] {strides = array<i32>} : memref<40x128xf32, #tpu.memory_space<vmem>>, vector<16xf32>,
        tpu.vector_store %parallel_loop3A_766[%parallel_loop3A_767, %parallel_loop3A_768], %parallel_loop3A_762 {strides = array<i32>} : memref<40x128xf32, #tpu.memory_space<vmem>>, vector<16xf32>,
        %parallel_loop3A_770 = arith.constant 0 : i32
        %parallel_loop3A_771 = arith.constant 0 : i32
        %parallel_loop3A_772 = tpu.memref_slice %arg11[%rem3A_551, %parallel_loop3A_770, %parallel_loop3A_771] : memref<4x40x128xf32, #tpu.memory_space<vmem>> -> memref<1x40x128xf32, #tpu.memory_space<vmem>>
        %parallel_loop3A_773 = tpu.memref_squeeze %parallel_loop3A_772 : memref<1x40x128xf32, #tpu.memory_space<vmem>> -> memref<40x128xf32, #tpu.memory_space<vmem>>
        %parallel_loop3A_774 = arith.index_cast %parallel_loop3A_707 : i32 to index
        %parallel_loop3A_775 = arith.constant 64 : index
        %parallel_loop3A_776 = tpu.vector_load %parallel_loop3A_773[%parallel_loop3A_774, %parallel_loop3A_775] {strides = array<i32>} : memref<40x128xf32, #tpu.memory_space<vmem>>, vector<16xf32>,
        %parallel_loop3A_777 = arith.mulf %parallel_loop3A_776, %parallel_loop3A_709 : vector<16xf32>
        %parallel_loop3A_778 = arith.constant 0 : i32
        %parallel_loop3A_779 = arith.constant 0 : i32
        %parallel_loop3A_780 = tpu.memref_slice %arg11[%rem3A_551, %parallel_loop3A_778, %parallel_loop3A_779] : memref<4x40x128xf32, #tpu.memory_space<vmem>> -> memref<1x40x128xf32, #tpu.memory_space<vmem>>
        %parallel_loop3A_781 = tpu.memref_squeeze %parallel_loop3A_780 : memref<1x40x128xf32, #tpu.memory_space<vmem>> -> memref<40x128xf32, #tpu.memory_space<vmem>>
        %parallel_loop3A_782 = arith.index_cast %parallel_loop3A_707 : i32 to index
        %parallel_loop3A_783 = arith.constant 64 : index
        %parallel_loop3A_784 = tpu.vector_load %parallel_loop3A_781[%parallel_loop3A_782, %parallel_loop3A_783] {strides = array<i32>} : memref<40x128xf32, #tpu.memory_space<vmem>>, vector<16xf32>,
        tpu.vector_store %parallel_loop3A_781[%parallel_loop3A_782, %parallel_loop3A_783], %parallel_loop3A_777 {strides = array<i32>} : memref<40x128xf32, #tpu.memory_space<vmem>>, vector<16xf32>,
        %parallel_loop3A_785 = arith.constant 0 : i32
        %parallel_loop3A_786 = arith.constant 0 : i32
        %parallel_loop3A_787 = tpu.memref_slice %arg11[%rem3A_551, %parallel_loop3A_785, %parallel_loop3A_786] : memref<4x40x128xf32, #tpu.memory_space<vmem>> -> memref<1x40x128xf32, #tpu.memory_space<vmem>>
        %parallel_loop3A_788 = tpu.memref_squeeze %parallel_loop3A_787 : memref<1x40x128xf32, #tpu.memory_space<vmem>> -> memref<40x128xf32, #tpu.memory_space<vmem>>
        %parallel_loop3A_789 = arith.index_cast %parallel_loop3A_707 : i32 to index
        %parallel_loop3A_790 = arith.constant 80 : index
        %parallel_loop3A_791 = tpu.vector_load %parallel_loop3A_788[%parallel_loop3A_789, %parallel_loop3A_790] {strides = array<i32>} : memref<40x128xf32, #tpu.memory_space<vmem>>, vector<16xf32>,
        %parallel_loop3A_792 = arith.mulf %parallel_loop3A_791, %parallel_loop3A_709 : vector<16xf32>
        %parallel_loop3A_793 = arith.constant 0 : i32
        %parallel_loop3A_794 = arith.constant 0 : i32
        %parallel_loop3A_795 = tpu.memref_slice %arg11[%rem3A_551, %parallel_loop3A_793, %parallel_loop3A_794] : memref<4x40x128xf32, #tpu.memory_space<vmem>> -> memref<1x40x128xf32, #tpu.memory_space<vmem>>
        %parallel_loop3A_796 = tpu.memref_squeeze %parallel_loop3A_795 : memref<1x40x128xf32, #tpu.memory_space<vmem>> -> memref<40x128xf32, #tpu.memory_space<vmem>>
        %parallel_loop3A_797 = arith.index_cast %parallel_loop3A_707 : i32 to index
        %parallel_loop3A_798 = arith.constant 80 : index
        %parallel_loop3A_799 = tpu.vector_load %parallel_loop3A_796[%parallel_loop3A_797, %parallel_loop3A_798] {strides = array<i32>} : memref<40x128xf32, #tpu.memory_space<vmem>>, vector<16xf32>,
        tpu.vector_store %parallel_loop3A_796[%parallel_loop3A_797, %parallel_loop3A_798], %parallel_loop3A_792 {strides = array<i32>} : memref<40x128xf32, #tpu.memory_space<vmem>>, vector<16xf32>,
        %parallel_loop3A_800 = arith.constant 0 : i32
        %parallel_loop3A_801 = arith.constant 0 : i32
        %parallel_loop3A_802 = tpu.memref_slice %arg11[%rem3A_551, %parallel_loop3A_800, %parallel_loop3A_801] : memref<4x40x128xf32, #tpu.memory_space<vmem>> -> memref<1x40x128xf32, #tpu.memory_space<vmem>>
        %parallel_loop3A_803 = tpu.memref_squeeze %parallel_loop3A_802 : memref<1x40x128xf32, #tpu.memory_space<vmem>> -> memref<40x128xf32, #tpu.memory_space<vmem>>
        %parallel_loop3A_804 = arith.index_cast %parallel_loop3A_707 : i32 to index
        %parallel_loop3A_805 = arith.constant 96 : index
        %parallel_loop3A_806 = tpu.vector_load %parallel_loop3A_803[%parallel_loop3A_804, %parallel_loop3A_805] {strides = array<i32>} : memref<40x128xf32, #tpu.memory_space<vmem>>, vector<16xf32>,
        %parallel_loop3A_807 = arith.mulf %parallel_loop3A_806, %parallel_loop3A_709 : vector<16xf32>
        %parallel_loop3A_808 = arith.constant 0 : i32
        %parallel_loop3A_809 = arith.constant 0 : i32
        %parallel_loop3A_810 = tpu.memref_slice %arg11[%rem3A_551, %parallel_loop3A_808, %parallel_loop3A_809] : memref<4x40x128xf32, #tpu.memory_space<vmem>> -> memref<1x40x128xf32, #tpu.memory_space<vmem>>
        %parallel_loop3A_811 = tpu.memref_squeeze %parallel_loop3A_810 : memref<1x40x128xf32, #tpu.memory_space<vmem>> -> memref<40x128xf32, #tpu.memory_space<vmem>>
        %parallel_loop3A_812 = arith.index_cast %parallel_loop3A_707 : i32 to index
        %parallel_loop3A_813 = arith.constant 96 : index
        %parallel_loop3A_814 = tpu.vector_load %parallel_loop3A_811[%parallel_loop3A_812, %parallel_loop3A_813] {strides = array<i32>} : memref<40x128xf32, #tpu.memory_space<vmem>>, vector<16xf32>,
        tpu.vector_store %parallel_loop3A_811[%parallel_loop3A_812, %parallel_loop3A_813], %parallel_loop3A_807 {strides = array<i32>} : memref<40x128xf32, #tpu.memory_space<vmem>>, vector<16xf32>,
        %parallel_loop3A_815 = arith.constant 0 : i32
        %parallel_loop3A_816 = arith.constant 0 : i32
        %parallel_loop3A_817 = tpu.memref_slice %arg11[%rem3A_551, %parallel_loop3A_815, %parallel_loop3A_816] : memref<4x40x128xf32, #tpu.memory_space<vmem>> -> memref<1x40x128xf32, #tpu.memory_space<vmem>>
        %parallel_loop3A_818 = tpu.memref_squeeze %parallel_loop3A_817 : memref<1x40x128xf32, #tpu.memory_space<vmem>> -> memref<40x128xf32, #tpu.memory_space<vmem>>
        %parallel_loop3A_819 = arith.index_cast %parallel_loop3A_707 : i32 to index
        %parallel_loop3A_820 = arith.constant 112 : index
        %parallel_loop3A_821 = tpu.vector_load %parallel_loop3A_818[%parallel_loop3A_819, %parallel_loop3A_820] {strides = array<i32>} : memref<40x128xf32, #tpu.memory_space<vmem>>, vector<16xf32>,
        %parallel_loop3A_822 = arith.mulf %parallel_loop3A_821, %parallel_loop3A_709 : vector<16xf32>
        %parallel_loop3A_823 = arith.constant 0 : i32
        %parallel_loop3A_824 = arith.constant 0 : i32
        %parallel_loop3A_825 = tpu.memref_slice %arg11[%rem3A_551, %parallel_loop3A_823, %parallel_loop3A_824] : memref<4x40x128xf32, #tpu.memory_space<vmem>> -> memref<1x40x128xf32, #tpu.memory_space<vmem>>
        %parallel_loop3A_826 = tpu.memref_squeeze %parallel_loop3A_825 : memref<1x40x128xf32, #tpu.memory_space<vmem>> -> memref<40x128xf32, #tpu.memory_space<vmem>>
        %parallel_loop3A_827 = arith.index_cast %parallel_loop3A_707 : i32 to index
        %parallel_loop3A_828 = arith.constant 112 : index
        %parallel_loop3A_829 = tpu.vector_load %parallel_loop3A_826[%parallel_loop3A_827, %parallel_loop3A_828] {strides = array<i32>} : memref<40x128xf32, #tpu.memory_space<vmem>>, vector<16xf32>,
        tpu.vector_store %parallel_loop3A_826[%parallel_loop3A_827, %parallel_loop3A_828], %parallel_loop3A_822 {strides = array<i32>} : memref<40x128xf32, #tpu.memory_space<vmem>>, vector<16xf32>,
      } {sc.loop_unroll_factor = 4 : i64, sc.parallel_access}
      %add3A_684 = arith.constant 1 : i32
      %add3A_685 = arith.addi %mul3A_315, %add3A_684 : i32
      %div3A_686 = arith.constant 2 : i32
      %div3A_687 = arith.divsi %add3A_685, %div3A_686 : i32
      %rem3A_688 = arith.constant 4 : i32
      %rem3A_689 = arith.remsi %div3A_687, %rem3A_688 : i32
      %rem3A_690 = arith.constant 2 : i32
      %rem3A_691 = arith.remsi %add3A_685, %rem3A_690 : i32
      %rem3A_692 = arith.constant 4 : i32
      %rem3A_693 = arith.remsi %add3A_685, %rem3A_692 : i32
      %dma_start3A_694 = arith.constant 1 : i32
      %dma_start3A_695 = arith.constant 0 : i32
      %dma_start3A_696 = arith.constant 0 : i32
      %dma_start3A_697 = tpu.memref_slice %arg11[%rem3A_693, %dma_start3A_695, %dma_start3A_696] : memref<4x40x128xf32, #tpu.memory_space<vmem>> -> memref<1x40x128xf32, #tpu.memory_space<vmem>>
      %dma_start3A_698 = tpu.memref_squeeze %dma_start3A_697 : memref<1x40x128xf32, #tpu.memory_space<vmem>> -> memref<40x128xf32, #tpu.memory_space<vmem>>
      %dma_start3A_699 = arith.constant 0 : i32
      %dma_start3A_700 = tpu.memref_slice %arg9[%rem3A_689, %dma_start3A_694, %rem3A_691, %dma_start3A_699] : memref<4x2x2x40xi32, #tpu.memory_space<vmem>> -> memref<1x1x1x40xi32, #tpu.memory_space<vmem>>
      %dma_start3A_701 = tpu.memref_squeeze %dma_start3A_700 : memref<1x1x1x40xi32, #tpu.memory_space<vmem>> -> memref<40xi32, #tpu.memory_space<vmem>>
      %dma_start3A_702 = arith.constant 0 : i32
      %dma_start3A_703 = arith.constant 0 : i32
      %dma_start3A_704 = tpu.memref_slice %arg12[%dma_start3A_702, %dma_start3A_703] : memref<10000x128xf32, #tpu.memory_space<vmem_shared>> -> memref<10000x128xf32, #tpu.memory_space<vmem_shared>>
      %dma_start3A_705 = tpu.memref_slice %arg15[%rem3A_693] : memref<4x!tpu.dma_semaphore, #tpu.memory_space<semaphore_mem>> -> memref<1x!tpu.dma_semaphore, #tpu.memory_space<semaphore_mem>>
      %dma_start3A_706 = tpu.memref_squeeze %dma_start3A_705 : memref<1x!tpu.dma_semaphore, #tpu.memory_space<semaphore_mem>> -> memref<!tpu.dma_semaphore, #tpu.memory_space<semaphore_mem>>
      tpu.enqueue_indirect_dma source(%dma_start3A_698 : memref<40x128xf32, #tpu.memory_space<vmem>>) target(%dma_start3A_704 : memref<10000x128xf32, #tpu.memory_space<vmem_shared>>) offsets(%dma_start3A_701 : memref<40xi32, #tpu.memory_space<vmem>>) semaphore(%dma_start3A_706 : memref<!tpu.dma_semaphore, #tpu.memory_space<semaphore_mem>>) {add = true}
    }
    %scan3A_242 = arith.constant 125 : i32
    %div3A_243 = arith.constant 248 : i32
    %div3A_244 = arith.constant 2 : i32
    %div3A_245 = arith.divsi %div3A_243, %div3A_244 : i32
    %rem3A_246 = arith.constant 4 : i32
    %rem3A_247 = arith.remsi %div3A_245, %rem3A_246 : i32
    %rem3A_248 = arith.constant 248 : i32
    %rem3A_249 = arith.constant 2 : i32
    %rem3A_250 = arith.remsi %rem3A_248, %rem3A_249 : i32
    %rem3A_251 = arith.constant 248 : i32
    %rem3A_252 = arith.constant 4 : i32
    %rem3A_253 = arith.remsi %rem3A_251, %rem3A_252 : i32
    %dma_wait3A_254 = arith.constant 1 : i32
    %dma_wait3A_255 = arith.constant 0 : i32
    %dma_wait3A_256 = arith.constant 0 : i32
    %dma_wait3A_257 = tpu.memref_slice %arg11[%rem3A_253, %dma_wait3A_255, %dma_wait3A_256] : memref<4x40x128xf32, #tpu.memory_space<vmem>> -> memref<1x40x128xf32, #tpu.memory_space<vmem>>
    %dma_wait3A_258 = tpu.memref_squeeze %dma_wait3A_257 : memref<1x40x128xf32, #tpu.memory_space<vmem>> -> memref<40x128xf32, #tpu.memory_space<vmem>>
    %dma_wait3A_259 = arith.constant 0 : i32
    %dma_wait3A_260 = tpu.memref_slice %arg9[%rem3A_247, %dma_wait3A_254, %rem3A_250, %dma_wait3A_259] : memref<4x2x2x40xi32, #tpu.memory_space<vmem>> -> memref<1x1x1x40xi32, #tpu.memory_space<vmem>>
    %dma_wait3A_261 = tpu.memref_squeeze %dma_wait3A_260 : memref<1x1x1x40xi32, #tpu.memory_space<vmem>> -> memref<40xi32, #tpu.memory_space<vmem>>
    %dma_wait3A_262 = arith.constant 0 : i32
    %dma_wait3A_263 = arith.constant 0 : i32
    %dma_wait3A_264 = tpu.memref_slice %arg12[%dma_wait3A_262, %dma_wait3A_263] : memref<10000x128xf32, #tpu.memory_space<vmem_shared>> -> memref<10000x128xf32, #tpu.memory_space<vmem_shared>>
    %dma_wait3A_265 = tpu.memref_slice %arg15[%rem3A_253] : memref<4x!tpu.dma_semaphore, #tpu.memory_space<semaphore_mem>> -> memref<1x!tpu.dma_semaphore, #tpu.memory_space<semaphore_mem>>
    %dma_wait3A_266 = tpu.memref_squeeze %dma_wait3A_265 : memref<1x!tpu.dma_semaphore, #tpu.memory_space<semaphore_mem>> -> memref<!tpu.dma_semaphore, #tpu.memory_space<semaphore_mem>>
    tpu.wait_indirect_dma semaphore(%dma_wait3A_266 : memref<!tpu.dma_semaphore, #tpu.memory_space<semaphore_mem>>) src(%dma_wait3A_258 : memref<40x128xf32, #tpu.memory_space<vmem>>) dst(%dma_wait3A_264 : memref<10000x128xf32, #tpu.memory_space<vmem_shared>>)
    %div3A_267 = arith.constant 249 : i32
    %div3A_268 = arith.constant 2 : i32
    %div3A_269 = arith.divsi %div3A_267, %div3A_268 : i32
    %rem3A_270 = arith.constant 4 : i32
    %rem3A_271 = arith.remsi %div3A_269, %rem3A_270 : i32
    %rem3A_272 = arith.constant 249 : i32
    %rem3A_273 = arith.constant 2 : i32
    %rem3A_274 = arith.remsi %rem3A_272, %rem3A_273 : i32
    %rem3A_275 = arith.constant 249 : i32
    %rem3A_276 = arith.constant 4 : i32
    %rem3A_277 = arith.remsi %rem3A_275, %rem3A_276 : i32
    %dma_wait3A_278 = arith.constant 1 : i32
    %dma_wait3A_279 = arith.constant 0 : i32
    %dma_wait3A_280 = arith.constant 0 : i32
    %dma_wait3A_281 = tpu.memref_slice %arg11[%rem3A_277, %dma_wait3A_279, %dma_wait3A_280] : memref<4x40x128xf32, #tpu.memory_space<vmem>> -> memref<1x40x128xf32, #tpu.memory_space<vmem>>
    %dma_wait3A_282 = tpu.memref_squeeze %dma_wait3A_281 : memref<1x40x128xf32, #tpu.memory_space<vmem>> -> memref<40x128xf32, #tpu.memory_space<vmem>>
    %dma_wait3A_283 = arith.constant 0 : i32
    %dma_wait3A_284 = tpu.memref_slice %arg9[%rem3A_271, %dma_wait3A_278, %rem3A_274, %dma_wait3A_283] : memref<4x2x2x40xi32, #tpu.memory_space<vmem>> -> memref<1x1x1x40xi32, #tpu.memory_space<vmem>>
    %dma_wait3A_285 = tpu.memref_squeeze %dma_wait3A_284 : memref<1x1x1x40xi32, #tpu.memory_space<vmem>> -> memref<40xi32, #tpu.memory_space<vmem>>
    %dma_wait3A_286 = arith.constant 0 : i32
    %dma_wait3A_287 = arith.constant 0 : i32
    %dma_wait3A_288 = tpu.memref_slice %arg12[%dma_wait3A_286, %dma_wait3A_287] : memref<10000x128xf32, #tpu.memory_space<vmem_shared>> -> memref<10000x128xf32, #tpu.memory_space<vmem_shared>>
    %dma_wait3A_289 = tpu.memref_slice %arg15[%rem3A_277] : memref<4x!tpu.dma_semaphore, #tpu.memory_space<semaphore_mem>> -> memref<1x!tpu.dma_semaphore, #tpu.memory_space<semaphore_mem>>
    %dma_wait3A_290 = tpu.memref_squeeze %dma_wait3A_289 : memref<1x!tpu.dma_semaphore, #tpu.memory_space<semaphore_mem>> -> memref<!tpu.dma_semaphore, #tpu.memory_space<semaphore_mem>>
    tpu.wait_indirect_dma semaphore(%dma_wait3A_290 : memref<!tpu.dma_semaphore, #tpu.memory_space<semaphore_mem>>) src(%dma_wait3A_282 : memref<40x128xf32, #tpu.memory_space<vmem>>) dst(%dma_wait3A_288 : memref<10000x128xf32, #tpu.memory_space<vmem_shared>>)
    %barrier3A_291 = arith.constant 0 : index
    tpu.barrier barrier_id(%barrier3A_291)
    %mul3A_292 = arith.constant 624 : i32
    %mul3A_293 = arith.muli %arg1, %mul3A_292 : i32
    %add3A_294 = arith.constant 0 : i32
    %add3A_295 = arith.addi %mul3A_293, %add3A_294 : i32
    "tpu.region"() ({
      %run_scoped3A_309 = tpu.sem_alloc : memref<!tpu.dma_semaphore, #tpu.memory_space<semaphore_mem>>
      %dma_start3A_310 = arith.constant 0 : i32
      %dma_start3A_311 = tpu.memref_slice %arg6[%arg0, %add3A_295, %dma_start3A_310] : memref<2x10000x128xf32, #tpu.memory_space<hbm>> -> memref<1x208x128xf32, #tpu.memory_space<hbm>>
      %dma_start3A_312 = tpu.memref_squeeze %dma_start3A_311 : memref<1x208x128xf32, #tpu.memory_space<hbm>> -> memref<208x128xf32, #tpu.memory_space<hbm>>
      %dma_start3A_313 = arith.constant 0 : i32
      %dma_start3A_314 = tpu.memref_slice %arg12[%add3A_295, %dma_start3A_313] : memref<10000x128xf32, #tpu.memory_space<vmem_shared>> -> memref<208x128xf32, #tpu.memory_space<vmem_shared>>
      tpu.enqueue_dma source(%dma_start3A_314 : memref<208x128xf32, #tpu.memory_space<vmem_shared>>) target(%dma_start3A_312 : memref<208x128xf32, #tpu.memory_space<hbm>>) target_semaphore(%run_scoped3A_309 : memref<!tpu.dma_semaphore, #tpu.memory_space<semaphore_mem>>)
      %dma_wait3A_315 = arith.constant 0 : i32
      %dma_wait3A_316 = tpu.memref_slice %arg6[%arg0, %add3A_295, %dma_wait3A_315] : memref<2x10000x128xf32, #tpu.memory_space<hbm>> -> memref<1x208x128xf32, #tpu.memory_space<hbm>>
      %dma_wait3A_317 = tpu.memref_squeeze %dma_wait3A_316 : memref<1x208x128xf32, #tpu.memory_space<hbm>> -> memref<208x128xf32, #tpu.memory_space<hbm>>
      %dma_wait3A_318 = arith.constant 0 : i32
      %dma_wait3A_319 = tpu.memref_slice %arg12[%add3A_295, %dma_wait3A_318] : memref<10000x128xf32, #tpu.memory_space<vmem_shared>> -> memref<208x128xf32, #tpu.memory_space<vmem_shared>>
      tpu.wait_dma2 semaphore(%run_scoped3A_309 : memref<!tpu.dma_semaphore, #tpu.memory_space<semaphore_mem>>) src(%dma_wait3A_319 : memref<208x128xf32, #tpu.memory_space<vmem_shared>>) dst(%dma_wait3A_317 : memref<208x128xf32, #tpu.memory_space<hbm>>)
      tpu.yield
    }) : () -> ()
    %mul3A_296 = arith.constant 624 : i32
    %mul3A_297 = arith.muli %arg1, %mul3A_296 : i32
    %add3A_298 = arith.constant 208 : i32
    %add3A_299 = arith.addi %mul3A_297, %add3A_298 : i32
    "tpu.region"() ({
      %run_scoped3A_309 = tpu.sem_alloc : memref<!tpu.dma_semaphore, #tpu.memory_space<semaphore_mem>>
      %dma_start3A_310 = arith.constant 0 : i32
      %dma_start3A_311 = tpu.memref_slice %arg6[%arg0, %add3A_299, %dma_start3A_310] : memref<2x10000x128xf32, #tpu.memory_space<hbm>> -> memref<1x208x128xf32, #tpu.memory_space<hbm>>
      %dma_start3A_312 = tpu.memref_squeeze %dma_start3A_311 : memref<1x208x128xf32, #tpu.memory_space<hbm>> -> memref<208x128xf32, #tpu.memory_space<hbm>>
      %dma_start3A_313 = arith.constant 0 : i32
      %dma_start3A_314 = tpu.memref_slice %arg12[%add3A_299, %dma_start3A_313] : memref<10000x128xf32, #tpu.memory_space<vmem_shared>> -> memref<208x128xf32, #tpu.memory_space<vmem_shared>>
      tpu.enqueue_dma source(%dma_start3A_314 : memref<208x128xf32, #tpu.memory_space<vmem_shared>>) target(%dma_start3A_312 : memref<208x128xf32, #tpu.memory_space<hbm>>) target_semaphore(%run_scoped3A_309 : memref<!tpu.dma_semaphore, #tpu.memory_space<semaphore_mem>>)
      %dma_wait3A_315 = arith.constant 0 : i32
      %dma_wait3A_316 = tpu.memref_slice %arg6[%arg0, %add3A_299, %dma_wait3A_315] : memref<2x10000x128xf32, #tpu.memory_space<hbm>> -> memref<1x208x128xf32, #tpu.memory_space<hbm>>
      %dma_wait3A_317 = tpu.memref_squeeze %dma_wait3A_316 : memref<1x208x128xf32, #tpu.memory_space<hbm>> -> memref<208x128xf32, #tpu.memory_space<hbm>>
      %dma_wait3A_318 = arith.constant 0 : i32
      %dma_wait3A_319 = tpu.memref_slice %arg12[%add3A_299, %dma_wait3A_318] : memref<10000x128xf32, #tpu.memory_space<vmem_shared>> -> memref<208x128xf32, #tpu.memory_space<vmem_shared>>
      tpu.wait_dma2 semaphore(%run_scoped3A_309 : memref<!tpu.dma_semaphore, #tpu.memory_space<semaphore_mem>>) src(%dma_wait3A_319 : memref<208x128xf32, #tpu.memory_space<vmem_shared>>) dst(%dma_wait3A_317 : memref<208x128xf32, #tpu.memory_space<hbm>>)
      tpu.yield
    }) : () -> ()
    %mul3A_300 = arith.constant 624 : i32
    %mul3A_301 = arith.muli %arg1, %mul3A_300 : i32
    %add3A_302 = arith.constant 416 : i32
    %add3A_303 = arith.addi %mul3A_301, %add3A_302 : i32
    "tpu.region"() ({
      %run_scoped3A_309 = tpu.sem_alloc : memref<!tpu.dma_semaphore, #tpu.memory_space<semaphore_mem>>
      %dma_start3A_310 = arith.constant 0 : i32
      %dma_start3A_311 = tpu.memref_slice %arg6[%arg0, %add3A_303, %dma_start3A_310] : memref<2x10000x128xf32, #tpu.memory_space<hbm>> -> memref<1x208x128xf32, #tpu.memory_space<hbm>>
      %dma_start3A_312 = tpu.memref_squeeze %dma_start3A_311 : memref<1x208x128xf32, #tpu.memory_space<hbm>> -> memref<208x128xf32, #tpu.memory_space<hbm>>
      %dma_start3A_313 = arith.constant 0 : i32
      %dma_start3A_314 = tpu.memref_slice %arg12[%add3A_303, %dma_start3A_313] : memref<10000x128xf32, #tpu.memory_space<vmem_shared>> -> memref<208x128xf32, #tpu.memory_space<vmem_shared>>
      tpu.enqueue_dma source(%dma_start3A_314 : memref<208x128xf32, #tpu.memory_space<vmem_shared>>) target(%dma_start3A_312 : memref<208x128xf32, #tpu.memory_space<hbm>>) target_semaphore(%run_scoped3A_309 : memref<!tpu.dma_semaphore, #tpu.memory_space<semaphore_mem>>)
      %dma_wait3A_315 = arith.constant 0 : i32
      %dma_wait3A_316 = tpu.memref_slice %arg6[%arg0, %add3A_303, %dma_wait3A_315] : memref<2x10000x128xf32, #tpu.memory_space<hbm>> -> memref<1x208x128xf32, #tpu.memory_space<hbm>>
      %dma_wait3A_317 = tpu.memref_squeeze %dma_wait3A_316 : memref<1x208x128xf32, #tpu.memory_space<hbm>> -> memref<208x128xf32, #tpu.memory_space<hbm>>
      %dma_wait3A_318 = arith.constant 0 : i32
      %dma_wait3A_319 = tpu.memref_slice %arg12[%add3A_303, %dma_wait3A_318] : memref<10000x128xf32, #tpu.memory_space<vmem_shared>> -> memref<208x128xf32, #tpu.memory_space<vmem_shared>>
      tpu.wait_dma2 semaphore(%run_scoped3A_309 : memref<!tpu.dma_semaphore, #tpu.memory_space<semaphore_mem>>) src(%dma_wait3A_319 : memref<208x128xf32, #tpu.memory_space<vmem_shared>>) dst(%dma_wait3A_317 : memref<208x128xf32, #tpu.memory_space<hbm>>)
      tpu.yield
    }) : () -> ()
    %eq3A_304 = arith.constant 15 : i32
    %eq3A_305 = arith.cmpi eq, %arg1, %eq3A_304 : i32
    %convert_element_type3A_306 = arith.extui %eq3A_305 : i1 to i32
    %cond3A_307 = arith.constant 0 : i32
    %cond3A_308 = arith.cmpi ne, %convert_element_type3A_306, %cond3A_307 : i32
    scf.if %cond3A_308 {
      "tpu.region"() ({
        %run_scoped3A_309 = tpu.sem_alloc : memref<!tpu.dma_semaphore, #tpu.memory_space<semaphore_mem>>
        %dma_start3A_310 = arith.constant 9984 : i32
        %dma_start3A_311 = arith.constant 0 : i32
        %dma_start3A_312 = tpu.memref_slice %arg6[%arg0, %dma_start3A_310, %dma_start3A_311] : memref<2x10000x128xf32, #tpu.memory_space<hbm>> -> memref<1x16x128xf32, #tpu.memory_space<hbm>>
        %dma_start3A_313 = tpu.memref_squeeze %dma_start3A_312 : memref<1x16x128xf32, #tpu.memory_space<hbm>> -> memref<16x128xf32, #tpu.memory_space<hbm>>
        %dma_start3A_314 = arith.constant 9984 : i32
        %dma_start3A_315 = arith.constant 0 : i32
        %dma_start3A_316 = tpu.memref_slice %arg12[%dma_start3A_314, %dma_start3A_315] : memref<10000x128xf32, #tpu.memory_space<vmem_shared>> -> memref<16x128xf32, #tpu.memory_space<vmem_shared>>
        tpu.enqueue_dma source(%dma_start3A_316 : memref<16x128xf32, #tpu.memory_space<vmem_shared>>) target(%dma_start3A_313 : memref<16x128xf32, #tpu.memory_space<hbm>>) target_semaphore(%run_scoped3A_309 : memref<!tpu.dma_semaphore, #tpu.memory_space<semaphore_mem>>)
        %dma_wait3A_317 = arith.constant 9984 : i32
        %dma_wait3A_318 = arith.constant 0 : i32
        %dma_wait3A_319 = tpu.memref_slice %arg6[%arg0, %dma_wait3A_317, %dma_wait3A_318] : memref<2x10000x128xf32, #tpu.memory_space<hbm>> -> memref<1x16x128xf32, #tpu.memory_space<hbm>>
        %dma_wait3A_320 = tpu.memref_squeeze %dma_wait3A_319 : memref<1x16x128xf32, #tpu.memory_space<hbm>> -> memref<16x128xf32, #tpu.memory_space<hbm>>
        %dma_wait3A_321 = arith.constant 9984 : i32
        %dma_wait3A_322 = arith.constant 0 : i32
        %dma_wait3A_323 = tpu.memref_slice %arg12[%dma_wait3A_321, %dma_wait3A_322] : memref<10000x128xf32, #tpu.memory_space<vmem_shared>> -> memref<16x128xf32, #tpu.memory_space<vmem_shared>>
        tpu.wait_dma2 semaphore(%run_scoped3A_309 : memref<!tpu.dma_semaphore, #tpu.memory_space<semaphore_mem>>) src(%dma_wait3A_323 : memref<16x128xf32, #tpu.memory_space<vmem_shared>>) dst(%dma_wait3A_320 : memref<16x128xf32, #tpu.memory_space<hbm>>)
        tpu.yield
      }) : () -> ()
    } else {
    }
    return
  }
}

#map = affine_map<(d0, d1) -> (0, 0)>
#map1 = affine_map<(d0, d1) -> (0, 0, 0, 0)>
#map2 = affine_map<(d0, d1) -> (0)>
#map3 = affine_map<(d0, d1) -> (0, 0, 0)>
module attributes {stable_mosaic.version = 14 : i64} {
  func.func @_sc_edge_body(%arg0: i32, %arg1: i32, %arg2: memref<10000x128xf32, #tpu.memory_space<hbm>>, %arg3: memref<4000x2x2x40xi32, #tpu.memory_space<hbm>>, %arg4: memref<10000xf32, #tpu.memory_space<hbm>>, %arg5: memref<10000xf32, #tpu.memory_space<hbm>>, %arg6: memref<2x10000x128xf32, #tpu.memory_space<hbm>>, %arg7: memref<10000xf32, #tpu.memory_space<vmem>>, %arg8: memref<10000xf32, #tpu.memory_space<vmem>>, %arg9: memref<4x2x2x40xi32, #tpu.memory_space<vmem>>, %arg10: memref<40xf32, #tpu.memory_space<vmem>>, %arg11: memref<4x40x128xf32, #tpu.memory_space<vmem>>, %arg12: memref<10000x128xf32, #tpu.memory_space<vmem_shared>>, %arg13: memref<4x!tpu.dma_semaphore, #tpu.memory_space<semaphore_mem>>, %arg14: memref<4x!tpu.dma_semaphore, #tpu.memory_space<semaphore_mem>>, %arg15: memref<4x!tpu.dma_semaphore, #tpu.memory_space<semaphore_mem>>) attributes {dimension_semantics = [#tpu.dimension_semantics<core_parallel>, #tpu.dimension_semantics<subcore_parallel>], iteration_bounds = array<i64: 2, 16>, scalar_prefetch = 0 : i64, scratch_operands = 9 : i64, tpu.core_type = #tpu.core_type<sc_vector_subcore>, window_params = [{transform_indices = #map}, {transform_indices = #map1}, {transform_indices = #map2}, {transform_indices = #map2}, {transform_indices = #map3}]} {
    "tpu.region"() ({
      %run_scoped3A_309 = tpu.sem_alloc : memref<!tpu.dma_semaphore, #tpu.memory_space<semaphore_mem>>
      tpu.enqueue_dma source(%arg4 : memref<10000xf32, #tpu.memory_space<hbm>>) target(%arg7 : memref<10000xf32, #tpu.memory_space<vmem>>) target_semaphore(%run_scoped3A_309 : memref<!tpu.dma_semaphore, #tpu.memory_space<semaphore_mem>>)
      tpu.wait_dma2 semaphore(%run_scoped3A_309 : memref<!tpu.dma_semaphore, #tpu.memory_space<semaphore_mem>>) src(%arg4 : memref<10000xf32, #tpu.memory_space<hbm>>) dst(%arg7 : memref<10000xf32, #tpu.memory_space<vmem>>)
      tpu.yield
    }) : () -> ()
    "tpu.region"() ({
      %run_scoped3A_309 = tpu.sem_alloc : memref<!tpu.dma_semaphore, #tpu.memory_space<semaphore_mem>>
      tpu.enqueue_dma source(%arg5 : memref<10000xf32, #tpu.memory_space<hbm>>) target(%arg8 : memref<10000xf32, #tpu.memory_space<vmem>>) target_semaphore(%run_scoped3A_309 : memref<!tpu.dma_semaphore, #tpu.memory_space<semaphore_mem>>)
      tpu.wait_dma2 semaphore(%run_scoped3A_309 : memref<!tpu.dma_semaphore, #tpu.memory_space<semaphore_mem>>) src(%arg5 : memref<10000xf32, #tpu.memory_space<hbm>>) dst(%arg8 : memref<10000xf32, #tpu.memory_space<vmem>>)
      tpu.yield
    }) : () -> ()
    %scan3A = arith.constant 0 : i32
    %scan3A_0 = arith.constant 40 : i32
    %scan3A_1 = arith.addi %scan3A, %scan3A_0 : i32
    %scan3A_2 = arith.constant 1 : i32
    scf.for %scan3A_309 = %scan3A to %scan3A_1 step %scan3A_2  : i32 {
      %mul3A_310 = arith.constant 1 : i32
      %mul3A_311 = arith.muli %scan3A_309, %mul3A_310 : i32
      %add3A_312 = arith.constant 0 : i32
      %add3A_313 = arith.addi %add3A_312, %mul3A_311 : i32
      %broadcast_in_dim3A = arith.constant 0.000000e+00 : f32
      %broadcast_in_dim3A_314 = vector.broadcast %broadcast_in_dim3A : f32 to vector<16xf32>
      %swap3A = arith.constant 0 : i32
      %swap3A_315 = arith.index_cast %swap3A : i32 to index
      %swap3A_316 = arith.index_cast %add3A_313 : i32 to index
      %swap3A_317 = arith.constant 0 : index
      %swap3A_318 = tpu.vector_load %arg11[%swap3A_315, %swap3A_316, %swap3A_317] {strides = array<i32>} : memref<4x40x128xf32, #tpu.memory_space<vmem>>, vector<16xf32>,
      tpu.vector_store %arg11[%swap3A_315, %swap3A_316, %swap3A_317], %broadcast_in_dim3A_314 {strides = array<i32>} : memref<4x40x128xf32, #tpu.memory_space<vmem>>, vector<16xf32>,
      %broadcast_in_dim3A_319 = arith.constant 0.000000e+00 : f32
      %broadcast_in_dim3A_320 = vector.broadcast %broadcast_in_dim3A_319 : f32 to vector<16xf32>
      %swap3A_321 = arith.constant 0 : i32
      %swap3A_322 = arith.index_cast %swap3A_321 : i32 to index
      %swap3A_323 = arith.index_cast %add3A_313 : i32 to index
      %swap3A_324 = arith.constant 16 : index
      %swap3A_325 = tpu.vector_load %arg11[%swap3A_322, %swap3A_323, %swap3A_324] {strides = array<i32>} : memref<4x40x128xf32, #tpu.memory_space<vmem>>, vector<16xf32>,
      tpu.vector_store %arg11[%swap3A_322, %swap3A_323, %swap3A_324], %broadcast_in_dim3A_320 {strides = array<i32>} : memref<4x40x128xf32, #tpu.memory_space<vmem>>, vector<16xf32>,
      %broadcast_in_dim3A_326 = arith.constant 0.000000e+00 : f32
      %broadcast_in_dim3A_327 = vector.broadcast %broadcast_in_dim3A_326 : f32 to vector<16xf32>
      %swap3A_328 = arith.constant 0 : i32
      %swap3A_329 = arith.index_cast %swap3A_328 : i32 to index
      %swap3A_330 = arith.index_cast %add3A_313 : i32 to index
      %swap3A_331 = arith.constant 32 : index
      %swap3A_332 = tpu.vector_load %arg11[%swap3A_329, %swap3A_330, %swap3A_331] {strides = array<i32>} : memref<4x40x128xf32, #tpu.memory_space<vmem>>, vector<16xf32>,
      tpu.vector_store %arg11[%swap3A_329, %swap3A_330, %swap3A_331], %broadcast_in_dim3A_327 {strides = array<i32>} : memref<4x40x128xf32, #tpu.memory_space<vmem>>, vector<16xf32>,
      %broadcast_in_dim3A_333 = arith.constant 0.000000e+00 : f32
      %broadcast_in_dim3A_334 = vector.broadcast %broadcast_in_dim3A_333 : f32 to vector<16xf32>
      %swap3A_335 = arith.constant 0 : i32
      %swap3A_336 = arith.index_cast %swap3A_335 : i32 to index
      %swap3A_337 = arith.index_cast %add3A_313 : i32 to index
      %swap3A_338 = arith.constant 48 : index
      %swap3A_339 = tpu.vector_load %arg11[%swap3A_336, %swap3A_337, %swap3A_338] {strides = array<i32>} : memref<4x40x128xf32, #tpu.memory_space<vmem>>, vector<16xf32>,
      tpu.vector_store %arg11[%swap3A_336, %swap3A_337, %swap3A_338], %broadcast_in_dim3A_334 {strides = array<i32>} : memref<4x40x128xf32, #tpu.memory_space<vmem>>, vector<16xf32>,
      %broadcast_in_dim3A_340 = arith.constant 0.000000e+00 : f32
      %broadcast_in_dim3A_341 = vector.broadcast %broadcast_in_dim3A_340 : f32 to vector<16xf32>
      %swap3A_342 = arith.constant 0 : i32
      %swap3A_343 = arith.index_cast %swap3A_342 : i32 to index
      %swap3A_344 = arith.index_cast %add3A_313 : i32 to index
      %swap3A_345 = arith.constant 64 : index
      %swap3A_346 = tpu.vector_load %arg11[%swap3A_343, %swap3A_344, %swap3A_345] {strides = array<i32>} : memref<4x40x128xf32, #tpu.memory_space<vmem>>, vector<16xf32>,
      tpu.vector_store %arg11[%swap3A_343, %swap3A_344, %swap3A_345], %broadcast_in_dim3A_341 {strides = array<i32>} : memref<4x40x128xf32, #tpu.memory_space<vmem>>, vector<16xf32>,
      %broadcast_in_dim3A_347 = arith.constant 0.000000e+00 : f32
      %broadcast_in_dim3A_348 = vector.broadcast %broadcast_in_dim3A_347 : f32 to vector<16xf32>
      %swap3A_349 = arith.constant 0 : i32
      %swap3A_350 = arith.index_cast %swap3A_349 : i32 to index
      %swap3A_351 = arith.index_cast %add3A_313 : i32 to index
      %swap3A_352 = arith.constant 80 : index
      %swap3A_353 = tpu.vector_load %arg11[%swap3A_350, %swap3A_351, %swap3A_352] {strides = array<i32>} : memref<4x40x128xf32, #tpu.memory_space<vmem>>, vector<16xf32>,
      tpu.vector_store %arg11[%swap3A_350, %swap3A_351, %swap3A_352], %broadcast_in_dim3A_348 {strides = array<i32>} : memref<4x40x128xf32, #tpu.memory_space<vmem>>, vector<16xf32>,
      %broadcast_in_dim3A_354 = arith.constant 0.000000e+00 : f32
      %broadcast_in_dim3A_355 = vector.broadcast %broadcast_in_dim3A_354 : f32 to vector<16xf32>
      %swap3A_356 = arith.constant 0 : i32
      %swap3A_357 = arith.index_cast %swap3A_356 : i32 to index
      %swap3A_358 = arith.index_cast %add3A_313 : i32 to index
      %swap3A_359 = arith.constant 96 : index
      %swap3A_360 = tpu.vector_load %arg11[%swap3A_357, %swap3A_358, %swap3A_359] {strides = array<i32>} : memref<4x40x128xf32, #tpu.memory_space<vmem>>, vector<16xf32>,
      tpu.vector_store %arg11[%swap3A_357, %swap3A_358, %swap3A_359], %broadcast_in_dim3A_355 {strides = array<i32>} : memref<4x40x128xf32, #tpu.memory_space<vmem>>, vector<16xf32>,
      %broadcast_in_dim3A_361 = arith.constant 0.000000e+00 : f32
      %broadcast_in_dim3A_362 = vector.broadcast %broadcast_in_dim3A_361 : f32 to vector<16xf32>
      %swap3A_363 = arith.constant 0 : i32
      %swap3A_364 = arith.index_cast %swap3A_363 : i32 to index
      %swap3A_365 = arith.index_cast %add3A_313 : i32 to index
      %swap3A_366 = arith.constant 112 : index
      %swap3A_367 = tpu.vector_load %arg11[%swap3A_364, %swap3A_365, %swap3A_366] {strides = array<i32>} : memref<4x40x128xf32, #tpu.memory_space<vmem>>, vector<16xf32>,
      tpu.vector_store %arg11[%swap3A_364, %swap3A_365, %swap3A_366], %broadcast_in_dim3A_362 {strides = array<i32>} : memref<4x40x128xf32, #tpu.memory_space<vmem>>, vector<16xf32>,
    }
    %scan3A_3 = arith.constant 40 : i32
    %mul3A = arith.constant 624 : i32
    %mul3A_4 = arith.muli %arg1, %mul3A : i32
    %add3A = arith.constant 0 : i32
    %add3A_5 = arith.addi %mul3A_4, %add3A : i32
    %run_scoped3A = arith.constant 0 : i32
    "tpu.region"() ({
      %run_scoped3A_309 = tpu.sem_alloc : memref<!tpu.dma_semaphore, #tpu.memory_space<semaphore_mem>>
      %dma_start3A_310 = arith.constant 0 : i32
      %dma_start3A_311 = arith.constant 0 : i32
      %dma_start3A_312 = tpu.memref_slice %arg11[%run_scoped3A, %dma_start3A_310, %dma_start3A_311] : memref<4x40x128xf32, #tpu.memory_space<vmem>> -> memref<1x40x128xf32, #tpu.memory_space<vmem>>
      %dma_start3A_313 = tpu.memref_squeeze %dma_start3A_312 : memref<1x40x128xf32, #tpu.memory_space<vmem>> -> memref<40x128xf32, #tpu.memory_space<vmem>>
      %dma_start3A_314 = arith.constant 0 : i32
      %dma_start3A_315 = tpu.memref_slice %arg12[%add3A_5, %dma_start3A_314] : memref<10000x128xf32, #tpu.memory_space<vmem_shared>> -> memref<40x128xf32, #tpu.memory_space<vmem_shared>>
      %dma_start3A_316 = arith.constant 0 : i32
      %dma_start3A_317 = tpu.memref_slice %arg12[%add3A_5, %dma_start3A_316] : memref<10000x128xf32, #tpu.memory_space<vmem_shared>> -> memref<40x128xf32, #tpu.memory_space<vmem_shared>>
      %dma_start3A_318 = arith.constant 0 : i32
      %dma_start3A_319 = arith.constant 0 : i32
      %dma_start3A_320 = tpu.memref_slice %arg11[%run_scoped3A, %dma_start3A_318, %dma_start3A_319] : memref<4x40x128xf32, #tpu.memory_space<vmem>> -> memref<1x40x128xf32, #tpu.memory_space<vmem>>
      %dma_start3A_321 = tpu.memref_squeeze %dma_start3A_320 : memref<1x40x128xf32, #tpu.memory_space<vmem>> -> memref<40x128xf32, #tpu.memory_space<vmem>>
      tpu.enqueue_dma source(%dma_start3A_321 : memref<40x128xf32, #tpu.memory_space<vmem>>) target(%dma_start3A_317 : memref<40x128xf32, #tpu.memory_space<vmem_shared>>) target_semaphore(%run_scoped3A_309 : memref<!tpu.dma_semaphore, #tpu.memory_space<semaphore_mem>>)
      %dma_wait3A_322 = arith.constant 0 : i32
      %dma_wait3A_323 = arith.constant 0 : i32
      %dma_wait3A_324 = tpu.memref_slice %arg11[%run_scoped3A, %dma_wait3A_322, %dma_wait3A_323] : memref<4x40x128xf32, #tpu.memory_space<vmem>> -> memref<1x40x128xf32, #tpu.memory_space<vmem>>
      %dma_wait3A_325 = tpu.memref_squeeze %dma_wait3A_324 : memref<1x40x128xf32, #tpu.memory_space<vmem>> -> memref<40x128xf32, #tpu.memory_space<vmem>>
      %dma_wait3A_326 = arith.constant 0 : i32
      %dma_wait3A_327 = tpu.memref_slice %arg12[%add3A_5, %dma_wait3A_326] : memref<10000x128xf32, #tpu.memory_space<vmem_shared>> -> memref<40x128xf32, #tpu.memory_space<vmem_shared>>
      %dma_wait3A_328 = arith.constant 0 : i32
      %dma_wait3A_329 = tpu.memref_slice %arg12[%add3A_5, %dma_wait3A_328] : memref<10000x128xf32, #tpu.memory_space<vmem_shared>> -> memref<40x128xf32, #tpu.memory_space<vmem_shared>>
      %dma_wait3A_330 = arith.constant 0 : i32
      %dma_wait3A_331 = arith.constant 0 : i32
      %dma_wait3A_332 = tpu.memref_slice %arg11[%run_scoped3A, %dma_wait3A_330, %dma_wait3A_331] : memref<4x40x128xf32, #tpu.memory_space<vmem>> -> memref<1x40x128xf32, #tpu.memory_space<vmem>>
      %dma_wait3A_333 = tpu.memref_squeeze %dma_wait3A_332 : memref<1x40x128xf32, #tpu.memory_space<vmem>> -> memref<40x128xf32, #tpu.memory_space<vmem>>
      tpu.wait_dma2 semaphore(%run_scoped3A_309 : memref<!tpu.dma_semaphore, #tpu.memory_space<semaphore_mem>>) src(%dma_wait3A_333 : memref<40x128xf32, #tpu.memory_space<vmem>>) dst(%dma_wait3A_329 : memref<40x128xf32, #tpu.memory_space<vmem_shared>>)
      tpu.yield
    }) : () -> ()
    %mul3A_6 = arith.constant 624 : i32
    %mul3A_7 = arith.muli %arg1, %mul3A_6 : i32
    %add3A_8 = arith.constant 40 : i32
    %add3A_9 = arith.addi %mul3A_7, %add3A_8 : i32
    %run_scoped3A_10 = arith.constant 0 : i32
    "tpu.region"() ({
      %run_scoped3A_309 = tpu.sem_alloc : memref<!tpu.dma_semaphore, #tpu.memory_space<semaphore_mem>>
      %dma_start3A_310 = arith.constant 0 : i32
      %dma_start3A_311 = arith.constant 0 : i32
      %dma_start3A_312 = tpu.memref_slice %arg11[%run_scoped3A_10, %dma_start3A_310, %dma_start3A_311] : memref<4x40x128xf32, #tpu.memory_space<vmem>> -> memref<1x40x128xf32, #tpu.memory_space<vmem>>
      %dma_start3A_313 = tpu.memref_squeeze %dma_start3A_312 : memref<1x40x128xf32, #tpu.memory_space<vmem>> -> memref<40x128xf32, #tpu.memory_space<vmem>>
      %dma_start3A_314 = arith.constant 0 : i32
      %dma_start3A_315 = tpu.memref_slice %arg12[%add3A_9, %dma_start3A_314] : memref<10000x128xf32, #tpu.memory_space<vmem_shared>> -> memref<40x128xf32, #tpu.memory_space<vmem_shared>>
      %dma_start3A_316 = arith.constant 0 : i32
      %dma_start3A_317 = tpu.memref_slice %arg12[%add3A_9, %dma_start3A_316] : memref<10000x128xf32, #tpu.memory_space<vmem_shared>> -> memref<40x128xf32, #tpu.memory_space<vmem_shared>>
      %dma_start3A_318 = arith.constant 0 : i32
      %dma_start3A_319 = arith.constant 0 : i32
      %dma_start3A_320 = tpu.memref_slice %arg11[%run_scoped3A_10, %dma_start3A_318, %dma_start3A_319] : memref<4x40x128xf32, #tpu.memory_space<vmem>> -> memref<1x40x128xf32, #tpu.memory_space<vmem>>
      %dma_start3A_321 = tpu.memref_squeeze %dma_start3A_320 : memref<1x40x128xf32, #tpu.memory_space<vmem>> -> memref<40x128xf32, #tpu.memory_space<vmem>>
      tpu.enqueue_dma source(%dma_start3A_321 : memref<40x128xf32, #tpu.memory_space<vmem>>) target(%dma_start3A_317 : memref<40x128xf32, #tpu.memory_space<vmem_shared>>) target_semaphore(%run_scoped3A_309 : memref<!tpu.dma_semaphore, #tpu.memory_space<semaphore_mem>>)
      %dma_wait3A_322 = arith.constant 0 : i32
      %dma_wait3A_323 = arith.constant 0 : i32
      %dma_wait3A_324 = tpu.memref_slice %arg11[%run_scoped3A_10, %dma_wait3A_322, %dma_wait3A_323] : memref<4x40x128xf32, #tpu.memory_space<vmem>> -> memref<1x40x128xf32, #tpu.memory_space<vmem>>
      %dma_wait3A_325 = tpu.memref_squeeze %dma_wait3A_324 : memref<1x40x128xf32, #tpu.memory_space<vmem>> -> memref<40x128xf32, #tpu.memory_space<vmem>>
      %dma_wait3A_326 = arith.constant 0 : i32
      %dma_wait3A_327 = tpu.memref_slice %arg12[%add3A_9, %dma_wait3A_326] : memref<10000x128xf32, #tpu.memory_space<vmem_shared>> -> memref<40x128xf32, #tpu.memory_space<vmem_shared>>
      %dma_wait3A_328 = arith.constant 0 : i32
      %dma_wait3A_329 = tpu.memref_slice %arg12[%add3A_9, %dma_wait3A_328] : memref<10000x128xf32, #tpu.memory_space<vmem_shared>> -> memref<40x128xf32, #tpu.memory_space<vmem_shared>>
      %dma_wait3A_330 = arith.constant 0 : i32
      %dma_wait3A_331 = arith.constant 0 : i32
      %dma_wait3A_332 = tpu.memref_slice %arg11[%run_scoped3A_10, %dma_wait3A_330, %dma_wait3A_331] : memref<4x40x128xf32, #tpu.memory_space<vmem>> -> memref<1x40x128xf32, #tpu.memory_space<vmem>>
      %dma_wait3A_333 = tpu.memref_squeeze %dma_wait3A_332 : memref<1x40x128xf32, #tpu.memory_space<vmem>> -> memref<40x128xf32, #tpu.memory_space<vmem>>
      tpu.wait_dma2 semaphore(%run_scoped3A_309 : memref<!tpu.dma_semaphore, #tpu.memory_space<semaphore_mem>>) src(%dma_wait3A_333 : memref<40x128xf32, #tpu.memory_space<vmem>>) dst(%dma_wait3A_329 : memref<40x128xf32, #tpu.memory_space<vmem_shared>>)
      tpu.yield
    }) : () -> ()
    %mul3A_11 = arith.constant 624 : i32
    %mul3A_12 = arith.muli %arg1, %mul3A_11 : i32
    %add3A_13 = arith.constant 80 : i32
    %add3A_14 = arith.addi %mul3A_12, %add3A_13 : i32
    %run_scoped3A_15 = arith.constant 0 : i32
    "tpu.region"() ({
      %run_scoped3A_309 = tpu.sem_alloc : memref<!tpu.dma_semaphore, #tpu.memory_space<semaphore_mem>>
      %dma_start3A_310 = arith.constant 0 : i32
      %dma_start3A_311 = arith.constant 0 : i32
      %dma_start3A_312 = tpu.memref_slice %arg11[%run_scoped3A_15, %dma_start3A_310, %dma_start3A_311] : memref<4x40x128xf32, #tpu.memory_space<vmem>> -> memref<1x40x128xf32, #tpu.memory_space<vmem>>
      %dma_start3A_313 = tpu.memref_squeeze %dma_start3A_312 : memref<1x40x128xf32, #tpu.memory_space<vmem>> -> memref<40x128xf32, #tpu.memory_space<vmem>>
      %dma_start3A_314 = arith.constant 0 : i32
      %dma_start3A_315 = tpu.memref_slice %arg12[%add3A_14, %dma_start3A_314] : memref<10000x128xf32, #tpu.memory_space<vmem_shared>> -> memref<40x128xf32, #tpu.memory_space<vmem_shared>>
      %dma_start3A_316 = arith.constant 0 : i32
      %dma_start3A_317 = tpu.memref_slice %arg12[%add3A_14, %dma_start3A_316] : memref<10000x128xf32, #tpu.memory_space<vmem_shared>> -> memref<40x128xf32, #tpu.memory_space<vmem_shared>>
      %dma_start3A_318 = arith.constant 0 : i32
      %dma_start3A_319 = arith.constant 0 : i32
      %dma_start3A_320 = tpu.memref_slice %arg11[%run_scoped3A_15, %dma_start3A_318, %dma_start3A_319] : memref<4x40x128xf32, #tpu.memory_space<vmem>> -> memref<1x40x128xf32, #tpu.memory_space<vmem>>
      %dma_start3A_321 = tpu.memref_squeeze %dma_start3A_320 : memref<1x40x128xf32, #tpu.memory_space<vmem>> -> memref<40x128xf32, #tpu.memory_space<vmem>>
      tpu.enqueue_dma source(%dma_start3A_321 : memref<40x128xf32, #tpu.memory_space<vmem>>) target(%dma_start3A_317 : memref<40x128xf32, #tpu.memory_space<vmem_shared>>) target_semaphore(%run_scoped3A_309 : memref<!tpu.dma_semaphore, #tpu.memory_space<semaphore_mem>>)
      %dma_wait3A_322 = arith.constant 0 : i32
      %dma_wait3A_323 = arith.constant 0 : i32
      %dma_wait3A_324 = tpu.memref_slice %arg11[%run_scoped3A_15, %dma_wait3A_322, %dma_wait3A_323] : memref<4x40x128xf32, #tpu.memory_space<vmem>> -> memref<1x40x128xf32, #tpu.memory_space<vmem>>
      %dma_wait3A_325 = tpu.memref_squeeze %dma_wait3A_324 : memref<1x40x128xf32, #tpu.memory_space<vmem>> -> memref<40x128xf32, #tpu.memory_space<vmem>>
      %dma_wait3A_326 = arith.constant 0 : i32
      %dma_wait3A_327 = tpu.memref_slice %arg12[%add3A_14, %dma_wait3A_326] : memref<10000x128xf32, #tpu.memory_space<vmem_shared>> -> memref<40x128xf32, #tpu.memory_space<vmem_shared>>
      %dma_wait3A_328 = arith.constant 0 : i32
      %dma_wait3A_329 = tpu.memref_slice %arg12[%add3A_14, %dma_wait3A_328] : memref<10000x128xf32, #tpu.memory_space<vmem_shared>> -> memref<40x128xf32, #tpu.memory_space<vmem_shared>>
      %dma_wait3A_330 = arith.constant 0 : i32
      %dma_wait3A_331 = arith.constant 0 : i32
      %dma_wait3A_332 = tpu.memref_slice %arg11[%run_scoped3A_15, %dma_wait3A_330, %dma_wait3A_331] : memref<4x40x128xf32, #tpu.memory_space<vmem>> -> memref<1x40x128xf32, #tpu.memory_space<vmem>>
      %dma_wait3A_333 = tpu.memref_squeeze %dma_wait3A_332 : memref<1x40x128xf32, #tpu.memory_space<vmem>> -> memref<40x128xf32, #tpu.memory_space<vmem>>
      tpu.wait_dma2 semaphore(%run_scoped3A_309 : memref<!tpu.dma_semaphore, #tpu.memory_space<semaphore_mem>>) src(%dma_wait3A_333 : memref<40x128xf32, #tpu.memory_space<vmem>>) dst(%dma_wait3A_329 : memref<40x128xf32, #tpu.memory_space<vmem_shared>>)
      tpu.yield
    }) : () -> ()
    %mul3A_16 = arith.constant 624 : i32
    %mul3A_17 = arith.muli %arg1, %mul3A_16 : i32
    %add3A_18 = arith.constant 120 : i32
    %add3A_19 = arith.addi %mul3A_17, %add3A_18 : i32
    %run_scoped3A_20 = arith.constant 0 : i32
    "tpu.region"() ({
      %run_scoped3A_309 = tpu.sem_alloc : memref<!tpu.dma_semaphore, #tpu.memory_space<semaphore_mem>>
      %dma_start3A_310 = arith.constant 0 : i32
      %dma_start3A_311 = arith.constant 0 : i32
      %dma_start3A_312 = tpu.memref_slice %arg11[%run_scoped3A_20, %dma_start3A_310, %dma_start3A_311] : memref<4x40x128xf32, #tpu.memory_space<vmem>> -> memref<1x40x128xf32, #tpu.memory_space<vmem>>
      %dma_start3A_313 = tpu.memref_squeeze %dma_start3A_312 : memref<1x40x128xf32, #tpu.memory_space<vmem>> -> memref<40x128xf32, #tpu.memory_space<vmem>>
      %dma_start3A_314 = arith.constant 0 : i32
      %dma_start3A_315 = tpu.memref_slice %arg12[%add3A_19, %dma_start3A_314] : memref<10000x128xf32, #tpu.memory_space<vmem_shared>> -> memref<40x128xf32, #tpu.memory_space<vmem_shared>>
      %dma_start3A_316 = arith.constant 0 : i32
      %dma_start3A_317 = tpu.memref_slice %arg12[%add3A_19, %dma_start3A_316] : memref<10000x128xf32, #tpu.memory_space<vmem_shared>> -> memref<40x128xf32, #tpu.memory_space<vmem_shared>>
      %dma_start3A_318 = arith.constant 0 : i32
      %dma_start3A_319 = arith.constant 0 : i32
      %dma_start3A_320 = tpu.memref_slice %arg11[%run_scoped3A_20, %dma_start3A_318, %dma_start3A_319] : memref<4x40x128xf32, #tpu.memory_space<vmem>> -> memref<1x40x128xf32, #tpu.memory_space<vmem>>
      %dma_start3A_321 = tpu.memref_squeeze %dma_start3A_320 : memref<1x40x128xf32, #tpu.memory_space<vmem>> -> memref<40x128xf32, #tpu.memory_space<vmem>>
      tpu.enqueue_dma source(%dma_start3A_321 : memref<40x128xf32, #tpu.memory_space<vmem>>) target(%dma_start3A_317 : memref<40x128xf32, #tpu.memory_space<vmem_shared>>) target_semaphore(%run_scoped3A_309 : memref<!tpu.dma_semaphore, #tpu.memory_space<semaphore_mem>>)
      %dma_wait3A_322 = arith.constant 0 : i32
      %dma_wait3A_323 = arith.constant 0 : i32
      %dma_wait3A_324 = tpu.memref_slice %arg11[%run_scoped3A_20, %dma_wait3A_322, %dma_wait3A_323] : memref<4x40x128xf32, #tpu.memory_space<vmem>> -> memref<1x40x128xf32, #tpu.memory_space<vmem>>
      %dma_wait3A_325 = tpu.memref_squeeze %dma_wait3A_324 : memref<1x40x128xf32, #tpu.memory_space<vmem>> -> memref<40x128xf32, #tpu.memory_space<vmem>>
      %dma_wait3A_326 = arith.constant 0 : i32
      %dma_wait3A_327 = tpu.memref_slice %arg12[%add3A_19, %dma_wait3A_326] : memref<10000x128xf32, #tpu.memory_space<vmem_shared>> -> memref<40x128xf32, #tpu.memory_space<vmem_shared>>
      %dma_wait3A_328 = arith.constant 0 : i32
      %dma_wait3A_329 = tpu.memref_slice %arg12[%add3A_19, %dma_wait3A_328] : memref<10000x128xf32, #tpu.memory_space<vmem_shared>> -> memref<40x128xf32, #tpu.memory_space<vmem_shared>>
      %dma_wait3A_330 = arith.constant 0 : i32
      %dma_wait3A_331 = arith.constant 0 : i32
      %dma_wait3A_332 = tpu.memref_slice %arg11[%run_scoped3A_20, %dma_wait3A_330, %dma_wait3A_331] : memref<4x40x128xf32, #tpu.memory_space<vmem>> -> memref<1x40x128xf32, #tpu.memory_space<vmem>>
      %dma_wait3A_333 = tpu.memref_squeeze %dma_wait3A_332 : memref<1x40x128xf32, #tpu.memory_space<vmem>> -> memref<40x128xf32, #tpu.memory_space<vmem>>
      tpu.wait_dma2 semaphore(%run_scoped3A_309 : memref<!tpu.dma_semaphore, #tpu.memory_space<semaphore_mem>>) src(%dma_wait3A_333 : memref<40x128xf32, #tpu.memory_space<vmem>>) dst(%dma_wait3A_329 : memref<40x128xf32, #tpu.memory_space<vmem_shared>>)
      tpu.yield
    }) : () -> ()
    %mul3A_21 = arith.constant 624 : i32
    %mul3A_22 = arith.muli %arg1, %mul3A_21 : i32
    %add3A_23 = arith.constant 160 : i32
    %add3A_24 = arith.addi %mul3A_22, %add3A_23 : i32
    %run_scoped3A_25 = arith.constant 0 : i32
    "tpu.region"() ({
      %run_scoped3A_309 = tpu.sem_alloc : memref<!tpu.dma_semaphore, #tpu.memory_space<semaphore_mem>>
      %dma_start3A_310 = arith.constant 0 : i32
      %dma_start3A_311 = arith.constant 0 : i32
      %dma_start3A_312 = tpu.memref_slice %arg11[%run_scoped3A_25, %dma_start3A_310, %dma_start3A_311] : memref<4x40x128xf32, #tpu.memory_space<vmem>> -> memref<1x40x128xf32, #tpu.memory_space<vmem>>
      %dma_start3A_313 = tpu.memref_squeeze %dma_start3A_312 : memref<1x40x128xf32, #tpu.memory_space<vmem>> -> memref<40x128xf32, #tpu.memory_space<vmem>>
      %dma_start3A_314 = arith.constant 0 : i32
      %dma_start3A_315 = tpu.memref_slice %arg12[%add3A_24, %dma_start3A_314] : memref<10000x128xf32, #tpu.memory_space<vmem_shared>> -> memref<40x128xf32, #tpu.memory_space<vmem_shared>>
      %dma_start3A_316 = arith.constant 0 : i32
      %dma_start3A_317 = tpu.memref_slice %arg12[%add3A_24, %dma_start3A_316] : memref<10000x128xf32, #tpu.memory_space<vmem_shared>> -> memref<40x128xf32, #tpu.memory_space<vmem_shared>>
      %dma_start3A_318 = arith.constant 0 : i32
      %dma_start3A_319 = arith.constant 0 : i32
      %dma_start3A_320 = tpu.memref_slice %arg11[%run_scoped3A_25, %dma_start3A_318, %dma_start3A_319] : memref<4x40x128xf32, #tpu.memory_space<vmem>> -> memref<1x40x128xf32, #tpu.memory_space<vmem>>
      %dma_start3A_321 = tpu.memref_squeeze %dma_start3A_320 : memref<1x40x128xf32, #tpu.memory_space<vmem>> -> memref<40x128xf32, #tpu.memory_space<vmem>>
      tpu.enqueue_dma source(%dma_start3A_321 : memref<40x128xf32, #tpu.memory_space<vmem>>) target(%dma_start3A_317 : memref<40x128xf32, #tpu.memory_space<vmem_shared>>) target_semaphore(%run_scoped3A_309 : memref<!tpu.dma_semaphore, #tpu.memory_space<semaphore_mem>>)
      %dma_wait3A_322 = arith.constant 0 : i32
      %dma_wait3A_323 = arith.constant 0 : i32
      %dma_wait3A_324 = tpu.memref_slice %arg11[%run_scoped3A_25, %dma_wait3A_322, %dma_wait3A_323] : memref<4x40x128xf32, #tpu.memory_space<vmem>> -> memref<1x40x128xf32, #tpu.memory_space<vmem>>
      %dma_wait3A_325 = tpu.memref_squeeze %dma_wait3A_324 : memref<1x40x128xf32, #tpu.memory_space<vmem>> -> memref<40x128xf32, #tpu.memory_space<vmem>>
      %dma_wait3A_326 = arith.constant 0 : i32
      %dma_wait3A_327 = tpu.memref_slice %arg12[%add3A_24, %dma_wait3A_326] : memref<10000x128xf32, #tpu.memory_space<vmem_shared>> -> memref<40x128xf32, #tpu.memory_space<vmem_shared>>
      %dma_wait3A_328 = arith.constant 0 : i32
      %dma_wait3A_329 = tpu.memref_slice %arg12[%add3A_24, %dma_wait3A_328] : memref<10000x128xf32, #tpu.memory_space<vmem_shared>> -> memref<40x128xf32, #tpu.memory_space<vmem_shared>>
      %dma_wait3A_330 = arith.constant 0 : i32
      %dma_wait3A_331 = arith.constant 0 : i32
      %dma_wait3A_332 = tpu.memref_slice %arg11[%run_scoped3A_25, %dma_wait3A_330, %dma_wait3A_331] : memref<4x40x128xf32, #tpu.memory_space<vmem>> -> memref<1x40x128xf32, #tpu.memory_space<vmem>>
      %dma_wait3A_333 = tpu.memref_squeeze %dma_wait3A_332 : memref<1x40x128xf32, #tpu.memory_space<vmem>> -> memref<40x128xf32, #tpu.memory_space<vmem>>
      tpu.wait_dma2 semaphore(%run_scoped3A_309 : memref<!tpu.dma_semaphore, #tpu.memory_space<semaphore_mem>>) src(%dma_wait3A_333 : memref<40x128xf32, #tpu.memory_space<vmem>>) dst(%dma_wait3A_329 : memref<40x128xf32, #tpu.memory_space<vmem_shared>>)
      tpu.yield
    }) : () -> ()
    %mul3A_26 = arith.constant 624 : i32
    %mul3A_27 = arith.muli %arg1, %mul3A_26 : i32
    %add3A_28 = arith.constant 200 : i32
    %add3A_29 = arith.addi %mul3A_27, %add3A_28 : i32
    %run_scoped3A_30 = arith.constant 0 : i32
    "tpu.region"() ({
      %run_scoped3A_309 = tpu.sem_alloc : memref<!tpu.dma_semaphore, #tpu.memory_space<semaphore_mem>>
      %dma_start3A_310 = arith.constant 0 : i32
      %dma_start3A_311 = arith.constant 0 : i32
      %dma_start3A_312 = tpu.memref_slice %arg11[%run_scoped3A_30, %dma_start3A_310, %dma_start3A_311] : memref<4x40x128xf32, #tpu.memory_space<vmem>> -> memref<1x40x128xf32, #tpu.memory_space<vmem>>
      %dma_start3A_313 = tpu.memref_squeeze %dma_start3A_312 : memref<1x40x128xf32, #tpu.memory_space<vmem>> -> memref<40x128xf32, #tpu.memory_space<vmem>>
      %dma_start3A_314 = arith.constant 0 : i32
      %dma_start3A_315 = tpu.memref_slice %arg12[%add3A_29, %dma_start3A_314] : memref<10000x128xf32, #tpu.memory_space<vmem_shared>> -> memref<40x128xf32, #tpu.memory_space<vmem_shared>>
      %dma_start3A_316 = arith.constant 0 : i32
      %dma_start3A_317 = tpu.memref_slice %arg12[%add3A_29, %dma_start3A_316] : memref<10000x128xf32, #tpu.memory_space<vmem_shared>> -> memref<40x128xf32, #tpu.memory_space<vmem_shared>>
      %dma_start3A_318 = arith.constant 0 : i32
      %dma_start3A_319 = arith.constant 0 : i32
      %dma_start3A_320 = tpu.memref_slice %arg11[%run_scoped3A_30, %dma_start3A_318, %dma_start3A_319] : memref<4x40x128xf32, #tpu.memory_space<vmem>> -> memref<1x40x128xf32, #tpu.memory_space<vmem>>
      %dma_start3A_321 = tpu.memref_squeeze %dma_start3A_320 : memref<1x40x128xf32, #tpu.memory_space<vmem>> -> memref<40x128xf32, #tpu.memory_space<vmem>>
      tpu.enqueue_dma source(%dma_start3A_321 : memref<40x128xf32, #tpu.memory_space<vmem>>) target(%dma_start3A_317 : memref<40x128xf32, #tpu.memory_space<vmem_shared>>) target_semaphore(%run_scoped3A_309 : memref<!tpu.dma_semaphore, #tpu.memory_space<semaphore_mem>>)
      %dma_wait3A_322 = arith.constant 0 : i32
      %dma_wait3A_323 = arith.constant 0 : i32
      %dma_wait3A_324 = tpu.memref_slice %arg11[%run_scoped3A_30, %dma_wait3A_322, %dma_wait3A_323] : memref<4x40x128xf32, #tpu.memory_space<vmem>> -> memref<1x40x128xf32, #tpu.memory_space<vmem>>
      %dma_wait3A_325 = tpu.memref_squeeze %dma_wait3A_324 : memref<1x40x128xf32, #tpu.memory_space<vmem>> -> memref<40x128xf32, #tpu.memory_space<vmem>>
      %dma_wait3A_326 = arith.constant 0 : i32
      %dma_wait3A_327 = tpu.memref_slice %arg12[%add3A_29, %dma_wait3A_326] : memref<10000x128xf32, #tpu.memory_space<vmem_shared>> -> memref<40x128xf32, #tpu.memory_space<vmem_shared>>
      %dma_wait3A_328 = arith.constant 0 : i32
      %dma_wait3A_329 = tpu.memref_slice %arg12[%add3A_29, %dma_wait3A_328] : memref<10000x128xf32, #tpu.memory_space<vmem_shared>> -> memref<40x128xf32, #tpu.memory_space<vmem_shared>>
      %dma_wait3A_330 = arith.constant 0 : i32
      %dma_wait3A_331 = arith.constant 0 : i32
      %dma_wait3A_332 = tpu.memref_slice %arg11[%run_scoped3A_30, %dma_wait3A_330, %dma_wait3A_331] : memref<4x40x128xf32, #tpu.memory_space<vmem>> -> memref<1x40x128xf32, #tpu.memory_space<vmem>>
      %dma_wait3A_333 = tpu.memref_squeeze %dma_wait3A_332 : memref<1x40x128xf32, #tpu.memory_space<vmem>> -> memref<40x128xf32, #tpu.memory_space<vmem>>
      tpu.wait_dma2 semaphore(%run_scoped3A_309 : memref<!tpu.dma_semaphore, #tpu.memory_space<semaphore_mem>>) src(%dma_wait3A_333 : memref<40x128xf32, #tpu.memory_space<vmem>>) dst(%dma_wait3A_329 : memref<40x128xf32, #tpu.memory_space<vmem_shared>>)
      tpu.yield
    }) : () -> ()
    %mul3A_31 = arith.constant 624 : i32
    %mul3A_32 = arith.muli %arg1, %mul3A_31 : i32
    %add3A_33 = arith.constant 240 : i32
    %add3A_34 = arith.addi %mul3A_32, %add3A_33 : i32
    %run_scoped3A_35 = arith.constant 0 : i32
    "tpu.region"() ({
      %run_scoped3A_309 = tpu.sem_alloc : memref<!tpu.dma_semaphore, #tpu.memory_space<semaphore_mem>>
      %dma_start3A_310 = arith.constant 0 : i32
      %dma_start3A_311 = arith.constant 0 : i32
      %dma_start3A_312 = tpu.memref_slice %arg11[%run_scoped3A_35, %dma_start3A_310, %dma_start3A_311] : memref<4x40x128xf32, #tpu.memory_space<vmem>> -> memref<1x40x128xf32, #tpu.memory_space<vmem>>
      %dma_start3A_313 = tpu.memref_squeeze %dma_start3A_312 : memref<1x40x128xf32, #tpu.memory_space<vmem>> -> memref<40x128xf32, #tpu.memory_space<vmem>>
      %dma_start3A_314 = arith.constant 0 : i32
      %dma_start3A_315 = tpu.memref_slice %arg12[%add3A_34, %dma_start3A_314] : memref<10000x128xf32, #tpu.memory_space<vmem_shared>> -> memref<40x128xf32, #tpu.memory_space<vmem_shared>>
      %dma_start3A_316 = arith.constant 0 : i32
      %dma_start3A_317 = tpu.memref_slice %arg12[%add3A_34, %dma_start3A_316] : memref<10000x128xf32, #tpu.memory_space<vmem_shared>> -> memref<40x128xf32, #tpu.memory_space<vmem_shared>>
      %dma_start3A_318 = arith.constant 0 : i32
      %dma_start3A_319 = arith.constant 0 : i32
      %dma_start3A_320 = tpu.memref_slice %arg11[%run_scoped3A_35, %dma_start3A_318, %dma_start3A_319] : memref<4x40x128xf32, #tpu.memory_space<vmem>> -> memref<1x40x128xf32, #tpu.memory_space<vmem>>
      %dma_start3A_321 = tpu.memref_squeeze %dma_start3A_320 : memref<1x40x128xf32, #tpu.memory_space<vmem>> -> memref<40x128xf32, #tpu.memory_space<vmem>>
      tpu.enqueue_dma source(%dma_start3A_321 : memref<40x128xf32, #tpu.memory_space<vmem>>) target(%dma_start3A_317 : memref<40x128xf32, #tpu.memory_space<vmem_shared>>) target_semaphore(%run_scoped3A_309 : memref<!tpu.dma_semaphore, #tpu.memory_space<semaphore_mem>>)
      %dma_wait3A_322 = arith.constant 0 : i32
      %dma_wait3A_323 = arith.constant 0 : i32
      %dma_wait3A_324 = tpu.memref_slice %arg11[%run_scoped3A_35, %dma_wait3A_322, %dma_wait3A_323] : memref<4x40x128xf32, #tpu.memory_space<vmem>> -> memref<1x40x128xf32, #tpu.memory_space<vmem>>
      %dma_wait3A_325 = tpu.memref_squeeze %dma_wait3A_324 : memref<1x40x128xf32, #tpu.memory_space<vmem>> -> memref<40x128xf32, #tpu.memory_space<vmem>>
      %dma_wait3A_326 = arith.constant 0 : i32
      %dma_wait3A_327 = tpu.memref_slice %arg12[%add3A_34, %dma_wait3A_326] : memref<10000x128xf32, #tpu.memory_space<vmem_shared>> -> memref<40x128xf32, #tpu.memory_space<vmem_shared>>
      %dma_wait3A_328 = arith.constant 0 : i32
      %dma_wait3A_329 = tpu.memref_slice %arg12[%add3A_34, %dma_wait3A_328] : memref<10000x128xf32, #tpu.memory_space<vmem_shared>> -> memref<40x128xf32, #tpu.memory_space<vmem_shared>>
      %dma_wait3A_330 = arith.constant 0 : i32
      %dma_wait3A_331 = arith.constant 0 : i32
      %dma_wait3A_332 = tpu.memref_slice %arg11[%run_scoped3A_35, %dma_wait3A_330, %dma_wait3A_331] : memref<4x40x128xf32, #tpu.memory_space<vmem>> -> memref<1x40x128xf32, #tpu.memory_space<vmem>>
      %dma_wait3A_333 = tpu.memref_squeeze %dma_wait3A_332 : memref<1x40x128xf32, #tpu.memory_space<vmem>> -> memref<40x128xf32, #tpu.memory_space<vmem>>
      tpu.wait_dma2 semaphore(%run_scoped3A_309 : memref<!tpu.dma_semaphore, #tpu.memory_space<semaphore_mem>>) src(%dma_wait3A_333 : memref<40x128xf32, #tpu.memory_space<vmem>>) dst(%dma_wait3A_329 : memref<40x128xf32, #tpu.memory_space<vmem_shared>>)
      tpu.yield
    }) : () -> ()
    %mul3A_36 = arith.constant 624 : i32
    %mul3A_37 = arith.muli %arg1, %mul3A_36 : i32
    %add3A_38 = arith.constant 280 : i32
    %add3A_39 = arith.addi %mul3A_37, %add3A_38 : i32
    %run_scoped3A_40 = arith.constant 0 : i32
    "tpu.region"() ({
      %run_scoped3A_309 = tpu.sem_alloc : memref<!tpu.dma_semaphore, #tpu.memory_space<semaphore_mem>>
      %dma_start3A_310 = arith.constant 0 : i32
      %dma_start3A_311 = arith.constant 0 : i32
      %dma_start3A_312 = tpu.memref_slice %arg11[%run_scoped3A_40, %dma_start3A_310, %dma_start3A_311] : memref<4x40x128xf32, #tpu.memory_space<vmem>> -> memref<1x40x128xf32, #tpu.memory_space<vmem>>
      %dma_start3A_313 = tpu.memref_squeeze %dma_start3A_312 : memref<1x40x128xf32, #tpu.memory_space<vmem>> -> memref<40x128xf32, #tpu.memory_space<vmem>>
      %dma_start3A_314 = arith.constant 0 : i32
      %dma_start3A_315 = tpu.memref_slice %arg12[%add3A_39, %dma_start3A_314] : memref<10000x128xf32, #tpu.memory_space<vmem_shared>> -> memref<40x128xf32, #tpu.memory_space<vmem_shared>>
      %dma_start3A_316 = arith.constant 0 : i32
      %dma_start3A_317 = tpu.memref_slice %arg12[%add3A_39, %dma_start3A_316] : memref<10000x128xf32, #tpu.memory_space<vmem_shared>> -> memref<40x128xf32, #tpu.memory_space<vmem_shared>>
      %dma_start3A_318 = arith.constant 0 : i32
      %dma_start3A_319 = arith.constant 0 : i32
      %dma_start3A_320 = tpu.memref_slice %arg11[%run_scoped3A_40, %dma_start3A_318, %dma_start3A_319] : memref<4x40x128xf32, #tpu.memory_space<vmem>> -> memref<1x40x128xf32, #tpu.memory_space<vmem>>
      %dma_start3A_321 = tpu.memref_squeeze %dma_start3A_320 : memref<1x40x128xf32, #tpu.memory_space<vmem>> -> memref<40x128xf32, #tpu.memory_space<vmem>>
      tpu.enqueue_dma source(%dma_start3A_321 : memref<40x128xf32, #tpu.memory_space<vmem>>) target(%dma_start3A_317 : memref<40x128xf32, #tpu.memory_space<vmem_shared>>) target_semaphore(%run_scoped3A_309 : memref<!tpu.dma_semaphore, #tpu.memory_space<semaphore_mem>>)
      %dma_wait3A_322 = arith.constant 0 : i32
      %dma_wait3A_323 = arith.constant 0 : i32
      %dma_wait3A_324 = tpu.memref_slice %arg11[%run_scoped3A_40, %dma_wait3A_322, %dma_wait3A_323] : memref<4x40x128xf32, #tpu.memory_space<vmem>> -> memref<1x40x128xf32, #tpu.memory_space<vmem>>
      %dma_wait3A_325 = tpu.memref_squeeze %dma_wait3A_324 : memref<1x40x128xf32, #tpu.memory_space<vmem>> -> memref<40x128xf32, #tpu.memory_space<vmem>>
      %dma_wait3A_326 = arith.constant 0 : i32
      %dma_wait3A_327 = tpu.memref_slice %arg12[%add3A_39, %dma_wait3A_326] : memref<10000x128xf32, #tpu.memory_space<vmem_shared>> -> memref<40x128xf32, #tpu.memory_space<vmem_shared>>
      %dma_wait3A_328 = arith.constant 0 : i32
      %dma_wait3A_329 = tpu.memref_slice %arg12[%add3A_39, %dma_wait3A_328] : memref<10000x128xf32, #tpu.memory_space<vmem_shared>> -> memref<40x128xf32, #tpu.memory_space<vmem_shared>>
      %dma_wait3A_330 = arith.constant 0 : i32
      %dma_wait3A_331 = arith.constant 0 : i32
      %dma_wait3A_332 = tpu.memref_slice %arg11[%run_scoped3A_40, %dma_wait3A_330, %dma_wait3A_331] : memref<4x40x128xf32, #tpu.memory_space<vmem>> -> memref<1x40x128xf32, #tpu.memory_space<vmem>>
      %dma_wait3A_333 = tpu.memref_squeeze %dma_wait3A_332 : memref<1x40x128xf32, #tpu.memory_space<vmem>> -> memref<40x128xf32, #tpu.memory_space<vmem>>
      tpu.wait_dma2 semaphore(%run_scoped3A_309 : memref<!tpu.dma_semaphore, #tpu.memory_space<semaphore_mem>>) src(%dma_wait3A_333 : memref<40x128xf32, #tpu.memory_space<vmem>>) dst(%dma_wait3A_329 : memref<40x128xf32, #tpu.memory_space<vmem_shared>>)
      tpu.yield
    }) : () -> ()
    %mul3A_41 = arith.constant 624 : i32
    %mul3A_42 = arith.muli %arg1, %mul3A_41 : i32
    %add3A_43 = arith.constant 320 : i32
    %add3A_44 = arith.addi %mul3A_42, %add3A_43 : i32
    %run_scoped3A_45 = arith.constant 0 : i32
    "tpu.region"() ({
      %run_scoped3A_309 = tpu.sem_alloc : memref<!tpu.dma_semaphore, #tpu.memory_space<semaphore_mem>>
      %dma_start3A_310 = arith.constant 0 : i32
      %dma_start3A_311 = arith.constant 0 : i32
      %dma_start3A_312 = tpu.memref_slice %arg11[%run_scoped3A_45, %dma_start3A_310, %dma_start3A_311] : memref<4x40x128xf32, #tpu.memory_space<vmem>> -> memref<1x40x128xf32, #tpu.memory_space<vmem>>
      %dma_start3A_313 = tpu.memref_squeeze %dma_start3A_312 : memref<1x40x128xf32, #tpu.memory_space<vmem>> -> memref<40x128xf32, #tpu.memory_space<vmem>>
      %dma_start3A_314 = arith.constant 0 : i32
      %dma_start3A_315 = tpu.memref_slice %arg12[%add3A_44, %dma_start3A_314] : memref<10000x128xf32, #tpu.memory_space<vmem_shared>> -> memref<40x128xf32, #tpu.memory_space<vmem_shared>>
      %dma_start3A_316 = arith.constant 0 : i32
      %dma_start3A_317 = tpu.memref_slice %arg12[%add3A_44, %dma_start3A_316] : memref<10000x128xf32, #tpu.memory_space<vmem_shared>> -> memref<40x128xf32, #tpu.memory_space<vmem_shared>>
      %dma_start3A_318 = arith.constant 0 : i32
      %dma_start3A_319 = arith.constant 0 : i32
      %dma_start3A_320 = tpu.memref_slice %arg11[%run_scoped3A_45, %dma_start3A_318, %dma_start3A_319] : memref<4x40x128xf32, #tpu.memory_space<vmem>> -> memref<1x40x128xf32, #tpu.memory_space<vmem>>
      %dma_start3A_321 = tpu.memref_squeeze %dma_start3A_320 : memref<1x40x128xf32, #tpu.memory_space<vmem>> -> memref<40x128xf32, #tpu.memory_space<vmem>>
      tpu.enqueue_dma source(%dma_start3A_321 : memref<40x128xf32, #tpu.memory_space<vmem>>) target(%dma_start3A_317 : memref<40x128xf32, #tpu.memory_space<vmem_shared>>) target_semaphore(%run_scoped3A_309 : memref<!tpu.dma_semaphore, #tpu.memory_space<semaphore_mem>>)
      %dma_wait3A_322 = arith.constant 0 : i32
      %dma_wait3A_323 = arith.constant 0 : i32
      %dma_wait3A_324 = tpu.memref_slice %arg11[%run_scoped3A_45, %dma_wait3A_322, %dma_wait3A_323] : memref<4x40x128xf32, #tpu.memory_space<vmem>> -> memref<1x40x128xf32, #tpu.memory_space<vmem>>
      %dma_wait3A_325 = tpu.memref_squeeze %dma_wait3A_324 : memref<1x40x128xf32, #tpu.memory_space<vmem>> -> memref<40x128xf32, #tpu.memory_space<vmem>>
      %dma_wait3A_326 = arith.constant 0 : i32
      %dma_wait3A_327 = tpu.memref_slice %arg12[%add3A_44, %dma_wait3A_326] : memref<10000x128xf32, #tpu.memory_space<vmem_shared>> -> memref<40x128xf32, #tpu.memory_space<vmem_shared>>
      %dma_wait3A_328 = arith.constant 0 : i32
      %dma_wait3A_329 = tpu.memref_slice %arg12[%add3A_44, %dma_wait3A_328] : memref<10000x128xf32, #tpu.memory_space<vmem_shared>> -> memref<40x128xf32, #tpu.memory_space<vmem_shared>>
      %dma_wait3A_330 = arith.constant 0 : i32
      %dma_wait3A_331 = arith.constant 0 : i32
      %dma_wait3A_332 = tpu.memref_slice %arg11[%run_scoped3A_45, %dma_wait3A_330, %dma_wait3A_331] : memref<4x40x128xf32, #tpu.memory_space<vmem>> -> memref<1x40x128xf32, #tpu.memory_space<vmem>>
      %dma_wait3A_333 = tpu.memref_squeeze %dma_wait3A_332 : memref<1x40x128xf32, #tpu.memory_space<vmem>> -> memref<40x128xf32, #tpu.memory_space<vmem>>
      tpu.wait_dma2 semaphore(%run_scoped3A_309 : memref<!tpu.dma_semaphore, #tpu.memory_space<semaphore_mem>>) src(%dma_wait3A_333 : memref<40x128xf32, #tpu.memory_space<vmem>>) dst(%dma_wait3A_329 : memref<40x128xf32, #tpu.memory_space<vmem_shared>>)
      tpu.yield
    }) : () -> ()
    %mul3A_46 = arith.constant 624 : i32
    %mul3A_47 = arith.muli %arg1, %mul3A_46 : i32
    %add3A_48 = arith.constant 360 : i32
    %add3A_49 = arith.addi %mul3A_47, %add3A_48 : i32
    %run_scoped3A_50 = arith.constant 0 : i32
    "tpu.region"() ({
      %run_scoped3A_309 = tpu.sem_alloc : memref<!tpu.dma_semaphore, #tpu.memory_space<semaphore_mem>>
      %dma_start3A_310 = arith.constant 0 : i32
      %dma_start3A_311 = arith.constant 0 : i32
      %dma_start3A_312 = tpu.memref_slice %arg11[%run_scoped3A_50, %dma_start3A_310, %dma_start3A_311] : memref<4x40x128xf32, #tpu.memory_space<vmem>> -> memref<1x40x128xf32, #tpu.memory_space<vmem>>
      %dma_start3A_313 = tpu.memref_squeeze %dma_start3A_312 : memref<1x40x128xf32, #tpu.memory_space<vmem>> -> memref<40x128xf32, #tpu.memory_space<vmem>>
      %dma_start3A_314 = arith.constant 0 : i32
      %dma_start3A_315 = tpu.memref_slice %arg12[%add3A_49, %dma_start3A_314] : memref<10000x128xf32, #tpu.memory_space<vmem_shared>> -> memref<40x128xf32, #tpu.memory_space<vmem_shared>>
      %dma_start3A_316 = arith.constant 0 : i32
      %dma_start3A_317 = tpu.memref_slice %arg12[%add3A_49, %dma_start3A_316] : memref<10000x128xf32, #tpu.memory_space<vmem_shared>> -> memref<40x128xf32, #tpu.memory_space<vmem_shared>>
      %dma_start3A_318 = arith.constant 0 : i32
      %dma_start3A_319 = arith.constant 0 : i32
      %dma_start3A_320 = tpu.memref_slice %arg11[%run_scoped3A_50, %dma_start3A_318, %dma_start3A_319] : memref<4x40x128xf32, #tpu.memory_space<vmem>> -> memref<1x40x128xf32, #tpu.memory_space<vmem>>
      %dma_start3A_321 = tpu.memref_squeeze %dma_start3A_320 : memref<1x40x128xf32, #tpu.memory_space<vmem>> -> memref<40x128xf32, #tpu.memory_space<vmem>>
      tpu.enqueue_dma source(%dma_start3A_321 : memref<40x128xf32, #tpu.memory_space<vmem>>) target(%dma_start3A_317 : memref<40x128xf32, #tpu.memory_space<vmem_shared>>) target_semaphore(%run_scoped3A_309 : memref<!tpu.dma_semaphore, #tpu.memory_space<semaphore_mem>>)
      %dma_wait3A_322 = arith.constant 0 : i32
      %dma_wait3A_323 = arith.constant 0 : i32
      %dma_wait3A_324 = tpu.memref_slice %arg11[%run_scoped3A_50, %dma_wait3A_322, %dma_wait3A_323] : memref<4x40x128xf32, #tpu.memory_space<vmem>> -> memref<1x40x128xf32, #tpu.memory_space<vmem>>
      %dma_wait3A_325 = tpu.memref_squeeze %dma_wait3A_324 : memref<1x40x128xf32, #tpu.memory_space<vmem>> -> memref<40x128xf32, #tpu.memory_space<vmem>>
      %dma_wait3A_326 = arith.constant 0 : i32
      %dma_wait3A_327 = tpu.memref_slice %arg12[%add3A_49, %dma_wait3A_326] : memref<10000x128xf32, #tpu.memory_space<vmem_shared>> -> memref<40x128xf32, #tpu.memory_space<vmem_shared>>
      %dma_wait3A_328 = arith.constant 0 : i32
      %dma_wait3A_329 = tpu.memref_slice %arg12[%add3A_49, %dma_wait3A_328] : memref<10000x128xf32, #tpu.memory_space<vmem_shared>> -> memref<40x128xf32, #tpu.memory_space<vmem_shared>>
      %dma_wait3A_330 = arith.constant 0 : i32
      %dma_wait3A_331 = arith.constant 0 : i32
      %dma_wait3A_332 = tpu.memref_slice %arg11[%run_scoped3A_50, %dma_wait3A_330, %dma_wait3A_331] : memref<4x40x128xf32, #tpu.memory_space<vmem>> -> memref<1x40x128xf32, #tpu.memory_space<vmem>>
      %dma_wait3A_333 = tpu.memref_squeeze %dma_wait3A_332 : memref<1x40x128xf32, #tpu.memory_space<vmem>> -> memref<40x128xf32, #tpu.memory_space<vmem>>
      tpu.wait_dma2 semaphore(%run_scoped3A_309 : memref<!tpu.dma_semaphore, #tpu.memory_space<semaphore_mem>>) src(%dma_wait3A_333 : memref<40x128xf32, #tpu.memory_space<vmem>>) dst(%dma_wait3A_329 : memref<40x128xf32, #tpu.memory_space<vmem_shared>>)
      tpu.yield
    }) : () -> ()
    %mul3A_51 = arith.constant 624 : i32
    %mul3A_52 = arith.muli %arg1, %mul3A_51 : i32
    %add3A_53 = arith.constant 400 : i32
    %add3A_54 = arith.addi %mul3A_52, %add3A_53 : i32
    %run_scoped3A_55 = arith.constant 0 : i32
    "tpu.region"() ({
      %run_scoped3A_309 = tpu.sem_alloc : memref<!tpu.dma_semaphore, #tpu.memory_space<semaphore_mem>>
      %dma_start3A_310 = arith.constant 0 : i32
      %dma_start3A_311 = arith.constant 0 : i32
      %dma_start3A_312 = tpu.memref_slice %arg11[%run_scoped3A_55, %dma_start3A_310, %dma_start3A_311] : memref<4x40x128xf32, #tpu.memory_space<vmem>> -> memref<1x40x128xf32, #tpu.memory_space<vmem>>
      %dma_start3A_313 = tpu.memref_squeeze %dma_start3A_312 : memref<1x40x128xf32, #tpu.memory_space<vmem>> -> memref<40x128xf32, #tpu.memory_space<vmem>>
      %dma_start3A_314 = arith.constant 0 : i32
      %dma_start3A_315 = tpu.memref_slice %arg12[%add3A_54, %dma_start3A_314] : memref<10000x128xf32, #tpu.memory_space<vmem_shared>> -> memref<40x128xf32, #tpu.memory_space<vmem_shared>>
      %dma_start3A_316 = arith.constant 0 : i32
      %dma_start3A_317 = tpu.memref_slice %arg12[%add3A_54, %dma_start3A_316] : memref<10000x128xf32, #tpu.memory_space<vmem_shared>> -> memref<40x128xf32, #tpu.memory_space<vmem_shared>>
      %dma_start3A_318 = arith.constant 0 : i32
      %dma_start3A_319 = arith.constant 0 : i32
      %dma_start3A_320 = tpu.memref_slice %arg11[%run_scoped3A_55, %dma_start3A_318, %dma_start3A_319] : memref<4x40x128xf32, #tpu.memory_space<vmem>> -> memref<1x40x128xf32, #tpu.memory_space<vmem>>
      %dma_start3A_321 = tpu.memref_squeeze %dma_start3A_320 : memref<1x40x128xf32, #tpu.memory_space<vmem>> -> memref<40x128xf32, #tpu.memory_space<vmem>>
      tpu.enqueue_dma source(%dma_start3A_321 : memref<40x128xf32, #tpu.memory_space<vmem>>) target(%dma_start3A_317 : memref<40x128xf32, #tpu.memory_space<vmem_shared>>) target_semaphore(%run_scoped3A_309 : memref<!tpu.dma_semaphore, #tpu.memory_space<semaphore_mem>>)
      %dma_wait3A_322 = arith.constant 0 : i32
      %dma_wait3A_323 = arith.constant 0 : i32
      %dma_wait3A_324 = tpu.memref_slice %arg11[%run_scoped3A_55, %dma_wait3A_322, %dma_wait3A_323] : memref<4x40x128xf32, #tpu.memory_space<vmem>> -> memref<1x40x128xf32, #tpu.memory_space<vmem>>
      %dma_wait3A_325 = tpu.memref_squeeze %dma_wait3A_324 : memref<1x40x128xf32, #tpu.memory_space<vmem>> -> memref<40x128xf32, #tpu.memory_space<vmem>>
      %dma_wait3A_326 = arith.constant 0 : i32
      %dma_wait3A_327 = tpu.memref_slice %arg12[%add3A_54, %dma_wait3A_326] : memref<10000x128xf32, #tpu.memory_space<vmem_shared>> -> memref<40x128xf32, #tpu.memory_space<vmem_shared>>
      %dma_wait3A_328 = arith.constant 0 : i32
      %dma_wait3A_329 = tpu.memref_slice %arg12[%add3A_54, %dma_wait3A_328] : memref<10000x128xf32, #tpu.memory_space<vmem_shared>> -> memref<40x128xf32, #tpu.memory_space<vmem_shared>>
      %dma_wait3A_330 = arith.constant 0 : i32
      %dma_wait3A_331 = arith.constant 0 : i32
      %dma_wait3A_332 = tpu.memref_slice %arg11[%run_scoped3A_55, %dma_wait3A_330, %dma_wait3A_331] : memref<4x40x128xf32, #tpu.memory_space<vmem>> -> memref<1x40x128xf32, #tpu.memory_space<vmem>>
      %dma_wait3A_333 = tpu.memref_squeeze %dma_wait3A_332 : memref<1x40x128xf32, #tpu.memory_space<vmem>> -> memref<40x128xf32, #tpu.memory_space<vmem>>
      tpu.wait_dma2 semaphore(%run_scoped3A_309 : memref<!tpu.dma_semaphore, #tpu.memory_space<semaphore_mem>>) src(%dma_wait3A_333 : memref<40x128xf32, #tpu.memory_space<vmem>>) dst(%dma_wait3A_329 : memref<40x128xf32, #tpu.memory_space<vmem_shared>>)
      tpu.yield
    }) : () -> ()
    %mul3A_56 = arith.constant 624 : i32
    %mul3A_57 = arith.muli %arg1, %mul3A_56 : i32
    %add3A_58 = arith.constant 440 : i32
    %add3A_59 = arith.addi %mul3A_57, %add3A_58 : i32
    %run_scoped3A_60 = arith.constant 0 : i32
    "tpu.region"() ({
      %run_scoped3A_309 = tpu.sem_alloc : memref<!tpu.dma_semaphore, #tpu.memory_space<semaphore_mem>>
      %dma_start3A_310 = arith.constant 0 : i32
      %dma_start3A_311 = arith.constant 0 : i32
      %dma_start3A_312 = tpu.memref_slice %arg11[%run_scoped3A_60, %dma_start3A_310, %dma_start3A_311] : memref<4x40x128xf32, #tpu.memory_space<vmem>> -> memref<1x40x128xf32, #tpu.memory_space<vmem>>
      %dma_start3A_313 = tpu.memref_squeeze %dma_start3A_312 : memref<1x40x128xf32, #tpu.memory_space<vmem>> -> memref<40x128xf32, #tpu.memory_space<vmem>>
      %dma_start3A_314 = arith.constant 0 : i32
      %dma_start3A_315 = tpu.memref_slice %arg12[%add3A_59, %dma_start3A_314] : memref<10000x128xf32, #tpu.memory_space<vmem_shared>> -> memref<40x128xf32, #tpu.memory_space<vmem_shared>>
      %dma_start3A_316 = arith.constant 0 : i32
      %dma_start3A_317 = tpu.memref_slice %arg12[%add3A_59, %dma_start3A_316] : memref<10000x128xf32, #tpu.memory_space<vmem_shared>> -> memref<40x128xf32, #tpu.memory_space<vmem_shared>>
      %dma_start3A_318 = arith.constant 0 : i32
      %dma_start3A_319 = arith.constant 0 : i32
      %dma_start3A_320 = tpu.memref_slice %arg11[%run_scoped3A_60, %dma_start3A_318, %dma_start3A_319] : memref<4x40x128xf32, #tpu.memory_space<vmem>> -> memref<1x40x128xf32, #tpu.memory_space<vmem>>
      %dma_start3A_321 = tpu.memref_squeeze %dma_start3A_320 : memref<1x40x128xf32, #tpu.memory_space<vmem>> -> memref<40x128xf32, #tpu.memory_space<vmem>>
      tpu.enqueue_dma source(%dma_start3A_321 : memref<40x128xf32, #tpu.memory_space<vmem>>) target(%dma_start3A_317 : memref<40x128xf32, #tpu.memory_space<vmem_shared>>) target_semaphore(%run_scoped3A_309 : memref<!tpu.dma_semaphore, #tpu.memory_space<semaphore_mem>>)
      %dma_wait3A_322 = arith.constant 0 : i32
      %dma_wait3A_323 = arith.constant 0 : i32
      %dma_wait3A_324 = tpu.memref_slice %arg11[%run_scoped3A_60, %dma_wait3A_322, %dma_wait3A_323] : memref<4x40x128xf32, #tpu.memory_space<vmem>> -> memref<1x40x128xf32, #tpu.memory_space<vmem>>
      %dma_wait3A_325 = tpu.memref_squeeze %dma_wait3A_324 : memref<1x40x128xf32, #tpu.memory_space<vmem>> -> memref<40x128xf32, #tpu.memory_space<vmem>>
      %dma_wait3A_326 = arith.constant 0 : i32
      %dma_wait3A_327 = tpu.memref_slice %arg12[%add3A_59, %dma_wait3A_326] : memref<10000x128xf32, #tpu.memory_space<vmem_shared>> -> memref<40x128xf32, #tpu.memory_space<vmem_shared>>
      %dma_wait3A_328 = arith.constant 0 : i32
      %dma_wait3A_329 = tpu.memref_slice %arg12[%add3A_59, %dma_wait3A_328] : memref<10000x128xf32, #tpu.memory_space<vmem_shared>> -> memref<40x128xf32, #tpu.memory_space<vmem_shared>>
      %dma_wait3A_330 = arith.constant 0 : i32
      %dma_wait3A_331 = arith.constant 0 : i32
      %dma_wait3A_332 = tpu.memref_slice %arg11[%run_scoped3A_60, %dma_wait3A_330, %dma_wait3A_331] : memref<4x40x128xf32, #tpu.memory_space<vmem>> -> memref<1x40x128xf32, #tpu.memory_space<vmem>>
      %dma_wait3A_333 = tpu.memref_squeeze %dma_wait3A_332 : memref<1x40x128xf32, #tpu.memory_space<vmem>> -> memref<40x128xf32, #tpu.memory_space<vmem>>
      tpu.wait_dma2 semaphore(%run_scoped3A_309 : memref<!tpu.dma_semaphore, #tpu.memory_space<semaphore_mem>>) src(%dma_wait3A_333 : memref<40x128xf32, #tpu.memory_space<vmem>>) dst(%dma_wait3A_329 : memref<40x128xf32, #tpu.memory_space<vmem_shared>>)
      tpu.yield
    }) : () -> ()
    %mul3A_61 = arith.constant 624 : i32
    %mul3A_62 = arith.muli %arg1, %mul3A_61 : i32
    %add3A_63 = arith.constant 480 : i32
    %add3A_64 = arith.addi %mul3A_62, %add3A_63 : i32
    %run_scoped3A_65 = arith.constant 0 : i32
    "tpu.region"() ({
      %run_scoped3A_309 = tpu.sem_alloc : memref<!tpu.dma_semaphore, #tpu.memory_space<semaphore_mem>>
      %dma_start3A_310 = arith.constant 0 : i32
      %dma_start3A_311 = arith.constant 0 : i32
      %dma_start3A_312 = tpu.memref_slice %arg11[%run_scoped3A_65, %dma_start3A_310, %dma_start3A_311] : memref<4x40x128xf32, #tpu.memory_space<vmem>> -> memref<1x40x128xf32, #tpu.memory_space<vmem>>
      %dma_start3A_313 = tpu.memref_squeeze %dma_start3A_312 : memref<1x40x128xf32, #tpu.memory_space<vmem>> -> memref<40x128xf32, #tpu.memory_space<vmem>>
      %dma_start3A_314 = arith.constant 0 : i32
      %dma_start3A_315 = tpu.memref_slice %arg12[%add3A_64, %dma_start3A_314] : memref<10000x128xf32, #tpu.memory_space<vmem_shared>> -> memref<40x128xf32, #tpu.memory_space<vmem_shared>>
      %dma_start3A_316 = arith.constant 0 : i32
      %dma_start3A_317 = tpu.memref_slice %arg12[%add3A_64, %dma_start3A_316] : memref<10000x128xf32, #tpu.memory_space<vmem_shared>> -> memref<40x128xf32, #tpu.memory_space<vmem_shared>>
      %dma_start3A_318 = arith.constant 0 : i32
      %dma_start3A_319 = arith.constant 0 : i32
      %dma_start3A_320 = tpu.memref_slice %arg11[%run_scoped3A_65, %dma_start3A_318, %dma_start3A_319] : memref<4x40x128xf32, #tpu.memory_space<vmem>> -> memref<1x40x128xf32, #tpu.memory_space<vmem>>
      %dma_start3A_321 = tpu.memref_squeeze %dma_start3A_320 : memref<1x40x128xf32, #tpu.memory_space<vmem>> -> memref<40x128xf32, #tpu.memory_space<vmem>>
      tpu.enqueue_dma source(%dma_start3A_321 : memref<40x128xf32, #tpu.memory_space<vmem>>) target(%dma_start3A_317 : memref<40x128xf32, #tpu.memory_space<vmem_shared>>) target_semaphore(%run_scoped3A_309 : memref<!tpu.dma_semaphore, #tpu.memory_space<semaphore_mem>>)
      %dma_wait3A_322 = arith.constant 0 : i32
      %dma_wait3A_323 = arith.constant 0 : i32
      %dma_wait3A_324 = tpu.memref_slice %arg11[%run_scoped3A_65, %dma_wait3A_322, %dma_wait3A_323] : memref<4x40x128xf32, #tpu.memory_space<vmem>> -> memref<1x40x128xf32, #tpu.memory_space<vmem>>
      %dma_wait3A_325 = tpu.memref_squeeze %dma_wait3A_324 : memref<1x40x128xf32, #tpu.memory_space<vmem>> -> memref<40x128xf32, #tpu.memory_space<vmem>>
      %dma_wait3A_326 = arith.constant 0 : i32
      %dma_wait3A_327 = tpu.memref_slice %arg12[%add3A_64, %dma_wait3A_326] : memref<10000x128xf32, #tpu.memory_space<vmem_shared>> -> memref<40x128xf32, #tpu.memory_space<vmem_shared>>
      %dma_wait3A_328 = arith.constant 0 : i32
      %dma_wait3A_329 = tpu.memref_slice %arg12[%add3A_64, %dma_wait3A_328] : memref<10000x128xf32, #tpu.memory_space<vmem_shared>> -> memref<40x128xf32, #tpu.memory_space<vmem_shared>>
      %dma_wait3A_330 = arith.constant 0 : i32
      %dma_wait3A_331 = arith.constant 0 : i32
      %dma_wait3A_332 = tpu.memref_slice %arg11[%run_scoped3A_65, %dma_wait3A_330, %dma_wait3A_331] : memref<4x40x128xf32, #tpu.memory_space<vmem>> -> memref<1x40x128xf32, #tpu.memory_space<vmem>>
      %dma_wait3A_333 = tpu.memref_squeeze %dma_wait3A_332 : memref<1x40x128xf32, #tpu.memory_space<vmem>> -> memref<40x128xf32, #tpu.memory_space<vmem>>
      tpu.wait_dma2 semaphore(%run_scoped3A_309 : memref<!tpu.dma_semaphore, #tpu.memory_space<semaphore_mem>>) src(%dma_wait3A_333 : memref<40x128xf32, #tpu.memory_space<vmem>>) dst(%dma_wait3A_329 : memref<40x128xf32, #tpu.memory_space<vmem_shared>>)
      tpu.yield
    }) : () -> ()
    %mul3A_66 = arith.constant 624 : i32
    %mul3A_67 = arith.muli %arg1, %mul3A_66 : i32
    %add3A_68 = arith.constant 520 : i32
    %add3A_69 = arith.addi %mul3A_67, %add3A_68 : i32
    %run_scoped3A_70 = arith.constant 0 : i32
    "tpu.region"() ({
      %run_scoped3A_309 = tpu.sem_alloc : memref<!tpu.dma_semaphore, #tpu.memory_space<semaphore_mem>>
      %dma_start3A_310 = arith.constant 0 : i32
      %dma_start3A_311 = arith.constant 0 : i32
      %dma_start3A_312 = tpu.memref_slice %arg11[%run_scoped3A_70, %dma_start3A_310, %dma_start3A_311] : memref<4x40x128xf32, #tpu.memory_space<vmem>> -> memref<1x40x128xf32, #tpu.memory_space<vmem>>
      %dma_start3A_313 = tpu.memref_squeeze %dma_start3A_312 : memref<1x40x128xf32, #tpu.memory_space<vmem>> -> memref<40x128xf32, #tpu.memory_space<vmem>>
      %dma_start3A_314 = arith.constant 0 : i32
      %dma_start3A_315 = tpu.memref_slice %arg12[%add3A_69, %dma_start3A_314] : memref<10000x128xf32, #tpu.memory_space<vmem_shared>> -> memref<40x128xf32, #tpu.memory_space<vmem_shared>>
      %dma_start3A_316 = arith.constant 0 : i32
      %dma_start3A_317 = tpu.memref_slice %arg12[%add3A_69, %dma_start3A_316] : memref<10000x128xf32, #tpu.memory_space<vmem_shared>> -> memref<40x128xf32, #tpu.memory_space<vmem_shared>>
      %dma_start3A_318 = arith.constant 0 : i32
      %dma_start3A_319 = arith.constant 0 : i32
      %dma_start3A_320 = tpu.memref_slice %arg11[%run_scoped3A_70, %dma_start3A_318, %dma_start3A_319] : memref<4x40x128xf32, #tpu.memory_space<vmem>> -> memref<1x40x128xf32, #tpu.memory_space<vmem>>
      %dma_start3A_321 = tpu.memref_squeeze %dma_start3A_320 : memref<1x40x128xf32, #tpu.memory_space<vmem>> -> memref<40x128xf32, #tpu.memory_space<vmem>>
      tpu.enqueue_dma source(%dma_start3A_321 : memref<40x128xf32, #tpu.memory_space<vmem>>) target(%dma_start3A_317 : memref<40x128xf32, #tpu.memory_space<vmem_shared>>) target_semaphore(%run_scoped3A_309 : memref<!tpu.dma_semaphore, #tpu.memory_space<semaphore_mem>>)
      %dma_wait3A_322 = arith.constant 0 : i32
      %dma_wait3A_323 = arith.constant 0 : i32
      %dma_wait3A_324 = tpu.memref_slice %arg11[%run_scoped3A_70, %dma_wait3A_322, %dma_wait3A_323] : memref<4x40x128xf32, #tpu.memory_space<vmem>> -> memref<1x40x128xf32, #tpu.memory_space<vmem>>
      %dma_wait3A_325 = tpu.memref_squeeze %dma_wait3A_324 : memref<1x40x128xf32, #tpu.memory_space<vmem>> -> memref<40x128xf32, #tpu.memory_space<vmem>>
      %dma_wait3A_326 = arith.constant 0 : i32
      %dma_wait3A_327 = tpu.memref_slice %arg12[%add3A_69, %dma_wait3A_326] : memref<10000x128xf32, #tpu.memory_space<vmem_shared>> -> memref<40x128xf32, #tpu.memory_space<vmem_shared>>
      %dma_wait3A_328 = arith.constant 0 : i32
      %dma_wait3A_329 = tpu.memref_slice %arg12[%add3A_69, %dma_wait3A_328] : memref<10000x128xf32, #tpu.memory_space<vmem_shared>> -> memref<40x128xf32, #tpu.memory_space<vmem_shared>>
      %dma_wait3A_330 = arith.constant 0 : i32
      %dma_wait3A_331 = arith.constant 0 : i32
      %dma_wait3A_332 = tpu.memref_slice %arg11[%run_scoped3A_70, %dma_wait3A_330, %dma_wait3A_331] : memref<4x40x128xf32, #tpu.memory_space<vmem>> -> memref<1x40x128xf32, #tpu.memory_space<vmem>>
      %dma_wait3A_333 = tpu.memref_squeeze %dma_wait3A_332 : memref<1x40x128xf32, #tpu.memory_space<vmem>> -> memref<40x128xf32, #tpu.memory_space<vmem>>
      tpu.wait_dma2 semaphore(%run_scoped3A_309 : memref<!tpu.dma_semaphore, #tpu.memory_space<semaphore_mem>>) src(%dma_wait3A_333 : memref<40x128xf32, #tpu.memory_space<vmem>>) dst(%dma_wait3A_329 : memref<40x128xf32, #tpu.memory_space<vmem_shared>>)
      tpu.yield
    }) : () -> ()
    %mul3A_71 = arith.constant 624 : i32
    %mul3A_72 = arith.muli %arg1, %mul3A_71 : i32
    %add3A_73 = arith.constant 560 : i32
    %add3A_74 = arith.addi %mul3A_72, %add3A_73 : i32
    %run_scoped3A_75 = arith.constant 0 : i32
    "tpu.region"() ({
      %run_scoped3A_309 = tpu.sem_alloc : memref<!tpu.dma_semaphore, #tpu.memory_space<semaphore_mem>>
      %dma_start3A_310 = arith.constant 0 : i32
      %dma_start3A_311 = arith.constant 0 : i32
      %dma_start3A_312 = tpu.memref_slice %arg11[%run_scoped3A_75, %dma_start3A_310, %dma_start3A_311] : memref<4x40x128xf32, #tpu.memory_space<vmem>> -> memref<1x40x128xf32, #tpu.memory_space<vmem>>
      %dma_start3A_313 = tpu.memref_squeeze %dma_start3A_312 : memref<1x40x128xf32, #tpu.memory_space<vmem>> -> memref<40x128xf32, #tpu.memory_space<vmem>>
      %dma_start3A_314 = arith.constant 0 : i32
      %dma_start3A_315 = tpu.memref_slice %arg12[%add3A_74, %dma_start3A_314] : memref<10000x128xf32, #tpu.memory_space<vmem_shared>> -> memref<40x128xf32, #tpu.memory_space<vmem_shared>>
      %dma_start3A_316 = arith.constant 0 : i32
      %dma_start3A_317 = tpu.memref_slice %arg12[%add3A_74, %dma_start3A_316] : memref<10000x128xf32, #tpu.memory_space<vmem_shared>> -> memref<40x128xf32, #tpu.memory_space<vmem_shared>>
      %dma_start3A_318 = arith.constant 0 : i32
      %dma_start3A_319 = arith.constant 0 : i32
      %dma_start3A_320 = tpu.memref_slice %arg11[%run_scoped3A_75, %dma_start3A_318, %dma_start3A_319] : memref<4x40x128xf32, #tpu.memory_space<vmem>> -> memref<1x40x128xf32, #tpu.memory_space<vmem>>
      %dma_start3A_321 = tpu.memref_squeeze %dma_start3A_320 : memref<1x40x128xf32, #tpu.memory_space<vmem>> -> memref<40x128xf32, #tpu.memory_space<vmem>>
      tpu.enqueue_dma source(%dma_start3A_321 : memref<40x128xf32, #tpu.memory_space<vmem>>) target(%dma_start3A_317 : memref<40x128xf32, #tpu.memory_space<vmem_shared>>) target_semaphore(%run_scoped3A_309 : memref<!tpu.dma_semaphore, #tpu.memory_space<semaphore_mem>>)
      %dma_wait3A_322 = arith.constant 0 : i32
      %dma_wait3A_323 = arith.constant 0 : i32
      %dma_wait3A_324 = tpu.memref_slice %arg11[%run_scoped3A_75, %dma_wait3A_322, %dma_wait3A_323] : memref<4x40x128xf32, #tpu.memory_space<vmem>> -> memref<1x40x128xf32, #tpu.memory_space<vmem>>
      %dma_wait3A_325 = tpu.memref_squeeze %dma_wait3A_324 : memref<1x40x128xf32, #tpu.memory_space<vmem>> -> memref<40x128xf32, #tpu.memory_space<vmem>>
      %dma_wait3A_326 = arith.constant 0 : i32
      %dma_wait3A_327 = tpu.memref_slice %arg12[%add3A_74, %dma_wait3A_326] : memref<10000x128xf32, #tpu.memory_space<vmem_shared>> -> memref<40x128xf32, #tpu.memory_space<vmem_shared>>
      %dma_wait3A_328 = arith.constant 0 : i32
      %dma_wait3A_329 = tpu.memref_slice %arg12[%add3A_74, %dma_wait3A_328] : memref<10000x128xf32, #tpu.memory_space<vmem_shared>> -> memref<40x128xf32, #tpu.memory_space<vmem_shared>>
      %dma_wait3A_330 = arith.constant 0 : i32
      %dma_wait3A_331 = arith.constant 0 : i32
      %dma_wait3A_332 = tpu.memref_slice %arg11[%run_scoped3A_75, %dma_wait3A_330, %dma_wait3A_331] : memref<4x40x128xf32, #tpu.memory_space<vmem>> -> memref<1x40x128xf32, #tpu.memory_space<vmem>>
      %dma_wait3A_333 = tpu.memref_squeeze %dma_wait3A_332 : memref<1x40x128xf32, #tpu.memory_space<vmem>> -> memref<40x128xf32, #tpu.memory_space<vmem>>
      tpu.wait_dma2 semaphore(%run_scoped3A_309 : memref<!tpu.dma_semaphore, #tpu.memory_space<semaphore_mem>>) src(%dma_wait3A_333 : memref<40x128xf32, #tpu.memory_space<vmem>>) dst(%dma_wait3A_329 : memref<40x128xf32, #tpu.memory_space<vmem_shared>>)
      tpu.yield
    }) : () -> ()
    %mul3A_76 = arith.constant 624 : i32
    %mul3A_77 = arith.muli %arg1, %mul3A_76 : i32
    %add3A_78 = arith.constant 600 : i32
    %add3A_79 = arith.addi %mul3A_77, %add3A_78 : i32
    %run_scoped3A_80 = arith.constant 0 : i32
    "tpu.region"() ({
      %run_scoped3A_309 = tpu.sem_alloc : memref<!tpu.dma_semaphore, #tpu.memory_space<semaphore_mem>>
      %dma_start3A_310 = arith.constant 0 : i32
      %dma_start3A_311 = arith.constant 0 : i32
      %dma_start3A_312 = tpu.memref_slice %arg11[%run_scoped3A_80, %dma_start3A_310, %dma_start3A_311] : memref<4x40x128xf32, #tpu.memory_space<vmem>> -> memref<1x24x128xf32, #tpu.memory_space<vmem>>
      %dma_start3A_313 = tpu.memref_squeeze %dma_start3A_312 : memref<1x24x128xf32, #tpu.memory_space<vmem>> -> memref<24x128xf32, #tpu.memory_space<vmem>>
      %dma_start3A_314 = arith.constant 0 : i32
      %dma_start3A_315 = tpu.memref_slice %arg12[%add3A_79, %dma_start3A_314] : memref<10000x128xf32, #tpu.memory_space<vmem_shared>> -> memref<24x128xf32, #tpu.memory_space<vmem_shared>>
      %dma_start3A_316 = arith.constant 0 : i32
      %dma_start3A_317 = tpu.memref_slice %arg12[%add3A_79, %dma_start3A_316] : memref<10000x128xf32, #tpu.memory_space<vmem_shared>> -> memref<24x128xf32, #tpu.memory_space<vmem_shared>>
      %dma_start3A_318 = arith.constant 0 : i32
      %dma_start3A_319 = arith.constant 0 : i32
      %dma_start3A_320 = tpu.memref_slice %arg11[%run_scoped3A_80, %dma_start3A_318, %dma_start3A_319] : memref<4x40x128xf32, #tpu.memory_space<vmem>> -> memref<1x24x128xf32, #tpu.memory_space<vmem>>
      %dma_start3A_321 = tpu.memref_squeeze %dma_start3A_320 : memref<1x24x128xf32, #tpu.memory_space<vmem>> -> memref<24x128xf32, #tpu.memory_space<vmem>>
      tpu.enqueue_dma source(%dma_start3A_321 : memref<24x128xf32, #tpu.memory_space<vmem>>) target(%dma_start3A_317 : memref<24x128xf32, #tpu.memory_space<vmem_shared>>) target_semaphore(%run_scoped3A_309 : memref<!tpu.dma_semaphore, #tpu.memory_space<semaphore_mem>>)
      %dma_wait3A_322 = arith.constant 0 : i32
      %dma_wait3A_323 = arith.constant 0 : i32
      %dma_wait3A_324 = tpu.memref_slice %arg11[%run_scoped3A_80, %dma_wait3A_322, %dma_wait3A_323] : memref<4x40x128xf32, #tpu.memory_space<vmem>> -> memref<1x24x128xf32, #tpu.memory_space<vmem>>
      %dma_wait3A_325 = tpu.memref_squeeze %dma_wait3A_324 : memref<1x24x128xf32, #tpu.memory_space<vmem>> -> memref<24x128xf32, #tpu.memory_space<vmem>>
      %dma_wait3A_326 = arith.constant 0 : i32
      %dma_wait3A_327 = tpu.memref_slice %arg12[%add3A_79, %dma_wait3A_326] : memref<10000x128xf32, #tpu.memory_space<vmem_shared>> -> memref<24x128xf32, #tpu.memory_space<vmem_shared>>
      %dma_wait3A_328 = arith.constant 0 : i32
      %dma_wait3A_329 = tpu.memref_slice %arg12[%add3A_79, %dma_wait3A_328] : memref<10000x128xf32, #tpu.memory_space<vmem_shared>> -> memref<24x128xf32, #tpu.memory_space<vmem_shared>>
      %dma_wait3A_330 = arith.constant 0 : i32
      %dma_wait3A_331 = arith.constant 0 : i32
      %dma_wait3A_332 = tpu.memref_slice %arg11[%run_scoped3A_80, %dma_wait3A_330, %dma_wait3A_331] : memref<4x40x128xf32, #tpu.memory_space<vmem>> -> memref<1x24x128xf32, #tpu.memory_space<vmem>>
      %dma_wait3A_333 = tpu.memref_squeeze %dma_wait3A_332 : memref<1x24x128xf32, #tpu.memory_space<vmem>> -> memref<24x128xf32, #tpu.memory_space<vmem>>
      tpu.wait_dma2 semaphore(%run_scoped3A_309 : memref<!tpu.dma_semaphore, #tpu.memory_space<semaphore_mem>>) src(%dma_wait3A_333 : memref<24x128xf32, #tpu.memory_space<vmem>>) dst(%dma_wait3A_329 : memref<24x128xf32, #tpu.memory_space<vmem_shared>>)
      tpu.yield
    }) : () -> ()
    %eq3A = arith.constant 15 : i32
    %eq3A_81 = arith.cmpi eq, %arg1, %eq3A : i32
    %convert_element_type3A = arith.extui %eq3A_81 : i1 to i32
    %cond3A = arith.constant 0 : i32
    %cond3A_82 = arith.cmpi ne, %convert_element_type3A, %cond3A : i32
    scf.if %cond3A_82 {
      %run_scoped3A_309 = arith.constant 0 : i32
      "tpu.region"() ({
        %run_scoped3A_310 = tpu.sem_alloc : memref<!tpu.dma_semaphore, #tpu.memory_space<semaphore_mem>>
        %dma_start3A_311 = arith.constant 0 : i32
        %dma_start3A_312 = arith.constant 0 : i32
        %dma_start3A_313 = tpu.memref_slice %arg11[%run_scoped3A_309, %dma_start3A_311, %dma_start3A_312] : memref<4x40x128xf32, #tpu.memory_space<vmem>> -> memref<1x16x128xf32, #tpu.memory_space<vmem>>
        %dma_start3A_314 = tpu.memref_squeeze %dma_start3A_313 : memref<1x16x128xf32, #tpu.memory_space<vmem>> -> memref<16x128xf32, #tpu.memory_space<vmem>>
        %dma_start3A_315 = arith.constant 9984 : i32
        %dma_start3A_316 = arith.constant 0 : i32
        %dma_start3A_317 = tpu.memref_slice %arg12[%dma_start3A_315, %dma_start3A_316] : memref<10000x128xf32, #tpu.memory_space<vmem_shared>> -> memref<16x128xf32, #tpu.memory_space<vmem_shared>>
        %dma_start3A_318 = arith.constant 9984 : i32
        %dma_start3A_319 = arith.constant 0 : i32
        %dma_start3A_320 = tpu.memref_slice %arg12[%dma_start3A_318, %dma_start3A_319] : memref<10000x128xf32, #tpu.memory_space<vmem_shared>> -> memref<16x128xf32, #tpu.memory_space<vmem_shared>>
        %dma_start3A_321 = arith.constant 0 : i32
        %dma_start3A_322 = arith.constant 0 : i32
        %dma_start3A_323 = tpu.memref_slice %arg11[%run_scoped3A_309, %dma_start3A_321, %dma_start3A_322] : memref<4x40x128xf32, #tpu.memory_space<vmem>> -> memref<1x16x128xf32, #tpu.memory_space<vmem>>
        %dma_start3A_324 = tpu.memref_squeeze %dma_start3A_323 : memref<1x16x128xf32, #tpu.memory_space<vmem>> -> memref<16x128xf32, #tpu.memory_space<vmem>>
        tpu.enqueue_dma source(%dma_start3A_324 : memref<16x128xf32, #tpu.memory_space<vmem>>) target(%dma_start3A_320 : memref<16x128xf32, #tpu.memory_space<vmem_shared>>) target_semaphore(%run_scoped3A_310 : memref<!tpu.dma_semaphore, #tpu.memory_space<semaphore_mem>>)
        %dma_wait3A_325 = arith.constant 0 : i32
        %dma_wait3A_326 = arith.constant 0 : i32
        %dma_wait3A_327 = tpu.memref_slice %arg11[%run_scoped3A_309, %dma_wait3A_325, %dma_wait3A_326] : memref<4x40x128xf32, #tpu.memory_space<vmem>> -> memref<1x16x128xf32, #tpu.memory_space<vmem>>
        %dma_wait3A_328 = tpu.memref_squeeze %dma_wait3A_327 : memref<1x16x128xf32, #tpu.memory_space<vmem>> -> memref<16x128xf32, #tpu.memory_space<vmem>>
        %dma_wait3A_329 = arith.constant 9984 : i32
        %dma_wait3A_330 = arith.constant 0 : i32
        %dma_wait3A_331 = tpu.memref_slice %arg12[%dma_wait3A_329, %dma_wait3A_330] : memref<10000x128xf32, #tpu.memory_space<vmem_shared>> -> memref<16x128xf32, #tpu.memory_space<vmem_shared>>
        %dma_wait3A_332 = arith.constant 9984 : i32
        %dma_wait3A_333 = arith.constant 0 : i32
        %dma_wait3A_334 = tpu.memref_slice %arg12[%dma_wait3A_332, %dma_wait3A_333] : memref<10000x128xf32, #tpu.memory_space<vmem_shared>> -> memref<16x128xf32, #tpu.memory_space<vmem_shared>>
        %dma_wait3A_335 = arith.constant 0 : i32
        %dma_wait3A_336 = arith.constant 0 : i32
        %dma_wait3A_337 = tpu.memref_slice %arg11[%run_scoped3A_309, %dma_wait3A_335, %dma_wait3A_336] : memref<4x40x128xf32, #tpu.memory_space<vmem>> -> memref<1x16x128xf32, #tpu.memory_space<vmem>>
        %dma_wait3A_338 = tpu.memref_squeeze %dma_wait3A_337 : memref<1x16x128xf32, #tpu.memory_space<vmem>> -> memref<16x128xf32, #tpu.memory_space<vmem>>
        tpu.wait_dma2 semaphore(%run_scoped3A_310 : memref<!tpu.dma_semaphore, #tpu.memory_space<semaphore_mem>>) src(%dma_wait3A_338 : memref<16x128xf32, #tpu.memory_space<vmem>>) dst(%dma_wait3A_334 : memref<16x128xf32, #tpu.memory_space<vmem_shared>>)
        tpu.yield
      }) : () -> ()
    } else {
    }
    %barrier3A = arith.constant 0 : index
    tpu.barrier barrier_id(%barrier3A)
    %mul3A_83 = arith.constant 16 : i32
    %mul3A_84 = arith.muli %arg0, %mul3A_83 : i32
    %add3A_85 = arith.addi %mul3A_84, %arg1 : i32
    %mul3A_86 = arith.constant 125 : i32
    %mul3A_87 = arith.muli %add3A_85, %mul3A_86 : i32
    %rem3A = arith.constant 0 : i32
    %rem3A_88 = arith.constant 4 : i32
    %rem3A_89 = arith.remsi %rem3A, %rem3A_88 : i32
    %add3A_90 = arith.constant 0 : i32
    %add3A_91 = arith.addi %mul3A_87, %add3A_90 : i32
    %dma_start3A = arith.constant 0 : i32
    %dma_start3A_92 = arith.constant 0 : i32
    %dma_start3A_93 = arith.constant 0 : i32
    %dma_start3A_94 = tpu.memref_slice %arg9[%rem3A_89, %dma_start3A, %dma_start3A_92, %dma_start3A_93] : memref<4x2x2x40xi32, #tpu.memory_space<vmem>> -> memref<1x2x2x40xi32, #tpu.memory_space<vmem>>
    %dma_start3A_95 = tpu.memref_squeeze %dma_start3A_94 : memref<1x2x2x40xi32, #tpu.memory_space<vmem>> -> memref<2x2x40xi32, #tpu.memory_space<vmem>>
    %dma_start3A_96 = arith.constant 0 : i32
    %dma_start3A_97 = arith.constant 0 : i32
    %dma_start3A_98 = arith.constant 0 : i32
    %dma_start3A_99 = tpu.memref_slice %arg3[%add3A_91, %dma_start3A_96, %dma_start3A_97, %dma_start3A_98] : memref<4000x2x2x40xi32, #tpu.memory_space<hbm>> -> memref<1x2x2x40xi32, #tpu.memory_space<hbm>>
    %dma_start3A_100 = tpu.memref_squeeze %dma_start3A_99 : memref<1x2x2x40xi32, #tpu.memory_space<hbm>> -> memref<2x2x40xi32, #tpu.memory_space<hbm>>
    %dma_start3A_101 = tpu.memref_slice %arg13[%rem3A_89] : memref<4x!tpu.dma_semaphore, #tpu.memory_space<semaphore_mem>> -> memref<1x!tpu.dma_semaphore, #tpu.memory_space<semaphore_mem>>
    %dma_start3A_102 = tpu.memref_squeeze %dma_start3A_101 : memref<1x!tpu.dma_semaphore, #tpu.memory_space<semaphore_mem>> -> memref<!tpu.dma_semaphore, #tpu.memory_space<semaphore_mem>>
    %dma_start3A_103 = arith.constant 0 : i32
    %dma_start3A_104 = arith.constant 0 : i32
    %dma_start3A_105 = arith.constant 0 : i32
    %dma_start3A_106 = tpu.memref_slice %arg9[%rem3A_89, %dma_start3A_103, %dma_start3A_104, %dma_start3A_105] : memref<4x2x2x40xi32, #tpu.memory_space<vmem>> -> memref<1x2x2x40xi32, #tpu.memory_space<vmem>>
    %dma_start3A_107 = tpu.memref_squeeze %dma_start3A_106 : memref<1x2x2x40xi32, #tpu.memory_space<vmem>> -> memref<2x2x40xi32, #tpu.memory_space<vmem>>
    %dma_start3A_108 = arith.constant 0 : i32
    %dma_start3A_109 = arith.constant 0 : i32
    %dma_start3A_110 = arith.constant 0 : i32
    %dma_start3A_111 = tpu.memref_slice %arg3[%add3A_91, %dma_start3A_108, %dma_start3A_109, %dma_start3A_110] : memref<4000x2x2x40xi32, #tpu.memory_space<hbm>> -> memref<1x2x2x40xi32, #tpu.memory_space<hbm>>
    %dma_start3A_112 = tpu.memref_squeeze %dma_start3A_111 : memref<1x2x2x40xi32, #tpu.memory_space<hbm>> -> memref<2x2x40xi32, #tpu.memory_space<hbm>>
    tpu.enqueue_dma source(%dma_start3A_112 : memref<2x2x40xi32, #tpu.memory_space<hbm>>) target(%dma_start3A_107 : memref<2x2x40xi32, #tpu.memory_space<vmem>>) target_semaphore(%dma_start3A_102 : memref<!tpu.dma_semaphore, #tpu.memory_space<semaphore_mem>>)
    %rem3A_113 = arith.constant 1 : i32
    %rem3A_114 = arith.constant 4 : i32
    %rem3A_115 = arith.remsi %rem3A_113, %rem3A_114 : i32
    %add3A_116 = arith.constant 1 : i32
    %add3A_117 = arith.addi %mul3A_87, %add3A_116 : i32
    %dma_start3A_118 = arith.constant 0 : i32
    %dma_start3A_119 = arith.constant 0 : i32
    %dma_start3A_120 = arith.constant 0 : i32
    %dma_start3A_121 = tpu.memref_slice %arg9[%rem3A_115, %dma_start3A_118, %dma_start3A_119, %dma_start3A_120] : memref<4x2x2x40xi32, #tpu.memory_space<vmem>> -> memref<1x2x2x40xi32, #tpu.memory_space<vmem>>
    %dma_start3A_122 = tpu.memref_squeeze %dma_start3A_121 : memref<1x2x2x40xi32, #tpu.memory_space<vmem>> -> memref<2x2x40xi32, #tpu.memory_space<vmem>>
    %dma_start3A_123 = arith.constant 0 : i32
    %dma_start3A_124 = arith.constant 0 : i32
    %dma_start3A_125 = arith.constant 0 : i32
    %dma_start3A_126 = tpu.memref_slice %arg3[%add3A_117, %dma_start3A_123, %dma_start3A_124, %dma_start3A_125] : memref<4000x2x2x40xi32, #tpu.memory_space<hbm>> -> memref<1x2x2x40xi32, #tpu.memory_space<hbm>>
    %dma_start3A_127 = tpu.memref_squeeze %dma_start3A_126 : memref<1x2x2x40xi32, #tpu.memory_space<hbm>> -> memref<2x2x40xi32, #tpu.memory_space<hbm>>
    %dma_start3A_128 = tpu.memref_slice %arg13[%rem3A_115] : memref<4x!tpu.dma_semaphore, #tpu.memory_space<semaphore_mem>> -> memref<1x!tpu.dma_semaphore, #tpu.memory_space<semaphore_mem>>
    %dma_start3A_129 = tpu.memref_squeeze %dma_start3A_128 : memref<1x!tpu.dma_semaphore, #tpu.memory_space<semaphore_mem>> -> memref<!tpu.dma_semaphore, #tpu.memory_space<semaphore_mem>>
    %dma_start3A_130 = arith.constant 0 : i32
    %dma_start3A_131 = arith.constant 0 : i32
    %dma_start3A_132 = arith.constant 0 : i32
    %dma_start3A_133 = tpu.memref_slice %arg9[%rem3A_115, %dma_start3A_130, %dma_start3A_131, %dma_start3A_132] : memref<4x2x2x40xi32, #tpu.memory_space<vmem>> -> memref<1x2x2x40xi32, #tpu.memory_space<vmem>>
    %dma_start3A_134 = tpu.memref_squeeze %dma_start3A_133 : memref<1x2x2x40xi32, #tpu.memory_space<vmem>> -> memref<2x2x40xi32, #tpu.memory_space<vmem>>
    %dma_start3A_135 = arith.constant 0 : i32
    %dma_start3A_136 = arith.constant 0 : i32
    %dma_start3A_137 = arith.constant 0 : i32
    %dma_start3A_138 = tpu.memref_slice %arg3[%add3A_117, %dma_start3A_135, %dma_start3A_136, %dma_start3A_137] : memref<4000x2x2x40xi32, #tpu.memory_space<hbm>> -> memref<1x2x2x40xi32, #tpu.memory_space<hbm>>
    %dma_start3A_139 = tpu.memref_squeeze %dma_start3A_138 : memref<1x2x2x40xi32, #tpu.memory_space<hbm>> -> memref<2x2x40xi32, #tpu.memory_space<hbm>>
    tpu.enqueue_dma source(%dma_start3A_139 : memref<2x2x40xi32, #tpu.memory_space<hbm>>) target(%dma_start3A_134 : memref<2x2x40xi32, #tpu.memory_space<vmem>>) target_semaphore(%dma_start3A_129 : memref<!tpu.dma_semaphore, #tpu.memory_space<semaphore_mem>>)
    %rem3A_140 = arith.constant 2 : i32
    %rem3A_141 = arith.constant 4 : i32
    %rem3A_142 = arith.remsi %rem3A_140, %rem3A_141 : i32
    %add3A_143 = arith.constant 2 : i32
    %add3A_144 = arith.addi %mul3A_87, %add3A_143 : i32
    %dma_start3A_145 = arith.constant 0 : i32
    %dma_start3A_146 = arith.constant 0 : i32
    %dma_start3A_147 = arith.constant 0 : i32
    %dma_start3A_148 = tpu.memref_slice %arg9[%rem3A_142, %dma_start3A_145, %dma_start3A_146, %dma_start3A_147] : memref<4x2x2x40xi32, #tpu.memory_space<vmem>> -> memref<1x2x2x40xi32, #tpu.memory_space<vmem>>
    %dma_start3A_149 = tpu.memref_squeeze %dma_start3A_148 : memref<1x2x2x40xi32, #tpu.memory_space<vmem>> -> memref<2x2x40xi32, #tpu.memory_space<vmem>>
    %dma_start3A_150 = arith.constant 0 : i32
    %dma_start3A_151 = arith.constant 0 : i32
    %dma_start3A_152 = arith.constant 0 : i32
    %dma_start3A_153 = tpu.memref_slice %arg3[%add3A_144, %dma_start3A_150, %dma_start3A_151, %dma_start3A_152] : memref<4000x2x2x40xi32, #tpu.memory_space<hbm>> -> memref<1x2x2x40xi32, #tpu.memory_space<hbm>>
    %dma_start3A_154 = tpu.memref_squeeze %dma_start3A_153 : memref<1x2x2x40xi32, #tpu.memory_space<hbm>> -> memref<2x2x40xi32, #tpu.memory_space<hbm>>
    %dma_start3A_155 = tpu.memref_slice %arg13[%rem3A_142] : memref<4x!tpu.dma_semaphore, #tpu.memory_space<semaphore_mem>> -> memref<1x!tpu.dma_semaphore, #tpu.memory_space<semaphore_mem>>
    %dma_start3A_156 = tpu.memref_squeeze %dma_start3A_155 : memref<1x!tpu.dma_semaphore, #tpu.memory_space<semaphore_mem>> -> memref<!tpu.dma_semaphore, #tpu.memory_space<semaphore_mem>>
    %dma_start3A_157 = arith.constant 0 : i32
    %dma_start3A_158 = arith.constant 0 : i32
    %dma_start3A_159 = arith.constant 0 : i32
    %dma_start3A_160 = tpu.memref_slice %arg9[%rem3A_142, %dma_start3A_157, %dma_start3A_158, %dma_start3A_159] : memref<4x2x2x40xi32, #tpu.memory_space<vmem>> -> memref<1x2x2x40xi32, #tpu.memory_space<vmem>>
    %dma_start3A_161 = tpu.memref_squeeze %dma_start3A_160 : memref<1x2x2x40xi32, #tpu.memory_space<vmem>> -> memref<2x2x40xi32, #tpu.memory_space<vmem>>
    %dma_start3A_162 = arith.constant 0 : i32
    %dma_start3A_163 = arith.constant 0 : i32
    %dma_start3A_164 = arith.constant 0 : i32
    %dma_start3A_165 = tpu.memref_slice %arg3[%add3A_144, %dma_start3A_162, %dma_start3A_163, %dma_start3A_164] : memref<4000x2x2x40xi32, #tpu.memory_space<hbm>> -> memref<1x2x2x40xi32, #tpu.memory_space<hbm>>
    %dma_start3A_166 = tpu.memref_squeeze %dma_start3A_165 : memref<1x2x2x40xi32, #tpu.memory_space<hbm>> -> memref<2x2x40xi32, #tpu.memory_space<hbm>>
    tpu.enqueue_dma source(%dma_start3A_166 : memref<2x2x40xi32, #tpu.memory_space<hbm>>) target(%dma_start3A_161 : memref<2x2x40xi32, #tpu.memory_space<vmem>>) target_semaphore(%dma_start3A_156 : memref<!tpu.dma_semaphore, #tpu.memory_space<semaphore_mem>>)
    %rem3A_167 = arith.constant 0 : i32
    %rem3A_168 = arith.constant 4 : i32
    %rem3A_169 = arith.remsi %rem3A_167, %rem3A_168 : i32
    %dma_wait3A = arith.constant 0 : i32
    %dma_wait3A_170 = arith.constant 0 : i32
    %dma_wait3A_171 = arith.constant 0 : i32
    %dma_wait3A_172 = tpu.memref_slice %arg9[%rem3A_169, %dma_wait3A, %dma_wait3A_170, %dma_wait3A_171] : memref<4x2x2x40xi32, #tpu.memory_space<vmem>> -> memref<1x2x2x40xi32, #tpu.memory_space<vmem>>
    %dma_wait3A_173 = tpu.memref_squeeze %dma_wait3A_172 : memref<1x2x2x40xi32, #tpu.memory_space<vmem>> -> memref<2x2x40xi32, #tpu.memory_space<vmem>>
    %dma_wait3A_174 = arith.constant 0 : i32
    %dma_wait3A_175 = arith.constant 0 : i32
    %dma_wait3A_176 = arith.constant 0 : i32
    %dma_wait3A_177 = tpu.memref_slice %arg3[%mul3A_87, %dma_wait3A_174, %dma_wait3A_175, %dma_wait3A_176] : memref<4000x2x2x40xi32, #tpu.memory_space<hbm>> -> memref<1x2x2x40xi32, #tpu.memory_space<hbm>>
    %dma_wait3A_178 = tpu.memref_squeeze %dma_wait3A_177 : memref<1x2x2x40xi32, #tpu.memory_space<hbm>> -> memref<2x2x40xi32, #tpu.memory_space<hbm>>
    %dma_wait3A_179 = tpu.memref_slice %arg13[%rem3A_169] : memref<4x!tpu.dma_semaphore, #tpu.memory_space<semaphore_mem>> -> memref<1x!tpu.dma_semaphore, #tpu.memory_space<semaphore_mem>>
    %dma_wait3A_180 = tpu.memref_squeeze %dma_wait3A_179 : memref<1x!tpu.dma_semaphore, #tpu.memory_space<semaphore_mem>> -> memref<!tpu.dma_semaphore, #tpu.memory_space<semaphore_mem>>
    %dma_wait3A_181 = arith.constant 0 : i32
    %dma_wait3A_182 = arith.constant 0 : i32
    %dma_wait3A_183 = arith.constant 0 : i32
    %dma_wait3A_184 = tpu.memref_slice %arg9[%rem3A_169, %dma_wait3A_181, %dma_wait3A_182, %dma_wait3A_183] : memref<4x2x2x40xi32, #tpu.memory_space<vmem>> -> memref<1x2x2x40xi32, #tpu.memory_space<vmem>>
    %dma_wait3A_185 = tpu.memref_squeeze %dma_wait3A_184 : memref<1x2x2x40xi32, #tpu.memory_space<vmem>> -> memref<2x2x40xi32, #tpu.memory_space<vmem>>
    %dma_wait3A_186 = arith.constant 0 : i32
    %dma_wait3A_187 = arith.constant 0 : i32
    %dma_wait3A_188 = arith.constant 0 : i32
    %dma_wait3A_189 = tpu.memref_slice %arg3[%mul3A_87, %dma_wait3A_186, %dma_wait3A_187, %dma_wait3A_188] : memref<4000x2x2x40xi32, #tpu.memory_space<hbm>> -> memref<1x2x2x40xi32, #tpu.memory_space<hbm>>
    %dma_wait3A_190 = tpu.memref_squeeze %dma_wait3A_189 : memref<1x2x2x40xi32, #tpu.memory_space<hbm>> -> memref<2x2x40xi32, #tpu.memory_space<hbm>>
    tpu.wait_dma2 semaphore(%dma_wait3A_180 : memref<!tpu.dma_semaphore, #tpu.memory_space<semaphore_mem>>) src(%dma_wait3A_190 : memref<2x2x40xi32, #tpu.memory_space<hbm>>) dst(%dma_wait3A_185 : memref<2x2x40xi32, #tpu.memory_space<vmem>>)
    %div3A = arith.constant 0 : i32
    %div3A_191 = arith.constant 2 : i32
    %div3A_192 = arith.divsi %div3A, %div3A_191 : i32
    %rem3A_193 = arith.constant 4 : i32
    %rem3A_194 = arith.remsi %div3A_192, %rem3A_193 : i32
    %rem3A_195 = arith.constant 0 : i32
    %rem3A_196 = arith.constant 2 : i32
    %rem3A_197 = arith.remsi %rem3A_195, %rem3A_196 : i32
    %rem3A_198 = arith.constant 0 : i32
    %rem3A_199 = arith.constant 4 : i32
    %rem3A_200 = arith.remsi %rem3A_198, %rem3A_199 : i32
    %dma_start3A_201 = arith.constant 0 : i32
    %dma_start3A_202 = arith.constant 0 : i32
    %dma_start3A_203 = arith.constant 0 : i32
    %dma_start3A_204 = tpu.memref_slice %arg11[%rem3A_200, %dma_start3A_202, %dma_start3A_203] : memref<4x40x128xf32, #tpu.memory_space<vmem>> -> memref<1x40x128xf32, #tpu.memory_space<vmem>>
    %dma_start3A_205 = tpu.memref_squeeze %dma_start3A_204 : memref<1x40x128xf32, #tpu.memory_space<vmem>> -> memref<40x128xf32, #tpu.memory_space<vmem>>
    %dma_start3A_206 = arith.constant 0 : i32
    %dma_start3A_207 = tpu.memref_slice %arg9[%rem3A_194, %dma_start3A_201, %rem3A_197, %dma_start3A_206] : memref<4x2x2x40xi32, #tpu.memory_space<vmem>> -> memref<1x1x1x40xi32, #tpu.memory_space<vmem>>
    %dma_start3A_208 = tpu.memref_squeeze %dma_start3A_207 : memref<1x1x1x40xi32, #tpu.memory_space<vmem>> -> memref<40xi32, #tpu.memory_space<vmem>>
    %dma_start3A_209 = arith.constant 0 : i32
    %dma_start3A_210 = arith.constant 0 : i32
    %dma_start3A_211 = tpu.memref_slice %arg2[%dma_start3A_209, %dma_start3A_210] : memref<10000x128xf32, #tpu.memory_space<hbm>> -> memref<10000x128xf32, #tpu.memory_space<hbm>>
    %dma_start3A_212 = tpu.memref_slice %arg14[%rem3A_200] : memref<4x!tpu.dma_semaphore, #tpu.memory_space<semaphore_mem>> -> memref<1x!tpu.dma_semaphore, #tpu.memory_space<semaphore_mem>>
    %dma_start3A_213 = tpu.memref_squeeze %dma_start3A_212 : memref<1x!tpu.dma_semaphore, #tpu.memory_space<semaphore_mem>> -> memref<!tpu.dma_semaphore, #tpu.memory_space<semaphore_mem>>
    tpu.enqueue_indirect_dma source(%dma_start3A_211 : memref<10000x128xf32, #tpu.memory_space<hbm>>) target(%dma_start3A_205 : memref<40x128xf32, #tpu.memory_space<vmem>>) offsets(%dma_start3A_208 : memref<40xi32, #tpu.memory_space<vmem>>) semaphore(%dma_start3A_213 : memref<!tpu.dma_semaphore, #tpu.memory_space<semaphore_mem>>)
    %div3A_214 = arith.constant 1 : i32
    %div3A_215 = arith.constant 2 : i32
    %div3A_216 = arith.divsi %div3A_214, %div3A_215 : i32
    %rem3A_217 = arith.constant 4 : i32
    %rem3A_218 = arith.remsi %div3A_216, %rem3A_217 : i32
    %rem3A_219 = arith.constant 1 : i32
    %rem3A_220 = arith.constant 2 : i32
    %rem3A_221 = arith.remsi %rem3A_219, %rem3A_220 : i32
    %rem3A_222 = arith.constant 1 : i32
    %rem3A_223 = arith.constant 4 : i32
    %rem3A_224 = arith.remsi %rem3A_222, %rem3A_223 : i32
    %dma_start3A_225 = arith.constant 0 : i32
    %dma_start3A_226 = arith.constant 0 : i32
    %dma_start3A_227 = arith.constant 0 : i32
    %dma_start3A_228 = tpu.memref_slice %arg11[%rem3A_224, %dma_start3A_226, %dma_start3A_227] : memref<4x40x128xf32, #tpu.memory_space<vmem>> -> memref<1x40x128xf32, #tpu.memory_space<vmem>>
    %dma_start3A_229 = tpu.memref_squeeze %dma_start3A_228 : memref<1x40x128xf32, #tpu.memory_space<vmem>> -> memref<40x128xf32, #tpu.memory_space<vmem>>
    %dma_start3A_230 = arith.constant 0 : i32
    %dma_start3A_231 = tpu.memref_slice %arg9[%rem3A_218, %dma_start3A_225, %rem3A_221, %dma_start3A_230] : memref<4x2x2x40xi32, #tpu.memory_space<vmem>> -> memref<1x1x1x40xi32, #tpu.memory_space<vmem>>
    %dma_start3A_232 = tpu.memref_squeeze %dma_start3A_231 : memref<1x1x1x40xi32, #tpu.memory_space<vmem>> -> memref<40xi32, #tpu.memory_space<vmem>>
    %dma_start3A_233 = arith.constant 0 : i32
    %dma_start3A_234 = arith.constant 0 : i32
    %dma_start3A_235 = tpu.memref_slice %arg2[%dma_start3A_233, %dma_start3A_234] : memref<10000x128xf32, #tpu.memory_space<hbm>> -> memref<10000x128xf32, #tpu.memory_space<hbm>>
    %dma_start3A_236 = tpu.memref_slice %arg14[%rem3A_224] : memref<4x!tpu.dma_semaphore, #tpu.memory_space<semaphore_mem>> -> memref<1x!tpu.dma_semaphore, #tpu.memory_space<semaphore_mem>>
    %dma_start3A_237 = tpu.memref_squeeze %dma_start3A_236 : memref<1x!tpu.dma_semaphore, #tpu.memory_space<semaphore_mem>> -> memref<!tpu.dma_semaphore, #tpu.memory_space<semaphore_mem>>
    tpu.enqueue_indirect_dma source(%dma_start3A_235 : memref<10000x128xf32, #tpu.memory_space<hbm>>) target(%dma_start3A_229 : memref<40x128xf32, #tpu.memory_space<vmem>>) offsets(%dma_start3A_232 : memref<40xi32, #tpu.memory_space<vmem>>) semaphore(%dma_start3A_237 : memref<!tpu.dma_semaphore, #tpu.memory_space<semaphore_mem>>)
    %scan3A_238 = arith.constant 0 : i32
    %scan3A_239 = arith.constant 125 : i32
    %scan3A_240 = arith.addi %scan3A_238, %scan3A_239 : i32
    %scan3A_241 = arith.constant 1 : i32
    scf.for %scan3A_309 = %scan3A_238 to %scan3A_240 step %scan3A_241  : i32 {
      %mul3A_310 = arith.constant 1 : i32
      %mul3A_311 = arith.muli %scan3A_309, %mul3A_310 : i32
      %add3A_312 = arith.constant 0 : i32
      %add3A_313 = arith.addi %add3A_312, %mul3A_311 : i32
      %mul3A_314 = arith.constant 2 : i32
      %mul3A_315 = arith.muli %add3A_313, %mul3A_314 : i32
      %div3A_316 = arith.constant 2 : i32
      %div3A_317 = arith.divsi %mul3A_315, %div3A_316 : i32
      %rem3A_318 = arith.constant 4 : i32
      %rem3A_319 = arith.remsi %div3A_317, %rem3A_318 : i32
      %rem3A_320 = arith.constant 2 : i32
      %rem3A_321 = arith.remsi %mul3A_315, %rem3A_320 : i32
      %rem3A_322 = arith.constant 4 : i32
      %rem3A_323 = arith.remsi %mul3A_315, %rem3A_322 : i32
      %dma_wait3A_324 = arith.constant 0 : i32
      %dma_wait3A_325 = arith.constant 0 : i32
      %dma_wait3A_326 = arith.constant 0 : i32
      %dma_wait3A_327 = tpu.memref_slice %arg11[%rem3A_323, %dma_wait3A_325, %dma_wait3A_326] : memref<4x40x128xf32, #tpu.memory_space<vmem>> -> memref<1x40x128xf32, #tpu.memory_space<vmem>>
      %dma_wait3A_328 = tpu.memref_squeeze %dma_wait3A_327 : memref<1x40x128xf32, #tpu.memory_space<vmem>> -> memref<40x128xf32, #tpu.memory_space<vmem>>
      %dma_wait3A_329 = arith.constant 0 : i32
      %dma_wait3A_330 = tpu.memref_slice %arg9[%rem3A_319, %dma_wait3A_324, %rem3A_321, %dma_wait3A_329] : memref<4x2x2x40xi32, #tpu.memory_space<vmem>> -> memref<1x1x1x40xi32, #tpu.memory_space<vmem>>
      %dma_wait3A_331 = tpu.memref_squeeze %dma_wait3A_330 : memref<1x1x1x40xi32, #tpu.memory_space<vmem>> -> memref<40xi32, #tpu.memory_space<vmem>>
      %dma_wait3A_332 = arith.constant 0 : i32
      %dma_wait3A_333 = arith.constant 0 : i32
      %dma_wait3A_334 = tpu.memref_slice %arg2[%dma_wait3A_332, %dma_wait3A_333] : memref<10000x128xf32, #tpu.memory_space<hbm>> -> memref<10000x128xf32, #tpu.memory_space<hbm>>
      %dma_wait3A_335 = tpu.memref_slice %arg14[%rem3A_323] : memref<4x!tpu.dma_semaphore, #tpu.memory_space<semaphore_mem>> -> memref<1x!tpu.dma_semaphore, #tpu.memory_space<semaphore_mem>>
      %dma_wait3A_336 = tpu.memref_squeeze %dma_wait3A_335 : memref<1x!tpu.dma_semaphore, #tpu.memory_space<semaphore_mem>> -> memref<!tpu.dma_semaphore, #tpu.memory_space<semaphore_mem>>
      tpu.wait_indirect_dma semaphore(%dma_wait3A_336 : memref<!tpu.dma_semaphore, #tpu.memory_space<semaphore_mem>>) src(%dma_wait3A_334 : memref<10000x128xf32, #tpu.memory_space<hbm>>) dst(%dma_wait3A_328 : memref<40x128xf32, #tpu.memory_space<vmem>>)
      %ge3A = arith.constant 2 : i32
      %ge3A_337 = arith.cmpi sge, %mul3A_315, %ge3A : i32
      %convert_element_type3A_338 = arith.extui %ge3A_337 : i1 to i32
      %cond3A_339 = arith.constant 0 : i32
      %cond3A_340 = arith.cmpi ne, %convert_element_type3A_338, %cond3A_339 : i32
      scf.if %cond3A_340 {
        %sub3A_707 = arith.constant 2 : i32
        %sub3A_708 = arith.subi %mul3A_315, %sub3A_707 : i32
        %div3A_709 = arith.constant 2 : i32
        %div3A_710 = arith.divsi %sub3A_708, %div3A_709 : i32
        %rem3A_711 = arith.constant 4 : i32
        %rem3A_712 = arith.remsi %div3A_710, %rem3A_711 : i32
        %rem3A_713 = arith.constant 2 : i32
        %rem3A_714 = arith.remsi %sub3A_708, %rem3A_713 : i32
        %rem3A_715 = arith.constant 4 : i32
        %rem3A_716 = arith.remsi %sub3A_708, %rem3A_715 : i32
        %dma_wait3A_717 = arith.constant 1 : i32
        %dma_wait3A_718 = arith.constant 0 : i32
        %dma_wait3A_719 = arith.constant 0 : i32
        %dma_wait3A_720 = tpu.memref_slice %arg11[%rem3A_716, %dma_wait3A_718, %dma_wait3A_719] : memref<4x40x128xf32, #tpu.memory_space<vmem>> -> memref<1x40x128xf32, #tpu.memory_space<vmem>>
        %dma_wait3A_721 = tpu.memref_squeeze %dma_wait3A_720 : memref<1x40x128xf32, #tpu.memory_space<vmem>> -> memref<40x128xf32, #tpu.memory_space<vmem>>
        %dma_wait3A_722 = arith.constant 0 : i32
        %dma_wait3A_723 = tpu.memref_slice %arg9[%rem3A_712, %dma_wait3A_717, %rem3A_714, %dma_wait3A_722] : memref<4x2x2x40xi32, #tpu.memory_space<vmem>> -> memref<1x1x1x40xi32, #tpu.memory_space<vmem>>
        %dma_wait3A_724 = tpu.memref_squeeze %dma_wait3A_723 : memref<1x1x1x40xi32, #tpu.memory_space<vmem>> -> memref<40xi32, #tpu.memory_space<vmem>>
        %dma_wait3A_725 = arith.constant 0 : i32
        %dma_wait3A_726 = arith.constant 0 : i32
        %dma_wait3A_727 = tpu.memref_slice %arg12[%dma_wait3A_725, %dma_wait3A_726] : memref<10000x128xf32, #tpu.memory_space<vmem_shared>> -> memref<10000x128xf32, #tpu.memory_space<vmem_shared>>
        %dma_wait3A_728 = tpu.memref_slice %arg15[%rem3A_716] : memref<4x!tpu.dma_semaphore, #tpu.memory_space<semaphore_mem>> -> memref<1x!tpu.dma_semaphore, #tpu.memory_space<semaphore_mem>>
        %dma_wait3A_729 = tpu.memref_squeeze %dma_wait3A_728 : memref<1x!tpu.dma_semaphore, #tpu.memory_space<semaphore_mem>> -> memref<!tpu.dma_semaphore, #tpu.memory_space<semaphore_mem>>
        tpu.wait_indirect_dma semaphore(%dma_wait3A_729 : memref<!tpu.dma_semaphore, #tpu.memory_space<semaphore_mem>>) src(%dma_wait3A_721 : memref<40x128xf32, #tpu.memory_space<vmem>>) dst(%dma_wait3A_727 : memref<10000x128xf32, #tpu.memory_space<vmem_shared>>)
      } else {
      }
      %add3A_341 = arith.constant 2 : i32
      %add3A_342 = arith.addi %mul3A_315, %add3A_341 : i32
      %lt3A = arith.constant 250 : i32
      %lt3A_343 = arith.cmpi slt, %add3A_342, %lt3A : i32
      %convert_element_type3A_344 = arith.extui %lt3A_343 : i1 to i32
      %cond3A_345 = arith.constant 0 : i32
      %cond3A_346 = arith.cmpi ne, %convert_element_type3A_344, %cond3A_345 : i32
      scf.if %cond3A_346 {
        %add3A_707 = arith.constant 1 : i32
        %add3A_708 = arith.addi %add3A_313, %add3A_707 : i32
        %rem3A_709 = arith.constant 4 : i32
        %rem3A_710 = arith.remsi %add3A_708, %rem3A_709 : i32
        %dma_wait3A_711 = arith.constant 0 : i32
        %dma_wait3A_712 = arith.constant 0 : i32
        %dma_wait3A_713 = arith.constant 0 : i32
        %dma_wait3A_714 = tpu.memref_slice %arg9[%rem3A_710, %dma_wait3A_711, %dma_wait3A_712, %dma_wait3A_713] : memref<4x2x2x40xi32, #tpu.memory_space<vmem>> -> memref<1x2x2x40xi32, #tpu.memory_space<vmem>>
        %dma_wait3A_715 = tpu.memref_squeeze %dma_wait3A_714 : memref<1x2x2x40xi32, #tpu.memory_space<vmem>> -> memref<2x2x40xi32, #tpu.memory_space<vmem>>
        %dma_wait3A_716 = arith.constant 0 : i32
        %dma_wait3A_717 = arith.constant 0 : i32
        %dma_wait3A_718 = arith.constant 0 : i32
        %dma_wait3A_719 = tpu.memref_slice %arg3[%mul3A_87, %dma_wait3A_716, %dma_wait3A_717, %dma_wait3A_718] : memref<4000x2x2x40xi32, #tpu.memory_space<hbm>> -> memref<1x2x2x40xi32, #tpu.memory_space<hbm>>
        %dma_wait3A_720 = tpu.memref_squeeze %dma_wait3A_719 : memref<1x2x2x40xi32, #tpu.memory_space<hbm>> -> memref<2x2x40xi32, #tpu.memory_space<hbm>>
        %dma_wait3A_721 = tpu.memref_slice %arg13[%rem3A_710] : memref<4x!tpu.dma_semaphore, #tpu.memory_space<semaphore_mem>> -> memref<1x!tpu.dma_semaphore, #tpu.memory_space<semaphore_mem>>
        %dma_wait3A_722 = tpu.memref_squeeze %dma_wait3A_721 : memref<1x!tpu.dma_semaphore, #tpu.memory_space<semaphore_mem>> -> memref<!tpu.dma_semaphore, #tpu.memory_space<semaphore_mem>>
        %dma_wait3A_723 = arith.constant 0 : i32
        %dma_wait3A_724 = arith.constant 0 : i32
        %dma_wait3A_725 = arith.constant 0 : i32
        %dma_wait3A_726 = tpu.memref_slice %arg9[%rem3A_710, %dma_wait3A_723, %dma_wait3A_724, %dma_wait3A_725] : memref<4x2x2x40xi32, #tpu.memory_space<vmem>> -> memref<1x2x2x40xi32, #tpu.memory_space<vmem>>
        %dma_wait3A_727 = tpu.memref_squeeze %dma_wait3A_726 : memref<1x2x2x40xi32, #tpu.memory_space<vmem>> -> memref<2x2x40xi32, #tpu.memory_space<vmem>>
        %dma_wait3A_728 = arith.constant 0 : i32
        %dma_wait3A_729 = arith.constant 0 : i32
        %dma_wait3A_730 = arith.constant 0 : i32
        %dma_wait3A_731 = tpu.memref_slice %arg3[%mul3A_87, %dma_wait3A_728, %dma_wait3A_729, %dma_wait3A_730] : memref<4000x2x2x40xi32, #tpu.memory_space<hbm>> -> memref<1x2x2x40xi32, #tpu.memory_space<hbm>>
        %dma_wait3A_732 = tpu.memref_squeeze %dma_wait3A_731 : memref<1x2x2x40xi32, #tpu.memory_space<hbm>> -> memref<2x2x40xi32, #tpu.memory_space<hbm>>
        tpu.wait_dma2 semaphore(%dma_wait3A_722 : memref<!tpu.dma_semaphore, #tpu.memory_space<semaphore_mem>>) src(%dma_wait3A_732 : memref<2x2x40xi32, #tpu.memory_space<hbm>>) dst(%dma_wait3A_727 : memref<2x2x40xi32, #tpu.memory_space<vmem>>)
        %add3A_733 = arith.constant 2 : i32
        %add3A_734 = arith.addi %mul3A_315, %add3A_733 : i32
        %div3A_735 = arith.constant 2 : i32
        %div3A_736 = arith.divsi %add3A_734, %div3A_735 : i32
        %rem3A_737 = arith.constant 4 : i32
        %rem3A_738 = arith.remsi %div3A_736, %rem3A_737 : i32
        %rem3A_739 = arith.constant 2 : i32
        %rem3A_740 = arith.remsi %add3A_734, %rem3A_739 : i32
        %rem3A_741 = arith.constant 4 : i32
        %rem3A_742 = arith.remsi %add3A_734, %rem3A_741 : i32
        %dma_start3A_743 = arith.constant 0 : i32
        %dma_start3A_744 = arith.constant 0 : i32
        %dma_start3A_745 = arith.constant 0 : i32
        %dma_start3A_746 = tpu.memref_slice %arg11[%rem3A_742, %dma_start3A_744, %dma_start3A_745] : memref<4x40x128xf32, #tpu.memory_space<vmem>> -> memref<1x40x128xf32, #tpu.memory_space<vmem>>
        %dma_start3A_747 = tpu.memref_squeeze %dma_start3A_746 : memref<1x40x128xf32, #tpu.memory_space<vmem>> -> memref<40x128xf32, #tpu.memory_space<vmem>>
        %dma_start3A_748 = arith.constant 0 : i32
        %dma_start3A_749 = tpu.memref_slice %arg9[%rem3A_738, %dma_start3A_743, %rem3A_740, %dma_start3A_748] : memref<4x2x2x40xi32, #tpu.memory_space<vmem>> -> memref<1x1x1x40xi32, #tpu.memory_space<vmem>>
        %dma_start3A_750 = tpu.memref_squeeze %dma_start3A_749 : memref<1x1x1x40xi32, #tpu.memory_space<vmem>> -> memref<40xi32, #tpu.memory_space<vmem>>
        %dma_start3A_751 = arith.constant 0 : i32
        %dma_start3A_752 = arith.constant 0 : i32
        %dma_start3A_753 = tpu.memref_slice %arg2[%dma_start3A_751, %dma_start3A_752] : memref<10000x128xf32, #tpu.memory_space<hbm>> -> memref<10000x128xf32, #tpu.memory_space<hbm>>
        %dma_start3A_754 = tpu.memref_slice %arg14[%rem3A_742] : memref<4x!tpu.dma_semaphore, #tpu.memory_space<semaphore_mem>> -> memref<1x!tpu.dma_semaphore, #tpu.memory_space<semaphore_mem>>
        %dma_start3A_755 = tpu.memref_squeeze %dma_start3A_754 : memref<1x!tpu.dma_semaphore, #tpu.memory_space<semaphore_mem>> -> memref<!tpu.dma_semaphore, #tpu.memory_space<semaphore_mem>>
        tpu.enqueue_indirect_dma source(%dma_start3A_753 : memref<10000x128xf32, #tpu.memory_space<hbm>>) target(%dma_start3A_747 : memref<40x128xf32, #tpu.memory_space<vmem>>) offsets(%dma_start3A_750 : memref<40xi32, #tpu.memory_space<vmem>>) semaphore(%dma_start3A_755 : memref<!tpu.dma_semaphore, #tpu.memory_space<semaphore_mem>>)
      } else {
      }
      %div3A_347 = arith.constant 2 : i32
      %div3A_348 = arith.divsi %mul3A_315, %div3A_347 : i32
      %rem3A_349 = arith.constant 4 : i32
      %rem3A_350 = arith.remsi %div3A_348, %rem3A_349 : i32
      %rem3A_351 = arith.constant 2 : i32
      %rem3A_352 = arith.remsi %mul3A_315, %rem3A_351 : i32
      %rem3A_353 = arith.constant 4 : i32
      %rem3A_354 = arith.remsi %mul3A_315, %rem3A_353 : i32
      %get3A = arith.constant 0 : i32
      %get3A_355 = arith.constant 0 : i32
      %get3A_356 = tpu.memref_slice %arg9[%rem3A_350, %get3A, %rem3A_352, %get3A_355] : memref<4x2x2x40xi32, #tpu.memory_space<vmem>> -> memref<1x1x1x40xi32, #tpu.memory_space<vmem>>
      %get3A_357 = tpu.memref_squeeze %get3A_356 : memref<1x1x1x40xi32, #tpu.memory_space<vmem>> -> memref<40xi32, #tpu.memory_space<vmem>>
      %get3A_358 = arith.constant 0 : index
      %get3A_359 = tpu.vector_load %get3A_357[%get3A_358] {strides = array<i32>} : memref<40xi32, #tpu.memory_space<vmem>>, vector<16xi32>,
      %get3A_360 = arith.constant 1 : i32
      %get3A_361 = arith.constant 0 : i32
      %get3A_362 = tpu.memref_slice %arg9[%rem3A_350, %get3A_360, %rem3A_352, %get3A_361] : memref<4x2x2x40xi32, #tpu.memory_space<vmem>> -> memref<1x1x1x40xi32, #tpu.memory_space<vmem>>
      %get3A_363 = tpu.memref_squeeze %get3A_362 : memref<1x1x1x40xi32, #tpu.memory_space<vmem>> -> memref<40xi32, #tpu.memory_space<vmem>>
      %get3A_364 = arith.constant 0 : index
      %get3A_365 = tpu.vector_load %get3A_363[%get3A_364] {strides = array<i32>} : memref<40xi32, #tpu.memory_space<vmem>>, vector<16xi32>,
      %gather3A = tpu.vector_load_idx %arg7[%get3A_359] : memref<10000xf32, #tpu.memory_space<vmem>>[vector<16xi32>], vector<16xf32>,
      %gather3A_366 = tpu.vector_load_idx %arg8[%get3A_365] : memref<10000xf32, #tpu.memory_space<vmem>>[vector<16xi32>], vector<16xf32>,
      %add3A_367 = arith.addf %gather3A, %gather3A_366 : vector<16xf32>
      %abs3A = math.absf %add3A_367 : vector<16xf32>
      %mul3A_368 = arith.constant -2.000000e+00 : f32
      %mul3A_369 = vector.broadcast %mul3A_368 : f32 to vector<16xf32>
      %mul3A_370 = arith.mulf %mul3A_369, %abs3A : vector<16xf32>
      %exp3A = math.exp %mul3A_370 : vector<16xf32>
      %sub3A = arith.constant 1.000000e+00 : f32
      %sub3A_371 = vector.broadcast %sub3A : f32 to vector<16xf32>
      %sub3A_372 = arith.subf %sub3A_371, %exp3A : vector<16xf32>
      %add3A_373 = arith.constant 1.000000e+00 : f32
      %add3A_374 = vector.broadcast %add3A_373 : f32 to vector<16xf32>
      %add3A_375 = arith.addf %add3A_374, %exp3A : vector<16xf32>
      %div3A_376 = arith.divf %sub3A_372, %add3A_375 : vector<16xf32>
      %sign3A = tpu.bitcast %add3A_367 : vector<16xf32> -> vector<16xi32>
      %sign3A_377 = arith.constant -2147483648 : i32
      %sign3A_378 = vector.broadcast %sign3A_377 : i32 to vector<16xi32>
      %sign3A_379 = arith.andi %sign3A, %sign3A_378 : vector<16xi32>
      %sign3A_380 = arith.constant 1065353216 : i32
      %sign3A_381 = vector.broadcast %sign3A_380 : i32 to vector<16xi32>
      %sign3A_382 = arith.ori %sign3A_381, %sign3A_379 : vector<16xi32>
      %sign3A_383 = tpu.bitcast %sign3A_382 : vector<16xi32> -> vector<16xf32>
      %sign3A_384 = math.absf %add3A_367 : vector<16xf32>
      %sign3A_385 = arith.constant 0.000000e+00 : f32
      %sign3A_386 = vector.broadcast %sign3A_385 : f32 to vector<16xf32>
      %sign3A_387 = arith.cmpf ogt, %sign3A_384, %sign3A_386 : vector<16xf32>
      %sign3A_388 = arith.select %sign3A_387, %sign3A_383, %add3A_367 : vector<16xi1>, vector<16xf32>
      %mul3A_389 = arith.mulf %sign3A_388, %div3A_376 : vector<16xf32>
      %swap3A = arith.constant 0 : index
      %swap3A_390 = tpu.vector_load %arg10[%swap3A] {strides = array<i32>} : memref<40xf32, #tpu.memory_space<vmem>>, vector<16xf32>,
      tpu.vector_store %arg10[%swap3A], %mul3A_389 {strides = array<i32>} : memref<40xf32, #tpu.memory_space<vmem>>, vector<16xf32>,
      %get3A_391 = arith.constant 0 : i32
      %get3A_392 = arith.constant 0 : i32
      %get3A_393 = tpu.memref_slice %arg9[%rem3A_350, %get3A_391, %rem3A_352, %get3A_392] : memref<4x2x2x40xi32, #tpu.memory_space<vmem>> -> memref<1x1x1x40xi32, #tpu.memory_space<vmem>>
      %get3A_394 = tpu.memref_squeeze %get3A_393 : memref<1x1x1x40xi32, #tpu.memory_space<vmem>> -> memref<40xi32, #tpu.memory_space<vmem>>
      %get3A_395 = arith.constant 16 : index
      %get3A_396 = tpu.vector_load %get3A_394[%get3A_395] {strides = array<i32>} : memref<40xi32, #tpu.memory_space<vmem>>, vector<16xi32>,
      %get3A_397 = arith.constant 1 : i32
      %get3A_398 = arith.constant 0 : i32
      %get3A_399 = tpu.memref_slice %arg9[%rem3A_350, %get3A_397, %rem3A_352, %get3A_398] : memref<4x2x2x40xi32, #tpu.memory_space<vmem>> -> memref<1x1x1x40xi32, #tpu.memory_space<vmem>>
      %get3A_400 = tpu.memref_squeeze %get3A_399 : memref<1x1x1x40xi32, #tpu.memory_space<vmem>> -> memref<40xi32, #tpu.memory_space<vmem>>
      %get3A_401 = arith.constant 16 : index
      %get3A_402 = tpu.vector_load %get3A_400[%get3A_401] {strides = array<i32>} : memref<40xi32, #tpu.memory_space<vmem>>, vector<16xi32>,
      %gather3A_403 = tpu.vector_load_idx %arg7[%get3A_396] : memref<10000xf32, #tpu.memory_space<vmem>>[vector<16xi32>], vector<16xf32>,
      %gather3A_404 = tpu.vector_load_idx %arg8[%get3A_402] : memref<10000xf32, #tpu.memory_space<vmem>>[vector<16xi32>], vector<16xf32>,
      %add3A_405 = arith.addf %gather3A_403, %gather3A_404 : vector<16xf32>
      %abs3A_406 = math.absf %add3A_405 : vector<16xf32>
      %mul3A_407 = arith.constant -2.000000e+00 : f32
      %mul3A_408 = vector.broadcast %mul3A_407 : f32 to vector<16xf32>
      %mul3A_409 = arith.mulf %mul3A_408, %abs3A_406 : vector<16xf32>
      %exp3A_410 = math.exp %mul3A_409 : vector<16xf32>
      %sub3A_411 = arith.constant 1.000000e+00 : f32
      %sub3A_412 = vector.broadcast %sub3A_411 : f32 to vector<16xf32>
      %sub3A_413 = arith.subf %sub3A_412, %exp3A_410 : vector<16xf32>
      %add3A_414 = arith.constant 1.000000e+00 : f32
      %add3A_415 = vector.broadcast %add3A_414 : f32 to vector<16xf32>
      %add3A_416 = arith.addf %add3A_415, %exp3A_410 : vector<16xf32>
      %div3A_417 = arith.divf %sub3A_413, %add3A_416 : vector<16xf32>
      %sign3A_418 = tpu.bitcast %add3A_405 : vector<16xf32> -> vector<16xi32>
      %sign3A_419 = arith.constant -2147483648 : i32
      %sign3A_420 = vector.broadcast %sign3A_419 : i32 to vector<16xi32>
      %sign3A_421 = arith.andi %sign3A_418, %sign3A_420 : vector<16xi32>
      %sign3A_422 = arith.constant 1065353216 : i32
      %sign3A_423 = vector.broadcast %sign3A_422 : i32 to vector<16xi32>
      %sign3A_424 = arith.ori %sign3A_423, %sign3A_421 : vector<16xi32>
      %sign3A_425 = tpu.bitcast %sign3A_424 : vector<16xi32> -> vector<16xf32>
      %sign3A_426 = math.absf %add3A_405 : vector<16xf32>
      %sign3A_427 = arith.constant 0.000000e+00 : f32
      %sign3A_428 = vector.broadcast %sign3A_427 : f32 to vector<16xf32>
      %sign3A_429 = arith.cmpf ogt, %sign3A_426, %sign3A_428 : vector<16xf32>
      %sign3A_430 = arith.select %sign3A_429, %sign3A_425, %add3A_405 : vector<16xi1>, vector<16xf32>
      %mul3A_431 = arith.mulf %sign3A_430, %div3A_417 : vector<16xf32>
      %swap3A_432 = arith.constant 16 : index
      %swap3A_433 = tpu.vector_load %arg10[%swap3A_432] {strides = array<i32>} : memref<40xf32, #tpu.memory_space<vmem>>, vector<16xf32>,
      tpu.vector_store %arg10[%swap3A_432], %mul3A_431 {strides = array<i32>} : memref<40xf32, #tpu.memory_space<vmem>>, vector<16xf32>,
      %get3A_434 = arith.constant 0 : i32
      %get3A_435 = arith.constant 0 : i32
      %get3A_436 = tpu.memref_slice %arg9[%rem3A_350, %get3A_434, %rem3A_352, %get3A_435] : memref<4x2x2x40xi32, #tpu.memory_space<vmem>> -> memref<1x1x1x40xi32, #tpu.memory_space<vmem>>
      %get3A_437 = tpu.memref_squeeze %get3A_436 : memref<1x1x1x40xi32, #tpu.memory_space<vmem>> -> memref<40xi32, #tpu.memory_space<vmem>>
      %get3A_438 = arith.constant 24 : index
      %get3A_439 = tpu.vector_load %get3A_437[%get3A_438] {strides = array<i32>} : memref<40xi32, #tpu.memory_space<vmem>>, vector<16xi32>,
      %get3A_440 = arith.constant 1 : i32
      %get3A_441 = arith.constant 0 : i32
      %get3A_442 = tpu.memref_slice %arg9[%rem3A_350, %get3A_440, %rem3A_352, %get3A_441] : memref<4x2x2x40xi32, #tpu.memory_space<vmem>> -> memref<1x1x1x40xi32, #tpu.memory_space<vmem>>
      %get3A_443 = tpu.memref_squeeze %get3A_442 : memref<1x1x1x40xi32, #tpu.memory_space<vmem>> -> memref<40xi32, #tpu.memory_space<vmem>>
      %get3A_444 = arith.constant 24 : index
      %get3A_445 = tpu.vector_load %get3A_443[%get3A_444] {strides = array<i32>} : memref<40xi32, #tpu.memory_space<vmem>>, vector<16xi32>,
      %gather3A_446 = tpu.vector_load_idx %arg7[%get3A_439] : memref<10000xf32, #tpu.memory_space<vmem>>[vector<16xi32>], vector<16xf32>,
      %gather3A_447 = tpu.vector_load_idx %arg8[%get3A_445] : memref<10000xf32, #tpu.memory_space<vmem>>[vector<16xi32>], vector<16xf32>,
      %add3A_448 = arith.addf %gather3A_446, %gather3A_447 : vector<16xf32>
      %abs3A_449 = math.absf %add3A_448 : vector<16xf32>
      %mul3A_450 = arith.constant -2.000000e+00 : f32
      %mul3A_451 = vector.broadcast %mul3A_450 : f32 to vector<16xf32>
      %mul3A_452 = arith.mulf %mul3A_451, %abs3A_449 : vector<16xf32>
      %exp3A_453 = math.exp %mul3A_452 : vector<16xf32>
      %sub3A_454 = arith.constant 1.000000e+00 : f32
      %sub3A_455 = vector.broadcast %sub3A_454 : f32 to vector<16xf32>
      %sub3A_456 = arith.subf %sub3A_455, %exp3A_453 : vector<16xf32>
      %add3A_457 = arith.constant 1.000000e+00 : f32
      %add3A_458 = vector.broadcast %add3A_457 : f32 to vector<16xf32>
      %add3A_459 = arith.addf %add3A_458, %exp3A_453 : vector<16xf32>
      %div3A_460 = arith.divf %sub3A_456, %add3A_459 : vector<16xf32>
      %sign3A_461 = tpu.bitcast %add3A_448 : vector<16xf32> -> vector<16xi32>
      %sign3A_462 = arith.constant -2147483648 : i32
      %sign3A_463 = vector.broadcast %sign3A_462 : i32 to vector<16xi32>
      %sign3A_464 = arith.andi %sign3A_461, %sign3A_463 : vector<16xi32>
      %sign3A_465 = arith.constant 1065353216 : i32
      %sign3A_466 = vector.broadcast %sign3A_465 : i32 to vector<16xi32>
      %sign3A_467 = arith.ori %sign3A_466, %sign3A_464 : vector<16xi32>
      %sign3A_468 = tpu.bitcast %sign3A_467 : vector<16xi32> -> vector<16xf32>
      %sign3A_469 = math.absf %add3A_448 : vector<16xf32>
      %sign3A_470 = arith.constant 0.000000e+00 : f32
      %sign3A_471 = vector.broadcast %sign3A_470 : f32 to vector<16xf32>
      %sign3A_472 = arith.cmpf ogt, %sign3A_469, %sign3A_471 : vector<16xf32>
      %sign3A_473 = arith.select %sign3A_472, %sign3A_468, %add3A_448 : vector<16xi1>, vector<16xf32>
      %mul3A_474 = arith.mulf %sign3A_473, %div3A_460 : vector<16xf32>
      %swap3A_475 = arith.constant 24 : index
      %swap3A_476 = tpu.vector_load %arg10[%swap3A_475] {strides = array<i32>} : memref<40xf32, #tpu.memory_space<vmem>>, vector<16xf32>,
      tpu.vector_store %arg10[%swap3A_475], %mul3A_474 {strides = array<i32>} : memref<40xf32, #tpu.memory_space<vmem>>, vector<16xf32>,
      %parallel_loop3A = arith.constant 0 : i32
      %parallel_loop3A_477 = arith.constant 40 : i32
      %parallel_loop3A_478 = arith.constant 1 : i32
      scf.for %parallel_loop3A_707 = %parallel_loop3A to %parallel_loop3A_477 step %parallel_loop3A_478  : i32 {
        %parallel_loop3A_708 = vector.broadcast %parallel_loop3A_707 : i32 to vector<16xi32>
        %parallel_loop3A_709 = tpu.vector_load_idx %arg10[%parallel_loop3A_708] : memref<40xf32, #tpu.memory_space<vmem>>[vector<16xi32>], vector<16xf32>,
        %parallel_loop3A_710 = arith.constant 0 : i32
        %parallel_loop3A_711 = arith.constant 0 : i32
        %parallel_loop3A_712 = tpu.memref_slice %arg11[%rem3A_354, %parallel_loop3A_710, %parallel_loop3A_711] : memref<4x40x128xf32, #tpu.memory_space<vmem>> -> memref<1x40x128xf32, #tpu.memory_space<vmem>>
        %parallel_loop3A_713 = tpu.memref_squeeze %parallel_loop3A_712 : memref<1x40x128xf32, #tpu.memory_space<vmem>> -> memref<40x128xf32, #tpu.memory_space<vmem>>
        %parallel_loop3A_714 = arith.index_cast %parallel_loop3A_707 : i32 to index
        %parallel_loop3A_715 = arith.constant 0 : index
        %parallel_loop3A_716 = tpu.vector_load %parallel_loop3A_713[%parallel_loop3A_714, %parallel_loop3A_715] {strides = array<i32>} : memref<40x128xf32, #tpu.memory_space<vmem>>, vector<16xf32>,
        %parallel_loop3A_717 = arith.mulf %parallel_loop3A_716, %parallel_loop3A_709 : vector<16xf32>
        %parallel_loop3A_718 = arith.constant 0 : i32
        %parallel_loop3A_719 = arith.constant 0 : i32
        %parallel_loop3A_720 = tpu.memref_slice %arg11[%rem3A_354, %parallel_loop3A_718, %parallel_loop3A_719] : memref<4x40x128xf32, #tpu.memory_space<vmem>> -> memref<1x40x128xf32, #tpu.memory_space<vmem>>
        %parallel_loop3A_721 = tpu.memref_squeeze %parallel_loop3A_720 : memref<1x40x128xf32, #tpu.memory_space<vmem>> -> memref<40x128xf32, #tpu.memory_space<vmem>>
        %parallel_loop3A_722 = arith.index_cast %parallel_loop3A_707 : i32 to index
        %parallel_loop3A_723 = arith.constant 0 : index
        %parallel_loop3A_724 = tpu.vector_load %parallel_loop3A_721[%parallel_loop3A_722, %parallel_loop3A_723] {strides = array<i32>} : memref<40x128xf32, #tpu.memory_space<vmem>>, vector<16xf32>,
        tpu.vector_store %parallel_loop3A_721[%parallel_loop3A_722, %parallel_loop3A_723], %parallel_loop3A_717 {strides = array<i32>} : memref<40x128xf32, #tpu.memory_space<vmem>>, vector<16xf32>,
        %parallel_loop3A_725 = arith.constant 0 : i32
        %parallel_loop3A_726 = arith.constant 0 : i32
        %parallel_loop3A_727 = tpu.memref_slice %arg11[%rem3A_354, %parallel_loop3A_725, %parallel_loop3A_726] : memref<4x40x128xf32, #tpu.memory_space<vmem>> -> memref<1x40x128xf32, #tpu.memory_space<vmem>>
        %parallel_loop3A_728 = tpu.memref_squeeze %parallel_loop3A_727 : memref<1x40x128xf32, #tpu.memory_space<vmem>> -> memref<40x128xf32, #tpu.memory_space<vmem>>
        %parallel_loop3A_729 = arith.index_cast %parallel_loop3A_707 : i32 to index
        %parallel_loop3A_730 = arith.constant 16 : index
        %parallel_loop3A_731 = tpu.vector_load %parallel_loop3A_728[%parallel_loop3A_729, %parallel_loop3A_730] {strides = array<i32>} : memref<40x128xf32, #tpu.memory_space<vmem>>, vector<16xf32>,
        %parallel_loop3A_732 = arith.mulf %parallel_loop3A_731, %parallel_loop3A_709 : vector<16xf32>
        %parallel_loop3A_733 = arith.constant 0 : i32
        %parallel_loop3A_734 = arith.constant 0 : i32
        %parallel_loop3A_735 = tpu.memref_slice %arg11[%rem3A_354, %parallel_loop3A_733, %parallel_loop3A_734] : memref<4x40x128xf32, #tpu.memory_space<vmem>> -> memref<1x40x128xf32, #tpu.memory_space<vmem>>
        %parallel_loop3A_736 = tpu.memref_squeeze %parallel_loop3A_735 : memref<1x40x128xf32, #tpu.memory_space<vmem>> -> memref<40x128xf32, #tpu.memory_space<vmem>>
        %parallel_loop3A_737 = arith.index_cast %parallel_loop3A_707 : i32 to index
        %parallel_loop3A_738 = arith.constant 16 : index
        %parallel_loop3A_739 = tpu.vector_load %parallel_loop3A_736[%parallel_loop3A_737, %parallel_loop3A_738] {strides = array<i32>} : memref<40x128xf32, #tpu.memory_space<vmem>>, vector<16xf32>,
        tpu.vector_store %parallel_loop3A_736[%parallel_loop3A_737, %parallel_loop3A_738], %parallel_loop3A_732 {strides = array<i32>} : memref<40x128xf32, #tpu.memory_space<vmem>>, vector<16xf32>,
        %parallel_loop3A_740 = arith.constant 0 : i32
        %parallel_loop3A_741 = arith.constant 0 : i32
        %parallel_loop3A_742 = tpu.memref_slice %arg11[%rem3A_354, %parallel_loop3A_740, %parallel_loop3A_741] : memref<4x40x128xf32, #tpu.memory_space<vmem>> -> memref<1x40x128xf32, #tpu.memory_space<vmem>>
        %parallel_loop3A_743 = tpu.memref_squeeze %parallel_loop3A_742 : memref<1x40x128xf32, #tpu.memory_space<vmem>> -> memref<40x128xf32, #tpu.memory_space<vmem>>
        %parallel_loop3A_744 = arith.index_cast %parallel_loop3A_707 : i32 to index
        %parallel_loop3A_745 = arith.constant 32 : index
        %parallel_loop3A_746 = tpu.vector_load %parallel_loop3A_743[%parallel_loop3A_744, %parallel_loop3A_745] {strides = array<i32>} : memref<40x128xf32, #tpu.memory_space<vmem>>, vector<16xf32>,
        %parallel_loop3A_747 = arith.mulf %parallel_loop3A_746, %parallel_loop3A_709 : vector<16xf32>
        %parallel_loop3A_748 = arith.constant 0 : i32
        %parallel_loop3A_749 = arith.constant 0 : i32
        %parallel_loop3A_750 = tpu.memref_slice %arg11[%rem3A_354, %parallel_loop3A_748, %parallel_loop3A_749] : memref<4x40x128xf32, #tpu.memory_space<vmem>> -> memref<1x40x128xf32, #tpu.memory_space<vmem>>
        %parallel_loop3A_751 = tpu.memref_squeeze %parallel_loop3A_750 : memref<1x40x128xf32, #tpu.memory_space<vmem>> -> memref<40x128xf32, #tpu.memory_space<vmem>>
        %parallel_loop3A_752 = arith.index_cast %parallel_loop3A_707 : i32 to index
        %parallel_loop3A_753 = arith.constant 32 : index
        %parallel_loop3A_754 = tpu.vector_load %parallel_loop3A_751[%parallel_loop3A_752, %parallel_loop3A_753] {strides = array<i32>} : memref<40x128xf32, #tpu.memory_space<vmem>>, vector<16xf32>,
        tpu.vector_store %parallel_loop3A_751[%parallel_loop3A_752, %parallel_loop3A_753], %parallel_loop3A_747 {strides = array<i32>} : memref<40x128xf32, #tpu.memory_space<vmem>>, vector<16xf32>,
        %parallel_loop3A_755 = arith.constant 0 : i32
        %parallel_loop3A_756 = arith.constant 0 : i32
        %parallel_loop3A_757 = tpu.memref_slice %arg11[%rem3A_354, %parallel_loop3A_755, %parallel_loop3A_756] : memref<4x40x128xf32, #tpu.memory_space<vmem>> -> memref<1x40x128xf32, #tpu.memory_space<vmem>>
        %parallel_loop3A_758 = tpu.memref_squeeze %parallel_loop3A_757 : memref<1x40x128xf32, #tpu.memory_space<vmem>> -> memref<40x128xf32, #tpu.memory_space<vmem>>
        %parallel_loop3A_759 = arith.index_cast %parallel_loop3A_707 : i32 to index
        %parallel_loop3A_760 = arith.constant 48 : index
        %parallel_loop3A_761 = tpu.vector_load %parallel_loop3A_758[%parallel_loop3A_759, %parallel_loop3A_760] {strides = array<i32>} : memref<40x128xf32, #tpu.memory_space<vmem>>, vector<16xf32>,
        %parallel_loop3A_762 = arith.mulf %parallel_loop3A_761, %parallel_loop3A_709 : vector<16xf32>
        %parallel_loop3A_763 = arith.constant 0 : i32
        %parallel_loop3A_764 = arith.constant 0 : i32
        %parallel_loop3A_765 = tpu.memref_slice %arg11[%rem3A_354, %parallel_loop3A_763, %parallel_loop3A_764] : memref<4x40x128xf32, #tpu.memory_space<vmem>> -> memref<1x40x128xf32, #tpu.memory_space<vmem>>
        %parallel_loop3A_766 = tpu.memref_squeeze %parallel_loop3A_765 : memref<1x40x128xf32, #tpu.memory_space<vmem>> -> memref<40x128xf32, #tpu.memory_space<vmem>>
        %parallel_loop3A_767 = arith.index_cast %parallel_loop3A_707 : i32 to index
        %parallel_loop3A_768 = arith.constant 48 : index
        %parallel_loop3A_769 = tpu.vector_load %parallel_loop3A_766[%parallel_loop3A_767, %parallel_loop3A_768] {strides = array<i32>} : memref<40x128xf32, #tpu.memory_space<vmem>>, vector<16xf32>,
        tpu.vector_store %parallel_loop3A_766[%parallel_loop3A_767, %parallel_loop3A_768], %parallel_loop3A_762 {strides = array<i32>} : memref<40x128xf32, #tpu.memory_space<vmem>>, vector<16xf32>,
        %parallel_loop3A_770 = arith.constant 0 : i32
        %parallel_loop3A_771 = arith.constant 0 : i32
        %parallel_loop3A_772 = tpu.memref_slice %arg11[%rem3A_354, %parallel_loop3A_770, %parallel_loop3A_771] : memref<4x40x128xf32, #tpu.memory_space<vmem>> -> memref<1x40x128xf32, #tpu.memory_space<vmem>>
        %parallel_loop3A_773 = tpu.memref_squeeze %parallel_loop3A_772 : memref<1x40x128xf32, #tpu.memory_space<vmem>> -> memref<40x128xf32, #tpu.memory_space<vmem>>
        %parallel_loop3A_774 = arith.index_cast %parallel_loop3A_707 : i32 to index
        %parallel_loop3A_775 = arith.constant 64 : index
        %parallel_loop3A_776 = tpu.vector_load %parallel_loop3A_773[%parallel_loop3A_774, %parallel_loop3A_775] {strides = array<i32>} : memref<40x128xf32, #tpu.memory_space<vmem>>, vector<16xf32>,
        %parallel_loop3A_777 = arith.mulf %parallel_loop3A_776, %parallel_loop3A_709 : vector<16xf32>
        %parallel_loop3A_778 = arith.constant 0 : i32
        %parallel_loop3A_779 = arith.constant 0 : i32
        %parallel_loop3A_780 = tpu.memref_slice %arg11[%rem3A_354, %parallel_loop3A_778, %parallel_loop3A_779] : memref<4x40x128xf32, #tpu.memory_space<vmem>> -> memref<1x40x128xf32, #tpu.memory_space<vmem>>
        %parallel_loop3A_781 = tpu.memref_squeeze %parallel_loop3A_780 : memref<1x40x128xf32, #tpu.memory_space<vmem>> -> memref<40x128xf32, #tpu.memory_space<vmem>>
        %parallel_loop3A_782 = arith.index_cast %parallel_loop3A_707 : i32 to index
        %parallel_loop3A_783 = arith.constant 64 : index
        %parallel_loop3A_784 = tpu.vector_load %parallel_loop3A_781[%parallel_loop3A_782, %parallel_loop3A_783] {strides = array<i32>} : memref<40x128xf32, #tpu.memory_space<vmem>>, vector<16xf32>,
        tpu.vector_store %parallel_loop3A_781[%parallel_loop3A_782, %parallel_loop3A_783], %parallel_loop3A_777 {strides = array<i32>} : memref<40x128xf32, #tpu.memory_space<vmem>>, vector<16xf32>,
        %parallel_loop3A_785 = arith.constant 0 : i32
        %parallel_loop3A_786 = arith.constant 0 : i32
        %parallel_loop3A_787 = tpu.memref_slice %arg11[%rem3A_354, %parallel_loop3A_785, %parallel_loop3A_786] : memref<4x40x128xf32, #tpu.memory_space<vmem>> -> memref<1x40x128xf32, #tpu.memory_space<vmem>>
        %parallel_loop3A_788 = tpu.memref_squeeze %parallel_loop3A_787 : memref<1x40x128xf32, #tpu.memory_space<vmem>> -> memref<40x128xf32, #tpu.memory_space<vmem>>
        %parallel_loop3A_789 = arith.index_cast %parallel_loop3A_707 : i32 to index
        %parallel_loop3A_790 = arith.constant 80 : index
        %parallel_loop3A_791 = tpu.vector_load %parallel_loop3A_788[%parallel_loop3A_789, %parallel_loop3A_790] {strides = array<i32>} : memref<40x128xf32, #tpu.memory_space<vmem>>, vector<16xf32>,
        %parallel_loop3A_792 = arith.mulf %parallel_loop3A_791, %parallel_loop3A_709 : vector<16xf32>
        %parallel_loop3A_793 = arith.constant 0 : i32
        %parallel_loop3A_794 = arith.constant 0 : i32
        %parallel_loop3A_795 = tpu.memref_slice %arg11[%rem3A_354, %parallel_loop3A_793, %parallel_loop3A_794] : memref<4x40x128xf32, #tpu.memory_space<vmem>> -> memref<1x40x128xf32, #tpu.memory_space<vmem>>
        %parallel_loop3A_796 = tpu.memref_squeeze %parallel_loop3A_795 : memref<1x40x128xf32, #tpu.memory_space<vmem>> -> memref<40x128xf32, #tpu.memory_space<vmem>>
        %parallel_loop3A_797 = arith.index_cast %parallel_loop3A_707 : i32 to index
        %parallel_loop3A_798 = arith.constant 80 : index
        %parallel_loop3A_799 = tpu.vector_load %parallel_loop3A_796[%parallel_loop3A_797, %parallel_loop3A_798] {strides = array<i32>} : memref<40x128xf32, #tpu.memory_space<vmem>>, vector<16xf32>,
        tpu.vector_store %parallel_loop3A_796[%parallel_loop3A_797, %parallel_loop3A_798], %parallel_loop3A_792 {strides = array<i32>} : memref<40x128xf32, #tpu.memory_space<vmem>>, vector<16xf32>,
        %parallel_loop3A_800 = arith.constant 0 : i32
        %parallel_loop3A_801 = arith.constant 0 : i32
        %parallel_loop3A_802 = tpu.memref_slice %arg11[%rem3A_354, %parallel_loop3A_800, %parallel_loop3A_801] : memref<4x40x128xf32, #tpu.memory_space<vmem>> -> memref<1x40x128xf32, #tpu.memory_space<vmem>>
        %parallel_loop3A_803 = tpu.memref_squeeze %parallel_loop3A_802 : memref<1x40x128xf32, #tpu.memory_space<vmem>> -> memref<40x128xf32, #tpu.memory_space<vmem>>
        %parallel_loop3A_804 = arith.index_cast %parallel_loop3A_707 : i32 to index
        %parallel_loop3A_805 = arith.constant 96 : index
        %parallel_loop3A_806 = tpu.vector_load %parallel_loop3A_803[%parallel_loop3A_804, %parallel_loop3A_805] {strides = array<i32>} : memref<40x128xf32, #tpu.memory_space<vmem>>, vector<16xf32>,
        %parallel_loop3A_807 = arith.mulf %parallel_loop3A_806, %parallel_loop3A_709 : vector<16xf32>
        %parallel_loop3A_808 = arith.constant 0 : i32
        %parallel_loop3A_809 = arith.constant 0 : i32
        %parallel_loop3A_810 = tpu.memref_slice %arg11[%rem3A_354, %parallel_loop3A_808, %parallel_loop3A_809] : memref<4x40x128xf32, #tpu.memory_space<vmem>> -> memref<1x40x128xf32, #tpu.memory_space<vmem>>
        %parallel_loop3A_811 = tpu.memref_squeeze %parallel_loop3A_810 : memref<1x40x128xf32, #tpu.memory_space<vmem>> -> memref<40x128xf32, #tpu.memory_space<vmem>>
        %parallel_loop3A_812 = arith.index_cast %parallel_loop3A_707 : i32 to index
        %parallel_loop3A_813 = arith.constant 96 : index
        %parallel_loop3A_814 = tpu.vector_load %parallel_loop3A_811[%parallel_loop3A_812, %parallel_loop3A_813] {strides = array<i32>} : memref<40x128xf32, #tpu.memory_space<vmem>>, vector<16xf32>,
        tpu.vector_store %parallel_loop3A_811[%parallel_loop3A_812, %parallel_loop3A_813], %parallel_loop3A_807 {strides = array<i32>} : memref<40x128xf32, #tpu.memory_space<vmem>>, vector<16xf32>,
        %parallel_loop3A_815 = arith.constant 0 : i32
        %parallel_loop3A_816 = arith.constant 0 : i32
        %parallel_loop3A_817 = tpu.memref_slice %arg11[%rem3A_354, %parallel_loop3A_815, %parallel_loop3A_816] : memref<4x40x128xf32, #tpu.memory_space<vmem>> -> memref<1x40x128xf32, #tpu.memory_space<vmem>>
        %parallel_loop3A_818 = tpu.memref_squeeze %parallel_loop3A_817 : memref<1x40x128xf32, #tpu.memory_space<vmem>> -> memref<40x128xf32, #tpu.memory_space<vmem>>
        %parallel_loop3A_819 = arith.index_cast %parallel_loop3A_707 : i32 to index
        %parallel_loop3A_820 = arith.constant 112 : index
        %parallel_loop3A_821 = tpu.vector_load %parallel_loop3A_818[%parallel_loop3A_819, %parallel_loop3A_820] {strides = array<i32>} : memref<40x128xf32, #tpu.memory_space<vmem>>, vector<16xf32>,
        %parallel_loop3A_822 = arith.mulf %parallel_loop3A_821, %parallel_loop3A_709 : vector<16xf32>
        %parallel_loop3A_823 = arith.constant 0 : i32
        %parallel_loop3A_824 = arith.constant 0 : i32
        %parallel_loop3A_825 = tpu.memref_slice %arg11[%rem3A_354, %parallel_loop3A_823, %parallel_loop3A_824] : memref<4x40x128xf32, #tpu.memory_space<vmem>> -> memref<1x40x128xf32, #tpu.memory_space<vmem>>
        %parallel_loop3A_826 = tpu.memref_squeeze %parallel_loop3A_825 : memref<1x40x128xf32, #tpu.memory_space<vmem>> -> memref<40x128xf32, #tpu.memory_space<vmem>>
        %parallel_loop3A_827 = arith.index_cast %parallel_loop3A_707 : i32 to index
        %parallel_loop3A_828 = arith.constant 112 : index
        %parallel_loop3A_829 = tpu.vector_load %parallel_loop3A_826[%parallel_loop3A_827, %parallel_loop3A_828] {strides = array<i32>} : memref<40x128xf32, #tpu.memory_space<vmem>>, vector<16xf32>,
        tpu.vector_store %parallel_loop3A_826[%parallel_loop3A_827, %parallel_loop3A_828], %parallel_loop3A_822 {strides = array<i32>} : memref<40x128xf32, #tpu.memory_space<vmem>>, vector<16xf32>,
      } {sc.loop_unroll_factor = 4 : i64, sc.parallel_access}
      %div3A_479 = arith.constant 2 : i32
      %div3A_480 = arith.divsi %mul3A_315, %div3A_479 : i32
      %rem3A_481 = arith.constant 4 : i32
      %rem3A_482 = arith.remsi %div3A_480, %rem3A_481 : i32
      %rem3A_483 = arith.constant 2 : i32
      %rem3A_484 = arith.remsi %mul3A_315, %rem3A_483 : i32
      %rem3A_485 = arith.constant 4 : i32
      %rem3A_486 = arith.remsi %mul3A_315, %rem3A_485 : i32
      %dma_start3A_487 = arith.constant 1 : i32
      %dma_start3A_488 = arith.constant 0 : i32
      %dma_start3A_489 = arith.constant 0 : i32
      %dma_start3A_490 = tpu.memref_slice %arg11[%rem3A_486, %dma_start3A_488, %dma_start3A_489] : memref<4x40x128xf32, #tpu.memory_space<vmem>> -> memref<1x40x128xf32, #tpu.memory_space<vmem>>
      %dma_start3A_491 = tpu.memref_squeeze %dma_start3A_490 : memref<1x40x128xf32, #tpu.memory_space<vmem>> -> memref<40x128xf32, #tpu.memory_space<vmem>>
      %dma_start3A_492 = arith.constant 0 : i32
      %dma_start3A_493 = tpu.memref_slice %arg9[%rem3A_482, %dma_start3A_487, %rem3A_484, %dma_start3A_492] : memref<4x2x2x40xi32, #tpu.memory_space<vmem>> -> memref<1x1x1x40xi32, #tpu.memory_space<vmem>>
      %dma_start3A_494 = tpu.memref_squeeze %dma_start3A_493 : memref<1x1x1x40xi32, #tpu.memory_space<vmem>> -> memref<40xi32, #tpu.memory_space<vmem>>
      %dma_start3A_495 = arith.constant 0 : i32
      %dma_start3A_496 = arith.constant 0 : i32
      %dma_start3A_497 = tpu.memref_slice %arg12[%dma_start3A_495, %dma_start3A_496] : memref<10000x128xf32, #tpu.memory_space<vmem_shared>> -> memref<10000x128xf32, #tpu.memory_space<vmem_shared>>
      %dma_start3A_498 = tpu.memref_slice %arg15[%rem3A_486] : memref<4x!tpu.dma_semaphore, #tpu.memory_space<semaphore_mem>> -> memref<1x!tpu.dma_semaphore, #tpu.memory_space<semaphore_mem>>
      %dma_start3A_499 = tpu.memref_squeeze %dma_start3A_498 : memref<1x!tpu.dma_semaphore, #tpu.memory_space<semaphore_mem>> -> memref<!tpu.dma_semaphore, #tpu.memory_space<semaphore_mem>>
      tpu.enqueue_indirect_dma source(%dma_start3A_491 : memref<40x128xf32, #tpu.memory_space<vmem>>) target(%dma_start3A_497 : memref<10000x128xf32, #tpu.memory_space<vmem_shared>>) offsets(%dma_start3A_494 : memref<40xi32, #tpu.memory_space<vmem>>) semaphore(%dma_start3A_499 : memref<!tpu.dma_semaphore, #tpu.memory_space<semaphore_mem>>) {add = true}
      %add3A_500 = arith.constant 1 : i32
      %add3A_501 = arith.addi %mul3A_315, %add3A_500 : i32
      %div3A_502 = arith.constant 2 : i32
      %div3A_503 = arith.divsi %add3A_501, %div3A_502 : i32
      %rem3A_504 = arith.constant 4 : i32
      %rem3A_505 = arith.remsi %div3A_503, %rem3A_504 : i32
      %rem3A_506 = arith.constant 2 : i32
      %rem3A_507 = arith.remsi %add3A_501, %rem3A_506 : i32
      %rem3A_508 = arith.constant 4 : i32
      %rem3A_509 = arith.remsi %add3A_501, %rem3A_508 : i32
      %dma_wait3A_510 = arith.constant 0 : i32
      %dma_wait3A_511 = arith.constant 0 : i32
      %dma_wait3A_512 = arith.constant 0 : i32
      %dma_wait3A_513 = tpu.memref_slice %arg11[%rem3A_509, %dma_wait3A_511, %dma_wait3A_512] : memref<4x40x128xf32, #tpu.memory_space<vmem>> -> memref<1x40x128xf32, #tpu.memory_space<vmem>>
      %dma_wait3A_514 = tpu.memref_squeeze %dma_wait3A_513 : memref<1x40x128xf32, #tpu.memory_space<vmem>> -> memref<40x128xf32, #tpu.memory_space<vmem>>
      %dma_wait3A_515 = arith.constant 0 : i32
      %dma_wait3A_516 = tpu.memref_slice %arg9[%rem3A_505, %dma_wait3A_510, %rem3A_507, %dma_wait3A_515] : memref<4x2x2x40xi32, #tpu.memory_space<vmem>> -> memref<1x1x1x40xi32, #tpu.memory_space<vmem>>
      %dma_wait3A_517 = tpu.memref_squeeze %dma_wait3A_516 : memref<1x1x1x40xi32, #tpu.memory_space<vmem>> -> memref<40xi32, #tpu.memory_space<vmem>>
      %dma_wait3A_518 = arith.constant 0 : i32
      %dma_wait3A_519 = arith.constant 0 : i32
      %dma_wait3A_520 = tpu.memref_slice %arg2[%dma_wait3A_518, %dma_wait3A_519] : memref<10000x128xf32, #tpu.memory_space<hbm>> -> memref<10000x128xf32, #tpu.memory_space<hbm>>
      %dma_wait3A_521 = tpu.memref_slice %arg14[%rem3A_509] : memref<4x!tpu.dma_semaphore, #tpu.memory_space<semaphore_mem>> -> memref<1x!tpu.dma_semaphore, #tpu.memory_space<semaphore_mem>>
      %dma_wait3A_522 = tpu.memref_squeeze %dma_wait3A_521 : memref<1x!tpu.dma_semaphore, #tpu.memory_space<semaphore_mem>> -> memref<!tpu.dma_semaphore, #tpu.memory_space<semaphore_mem>>
      tpu.wait_indirect_dma semaphore(%dma_wait3A_522 : memref<!tpu.dma_semaphore, #tpu.memory_space<semaphore_mem>>) src(%dma_wait3A_520 : memref<10000x128xf32, #tpu.memory_space<hbm>>) dst(%dma_wait3A_514 : memref<40x128xf32, #tpu.memory_space<vmem>>)
      %ge3A_523 = arith.constant 1 : i32
      %ge3A_524 = arith.cmpi sge, %mul3A_315, %ge3A_523 : i32
      %convert_element_type3A_525 = arith.extui %ge3A_524 : i1 to i32
      %cond3A_526 = arith.constant 0 : i32
      %cond3A_527 = arith.cmpi ne, %convert_element_type3A_525, %cond3A_526 : i32
      scf.if %cond3A_527 {
        %sub3A_707 = arith.constant 1 : i32
        %sub3A_708 = arith.subi %mul3A_315, %sub3A_707 : i32
        %div3A_709 = arith.constant 2 : i32
        %div3A_710 = arith.divsi %sub3A_708, %div3A_709 : i32
        %rem3A_711 = arith.constant 4 : i32
        %rem3A_712 = arith.remsi %div3A_710, %rem3A_711 : i32
        %rem3A_713 = arith.constant 2 : i32
        %rem3A_714 = arith.remsi %sub3A_708, %rem3A_713 : i32
        %rem3A_715 = arith.constant 4 : i32
        %rem3A_716 = arith.remsi %sub3A_708, %rem3A_715 : i32
        %dma_wait3A_717 = arith.constant 1 : i32
        %dma_wait3A_718 = arith.constant 0 : i32
        %dma_wait3A_719 = arith.constant 0 : i32
        %dma_wait3A_720 = tpu.memref_slice %arg11[%rem3A_716, %dma_wait3A_718, %dma_wait3A_719] : memref<4x40x128xf32, #tpu.memory_space<vmem>> -> memref<1x40x128xf32, #tpu.memory_space<vmem>>
        %dma_wait3A_721 = tpu.memref_squeeze %dma_wait3A_720 : memref<1x40x128xf32, #tpu.memory_space<vmem>> -> memref<40x128xf32, #tpu.memory_space<vmem>>
        %dma_wait3A_722 = arith.constant 0 : i32
        %dma_wait3A_723 = tpu.memref_slice %arg9[%rem3A_712, %dma_wait3A_717, %rem3A_714, %dma_wait3A_722] : memref<4x2x2x40xi32, #tpu.memory_space<vmem>> -> memref<1x1x1x40xi32, #tpu.memory_space<vmem>>
        %dma_wait3A_724 = tpu.memref_squeeze %dma_wait3A_723 : memref<1x1x1x40xi32, #tpu.memory_space<vmem>> -> memref<40xi32, #tpu.memory_space<vmem>>
        %dma_wait3A_725 = arith.constant 0 : i32
        %dma_wait3A_726 = arith.constant 0 : i32
        %dma_wait3A_727 = tpu.memref_slice %arg12[%dma_wait3A_725, %dma_wait3A_726] : memref<10000x128xf32, #tpu.memory_space<vmem_shared>> -> memref<10000x128xf32, #tpu.memory_space<vmem_shared>>
        %dma_wait3A_728 = tpu.memref_slice %arg15[%rem3A_716] : memref<4x!tpu.dma_semaphore, #tpu.memory_space<semaphore_mem>> -> memref<1x!tpu.dma_semaphore, #tpu.memory_space<semaphore_mem>>
        %dma_wait3A_729 = tpu.memref_squeeze %dma_wait3A_728 : memref<1x!tpu.dma_semaphore, #tpu.memory_space<semaphore_mem>> -> memref<!tpu.dma_semaphore, #tpu.memory_space<semaphore_mem>>
        tpu.wait_indirect_dma semaphore(%dma_wait3A_729 : memref<!tpu.dma_semaphore, #tpu.memory_space<semaphore_mem>>) src(%dma_wait3A_721 : memref<40x128xf32, #tpu.memory_space<vmem>>) dst(%dma_wait3A_727 : memref<10000x128xf32, #tpu.memory_space<vmem_shared>>)
      } else {
      }
      %add3A_528 = arith.constant 3 : i32
      %add3A_529 = arith.addi %mul3A_315, %add3A_528 : i32
      %lt3A_530 = arith.constant 250 : i32
      %lt3A_531 = arith.cmpi slt, %add3A_529, %lt3A_530 : i32
      %convert_element_type3A_532 = arith.extui %lt3A_531 : i1 to i32
      %cond3A_533 = arith.constant 0 : i32
      %cond3A_534 = arith.cmpi ne, %convert_element_type3A_532, %cond3A_533 : i32
      scf.if %cond3A_534 {
        %add3A_707 = arith.constant 3 : i32
        %add3A_708 = arith.addi %mul3A_315, %add3A_707 : i32
        %div3A_709 = arith.constant 2 : i32
        %div3A_710 = arith.divsi %add3A_708, %div3A_709 : i32
        %rem3A_711 = arith.constant 4 : i32
        %rem3A_712 = arith.remsi %div3A_710, %rem3A_711 : i32
        %rem3A_713 = arith.constant 2 : i32
        %rem3A_714 = arith.remsi %add3A_708, %rem3A_713 : i32
        %rem3A_715 = arith.constant 4 : i32
        %rem3A_716 = arith.remsi %add3A_708, %rem3A_715 : i32
        %dma_start3A_717 = arith.constant 0 : i32
        %dma_start3A_718 = arith.constant 0 : i32
        %dma_start3A_719 = arith.constant 0 : i32
        %dma_start3A_720 = tpu.memref_slice %arg11[%rem3A_716, %dma_start3A_718, %dma_start3A_719] : memref<4x40x128xf32, #tpu.memory_space<vmem>> -> memref<1x40x128xf32, #tpu.memory_space<vmem>>
        %dma_start3A_721 = tpu.memref_squeeze %dma_start3A_720 : memref<1x40x128xf32, #tpu.memory_space<vmem>> -> memref<40x128xf32, #tpu.memory_space<vmem>>
        %dma_start3A_722 = arith.constant 0 : i32
        %dma_start3A_723 = tpu.memref_slice %arg9[%rem3A_712, %dma_start3A_717, %rem3A_714, %dma_start3A_722] : memref<4x2x2x40xi32, #tpu.memory_space<vmem>> -> memref<1x1x1x40xi32, #tpu.memory_space<vmem>>
        %dma_start3A_724 = tpu.memref_squeeze %dma_start3A_723 : memref<1x1x1x40xi32, #tpu.memory_space<vmem>> -> memref<40xi32, #tpu.memory_space<vmem>>
        %dma_start3A_725 = arith.constant 0 : i32
        %dma_start3A_726 = arith.constant 0 : i32
        %dma_start3A_727 = tpu.memref_slice %arg2[%dma_start3A_725, %dma_start3A_726] : memref<10000x128xf32, #tpu.memory_space<hbm>> -> memref<10000x128xf32, #tpu.memory_space<hbm>>
        %dma_start3A_728 = tpu.memref_slice %arg14[%rem3A_716] : memref<4x!tpu.dma_semaphore, #tpu.memory_space<semaphore_mem>> -> memref<1x!tpu.dma_semaphore, #tpu.memory_space<semaphore_mem>>
        %dma_start3A_729 = tpu.memref_squeeze %dma_start3A_728 : memref<1x!tpu.dma_semaphore, #tpu.memory_space<semaphore_mem>> -> memref<!tpu.dma_semaphore, #tpu.memory_space<semaphore_mem>>
        tpu.enqueue_indirect_dma source(%dma_start3A_727 : memref<10000x128xf32, #tpu.memory_space<hbm>>) target(%dma_start3A_721 : memref<40x128xf32, #tpu.memory_space<vmem>>) offsets(%dma_start3A_724 : memref<40xi32, #tpu.memory_space<vmem>>) semaphore(%dma_start3A_729 : memref<!tpu.dma_semaphore, #tpu.memory_space<semaphore_mem>>)
      } else {
      }
      %add3A_535 = arith.constant 3 : i32
      %add3A_536 = arith.addi %add3A_313, %add3A_535 : i32
      %lt3A_537 = arith.constant 125 : i32
      %lt3A_538 = arith.cmpi slt, %add3A_536, %lt3A_537 : i32
      %convert_element_type3A_539 = arith.extui %lt3A_538 : i1 to i32
      %cond3A_540 = arith.constant 0 : i32
      %cond3A_541 = arith.cmpi ne, %convert_element_type3A_539, %cond3A_540 : i32
      scf.if %cond3A_541 {
        %add3A_707 = arith.constant 3 : i32
        %add3A_708 = arith.addi %add3A_313, %add3A_707 : i32
        %rem3A_709 = arith.constant 4 : i32
        %rem3A_710 = arith.remsi %add3A_708, %rem3A_709 : i32
        %add3A_711 = arith.addi %mul3A_87, %add3A_708 : i32
        %dma_start3A_712 = arith.constant 0 : i32
        %dma_start3A_713 = arith.constant 0 : i32
        %dma_start3A_714 = arith.constant 0 : i32
        %dma_start3A_715 = tpu.memref_slice %arg9[%rem3A_710, %dma_start3A_712, %dma_start3A_713, %dma_start3A_714] : memref<4x2x2x40xi32, #tpu.memory_space<vmem>> -> memref<1x2x2x40xi32, #tpu.memory_space<vmem>>
        %dma_start3A_716 = tpu.memref_squeeze %dma_start3A_715 : memref<1x2x2x40xi32, #tpu.memory_space<vmem>> -> memref<2x2x40xi32, #tpu.memory_space<vmem>>
        %dma_start3A_717 = arith.constant 0 : i32
        %dma_start3A_718 = arith.constant 0 : i32
        %dma_start3A_719 = arith.constant 0 : i32
        %dma_start3A_720 = tpu.memref_slice %arg3[%add3A_711, %dma_start3A_717, %dma_start3A_718, %dma_start3A_719] : memref<4000x2x2x40xi32, #tpu.memory_space<hbm>> -> memref<1x2x2x40xi32, #tpu.memory_space<hbm>>
        %dma_start3A_721 = tpu.memref_squeeze %dma_start3A_720 : memref<1x2x2x40xi32, #tpu.memory_space<hbm>> -> memref<2x2x40xi32, #tpu.memory_space<hbm>>
        %dma_start3A_722 = tpu.memref_slice %arg13[%rem3A_710] : memref<4x!tpu.dma_semaphore, #tpu.memory_space<semaphore_mem>> -> memref<1x!tpu.dma_semaphore, #tpu.memory_space<semaphore_mem>>
        %dma_start3A_723 = tpu.memref_squeeze %dma_start3A_722 : memref<1x!tpu.dma_semaphore, #tpu.memory_space<semaphore_mem>> -> memref<!tpu.dma_semaphore, #tpu.memory_space<semaphore_mem>>
        %dma_start3A_724 = arith.constant 0 : i32
        %dma_start3A_725 = arith.constant 0 : i32
        %dma_start3A_726 = arith.constant 0 : i32
        %dma_start3A_727 = tpu.memref_slice %arg9[%rem3A_710, %dma_start3A_724, %dma_start3A_725, %dma_start3A_726] : memref<4x2x2x40xi32, #tpu.memory_space<vmem>> -> memref<1x2x2x40xi32, #tpu.memory_space<vmem>>
        %dma_start3A_728 = tpu.memref_squeeze %dma_start3A_727 : memref<1x2x2x40xi32, #tpu.memory_space<vmem>> -> memref<2x2x40xi32, #tpu.memory_space<vmem>>
        %dma_start3A_729 = arith.constant 0 : i32
        %dma_start3A_730 = arith.constant 0 : i32
        %dma_start3A_731 = arith.constant 0 : i32
        %dma_start3A_732 = tpu.memref_slice %arg3[%add3A_711, %dma_start3A_729, %dma_start3A_730, %dma_start3A_731] : memref<4000x2x2x40xi32, #tpu.memory_space<hbm>> -> memref<1x2x2x40xi32, #tpu.memory_space<hbm>>
        %dma_start3A_733 = tpu.memref_squeeze %dma_start3A_732 : memref<1x2x2x40xi32, #tpu.memory_space<hbm>> -> memref<2x2x40xi32, #tpu.memory_space<hbm>>
        tpu.enqueue_dma source(%dma_start3A_733 : memref<2x2x40xi32, #tpu.memory_space<hbm>>) target(%dma_start3A_728 : memref<2x2x40xi32, #tpu.memory_space<vmem>>) target_semaphore(%dma_start3A_723 : memref<!tpu.dma_semaphore, #tpu.memory_space<semaphore_mem>>)
      } else {
      }
      %add3A_542 = arith.constant 1 : i32
      %add3A_543 = arith.addi %mul3A_315, %add3A_542 : i32
      %div3A_544 = arith.constant 2 : i32
      %div3A_545 = arith.divsi %add3A_543, %div3A_544 : i32
      %rem3A_546 = arith.constant 4 : i32
      %rem3A_547 = arith.remsi %div3A_545, %rem3A_546 : i32
      %rem3A_548 = arith.constant 2 : i32
      %rem3A_549 = arith.remsi %add3A_543, %rem3A_548 : i32
      %rem3A_550 = arith.constant 4 : i32
      %rem3A_551 = arith.remsi %add3A_543, %rem3A_550 : i32
      %get3A_552 = arith.constant 0 : i32
      %get3A_553 = arith.constant 0 : i32
      %get3A_554 = tpu.memref_slice %arg9[%rem3A_547, %get3A_552, %rem3A_549, %get3A_553] : memref<4x2x2x40xi32, #tpu.memory_space<vmem>> -> memref<1x1x1x40xi32, #tpu.memory_space<vmem>>
      %get3A_555 = tpu.memref_squeeze %get3A_554 : memref<1x1x1x40xi32, #tpu.memory_space<vmem>> -> memref<40xi32, #tpu.memory_space<vmem>>
      %get3A_556 = arith.constant 0 : index
      %get3A_557 = tpu.vector_load %get3A_555[%get3A_556] {strides = array<i32>} : memref<40xi32, #tpu.memory_space<vmem>>, vector<16xi32>,
      %get3A_558 = arith.constant 1 : i32
      %get3A_559 = arith.constant 0 : i32
      %get3A_560 = tpu.memref_slice %arg9[%rem3A_547, %get3A_558, %rem3A_549, %get3A_559] : memref<4x2x2x40xi32, #tpu.memory_space<vmem>> -> memref<1x1x1x40xi32, #tpu.memory_space<vmem>>
      %get3A_561 = tpu.memref_squeeze %get3A_560 : memref<1x1x1x40xi32, #tpu.memory_space<vmem>> -> memref<40xi32, #tpu.memory_space<vmem>>
      %get3A_562 = arith.constant 0 : index
      %get3A_563 = tpu.vector_load %get3A_561[%get3A_562] {strides = array<i32>} : memref<40xi32, #tpu.memory_space<vmem>>, vector<16xi32>,
      %gather3A_564 = tpu.vector_load_idx %arg7[%get3A_557] : memref<10000xf32, #tpu.memory_space<vmem>>[vector<16xi32>], vector<16xf32>,
      %gather3A_565 = tpu.vector_load_idx %arg8[%get3A_563] : memref<10000xf32, #tpu.memory_space<vmem>>[vector<16xi32>], vector<16xf32>,
      %add3A_566 = arith.addf %gather3A_564, %gather3A_565 : vector<16xf32>
      %abs3A_567 = math.absf %add3A_566 : vector<16xf32>
      %mul3A_568 = arith.constant -2.000000e+00 : f32
      %mul3A_569 = vector.broadcast %mul3A_568 : f32 to vector<16xf32>
      %mul3A_570 = arith.mulf %mul3A_569, %abs3A_567 : vector<16xf32>
      %exp3A_571 = math.exp %mul3A_570 : vector<16xf32>
      %sub3A_572 = arith.constant 1.000000e+00 : f32
      %sub3A_573 = vector.broadcast %sub3A_572 : f32 to vector<16xf32>
      %sub3A_574 = arith.subf %sub3A_573, %exp3A_571 : vector<16xf32>
      %add3A_575 = arith.constant 1.000000e+00 : f32
      %add3A_576 = vector.broadcast %add3A_575 : f32 to vector<16xf32>
      %add3A_577 = arith.addf %add3A_576, %exp3A_571 : vector<16xf32>
      %div3A_578 = arith.divf %sub3A_574, %add3A_577 : vector<16xf32>
      %sign3A_579 = tpu.bitcast %add3A_566 : vector<16xf32> -> vector<16xi32>
      %sign3A_580 = arith.constant -2147483648 : i32
      %sign3A_581 = vector.broadcast %sign3A_580 : i32 to vector<16xi32>
      %sign3A_582 = arith.andi %sign3A_579, %sign3A_581 : vector<16xi32>
      %sign3A_583 = arith.constant 1065353216 : i32
      %sign3A_584 = vector.broadcast %sign3A_583 : i32 to vector<16xi32>
      %sign3A_585 = arith.ori %sign3A_584, %sign3A_582 : vector<16xi32>
      %sign3A_586 = tpu.bitcast %sign3A_585 : vector<16xi32> -> vector<16xf32>
      %sign3A_587 = math.absf %add3A_566 : vector<16xf32>
      %sign3A_588 = arith.constant 0.000000e+00 : f32
      %sign3A_589 = vector.broadcast %sign3A_588 : f32 to vector<16xf32>
      %sign3A_590 = arith.cmpf ogt, %sign3A_587, %sign3A_589 : vector<16xf32>
      %sign3A_591 = arith.select %sign3A_590, %sign3A_586, %add3A_566 : vector<16xi1>, vector<16xf32>
      %mul3A_592 = arith.mulf %sign3A_591, %div3A_578 : vector<16xf32>
      %swap3A_593 = arith.constant 0 : index
      %swap3A_594 = tpu.vector_load %arg10[%swap3A_593] {strides = array<i32>} : memref<40xf32, #tpu.memory_space<vmem>>, vector<16xf32>,
      tpu.vector_store %arg10[%swap3A_593], %mul3A_592 {strides = array<i32>} : memref<40xf32, #tpu.memory_space<vmem>>, vector<16xf32>,
      %get3A_595 = arith.constant 0 : i32
      %get3A_596 = arith.constant 0 : i32
      %get3A_597 = tpu.memref_slice %arg9[%rem3A_547, %get3A_595, %rem3A_549, %get3A_596] : memref<4x2x2x40xi32, #tpu.memory_space<vmem>> -> memref<1x1x1x40xi32, #tpu.memory_space<vmem>>
      %get3A_598 = tpu.memref_squeeze %get3A_597 : memref<1x1x1x40xi32, #tpu.memory_space<vmem>> -> memref<40xi32, #tpu.memory_space<vmem>>
      %get3A_599 = arith.constant 16 : index
      %get3A_600 = tpu.vector_load %get3A_598[%get3A_599] {strides = array<i32>} : memref<40xi32, #tpu.memory_space<vmem>>, vector<16xi32>,
      %get3A_601 = arith.constant 1 : i32
      %get3A_602 = arith.constant 0 : i32
      %get3A_603 = tpu.memref_slice %arg9[%rem3A_547, %get3A_601, %rem3A_549, %get3A_602] : memref<4x2x2x40xi32, #tpu.memory_space<vmem>> -> memref<1x1x1x40xi32, #tpu.memory_space<vmem>>
      %get3A_604 = tpu.memref_squeeze %get3A_603 : memref<1x1x1x40xi32, #tpu.memory_space<vmem>> -> memref<40xi32, #tpu.memory_space<vmem>>
      %get3A_605 = arith.constant 16 : index
      %get3A_606 = tpu.vector_load %get3A_604[%get3A_605] {strides = array<i32>} : memref<40xi32, #tpu.memory_space<vmem>>, vector<16xi32>,
      %gather3A_607 = tpu.vector_load_idx %arg7[%get3A_600] : memref<10000xf32, #tpu.memory_space<vmem>>[vector<16xi32>], vector<16xf32>,
      %gather3A_608 = tpu.vector_load_idx %arg8[%get3A_606] : memref<10000xf32, #tpu.memory_space<vmem>>[vector<16xi32>], vector<16xf32>,
      %add3A_609 = arith.addf %gather3A_607, %gather3A_608 : vector<16xf32>
      %abs3A_610 = math.absf %add3A_609 : vector<16xf32>
      %mul3A_611 = arith.constant -2.000000e+00 : f32
      %mul3A_612 = vector.broadcast %mul3A_611 : f32 to vector<16xf32>
      %mul3A_613 = arith.mulf %mul3A_612, %abs3A_610 : vector<16xf32>
      %exp3A_614 = math.exp %mul3A_613 : vector<16xf32>
      %sub3A_615 = arith.constant 1.000000e+00 : f32
      %sub3A_616 = vector.broadcast %sub3A_615 : f32 to vector<16xf32>
      %sub3A_617 = arith.subf %sub3A_616, %exp3A_614 : vector<16xf32>
      %add3A_618 = arith.constant 1.000000e+00 : f32
      %add3A_619 = vector.broadcast %add3A_618 : f32 to vector<16xf32>
      %add3A_620 = arith.addf %add3A_619, %exp3A_614 : vector<16xf32>
      %div3A_621 = arith.divf %sub3A_617, %add3A_620 : vector<16xf32>
      %sign3A_622 = tpu.bitcast %add3A_609 : vector<16xf32> -> vector<16xi32>
      %sign3A_623 = arith.constant -2147483648 : i32
      %sign3A_624 = vector.broadcast %sign3A_623 : i32 to vector<16xi32>
      %sign3A_625 = arith.andi %sign3A_622, %sign3A_624 : vector<16xi32>
      %sign3A_626 = arith.constant 1065353216 : i32
      %sign3A_627 = vector.broadcast %sign3A_626 : i32 to vector<16xi32>
      %sign3A_628 = arith.ori %sign3A_627, %sign3A_625 : vector<16xi32>
      %sign3A_629 = tpu.bitcast %sign3A_628 : vector<16xi32> -> vector<16xf32>
      %sign3A_630 = math.absf %add3A_609 : vector<16xf32>
      %sign3A_631 = arith.constant 0.000000e+00 : f32
      %sign3A_632 = vector.broadcast %sign3A_631 : f32 to vector<16xf32>
      %sign3A_633 = arith.cmpf ogt, %sign3A_630, %sign3A_632 : vector<16xf32>
      %sign3A_634 = arith.select %sign3A_633, %sign3A_629, %add3A_609 : vector<16xi1>, vector<16xf32>
      %mul3A_635 = arith.mulf %sign3A_634, %div3A_621 : vector<16xf32>
      %swap3A_636 = arith.constant 16 : index
      %swap3A_637 = tpu.vector_load %arg10[%swap3A_636] {strides = array<i32>} : memref<40xf32, #tpu.memory_space<vmem>>, vector<16xf32>,
      tpu.vector_store %arg10[%swap3A_636], %mul3A_635 {strides = array<i32>} : memref<40xf32, #tpu.memory_space<vmem>>, vector<16xf32>,
      %get3A_638 = arith.constant 0 : i32
      %get3A_639 = arith.constant 0 : i32
      %get3A_640 = tpu.memref_slice %arg9[%rem3A_547, %get3A_638, %rem3A_549, %get3A_639] : memref<4x2x2x40xi32, #tpu.memory_space<vmem>> -> memref<1x1x1x40xi32, #tpu.memory_space<vmem>>
      %get3A_641 = tpu.memref_squeeze %get3A_640 : memref<1x1x1x40xi32, #tpu.memory_space<vmem>> -> memref<40xi32, #tpu.memory_space<vmem>>
      %get3A_642 = arith.constant 24 : index
      %get3A_643 = tpu.vector_load %get3A_641[%get3A_642] {strides = array<i32>} : memref<40xi32, #tpu.memory_space<vmem>>, vector<16xi32>,
      %get3A_644 = arith.constant 1 : i32
      %get3A_645 = arith.constant 0 : i32
      %get3A_646 = tpu.memref_slice %arg9[%rem3A_547, %get3A_644, %rem3A_549, %get3A_645] : memref<4x2x2x40xi32, #tpu.memory_space<vmem>> -> memref<1x1x1x40xi32, #tpu.memory_space<vmem>>
      %get3A_647 = tpu.memref_squeeze %get3A_646 : memref<1x1x1x40xi32, #tpu.memory_space<vmem>> -> memref<40xi32, #tpu.memory_space<vmem>>
      %get3A_648 = arith.constant 24 : index
      %get3A_649 = tpu.vector_load %get3A_647[%get3A_648] {strides = array<i32>} : memref<40xi32, #tpu.memory_space<vmem>>, vector<16xi32>,
      %gather3A_650 = tpu.vector_load_idx %arg7[%get3A_643] : memref<10000xf32, #tpu.memory_space<vmem>>[vector<16xi32>], vector<16xf32>,
      %gather3A_651 = tpu.vector_load_idx %arg8[%get3A_649] : memref<10000xf32, #tpu.memory_space<vmem>>[vector<16xi32>], vector<16xf32>,
      %add3A_652 = arith.addf %gather3A_650, %gather3A_651 : vector<16xf32>
      %abs3A_653 = math.absf %add3A_652 : vector<16xf32>
      %mul3A_654 = arith.constant -2.000000e+00 : f32
      %mul3A_655 = vector.broadcast %mul3A_654 : f32 to vector<16xf32>
      %mul3A_656 = arith.mulf %mul3A_655, %abs3A_653 : vector<16xf32>
      %exp3A_657 = math.exp %mul3A_656 : vector<16xf32>
      %sub3A_658 = arith.constant 1.000000e+00 : f32
      %sub3A_659 = vector.broadcast %sub3A_658 : f32 to vector<16xf32>
      %sub3A_660 = arith.subf %sub3A_659, %exp3A_657 : vector<16xf32>
      %add3A_661 = arith.constant 1.000000e+00 : f32
      %add3A_662 = vector.broadcast %add3A_661 : f32 to vector<16xf32>
      %add3A_663 = arith.addf %add3A_662, %exp3A_657 : vector<16xf32>
      %div3A_664 = arith.divf %sub3A_660, %add3A_663 : vector<16xf32>
      %sign3A_665 = tpu.bitcast %add3A_652 : vector<16xf32> -> vector<16xi32>
      %sign3A_666 = arith.constant -2147483648 : i32
      %sign3A_667 = vector.broadcast %sign3A_666 : i32 to vector<16xi32>
      %sign3A_668 = arith.andi %sign3A_665, %sign3A_667 : vector<16xi32>
      %sign3A_669 = arith.constant 1065353216 : i32
      %sign3A_670 = vector.broadcast %sign3A_669 : i32 to vector<16xi32>
      %sign3A_671 = arith.ori %sign3A_670, %sign3A_668 : vector<16xi32>
      %sign3A_672 = tpu.bitcast %sign3A_671 : vector<16xi32> -> vector<16xf32>
      %sign3A_673 = math.absf %add3A_652 : vector<16xf32>
      %sign3A_674 = arith.constant 0.000000e+00 : f32
      %sign3A_675 = vector.broadcast %sign3A_674 : f32 to vector<16xf32>
      %sign3A_676 = arith.cmpf ogt, %sign3A_673, %sign3A_675 : vector<16xf32>
      %sign3A_677 = arith.select %sign3A_676, %sign3A_672, %add3A_652 : vector<16xi1>, vector<16xf32>
      %mul3A_678 = arith.mulf %sign3A_677, %div3A_664 : vector<16xf32>
      %swap3A_679 = arith.constant 24 : index
      %swap3A_680 = tpu.vector_load %arg10[%swap3A_679] {strides = array<i32>} : memref<40xf32, #tpu.memory_space<vmem>>, vector<16xf32>,
      tpu.vector_store %arg10[%swap3A_679], %mul3A_678 {strides = array<i32>} : memref<40xf32, #tpu.memory_space<vmem>>, vector<16xf32>,
      %parallel_loop3A_681 = arith.constant 0 : i32
      %parallel_loop3A_682 = arith.constant 40 : i32
      %parallel_loop3A_683 = arith.constant 1 : i32
      scf.for %parallel_loop3A_707 = %parallel_loop3A_681 to %parallel_loop3A_682 step %parallel_loop3A_683  : i32 {
        %parallel_loop3A_708 = vector.broadcast %parallel_loop3A_707 : i32 to vector<16xi32>
        %parallel_loop3A_709 = tpu.vector_load_idx %arg10[%parallel_loop3A_708] : memref<40xf32, #tpu.memory_space<vmem>>[vector<16xi32>], vector<16xf32>,
        %parallel_loop3A_710 = arith.constant 0 : i32
        %parallel_loop3A_711 = arith.constant 0 : i32
        %parallel_loop3A_712 = tpu.memref_slice %arg11[%rem3A_551, %parallel_loop3A_710, %parallel_loop3A_711] : memref<4x40x128xf32, #tpu.memory_space<vmem>> -> memref<1x40x128xf32, #tpu.memory_space<vmem>>
        %parallel_loop3A_713 = tpu.memref_squeeze %parallel_loop3A_712 : memref<1x40x128xf32, #tpu.memory_space<vmem>> -> memref<40x128xf32, #tpu.memory_space<vmem>>
        %parallel_loop3A_714 = arith.index_cast %parallel_loop3A_707 : i32 to index
        %parallel_loop3A_715 = arith.constant 0 : index
        %parallel_loop3A_716 = tpu.vector_load %parallel_loop3A_713[%parallel_loop3A_714, %parallel_loop3A_715] {strides = array<i32>} : memref<40x128xf32, #tpu.memory_space<vmem>>, vector<16xf32>,
        %parallel_loop3A_717 = arith.mulf %parallel_loop3A_716, %parallel_loop3A_709 : vector<16xf32>
        %parallel_loop3A_718 = arith.constant 0 : i32
        %parallel_loop3A_719 = arith.constant 0 : i32
        %parallel_loop3A_720 = tpu.memref_slice %arg11[%rem3A_551, %parallel_loop3A_718, %parallel_loop3A_719] : memref<4x40x128xf32, #tpu.memory_space<vmem>> -> memref<1x40x128xf32, #tpu.memory_space<vmem>>
        %parallel_loop3A_721 = tpu.memref_squeeze %parallel_loop3A_720 : memref<1x40x128xf32, #tpu.memory_space<vmem>> -> memref<40x128xf32, #tpu.memory_space<vmem>>
        %parallel_loop3A_722 = arith.index_cast %parallel_loop3A_707 : i32 to index
        %parallel_loop3A_723 = arith.constant 0 : index
        %parallel_loop3A_724 = tpu.vector_load %parallel_loop3A_721[%parallel_loop3A_722, %parallel_loop3A_723] {strides = array<i32>} : memref<40x128xf32, #tpu.memory_space<vmem>>, vector<16xf32>,
        tpu.vector_store %parallel_loop3A_721[%parallel_loop3A_722, %parallel_loop3A_723], %parallel_loop3A_717 {strides = array<i32>} : memref<40x128xf32, #tpu.memory_space<vmem>>, vector<16xf32>,
        %parallel_loop3A_725 = arith.constant 0 : i32
        %parallel_loop3A_726 = arith.constant 0 : i32
        %parallel_loop3A_727 = tpu.memref_slice %arg11[%rem3A_551, %parallel_loop3A_725, %parallel_loop3A_726] : memref<4x40x128xf32, #tpu.memory_space<vmem>> -> memref<1x40x128xf32, #tpu.memory_space<vmem>>
        %parallel_loop3A_728 = tpu.memref_squeeze %parallel_loop3A_727 : memref<1x40x128xf32, #tpu.memory_space<vmem>> -> memref<40x128xf32, #tpu.memory_space<vmem>>
        %parallel_loop3A_729 = arith.index_cast %parallel_loop3A_707 : i32 to index
        %parallel_loop3A_730 = arith.constant 16 : index
        %parallel_loop3A_731 = tpu.vector_load %parallel_loop3A_728[%parallel_loop3A_729, %parallel_loop3A_730] {strides = array<i32>} : memref<40x128xf32, #tpu.memory_space<vmem>>, vector<16xf32>,
        %parallel_loop3A_732 = arith.mulf %parallel_loop3A_731, %parallel_loop3A_709 : vector<16xf32>
        %parallel_loop3A_733 = arith.constant 0 : i32
        %parallel_loop3A_734 = arith.constant 0 : i32
        %parallel_loop3A_735 = tpu.memref_slice %arg11[%rem3A_551, %parallel_loop3A_733, %parallel_loop3A_734] : memref<4x40x128xf32, #tpu.memory_space<vmem>> -> memref<1x40x128xf32, #tpu.memory_space<vmem>>
        %parallel_loop3A_736 = tpu.memref_squeeze %parallel_loop3A_735 : memref<1x40x128xf32, #tpu.memory_space<vmem>> -> memref<40x128xf32, #tpu.memory_space<vmem>>
        %parallel_loop3A_737 = arith.index_cast %parallel_loop3A_707 : i32 to index
        %parallel_loop3A_738 = arith.constant 16 : index
        %parallel_loop3A_739 = tpu.vector_load %parallel_loop3A_736[%parallel_loop3A_737, %parallel_loop3A_738] {strides = array<i32>} : memref<40x128xf32, #tpu.memory_space<vmem>>, vector<16xf32>,
        tpu.vector_store %parallel_loop3A_736[%parallel_loop3A_737, %parallel_loop3A_738], %parallel_loop3A_732 {strides = array<i32>} : memref<40x128xf32, #tpu.memory_space<vmem>>, vector<16xf32>,
        %parallel_loop3A_740 = arith.constant 0 : i32
        %parallel_loop3A_741 = arith.constant 0 : i32
        %parallel_loop3A_742 = tpu.memref_slice %arg11[%rem3A_551, %parallel_loop3A_740, %parallel_loop3A_741] : memref<4x40x128xf32, #tpu.memory_space<vmem>> -> memref<1x40x128xf32, #tpu.memory_space<vmem>>
        %parallel_loop3A_743 = tpu.memref_squeeze %parallel_loop3A_742 : memref<1x40x128xf32, #tpu.memory_space<vmem>> -> memref<40x128xf32, #tpu.memory_space<vmem>>
        %parallel_loop3A_744 = arith.index_cast %parallel_loop3A_707 : i32 to index
        %parallel_loop3A_745 = arith.constant 32 : index
        %parallel_loop3A_746 = tpu.vector_load %parallel_loop3A_743[%parallel_loop3A_744, %parallel_loop3A_745] {strides = array<i32>} : memref<40x128xf32, #tpu.memory_space<vmem>>, vector<16xf32>,
        %parallel_loop3A_747 = arith.mulf %parallel_loop3A_746, %parallel_loop3A_709 : vector<16xf32>
        %parallel_loop3A_748 = arith.constant 0 : i32
        %parallel_loop3A_749 = arith.constant 0 : i32
        %parallel_loop3A_750 = tpu.memref_slice %arg11[%rem3A_551, %parallel_loop3A_748, %parallel_loop3A_749] : memref<4x40x128xf32, #tpu.memory_space<vmem>> -> memref<1x40x128xf32, #tpu.memory_space<vmem>>
        %parallel_loop3A_751 = tpu.memref_squeeze %parallel_loop3A_750 : memref<1x40x128xf32, #tpu.memory_space<vmem>> -> memref<40x128xf32, #tpu.memory_space<vmem>>
        %parallel_loop3A_752 = arith.index_cast %parallel_loop3A_707 : i32 to index
        %parallel_loop3A_753 = arith.constant 32 : index
        %parallel_loop3A_754 = tpu.vector_load %parallel_loop3A_751[%parallel_loop3A_752, %parallel_loop3A_753] {strides = array<i32>} : memref<40x128xf32, #tpu.memory_space<vmem>>, vector<16xf32>,
        tpu.vector_store %parallel_loop3A_751[%parallel_loop3A_752, %parallel_loop3A_753], %parallel_loop3A_747 {strides = array<i32>} : memref<40x128xf32, #tpu.memory_space<vmem>>, vector<16xf32>,
        %parallel_loop3A_755 = arith.constant 0 : i32
        %parallel_loop3A_756 = arith.constant 0 : i32
        %parallel_loop3A_757 = tpu.memref_slice %arg11[%rem3A_551, %parallel_loop3A_755, %parallel_loop3A_756] : memref<4x40x128xf32, #tpu.memory_space<vmem>> -> memref<1x40x128xf32, #tpu.memory_space<vmem>>
        %parallel_loop3A_758 = tpu.memref_squeeze %parallel_loop3A_757 : memref<1x40x128xf32, #tpu.memory_space<vmem>> -> memref<40x128xf32, #tpu.memory_space<vmem>>
        %parallel_loop3A_759 = arith.index_cast %parallel_loop3A_707 : i32 to index
        %parallel_loop3A_760 = arith.constant 48 : index
        %parallel_loop3A_761 = tpu.vector_load %parallel_loop3A_758[%parallel_loop3A_759, %parallel_loop3A_760] {strides = array<i32>} : memref<40x128xf32, #tpu.memory_space<vmem>>, vector<16xf32>,
        %parallel_loop3A_762 = arith.mulf %parallel_loop3A_761, %parallel_loop3A_709 : vector<16xf32>
        %parallel_loop3A_763 = arith.constant 0 : i32
        %parallel_loop3A_764 = arith.constant 0 : i32
        %parallel_loop3A_765 = tpu.memref_slice %arg11[%rem3A_551, %parallel_loop3A_763, %parallel_loop3A_764] : memref<4x40x128xf32, #tpu.memory_space<vmem>> -> memref<1x40x128xf32, #tpu.memory_space<vmem>>
        %parallel_loop3A_766 = tpu.memref_squeeze %parallel_loop3A_765 : memref<1x40x128xf32, #tpu.memory_space<vmem>> -> memref<40x128xf32, #tpu.memory_space<vmem>>
        %parallel_loop3A_767 = arith.index_cast %parallel_loop3A_707 : i32 to index
        %parallel_loop3A_768 = arith.constant 48 : index
        %parallel_loop3A_769 = tpu.vector_load %parallel_loop3A_766[%parallel_loop3A_767, %parallel_loop3A_768] {strides = array<i32>} : memref<40x128xf32, #tpu.memory_space<vmem>>, vector<16xf32>,
        tpu.vector_store %parallel_loop3A_766[%parallel_loop3A_767, %parallel_loop3A_768], %parallel_loop3A_762 {strides = array<i32>} : memref<40x128xf32, #tpu.memory_space<vmem>>, vector<16xf32>,
        %parallel_loop3A_770 = arith.constant 0 : i32
        %parallel_loop3A_771 = arith.constant 0 : i32
        %parallel_loop3A_772 = tpu.memref_slice %arg11[%rem3A_551, %parallel_loop3A_770, %parallel_loop3A_771] : memref<4x40x128xf32, #tpu.memory_space<vmem>> -> memref<1x40x128xf32, #tpu.memory_space<vmem>>
        %parallel_loop3A_773 = tpu.memref_squeeze %parallel_loop3A_772 : memref<1x40x128xf32, #tpu.memory_space<vmem>> -> memref<40x128xf32, #tpu.memory_space<vmem>>
        %parallel_loop3A_774 = arith.index_cast %parallel_loop3A_707 : i32 to index
        %parallel_loop3A_775 = arith.constant 64 : index
        %parallel_loop3A_776 = tpu.vector_load %parallel_loop3A_773[%parallel_loop3A_774, %parallel_loop3A_775] {strides = array<i32>} : memref<40x128xf32, #tpu.memory_space<vmem>>, vector<16xf32>,
        %parallel_loop3A_777 = arith.mulf %parallel_loop3A_776, %parallel_loop3A_709 : vector<16xf32>
        %parallel_loop3A_778 = arith.constant 0 : i32
        %parallel_loop3A_779 = arith.constant 0 : i32
        %parallel_loop3A_780 = tpu.memref_slice %arg11[%rem3A_551, %parallel_loop3A_778, %parallel_loop3A_779] : memref<4x40x128xf32, #tpu.memory_space<vmem>> -> memref<1x40x128xf32, #tpu.memory_space<vmem>>
        %parallel_loop3A_781 = tpu.memref_squeeze %parallel_loop3A_780 : memref<1x40x128xf32, #tpu.memory_space<vmem>> -> memref<40x128xf32, #tpu.memory_space<vmem>>
        %parallel_loop3A_782 = arith.index_cast %parallel_loop3A_707 : i32 to index
        %parallel_loop3A_783 = arith.constant 64 : index
        %parallel_loop3A_784 = tpu.vector_load %parallel_loop3A_781[%parallel_loop3A_782, %parallel_loop3A_783] {strides = array<i32>} : memref<40x128xf32, #tpu.memory_space<vmem>>, vector<16xf32>,
        tpu.vector_store %parallel_loop3A_781[%parallel_loop3A_782, %parallel_loop3A_783], %parallel_loop3A_777 {strides = array<i32>} : memref<40x128xf32, #tpu.memory_space<vmem>>, vector<16xf32>,
        %parallel_loop3A_785 = arith.constant 0 : i32
        %parallel_loop3A_786 = arith.constant 0 : i32
        %parallel_loop3A_787 = tpu.memref_slice %arg11[%rem3A_551, %parallel_loop3A_785, %parallel_loop3A_786] : memref<4x40x128xf32, #tpu.memory_space<vmem>> -> memref<1x40x128xf32, #tpu.memory_space<vmem>>
        %parallel_loop3A_788 = tpu.memref_squeeze %parallel_loop3A_787 : memref<1x40x128xf32, #tpu.memory_space<vmem>> -> memref<40x128xf32, #tpu.memory_space<vmem>>
        %parallel_loop3A_789 = arith.index_cast %parallel_loop3A_707 : i32 to index
        %parallel_loop3A_790 = arith.constant 80 : index
        %parallel_loop3A_791 = tpu.vector_load %parallel_loop3A_788[%parallel_loop3A_789, %parallel_loop3A_790] {strides = array<i32>} : memref<40x128xf32, #tpu.memory_space<vmem>>, vector<16xf32>,
        %parallel_loop3A_792 = arith.mulf %parallel_loop3A_791, %parallel_loop3A_709 : vector<16xf32>
        %parallel_loop3A_793 = arith.constant 0 : i32
        %parallel_loop3A_794 = arith.constant 0 : i32
        %parallel_loop3A_795 = tpu.memref_slice %arg11[%rem3A_551, %parallel_loop3A_793, %parallel_loop3A_794] : memref<4x40x128xf32, #tpu.memory_space<vmem>> -> memref<1x40x128xf32, #tpu.memory_space<vmem>>
        %parallel_loop3A_796 = tpu.memref_squeeze %parallel_loop3A_795 : memref<1x40x128xf32, #tpu.memory_space<vmem>> -> memref<40x128xf32, #tpu.memory_space<vmem>>
        %parallel_loop3A_797 = arith.index_cast %parallel_loop3A_707 : i32 to index
        %parallel_loop3A_798 = arith.constant 80 : index
        %parallel_loop3A_799 = tpu.vector_load %parallel_loop3A_796[%parallel_loop3A_797, %parallel_loop3A_798] {strides = array<i32>} : memref<40x128xf32, #tpu.memory_space<vmem>>, vector<16xf32>,
        tpu.vector_store %parallel_loop3A_796[%parallel_loop3A_797, %parallel_loop3A_798], %parallel_loop3A_792 {strides = array<i32>} : memref<40x128xf32, #tpu.memory_space<vmem>>, vector<16xf32>,
        %parallel_loop3A_800 = arith.constant 0 : i32
        %parallel_loop3A_801 = arith.constant 0 : i32
        %parallel_loop3A_802 = tpu.memref_slice %arg11[%rem3A_551, %parallel_loop3A_800, %parallel_loop3A_801] : memref<4x40x128xf32, #tpu.memory_space<vmem>> -> memref<1x40x128xf32, #tpu.memory_space<vmem>>
        %parallel_loop3A_803 = tpu.memref_squeeze %parallel_loop3A_802 : memref<1x40x128xf32, #tpu.memory_space<vmem>> -> memref<40x128xf32, #tpu.memory_space<vmem>>
        %parallel_loop3A_804 = arith.index_cast %parallel_loop3A_707 : i32 to index
        %parallel_loop3A_805 = arith.constant 96 : index
        %parallel_loop3A_806 = tpu.vector_load %parallel_loop3A_803[%parallel_loop3A_804, %parallel_loop3A_805] {strides = array<i32>} : memref<40x128xf32, #tpu.memory_space<vmem>>, vector<16xf32>,
        %parallel_loop3A_807 = arith.mulf %parallel_loop3A_806, %parallel_loop3A_709 : vector<16xf32>
        %parallel_loop3A_808 = arith.constant 0 : i32
        %parallel_loop3A_809 = arith.constant 0 : i32
        %parallel_loop3A_810 = tpu.memref_slice %arg11[%rem3A_551, %parallel_loop3A_808, %parallel_loop3A_809] : memref<4x40x128xf32, #tpu.memory_space<vmem>> -> memref<1x40x128xf32, #tpu.memory_space<vmem>>
        %parallel_loop3A_811 = tpu.memref_squeeze %parallel_loop3A_810 : memref<1x40x128xf32, #tpu.memory_space<vmem>> -> memref<40x128xf32, #tpu.memory_space<vmem>>
        %parallel_loop3A_812 = arith.index_cast %parallel_loop3A_707 : i32 to index
        %parallel_loop3A_813 = arith.constant 96 : index
        %parallel_loop3A_814 = tpu.vector_load %parallel_loop3A_811[%parallel_loop3A_812, %parallel_loop3A_813] {strides = array<i32>} : memref<40x128xf32, #tpu.memory_space<vmem>>, vector<16xf32>,
        tpu.vector_store %parallel_loop3A_811[%parallel_loop3A_812, %parallel_loop3A_813], %parallel_loop3A_807 {strides = array<i32>} : memref<40x128xf32, #tpu.memory_space<vmem>>, vector<16xf32>,
        %parallel_loop3A_815 = arith.constant 0 : i32
        %parallel_loop3A_816 = arith.constant 0 : i32
        %parallel_loop3A_817 = tpu.memref_slice %arg11[%rem3A_551, %parallel_loop3A_815, %parallel_loop3A_816] : memref<4x40x128xf32, #tpu.memory_space<vmem>> -> memref<1x40x128xf32, #tpu.memory_space<vmem>>
        %parallel_loop3A_818 = tpu.memref_squeeze %parallel_loop3A_817 : memref<1x40x128xf32, #tpu.memory_space<vmem>> -> memref<40x128xf32, #tpu.memory_space<vmem>>
        %parallel_loop3A_819 = arith.index_cast %parallel_loop3A_707 : i32 to index
        %parallel_loop3A_820 = arith.constant 112 : index
        %parallel_loop3A_821 = tpu.vector_load %parallel_loop3A_818[%parallel_loop3A_819, %parallel_loop3A_820] {strides = array<i32>} : memref<40x128xf32, #tpu.memory_space<vmem>>, vector<16xf32>,
        %parallel_loop3A_822 = arith.mulf %parallel_loop3A_821, %parallel_loop3A_709 : vector<16xf32>
        %parallel_loop3A_823 = arith.constant 0 : i32
        %parallel_loop3A_824 = arith.constant 0 : i32
        %parallel_loop3A_825 = tpu.memref_slice %arg11[%rem3A_551, %parallel_loop3A_823, %parallel_loop3A_824] : memref<4x40x128xf32, #tpu.memory_space<vmem>> -> memref<1x40x128xf32, #tpu.memory_space<vmem>>
        %parallel_loop3A_826 = tpu.memref_squeeze %parallel_loop3A_825 : memref<1x40x128xf32, #tpu.memory_space<vmem>> -> memref<40x128xf32, #tpu.memory_space<vmem>>
        %parallel_loop3A_827 = arith.index_cast %parallel_loop3A_707 : i32 to index
        %parallel_loop3A_828 = arith.constant 112 : index
        %parallel_loop3A_829 = tpu.vector_load %parallel_loop3A_826[%parallel_loop3A_827, %parallel_loop3A_828] {strides = array<i32>} : memref<40x128xf32, #tpu.memory_space<vmem>>, vector<16xf32>,
        tpu.vector_store %parallel_loop3A_826[%parallel_loop3A_827, %parallel_loop3A_828], %parallel_loop3A_822 {strides = array<i32>} : memref<40x128xf32, #tpu.memory_space<vmem>>, vector<16xf32>,
      } {sc.loop_unroll_factor = 4 : i64, sc.parallel_access}
      %add3A_684 = arith.constant 1 : i32
      %add3A_685 = arith.addi %mul3A_315, %add3A_684 : i32
      %div3A_686 = arith.constant 2 : i32
      %div3A_687 = arith.divsi %add3A_685, %div3A_686 : i32
      %rem3A_688 = arith.constant 4 : i32
      %rem3A_689 = arith.remsi %div3A_687, %rem3A_688 : i32
      %rem3A_690 = arith.constant 2 : i32
      %rem3A_691 = arith.remsi %add3A_685, %rem3A_690 : i32
      %rem3A_692 = arith.constant 4 : i32
      %rem3A_693 = arith.remsi %add3A_685, %rem3A_692 : i32
      %dma_start3A_694 = arith.constant 1 : i32
      %dma_start3A_695 = arith.constant 0 : i32
      %dma_start3A_696 = arith.constant 0 : i32
      %dma_start3A_697 = tpu.memref_slice %arg11[%rem3A_693, %dma_start3A_695, %dma_start3A_696] : memref<4x40x128xf32, #tpu.memory_space<vmem>> -> memref<1x40x128xf32, #tpu.memory_space<vmem>>
      %dma_start3A_698 = tpu.memref_squeeze %dma_start3A_697 : memref<1x40x128xf32, #tpu.memory_space<vmem>> -> memref<40x128xf32, #tpu.memory_space<vmem>>
      %dma_start3A_699 = arith.constant 0 : i32
      %dma_start3A_700 = tpu.memref_slice %arg9[%rem3A_689, %dma_start3A_694, %rem3A_691, %dma_start3A_699] : memref<4x2x2x40xi32, #tpu.memory_space<vmem>> -> memref<1x1x1x40xi32, #tpu.memory_space<vmem>>
      %dma_start3A_701 = tpu.memref_squeeze %dma_start3A_700 : memref<1x1x1x40xi32, #tpu.memory_space<vmem>> -> memref<40xi32, #tpu.memory_space<vmem>>
      %dma_start3A_702 = arith.constant 0 : i32
      %dma_start3A_703 = arith.constant 0 : i32
      %dma_start3A_704 = tpu.memref_slice %arg12[%dma_start3A_702, %dma_start3A_703] : memref<10000x128xf32, #tpu.memory_space<vmem_shared>> -> memref<10000x128xf32, #tpu.memory_space<vmem_shared>>
      %dma_start3A_705 = tpu.memref_slice %arg15[%rem3A_693] : memref<4x!tpu.dma_semaphore, #tpu.memory_space<semaphore_mem>> -> memref<1x!tpu.dma_semaphore, #tpu.memory_space<semaphore_mem>>
      %dma_start3A_706 = tpu.memref_squeeze %dma_start3A_705 : memref<1x!tpu.dma_semaphore, #tpu.memory_space<semaphore_mem>> -> memref<!tpu.dma_semaphore, #tpu.memory_space<semaphore_mem>>
      tpu.enqueue_indirect_dma source(%dma_start3A_698 : memref<40x128xf32, #tpu.memory_space<vmem>>) target(%dma_start3A_704 : memref<10000x128xf32, #tpu.memory_space<vmem_shared>>) offsets(%dma_start3A_701 : memref<40xi32, #tpu.memory_space<vmem>>) semaphore(%dma_start3A_706 : memref<!tpu.dma_semaphore, #tpu.memory_space<semaphore_mem>>) {add = true}
    }
    %scan3A_242 = arith.constant 125 : i32
    %div3A_243 = arith.constant 248 : i32
    %div3A_244 = arith.constant 2 : i32
    %div3A_245 = arith.divsi %div3A_243, %div3A_244 : i32
    %rem3A_246 = arith.constant 4 : i32
    %rem3A_247 = arith.remsi %div3A_245, %rem3A_246 : i32
    %rem3A_248 = arith.constant 248 : i32
    %rem3A_249 = arith.constant 2 : i32
    %rem3A_250 = arith.remsi %rem3A_248, %rem3A_249 : i32
    %rem3A_251 = arith.constant 248 : i32
    %rem3A_252 = arith.constant 4 : i32
    %rem3A_253 = arith.remsi %rem3A_251, %rem3A_252 : i32
    %dma_wait3A_254 = arith.constant 1 : i32
    %dma_wait3A_255 = arith.constant 0 : i32
    %dma_wait3A_256 = arith.constant 0 : i32
    %dma_wait3A_257 = tpu.memref_slice %arg11[%rem3A_253, %dma_wait3A_255, %dma_wait3A_256] : memref<4x40x128xf32, #tpu.memory_space<vmem>> -> memref<1x40x128xf32, #tpu.memory_space<vmem>>
    %dma_wait3A_258 = tpu.memref_squeeze %dma_wait3A_257 : memref<1x40x128xf32, #tpu.memory_space<vmem>> -> memref<40x128xf32, #tpu.memory_space<vmem>>
    %dma_wait3A_259 = arith.constant 0 : i32
    %dma_wait3A_260 = tpu.memref_slice %arg9[%rem3A_247, %dma_wait3A_254, %rem3A_250, %dma_wait3A_259] : memref<4x2x2x40xi32, #tpu.memory_space<vmem>> -> memref<1x1x1x40xi32, #tpu.memory_space<vmem>>
    %dma_wait3A_261 = tpu.memref_squeeze %dma_wait3A_260 : memref<1x1x1x40xi32, #tpu.memory_space<vmem>> -> memref<40xi32, #tpu.memory_space<vmem>>
    %dma_wait3A_262 = arith.constant 0 : i32
    %dma_wait3A_263 = arith.constant 0 : i32
    %dma_wait3A_264 = tpu.memref_slice %arg12[%dma_wait3A_262, %dma_wait3A_263] : memref<10000x128xf32, #tpu.memory_space<vmem_shared>> -> memref<10000x128xf32, #tpu.memory_space<vmem_shared>>
    %dma_wait3A_265 = tpu.memref_slice %arg15[%rem3A_253] : memref<4x!tpu.dma_semaphore, #tpu.memory_space<semaphore_mem>> -> memref<1x!tpu.dma_semaphore, #tpu.memory_space<semaphore_mem>>
    %dma_wait3A_266 = tpu.memref_squeeze %dma_wait3A_265 : memref<1x!tpu.dma_semaphore, #tpu.memory_space<semaphore_mem>> -> memref<!tpu.dma_semaphore, #tpu.memory_space<semaphore_mem>>
    tpu.wait_indirect_dma semaphore(%dma_wait3A_266 : memref<!tpu.dma_semaphore, #tpu.memory_space<semaphore_mem>>) src(%dma_wait3A_258 : memref<40x128xf32, #tpu.memory_space<vmem>>) dst(%dma_wait3A_264 : memref<10000x128xf32, #tpu.memory_space<vmem_shared>>)
    %div3A_267 = arith.constant 249 : i32
    %div3A_268 = arith.constant 2 : i32
    %div3A_269 = arith.divsi %div3A_267, %div3A_268 : i32
    %rem3A_270 = arith.constant 4 : i32
    %rem3A_271 = arith.remsi %div3A_269, %rem3A_270 : i32
    %rem3A_272 = arith.constant 249 : i32
    %rem3A_273 = arith.constant 2 : i32
    %rem3A_274 = arith.remsi %rem3A_272, %rem3A_273 : i32
    %rem3A_275 = arith.constant 249 : i32
    %rem3A_276 = arith.constant 4 : i32
    %rem3A_277 = arith.remsi %rem3A_275, %rem3A_276 : i32
    %dma_wait3A_278 = arith.constant 1 : i32
    %dma_wait3A_279 = arith.constant 0 : i32
    %dma_wait3A_280 = arith.constant 0 : i32
    %dma_wait3A_281 = tpu.memref_slice %arg11[%rem3A_277, %dma_wait3A_279, %dma_wait3A_280] : memref<4x40x128xf32, #tpu.memory_space<vmem>> -> memref<1x40x128xf32, #tpu.memory_space<vmem>>
    %dma_wait3A_282 = tpu.memref_squeeze %dma_wait3A_281 : memref<1x40x128xf32, #tpu.memory_space<vmem>> -> memref<40x128xf32, #tpu.memory_space<vmem>>
    %dma_wait3A_283 = arith.constant 0 : i32
    %dma_wait3A_284 = tpu.memref_slice %arg9[%rem3A_271, %dma_wait3A_278, %rem3A_274, %dma_wait3A_283] : memref<4x2x2x40xi32, #tpu.memory_space<vmem>> -> memref<1x1x1x40xi32, #tpu.memory_space<vmem>>
    %dma_wait3A_285 = tpu.memref_squeeze %dma_wait3A_284 : memref<1x1x1x40xi32, #tpu.memory_space<vmem>> -> memref<40xi32, #tpu.memory_space<vmem>>
    %dma_wait3A_286 = arith.constant 0 : i32
    %dma_wait3A_287 = arith.constant 0 : i32
    %dma_wait3A_288 = tpu.memref_slice %arg12[%dma_wait3A_286, %dma_wait3A_287] : memref<10000x128xf32, #tpu.memory_space<vmem_shared>> -> memref<10000x128xf32, #tpu.memory_space<vmem_shared>>
    %dma_wait3A_289 = tpu.memref_slice %arg15[%rem3A_277] : memref<4x!tpu.dma_semaphore, #tpu.memory_space<semaphore_mem>> -> memref<1x!tpu.dma_semaphore, #tpu.memory_space<semaphore_mem>>
    %dma_wait3A_290 = tpu.memref_squeeze %dma_wait3A_289 : memref<1x!tpu.dma_semaphore, #tpu.memory_space<semaphore_mem>> -> memref<!tpu.dma_semaphore, #tpu.memory_space<semaphore_mem>>
    tpu.wait_indirect_dma semaphore(%dma_wait3A_290 : memref<!tpu.dma_semaphore, #tpu.memory_space<semaphore_mem>>) src(%dma_wait3A_282 : memref<40x128xf32, #tpu.memory_space<vmem>>) dst(%dma_wait3A_288 : memref<10000x128xf32, #tpu.memory_space<vmem_shared>>)
    %barrier3A_291 = arith.constant 0 : index
    tpu.barrier barrier_id(%barrier3A_291)
    %mul3A_292 = arith.constant 624 : i32
    %mul3A_293 = arith.muli %arg1, %mul3A_292 : i32
    %add3A_294 = arith.constant 0 : i32
    %add3A_295 = arith.addi %mul3A_293, %add3A_294 : i32
    "tpu.region"() ({
      %run_scoped3A_309 = tpu.sem_alloc : memref<!tpu.dma_semaphore, #tpu.memory_space<semaphore_mem>>
      %dma_start3A_310 = arith.constant 0 : i32
      %dma_start3A_311 = tpu.memref_slice %arg6[%arg0, %add3A_295, %dma_start3A_310] : memref<2x10000x128xf32, #tpu.memory_space<hbm>> -> memref<1x208x128xf32, #tpu.memory_space<hbm>>
      %dma_start3A_312 = tpu.memref_squeeze %dma_start3A_311 : memref<1x208x128xf32, #tpu.memory_space<hbm>> -> memref<208x128xf32, #tpu.memory_space<hbm>>
      %dma_start3A_313 = arith.constant 0 : i32
      %dma_start3A_314 = tpu.memref_slice %arg12[%add3A_295, %dma_start3A_313] : memref<10000x128xf32, #tpu.memory_space<vmem_shared>> -> memref<208x128xf32, #tpu.memory_space<vmem_shared>>
      tpu.enqueue_dma source(%dma_start3A_314 : memref<208x128xf32, #tpu.memory_space<vmem_shared>>) target(%dma_start3A_312 : memref<208x128xf32, #tpu.memory_space<hbm>>) target_semaphore(%run_scoped3A_309 : memref<!tpu.dma_semaphore, #tpu.memory_space<semaphore_mem>>)
      %dma_wait3A_315 = arith.constant 0 : i32
      %dma_wait3A_316 = tpu.memref_slice %arg6[%arg0, %add3A_295, %dma_wait3A_315] : memref<2x10000x128xf32, #tpu.memory_space<hbm>> -> memref<1x208x128xf32, #tpu.memory_space<hbm>>
      %dma_wait3A_317 = tpu.memref_squeeze %dma_wait3A_316 : memref<1x208x128xf32, #tpu.memory_space<hbm>> -> memref<208x128xf32, #tpu.memory_space<hbm>>
      %dma_wait3A_318 = arith.constant 0 : i32
      %dma_wait3A_319 = tpu.memref_slice %arg12[%add3A_295, %dma_wait3A_318] : memref<10000x128xf32, #tpu.memory_space<vmem_shared>> -> memref<208x128xf32, #tpu.memory_space<vmem_shared>>
      tpu.wait_dma2 semaphore(%run_scoped3A_309 : memref<!tpu.dma_semaphore, #tpu.memory_space<semaphore_mem>>) src(%dma_wait3A_319 : memref<208x128xf32, #tpu.memory_space<vmem_shared>>) dst(%dma_wait3A_317 : memref<208x128xf32, #tpu.memory_space<hbm>>)
      tpu.yield
    }) : () -> ()
    %mul3A_296 = arith.constant 624 : i32
    %mul3A_297 = arith.muli %arg1, %mul3A_296 : i32
    %add3A_298 = arith.constant 208 : i32
    %add3A_299 = arith.addi %mul3A_297, %add3A_298 : i32
    "tpu.region"() ({
      %run_scoped3A_309 = tpu.sem_alloc : memref<!tpu.dma_semaphore, #tpu.memory_space<semaphore_mem>>
      %dma_start3A_310 = arith.constant 0 : i32
      %dma_start3A_311 = tpu.memref_slice %arg6[%arg0, %add3A_299, %dma_start3A_310] : memref<2x10000x128xf32, #tpu.memory_space<hbm>> -> memref<1x208x128xf32, #tpu.memory_space<hbm>>
      %dma_start3A_312 = tpu.memref_squeeze %dma_start3A_311 : memref<1x208x128xf32, #tpu.memory_space<hbm>> -> memref<208x128xf32, #tpu.memory_space<hbm>>
      %dma_start3A_313 = arith.constant 0 : i32
      %dma_start3A_314 = tpu.memref_slice %arg12[%add3A_299, %dma_start3A_313] : memref<10000x128xf32, #tpu.memory_space<vmem_shared>> -> memref<208x128xf32, #tpu.memory_space<vmem_shared>>
      tpu.enqueue_dma source(%dma_start3A_314 : memref<208x128xf32, #tpu.memory_space<vmem_shared>>) target(%dma_start3A_312 : memref<208x128xf32, #tpu.memory_space<hbm>>) target_semaphore(%run_scoped3A_309 : memref<!tpu.dma_semaphore, #tpu.memory_space<semaphore_mem>>)
      %dma_wait3A_315 = arith.constant 0 : i32
      %dma_wait3A_316 = tpu.memref_slice %arg6[%arg0, %add3A_299, %dma_wait3A_315] : memref<2x10000x128xf32, #tpu.memory_space<hbm>> -> memref<1x208x128xf32, #tpu.memory_space<hbm>>
      %dma_wait3A_317 = tpu.memref_squeeze %dma_wait3A_316 : memref<1x208x128xf32, #tpu.memory_space<hbm>> -> memref<208x128xf32, #tpu.memory_space<hbm>>
      %dma_wait3A_318 = arith.constant 0 : i32
      %dma_wait3A_319 = tpu.memref_slice %arg12[%add3A_299, %dma_wait3A_318] : memref<10000x128xf32, #tpu.memory_space<vmem_shared>> -> memref<208x128xf32, #tpu.memory_space<vmem_shared>>
      tpu.wait_dma2 semaphore(%run_scoped3A_309 : memref<!tpu.dma_semaphore, #tpu.memory_space<semaphore_mem>>) src(%dma_wait3A_319 : memref<208x128xf32, #tpu.memory_space<vmem_shared>>) dst(%dma_wait3A_317 : memref<208x128xf32, #tpu.memory_space<hbm>>)
      tpu.yield
    }) : () -> ()
    %mul3A_300 = arith.constant 624 : i32
    %mul3A_301 = arith.muli %arg1, %mul3A_300 : i32
    %add3A_302 = arith.constant 416 : i32
    %add3A_303 = arith.addi %mul3A_301, %add3A_302 : i32
    "tpu.region"() ({
      %run_scoped3A_309 = tpu.sem_alloc : memref<!tpu.dma_semaphore, #tpu.memory_space<semaphore_mem>>
      %dma_start3A_310 = arith.constant 0 : i32
      %dma_start3A_311 = tpu.memref_slice %arg6[%arg0, %add3A_303, %dma_start3A_310] : memref<2x10000x128xf32, #tpu.memory_space<hbm>> -> memref<1x208x128xf32, #tpu.memory_space<hbm>>
      %dma_start3A_312 = tpu.memref_squeeze %dma_start3A_311 : memref<1x208x128xf32, #tpu.memory_space<hbm>> -> memref<208x128xf32, #tpu.memory_space<hbm>>
      %dma_start3A_313 = arith.constant 0 : i32
      %dma_start3A_314 = tpu.memref_slice %arg12[%add3A_303, %dma_start3A_313] : memref<10000x128xf32, #tpu.memory_space<vmem_shared>> -> memref<208x128xf32, #tpu.memory_space<vmem_shared>>
      tpu.enqueue_dma source(%dma_start3A_314 : memref<208x128xf32, #tpu.memory_space<vmem_shared>>) target(%dma_start3A_312 : memref<208x128xf32, #tpu.memory_space<hbm>>) target_semaphore(%run_scoped3A_309 : memref<!tpu.dma_semaphore, #tpu.memory_space<semaphore_mem>>)
      %dma_wait3A_315 = arith.constant 0 : i32
      %dma_wait3A_316 = tpu.memref_slice %arg6[%arg0, %add3A_303, %dma_wait3A_315] : memref<2x10000x128xf32, #tpu.memory_space<hbm>> -> memref<1x208x128xf32, #tpu.memory_space<hbm>>
      %dma_wait3A_317 = tpu.memref_squeeze %dma_wait3A_316 : memref<1x208x128xf32, #tpu.memory_space<hbm>> -> memref<208x128xf32, #tpu.memory_space<hbm>>
      %dma_wait3A_318 = arith.constant 0 : i32
      %dma_wait3A_319 = tpu.memref_slice %arg12[%add3A_303, %dma_wait3A_318] : memref<10000x128xf32, #tpu.memory_space<vmem_shared>> -> memref<208x128xf32, #tpu.memory_space<vmem_shared>>
      tpu.wait_dma2 semaphore(%run_scoped3A_309 : memref<!tpu.dma_semaphore, #tpu.memory_space<semaphore_mem>>) src(%dma_wait3A_319 : memref<208x128xf32, #tpu.memory_space<vmem_shared>>) dst(%dma_wait3A_317 : memref<208x128xf32, #tpu.memory_space<hbm>>)
      tpu.yield
    }) : () -> ()
    %eq3A_304 = arith.constant 15 : i32
    %eq3A_305 = arith.cmpi eq, %arg1, %eq3A_304 : i32
    %convert_element_type3A_306 = arith.extui %eq3A_305 : i1 to i32
    %cond3A_307 = arith.constant 0 : i32
    %cond3A_308 = arith.cmpi ne, %convert_element_type3A_306, %cond3A_307 : i32
    scf.if %cond3A_308 {
      "tpu.region"() ({
        %run_scoped3A_309 = tpu.sem_alloc : memref<!tpu.dma_semaphore, #tpu.memory_space<semaphore_mem>>
        %dma_start3A_310 = arith.constant 9984 : i32
        %dma_start3A_311 = arith.constant 0 : i32
        %dma_start3A_312 = tpu.memref_slice %arg6[%arg0, %dma_start3A_310, %dma_start3A_311] : memref<2x10000x128xf32, #tpu.memory_space<hbm>> -> memref<1x16x128xf32, #tpu.memory_space<hbm>>
        %dma_start3A_313 = tpu.memref_squeeze %dma_start3A_312 : memref<1x16x128xf32, #tpu.memory_space<hbm>> -> memref<16x128xf32, #tpu.memory_space<hbm>>
        %dma_start3A_314 = arith.constant 9984 : i32
        %dma_start3A_315 = arith.constant 0 : i32
        %dma_start3A_316 = tpu.memref_slice %arg12[%dma_start3A_314, %dma_start3A_315] : memref<10000x128xf32, #tpu.memory_space<vmem_shared>> -> memref<16x128xf32, #tpu.memory_space<vmem_shared>>
        tpu.enqueue_dma source(%dma_start3A_316 : memref<16x128xf32, #tpu.memory_space<vmem_shared>>) target(%dma_start3A_313 : memref<16x128xf32, #tpu.memory_space<hbm>>) target_semaphore(%run_scoped3A_309 : memref<!tpu.dma_semaphore, #tpu.memory_space<semaphore_mem>>)
        %dma_wait3A_317 = arith.constant 9984 : i32
        %dma_wait3A_318 = arith.constant 0 : i32
        %dma_wait3A_319 = tpu.memref_slice %arg6[%arg0, %dma_wait3A_317, %dma_wait3A_318] : memref<2x10000x128xf32, #tpu.memory_space<hbm>> -> memref<1x16x128xf32, #tpu.memory_space<hbm>>
        %dma_wait3A_320 = tpu.memref_squeeze %dma_wait3A_319 : memref<1x16x128xf32, #tpu.memory_space<hbm>> -> memref<16x128xf32, #tpu.memory_space<hbm>>
        %dma_wait3A_321 = arith.constant 9984 : i32
        %dma_wait3A_322 = arith.constant 0 : i32
        %dma_wait3A_323 = tpu.memref_slice %arg12[%dma_wait3A_321, %dma_wait3A_322] : memref<10000x128xf32, #tpu.memory_space<vmem_shared>> -> memref<16x128xf32, #tpu.memory_space<vmem_shared>>
        tpu.wait_dma2 semaphore(%run_scoped3A_309 : memref<!tpu.dma_semaphore, #tpu.memory_space<semaphore_mem>>) src(%dma_wait3A_323 : memref<16x128xf32, #tpu.memory_space<vmem_shared>>) dst(%dma_wait3A_320 : memref<16x128xf32, #tpu.memory_space<hbm>>)
        tpu.yield
      }) : () -> ()
    } else {
    }
    return
  }
}

module attributes {stable_mosaic.version = 14 : i64} {
  func.func @_tc_in_body(%arg0: memref<10000x128xf32, #tpu.memory_space<vmem>>, %arg1: memref<128x128xf32, #tpu.memory_space<vmem>>, %arg2: memref<1x128xf32, #tpu.memory_space<vmem>>, %arg3: memref<128x128xf32, #tpu.memory_space<vmem>>, %arg4: memref<1x128xf32, #tpu.memory_space<vmem>>, %arg5: memref<10000x128xf32, #tpu.memory_space<vmem>>, %arg6: memref<10000x128xf32, #tpu.memory_space<vmem>>) attributes {dimension_semantics = [], scalar_prefetch = 0 : i64, scratch_operands = 0 : i64, tpu.core_type = #tpu.core_type<tc>} {
    %get3A = arith.constant 0 : index
    %get3A_0 = arith.constant 0 : index
    %get3A_1 = vector.load %arg0[%get3A, %get3A_0] : memref<10000x128xf32, #tpu.memory_space<vmem>>, vector<10000x128xf32>
    %get3A_2 = arith.constant 0 : index
    %get3A_3 = arith.constant 0 : index
    %get3A_4 = vector.load %arg1[%get3A_2, %get3A_3] : memref<128x128xf32, #tpu.memory_space<vmem>>, vector<128x128xf32>
    %dot_general3A = arith.constant dense<0.000000e+00> : vector<10000x128xf32>
    %dot_general3A_5 = tpu.matmul %get3A_1, %get3A_4, %dot_general3A {dimension_numbers = #tpu.dot_dimension_numbers<[1], [0], [0], [1], [0, 0, 1, 1], [], []>, transpose_lhs_hint = false} : vector<10000x128xf32>, vector<128x128xf32>, vector<10000x128xf32> -> vector<10000x128xf32>
    %get3A_6 = arith.constant 0 : index
    %get3A_7 = arith.constant 0 : index
    %get3A_8 = vector.load %arg2[%get3A_6, %get3A_7] : memref<1x128xf32, #tpu.memory_space<vmem>>, vector<1x128xf32>
    %add3A = vector.broadcast %get3A_8 : vector<1x128xf32> to vector<10000x128xf32>
    %add3A_9 = arith.addf %dot_general3A_5, %add3A : vector<10000x128xf32>
    %max3A = arith.constant 0.000000e+00 : f32
    %max3A_10 = vector.broadcast %max3A : f32 to vector<10000x128xf32>
    %max3A_11 = arith.maximumf %add3A_9, %max3A_10 : vector<10000x128xf32>
    %swap3A = arith.constant 0 : index
    %swap3A_12 = arith.constant 0 : index
    %swap3A_13 = vector.load %arg5[%swap3A, %swap3A_12] : memref<10000x128xf32, #tpu.memory_space<vmem>>, vector<10000x128xf32>
    tpu.vector_store %arg5[%swap3A, %swap3A_12], %max3A_11 {strides = array<i32>} : memref<10000x128xf32, #tpu.memory_space<vmem>>, vector<10000x128xf32>,
    %get3A_14 = arith.constant 0 : index
    %get3A_15 = arith.constant 0 : index
    %get3A_16 = vector.load %arg3[%get3A_14, %get3A_15] : memref<128x128xf32, #tpu.memory_space<vmem>>, vector<128x128xf32>
    %dot_general3A_17 = arith.constant dense<0.000000e+00> : vector<10000x128xf32>
    %dot_general3A_18 = tpu.matmul %max3A_11, %get3A_16, %dot_general3A_17 {dimension_numbers = #tpu.dot_dimension_numbers<[1], [0], [0], [1], [0, 0, 1, 1], [], []>, transpose_lhs_hint = false} : vector<10000x128xf32>, vector<128x128xf32>, vector<10000x128xf32> -> vector<10000x128xf32>
    %get3A_19 = arith.constant 0 : index
    %get3A_20 = arith.constant 0 : index
    %get3A_21 = vector.load %arg4[%get3A_19, %get3A_20] : memref<1x128xf32, #tpu.memory_space<vmem>>, vector<1x128xf32>
    %add3A_22 = vector.broadcast %get3A_21 : vector<1x128xf32> to vector<10000x128xf32>
    %add3A_23 = arith.addf %dot_general3A_18, %add3A_22 : vector<10000x128xf32>
    %swap3A_24 = arith.constant 0 : index
    %swap3A_25 = arith.constant 0 : index
    %swap3A_26 = vector.load %arg6[%swap3A_24, %swap3A_25] : memref<10000x128xf32, #tpu.memory_space<vmem>>, vector<10000x128xf32>
    tpu.vector_store %arg6[%swap3A_24, %swap3A_25], %add3A_23 {strides = array<i32>} : memref<10000x128xf32, #tpu.memory_space<vmem>>, vector<10000x128xf32>,
    return
  }
}

module attributes {stable_mosaic.version = 14 : i64} {
  func.func @_tc_combine_body(%arg0: memref<10000x128xf32, #tpu.memory_space<vmem>>, %arg1: memref<10000x128xf32, #tpu.memory_space<vmem>>, %arg2: memref<10000x128xf32, #tpu.memory_space<vmem>>, %arg3: memref<1x128xf32, #tpu.memory_space<vmem>>, %arg4: memref<128x128xf32, #tpu.memory_space<vmem>>, %arg5: memref<1x128xf32, #tpu.memory_space<vmem>>, %arg6: memref<10000x128xf32, #tpu.memory_space<vmem>>, %arg7: memref<10000x128xf32, #tpu.memory_space<vmem>>) attributes {dimension_semantics = [], scalar_prefetch = 0 : i64, scratch_operands = 0 : i64, tpu.core_type = #tpu.core_type<tc>} {
    %get3A = arith.constant 0 : index
    %get3A_0 = arith.constant 0 : index
    %get3A_1 = vector.load %arg3[%get3A, %get3A_0] : memref<1x128xf32, #tpu.memory_space<vmem>>, vector<1x128xf32>
    %get3A_2 = arith.constant 0 : index
    %get3A_3 = arith.constant 0 : index
    %get3A_4 = vector.load %arg1[%get3A_2, %get3A_3] : memref<10000x128xf32, #tpu.memory_space<vmem>>, vector<10000x128xf32>
    %get3A_5 = arith.constant 0 : index
    %get3A_6 = arith.constant 0 : index
    %get3A_7 = vector.load %arg2[%get3A_5, %get3A_6] : memref<10000x128xf32, #tpu.memory_space<vmem>>, vector<10000x128xf32>
    %add3A = arith.addf %get3A_4, %get3A_7 : vector<10000x128xf32>
    %get3A_8 = arith.constant 0 : index
    %get3A_9 = arith.constant 0 : index
    %get3A_10 = vector.load %arg0[%get3A_8, %get3A_9] : memref<10000x128xf32, #tpu.memory_space<vmem>>, vector<10000x128xf32>
    %mul3A = vector.broadcast %get3A_1 : vector<1x128xf32> to vector<10000x128xf32>
    %mul3A_11 = arith.mulf %mul3A, %get3A_10 : vector<10000x128xf32>
    %sub3A = arith.constant 1.000000e+00 : f32
    %sub3A_12 = vector.broadcast %sub3A : f32 to vector<1x128xf32>
    %sub3A_13 = arith.subf %sub3A_12, %get3A_1 : vector<1x128xf32>
    %mul3A_14 = vector.broadcast %sub3A_13 : vector<1x128xf32> to vector<10000x128xf32>
    %mul3A_15 = arith.mulf %mul3A_14, %add3A : vector<10000x128xf32>
    %add3A_16 = arith.addf %mul3A_11, %mul3A_15 : vector<10000x128xf32>
    %max3A = arith.constant 0.000000e+00 : f32
    %max3A_17 = vector.broadcast %max3A : f32 to vector<10000x128xf32>
    %max3A_18 = arith.maximumf %add3A_16, %max3A_17 : vector<10000x128xf32>
    %swap3A = arith.constant 0 : index
    %swap3A_19 = arith.constant 0 : index
    %swap3A_20 = vector.load %arg6[%swap3A, %swap3A_19] : memref<10000x128xf32, #tpu.memory_space<vmem>>, vector<10000x128xf32>
    tpu.vector_store %arg6[%swap3A, %swap3A_19], %max3A_18 {strides = array<i32>} : memref<10000x128xf32, #tpu.memory_space<vmem>>, vector<10000x128xf32>,
    %get3A_21 = arith.constant 0 : index
    %get3A_22 = arith.constant 0 : index
    %get3A_23 = vector.load %arg4[%get3A_21, %get3A_22] : memref<128x128xf32, #tpu.memory_space<vmem>>, vector<128x128xf32>
    %dot_general3A = arith.constant dense<0.000000e+00> : vector<10000x128xf32>
    %dot_general3A_24 = tpu.matmul %max3A_18, %get3A_23, %dot_general3A {dimension_numbers = #tpu.dot_dimension_numbers<[1], [0], [0], [1], [0, 0, 1, 1], [], []>, transpose_lhs_hint = false} : vector<10000x128xf32>, vector<128x128xf32>, vector<10000x128xf32> -> vector<10000x128xf32>
    %get3A_25 = arith.constant 0 : index
    %get3A_26 = arith.constant 0 : index
    %get3A_27 = vector.load %arg5[%get3A_25, %get3A_26] : memref<1x128xf32, #tpu.memory_space<vmem>>, vector<1x128xf32>
    %add3A_28 = vector.broadcast %get3A_27 : vector<1x128xf32> to vector<10000x128xf32>
    %add3A_29 = arith.addf %dot_general3A_24, %add3A_28 : vector<10000x128xf32>
    %swap3A_30 = arith.constant 0 : index
    %swap3A_31 = arith.constant 0 : index
    %swap3A_32 = vector.load %arg7[%swap3A_30, %swap3A_31] : memref<10000x128xf32, #tpu.memory_space<vmem>>, vector<10000x128xf32>
    tpu.vector_store %arg7[%swap3A_30, %swap3A_31], %add3A_29 {strides = array<i32>} : memref<10000x128xf32, #tpu.memory_space<vmem>>, vector<10000x128xf32>,
    return
  }
}

module attributes {stable_mosaic.version = 14 : i64} {
  func.func @_tc_final_body(%arg0: memref<10000x128xf32, #tpu.memory_space<vmem>>, %arg1: memref<10000x128xf32, #tpu.memory_space<vmem>>, %arg2: memref<10000x128xf32, #tpu.memory_space<vmem>>, %arg3: memref<1x128xf32, #tpu.memory_space<vmem>>, %arg4: memref<128x64xf32, #tpu.memory_space<vmem>>, %arg5: memref<1x64xf32, #tpu.memory_space<vmem>>, %arg6: memref<10000x64xf32, #tpu.memory_space<vmem>>) attributes {dimension_semantics = [], scalar_prefetch = 0 : i64, scratch_operands = 0 : i64, tpu.core_type = #tpu.core_type<tc>} {
    %get3A = arith.constant 0 : index
    %get3A_0 = arith.constant 0 : index
    %get3A_1 = vector.load %arg3[%get3A, %get3A_0] : memref<1x128xf32, #tpu.memory_space<vmem>>, vector<1x128xf32>
    %get3A_2 = arith.constant 0 : index
    %get3A_3 = arith.constant 0 : index
    %get3A_4 = vector.load %arg1[%get3A_2, %get3A_3] : memref<10000x128xf32, #tpu.memory_space<vmem>>, vector<10000x128xf32>
    %get3A_5 = arith.constant 0 : index
    %get3A_6 = arith.constant 0 : index
    %get3A_7 = vector.load %arg2[%get3A_5, %get3A_6] : memref<10000x128xf32, #tpu.memory_space<vmem>>, vector<10000x128xf32>
    %add3A = arith.addf %get3A_4, %get3A_7 : vector<10000x128xf32>
    %get3A_8 = arith.constant 0 : index
    %get3A_9 = arith.constant 0 : index
    %get3A_10 = vector.load %arg0[%get3A_8, %get3A_9] : memref<10000x128xf32, #tpu.memory_space<vmem>>, vector<10000x128xf32>
    %mul3A = vector.broadcast %get3A_1 : vector<1x128xf32> to vector<10000x128xf32>
    %mul3A_11 = arith.mulf %mul3A, %get3A_10 : vector<10000x128xf32>
    %sub3A = arith.constant 1.000000e+00 : f32
    %sub3A_12 = vector.broadcast %sub3A : f32 to vector<1x128xf32>
    %sub3A_13 = arith.subf %sub3A_12, %get3A_1 : vector<1x128xf32>
    %mul3A_14 = vector.broadcast %sub3A_13 : vector<1x128xf32> to vector<10000x128xf32>
    %mul3A_15 = arith.mulf %mul3A_14, %add3A : vector<10000x128xf32>
    %add3A_16 = arith.addf %mul3A_11, %mul3A_15 : vector<10000x128xf32>
    %max3A = arith.constant 0.000000e+00 : f32
    %max3A_17 = vector.broadcast %max3A : f32 to vector<10000x128xf32>
    %max3A_18 = arith.maximumf %add3A_16, %max3A_17 : vector<10000x128xf32>
    %get3A_19 = arith.constant 0 : index
    %get3A_20 = arith.constant 0 : index
    %get3A_21 = vector.load %arg4[%get3A_19, %get3A_20] : memref<128x64xf32, #tpu.memory_space<vmem>>, vector<128x64xf32>
    %dot_general3A = arith.constant dense<0.000000e+00> : vector<10000x64xf32>
    %dot_general3A_22 = tpu.matmul %max3A_18, %get3A_21, %dot_general3A {dimension_numbers = #tpu.dot_dimension_numbers<[1], [0], [0], [1], [0, 0, 1, 1], [], []>, transpose_lhs_hint = false} : vector<10000x128xf32>, vector<128x64xf32>, vector<10000x64xf32> -> vector<10000x64xf32>
    %get3A_23 = arith.constant 0 : index
    %get3A_24 = arith.constant 0 : index
    %get3A_25 = vector.load %arg5[%get3A_23, %get3A_24] : memref<1x64xf32, #tpu.memory_space<vmem>>, vector<1x64xf32>
    %add3A_26 = vector.broadcast %get3A_25 : vector<1x64xf32> to vector<10000x64xf32>
    %add3A_27 = arith.addf %dot_general3A_22, %add3A_26 : vector<10000x64xf32>
    %swap3A = arith.constant 0 : index
    %swap3A_28 = arith.constant 0 : index
    %swap3A_29 = vector.load %arg6[%swap3A, %swap3A_28] : memref<10000x64xf32, #tpu.memory_space<vmem>>, vector<10000x64xf32>
    tpu.vector_store %arg6[%swap3A, %swap3A_28], %add3A_27 {strides = array<i32>} : memref<10000x64xf32, #tpu.memory_space<vmem>>, vector<10000x64xf32>,
    return
  }
}

</mosaic_0001>

<sc_bundles>
// kernel: kernel.10.cloned.1.call-start
scs
__scs_entry_jumppad:
0x0: {  	(pc) =	sbr.rel $0x88, $3  }
0x1: {  	(tag) =	ssettag $0x0;
	lr =	simm.s32 $0x1  }
0x2: {  	[smem:$0x3F95] =	sst lr;
	_ =	strace $0xD0000000  }
0x3: {  	_ = 	snop  }
0x4: {  	_ = 	snop  }
0x5: {  	_ = 	snop  }
0x6: {  	_ = 	snop  }
0x7: {  	_ = 	snop  }
__scs_overlays_trampoline_lowered:
0x8: {  	[smem:$0x3FA4] =	sst s0  }
0x9: {  	[smem:$0x3FA5] =	sst s1  }
0xa: {  	[smem:$0x3FA6] =	sst s2  }
0xb: {  	[smem:$0x3FA7] =	sst s3  }
0xc: {  	[smem:$0x3FA8] =	sst s4  }
0xd: {  	[smem:$0x3FA9] =	sst s5  }
0xe: {  	[smem:$0x3FAA] =	sst s6  }
0xf: {  	[smem:$0x3FAB] =	sst s7  }
0x10: {  	[smem:$0x3FAC] =	sst s8  }
0x11: {  	[smem:$0x3FAD] =	sst s9;
	s0 =	simm.s32 @!p0 $0x0  }
0x12: {  	s1 =	sld [smem:$0x3F93];
	s0 =	simm.s32 @p0 $0x1  }
0x13: {  	[smem:$0x3FAE] =	sst s0;
	s0 =	simm.s32 @!p1 $0x0  }
0x14: {  	s2 =	sld [smem:$0x3F92];
	s0 =	simm.s32 @p1 $0x1  }
0x15: {  	[smem:$0x3FAF] =	sst s0;
	s0 =	simm.s32 @!p2 $0x0  }
0x16: {  	s3 =	sld [smem:$0x3FDB];
	s0 =	simm.s32 @p2 $0x1  }
0x17: {  	s4 =	simm.s32 $0x1BF5;
	[smem:$0x3FB1] =	sst s0  }
0x18: {  	s0 =	sld [smem:$0x3F94];
	_ =	swait.ge [sflag:s4], $0x0  }
0x19: {  	s7 =	sld [smem:$0x3F95]  }
0x1a: {  	s8 =	sadd.s32 $0xFFFFE003, lr  }
0x1b: {  	s9 =	sadd.s32 $0xFFFFFEF7, lr;
	s5 =	simm.s32 $0xFFFFFFFF;
	p2 =	slt.u32 s8, $0xFFFFF086  }
0x1c: {  	p1 =	slt.u32 s9, $0xF7A;
	s5 =	simm.s32 @!p2 $0x0  }
0x1d: {  	s5 =	simm.s32 @p1 $0x1;
	p0 =	seq.s32 s7, s2  }
0x1e: {  	s7 =	smul.u32 @!p0 $0xF7A, s2;
	p2 =	seq.s32 @!p0 s5, $0x0  }
0x1f: {  	s9 =	smul.u32 $0xF7A, s1;
	s8 =	simm.s32 @!p0 $0x1BF5;
	p2 =	por !p2, p0  }
0x20: {  	[sflag:s8] =	ssyncset.s32 @!p0 $0xFFFFF086;
	s6 =	sadd.s32 @!p0 s3, s7;
	s7 =	simm.s32 @!p0 $0x108  }
0x21: {  	s3 =	sadd.s32 s3, s9;
	s6 =	sadd.s32 @!p0 $0x88, s6;
	s7 =	simm.s32 @p2 $0x1082  }
0x22: {  	[simem:s7], [sflag:s8] =	dma.local @!p0 [hbm:s6], $0xF7A  }
0x23: {  	s9 =	sor.u32 $0xD0000000, s2;
	s6 =	simm.s32 $0x108;
	_ =	swait.ge @!p0 [sflag:s8], $0x0  }
0x24: {  	s3 =	sadd.s32 $0x88, s3;
	s6 =	simm.s32 @!p1 $0x1082;
	[sflag:s4] =	ssyncset.s32 $0xFFFFF086  }
0x25: {  	[simem:s6], [sflag:s4] =	dma.local [hbm:s3], $0xF7A  }
0x26: {  	[smem:$0x3F95] =	sst s1;
	(tag) =	ssettag s2;
	_ =	strace s9  }
0x27: {  	s1 =	sld [smem:$0x3FA5]  }
0x28: {  	s2 =	sld [smem:$0x3FA6]  }
0x29: {  	s4 =	sld [smem:$0x3FA8]  }
0x2a: {  	p0 =	seq.s32 s5, $0x0;
	s5 =	sld [smem:$0x3FA9]  }
0x2b: {  	s6 =	sld [smem:$0x3FAA]  }
0x2c: {  	s7 =	sld [smem:$0x3FAB]  }
0x2d: {  	s3 =	simm.s32 $0x108;
	s8 =	sld [smem:$0x3FAC]  }
0x2e: {  	s3 =	simm.s32 @!p0 $0x1082;
	s9 =	sld [smem:$0x3FAD]  }
0x2f: {  	lr =	sadd.s32 s0, s3;
	s0 =	sld [smem:$0x3FA4]  }
0x30: {  	s3 =	sld [smem:$0x3FA7]  }
0x31: {  	[smem:$0x3FB0] =	sst s10  }
0x32: {  	s10 =	sld [smem:$0x3FAE];
	_ =	sdelay $0x3  }
0x33: {  	p0 =	seq.s32 s10, $0x1;
	s10 =	sld [smem:$0x3FB0];
	_ =	sdelay $0x3  }
0x34: {  	[smem:$0x3FB0] =	sst s10  }
0x35: {  	s10 =	sld [smem:$0x3FAF];
	_ =	sdelay $0x3  }
0x36: {  	p1 =	seq.s32 s10, $0x1;
	s10 =	sld [smem:$0x3FB0];
	_ =	sdelay $0x3  }
0x37: {  	[smem:$0x3FB0] =	sst s10  }
0x38: {  	s10 =	sld [smem:$0x3FB1]  }
0x39: {  	_ = 	snop;
	(pc) =	sbr.ind lr, $3  }
0x3a: {  	_ = 	snop  }
0x3b: {  	_ = 	snop  }
0x3c: {  	p2 =	seq.s32 s10, $0x1;
	s10 =	sld [smem:$0x3FB0]  }
0x3d: {  	_ =	shalt  }
0x3e: {  	_ =	shalt  }
0x3f: {  	_ =	shalt  }
0x40: {  	_ =	shalt  }
0x41: {  	_ =	shalt  }
0x42: {  	_ =	shalt  }
0x43: {  	_ =	shalt  }
0x44: {  	_ =	shalt  }
0x45: {  	_ =	shalt  }
0x46: {  	_ =	shalt  }
0x47: {  	_ =	shalt  }
0x48: {  	_ =	shalt  }
0x49: {  	_ =	shalt  }
0x4a: {  	_ =	shalt  }
0x4b: {  	_ =	shalt  }
0x4c: {  	_ =	shalt  }
0x4d: {  	_ =	shalt  }
0x4e: {  	_ =	shalt  }
0x4f: {  	_ =	shalt  }
0x50: {  	_ =	shalt  }
0x51: {  	_ =	shalt  }
0x52: {  	_ =	shalt  }
0x53: {  	_ =	shalt  }
0x54: {  	_ =	shalt  }
0x55: {  	_ =	shalt  }
0x56: {  	_ =	shalt  }
0x57: {  	_ =	shalt  }
0x58: {  	_ =	shalt  }
0x59: {  	_ =	shalt  }
0x5a: {  	_ =	shalt  }
0x5b: {  	_ =	shalt  }
0x5c: {  	_ =	shalt  }
0x5d: {  	_ =	shalt  }
0x5e: {  	_ =	shalt  }
0x5f: {  	_ =	shalt  }
0x60: {  	_ =	shalt  }
0x61: {  	_ =	shalt  }
0x62: {  	_ =	shalt  }
0x63: {  	_ =	shalt  }
0x64: {  	_ =	shalt  }
0x65: {  	_ =	shalt  }
0x66: {  	_ =	shalt  }
0x67: {  	_ =	shalt  }
0x68: {  	_ =	shalt  }
0x69: {  	_ =	shalt  }
0x6a: {  	_ =	shalt  }
0x6b: {  	_ =	shalt  }
0x6c: {  	_ =	shalt  }
0x6d: {  	_ =	shalt  }
0x6e: {  	_ =	shalt  }
0x6f: {  	_ =	shalt  }
0x70: {  	_ =	shalt  }
0x71: {  	_ =	shalt  }
0x72: {  	_ =	shalt  }
0x73: {  	_ =	shalt  }
0x74: {  	_ =	shalt  }
0x75: {  	_ =	shalt  }
0x76: {  	_ =	shalt  }
0x77: {  	_ =	shalt  }
0x78: {  	_ =	shalt  }
0x79: {  	_ =	shalt  }
0x7a: {  	_ =	shalt  }
0x7b: {  	_ =	shalt  }
0x7c: {  	_ =	shalt  }
0x7d: {  	_ =	shalt  }
0x7e: {  	_ =	shalt  }
0x7f: {  	_ =	shalt  }
0x80: {  	_ =	shalt  }
0x81: {  	_ =	shalt  }
0x82: {  	_ =	shalt  }
0x83: {  	_ =	shalt  }
0x84: {  	_ =	shalt  }
0x85: {  	_ =	shalt  }
0x86: {  	_ =	shalt  }
0x87: {  	_ =	shalt  }
.Lfunc_end0:
.L_simem_size_0:
called_computation.1_lowered:
.L_overlay_start_0:
0x88: {  	s2 =	sld [smem:$0x3FD9]  }
0x89: {  	s3 =	sld [smem:$0x3FFE];
	_ =	sdelay $0x1  }
0x8a: {  	s1 =	srdreg.scid  }
0x8b: {  	s0 =	sand.u32 $0x1, s1  }
0x8c: {  	s17 =	sshll.u32 s0, $0xA;
	s2 =	sadd.s32 s3, s2  }
0x8d: {  	s2 =	sadd.s32 s2, s17  }
0x8e: {  	[smem:$0x3FBC] =	sst s2  }
0x8f: {  	_ = 	snop  }
0x90: {  	s2 =	sld [smem:$0x3FD0];
	(tm) =	ssettm $0x1  }
0x91: {  	s18 =	sld [smem:$0x3FFB];
	_ =	sdelay $0x3  }
0x92: {  	_ =	strace s18  }
0x93: {  	s3 =	sld [smem:$0x3FFC];
	_ =	sdelay $0x3  }
0x94: {  	_ =	strace s3  }
0x95: {  	s3 =	sld [smem:$0x3FFD];
	_ =	sdelay $0x3  }
0x96: {  	_ =	strace s3  }
0x97: {  	_ =	strace $0x8FFFFFFF  }
0x98: {  	s19 =	sld [smem:$0x3FDB];
	_ =	sdelay $0x1  }
0x99: {  	s4 =	simm.s32 $_scs_section_size  }
0x9a: {  	s5 =	simm.s32 $_size__tile_overlayer_lowered;
	s6 =	simm.s32 $_tile_overlayer_lowered  }
0x9b: {  	s22 =	simm.s32 $0x1BFF;
	s21 =	sshll.u32 s6, $0x1;
	s3 =	sadd.s32 s4, s19  }
0x9c: {  	s7 =	simm.s32 $0x0;
	s20 =	sshll.u32 s5, $0x1;
	s5 =	sadd.s32 s21, s3  }
0x9d: {  	[timem:s7], [sflag:s22] =	dma.local [hbm:s5], s20  }
0x9e: {  	_ =	swait.ge [sflag:s22], s20  }
0x9f: {  	s4 =	ssub.s32 $0x0, s20;
	[sflag:s22] =	ssyncset.done $0x0  }
0xa0: {  	[sflag:s22] =	ssyncadd.s32 s4;
	_ =	sdelay $0x1  }
0xa1: {  	s23 =	simm.s32 $0x1B8B  }
0xa2: {  	_ =	swait.ge [sflag:s23], $0x1  }
0xa3: {  	[sflag:s23] =	ssyncset.done $0x0  }
0xa4: {  	s25 =	simm.s32 $0x1B8E;
	s24 =	sld [smem:$0x3FFE];
	[sflag:s23] =	ssyncadd.s32 $0xFFFFFFFF  }
0xa5: {  	s26 =	simm.s32 $execute0_lowered;
	[smem:$0x3FD2] =	sst s25  }
0xa6: {  	s5 =	sshll.u32 s26, $0x1;
	_ =	strace $0x80000049;
	[dreg:$0x1] =	wrdreg $0xFFFFFFFF  }
0xa7: {  	s28 =	simm.s32 $_size_execute0_lowered;
	s3 =	sadd.s32 s3, s5;
	[dreg:$0x0] =	wrdreg $0x0  }
0xa8: {  	s5 =	sshll.u32 s28, $0x1;
	[dreg:$0x2] =	wrdreg s3  }
0xa9: {  	[dreg:$0x3] =	wrdreg s5  }
0xaa: {  	[dreg:$0x4] =	wrdreg $0xC0  }
0xab: {  	_ =	task [dreg:s7], $0x5FFFF  }
0xac: {  	[dreg:$0x1] =	wrdreg $0xFFFFFFFF  }
0xad: {  	[dreg:$0x0] =	wrdreg $0x60  }
0xae: {  	[dreg:$0x2] =	wrdreg s24  }
0xaf: {  	[dreg:$0x3] =	wrdreg s2  }
0xb0: {  	[dreg:$0x4] =	wrdreg $0xA7800  }
0xb1: {  	[dreg:$0x5] =	wrdreg $0x9  }
0xb2: {  	_ =	task.clear_ibuf [dreg:s7], $0x6FFFF;
	_ =	strace $0x90000049  }
0xb3: {  	s29 =	simm.s32 $0x9;
	_ =	strace $0x8000004B  }
0xb4: {  	_ =	swait.ge [sflag:s29], $0x1  }
0xb5: {  	[sflag:s29] =	ssyncadd.s32 $0xFFFFFFFF  }
0xb6: {  	_ =	strace $0x9000004B  }
0xb7: {  	_ =	sfence  }
0xb8: {  	s30 =	sld [smem:$0x0];
	_ =	sdelay $0x2  }
0xb9: {  	s31 =	sshll.u32 s1, $0xD;
	s1 =	sshrl.u32 s1, $0x2  }
0xba: {  	s3 =	sand.u32 $0x4000, s31;
	s1 =	sadd.s32 s1, s30  }
0xbb: {  	s0 =	sor.u32 s3, s0;
	s1 =	sshll.u32 s1, $0x11  }
0xbc: {  	s0 =	sor.u32 s1, s0  }
0xbd: {  	s0 =	sadd.s32 $0x8F2B, s0  }
0xbe: {  	[sflag:s0] =	ssyncadd.remote.s32 $0x1  }
0xbf: {  	_ =	sfence.sel $0xFFFF  }
0xc0: {  	[dreg:$0x0] =	wrdreg $0xFFFFFFFF;
	(pc) =	sbr.abs _section_cstart, $3  }
0xc1: {  	[dreg:$0x1] =	wrdreg $0xFFFFFFFF  }
0xc2: {  	_ =	task.clear_ibuf [dreg:s7], $0x2FFFF;
	_ =	strace $0x9FFFFFFF  }
0xc3: {  	(tm) =	ssettm $0x7FFFFFFF  }
tec
execute0_lowered:
.L_overlay_start_1:
0x0: {  	(tag) =	ssettag $0x1  }
0x1: {  	s0 =	rddreg [dreg:$0x0]  }
0x2: {  	s2 =	rddreg [dreg:$0x2];
	s1 =	simm.s32 $0x0;
	s21 =	srdreg.scid  }
0x3: {  	s12 =	stileid.u32;
	[smem:$0x7FF] =	sst s1;
	s5 =	sadd.s32 $0x1000, s0  }
0x4: {  	s6 =	sadd.s32 $0x28A00, s0;
	s1 =	sand.u32 $0x1, s21;
	s3 =	smul.u32 $0x4E000, s12  }
0x5: {  	s4 =	sadd.s32 $0x28200, s0;
	s0 =	sadd.s32 $0x67200, s0;
	s30 =	smul.u32 $0x13800, s12  }
0x6: {  	p0 =	sne.s32 s12, $0xF;
	_ =	strace $0x8000004A;
	[dreg:$0x4] =	wrdreg s4  }
0x7: {  	s22 =	sshll.u32 s1, $0x4;
	s7 =	ssub.s32 $0x2, s1;
	s1 =	smul.u32 $0x138800, s1  }
0x8: {  	s3 =	sshrl.u32 s3, $0x2;
	s4 =	sor.u32 s12, s22;
	s9 =	sshrl.u32 s7, $0x1  }
0x9: {  	s14 =	sadd.s32 $0x6800, s30;
	s8 =	sadd.s32 s3, s2;
	s23 =	smul.u32 $0x1F40, s4  }
0xa: {  	s7 =	ssub.s32 s7, s9;
	s25 =	smul.u32 $0xFA00, s4;
	s24 =	sadd.s32 $0x1400, s8  }
0xb: {  	s15 =	smul.u32 $0x7D, s4;
	s10 =	sadd.s32 $0x2800, s8;
	[dreg:$0x5] =	wrdreg s24  }
0xc: {  	s13 =	sadd.s32 s30, s1;
	s26 =	sadd.s32 $0x3C00, s8;
	[dreg:$0x6] =	wrdreg s10  }
0xd: {  	s16 =	sadd.s32 s1, s14;
	s28 =	sadd.s32 $0x5000, s8;
	[dreg:$0x7] =	wrdreg s26  }
0xe: {  	s21 =	sadd.s32 s14, s2;
	s29 =	sadd.s32 $0x6400, s8;
	[dreg:$0x8] =	wrdreg s28  }
0xf: {  	s14 =	simm.s32 $0x28;
	s11 =	sadd.s32 $0x7800, s8;
	[dreg:$0x9] =	wrdreg s29  }
0x10: {  	s4 =	sshrl.u32 s13, $0x3;
	[dreg:$0xa] =	wrdreg s11;
	s3 =	sadd.s32 s6, s23  }
0x11: {  	s13 =	simm.s32 $0x1;
	s4 =	sadd.s32 s0, s4;
	[dreg:$0xb] =	wrdreg s3  }
0x12: {  	s31 =	sshrl.u32 s25, $0x3;
	s23 =	smax.u32 s7, $0x1;
	[dreg:$0xc] =	wrdreg s4  }
0x13: {  	s10 =	sadd.s32 $0xD000, s30;
	s24 =	sshrl.u32 s21, $0x3;
	[dreg:$0x12] =	wrdreg s23  }
0x14: {  	s26 =	sadd.s32 $0x8C00, s8;
	s28 =	sadd.s32 $0xA000, s8;
	[dreg:$0x13] =	wrdreg s24  }
0x15: {  	s29 =	sadd.s32 $0xB400, s8;
	s30 =	sadd.s32 $0xC800, s8;
	[dreg:$0x15] =	wrdreg s26  }
0x16: {  	s7 =	sadd.s32 $0x138000, s2;
	s9 =	sadd.s32 s6, s31;
	[dreg:$0x16] =	wrdreg s28  }
0x17: {  	s17 =	sadd.s32 s1, s10;
	s4 =	sshrl.u32 s16, $0x3;
	[dreg:$0x17] =	wrdreg s29  }
0x18: {  	s1 =	sshrl.u32 s1, $0x3;
	s22 =	sadd.s32 s10, s2;
	[dreg:$0x18] =	wrdreg s30  }
0x19: {  	s31 =	sadd.s32 $0xDC00, s8;
	s3 =	sadd.s32 $0x12C00, s8;
	s10 =	simm.s32 $0x2780  }
0x1a: {  	s16 =	simm.s32 $0x5700;
	s4 =	sadd.s32 s0, s4;
	[dreg:$0x19] =	wrdreg s31  }
0x1b: {  	s11 =	sshrl.u32 s17, $0x3;
	s19 =	sadd.s32 $0x40, s9;
	[dreg:$0xd] =	wrdreg s4  }
0x1c: {  	s20 =	sadd.s32 $0x80, s9;
	s25 =	sshrl.u32 s22, $0x3;
	[dreg:$0xf] =	wrdreg s19  }
0x1d: {  	s9 =	simm.s32 $0xD;
	s17 =	simm.s32 $0x9;
	[dreg:$0x10] =	wrdreg s20  }
0x1e: {  	s18 =	sadd.s32 s0, s11;
	s0 =	sadd.s32 s0, s1;
	[dreg:$0x14] =	wrdreg s25  }
0x1f: {  	s1 =	sadd.s32 $0x10400, s8;
	s4 =	sadd.s32 $0x11800, s8;
	s11 =	simm.s32 $0x5780  }
0x20: {  	v1 =	vimm.f32 $1.000000000e+00;
	s19 =	simm.s32 $0x0;
	[dreg:$0xe] =	wrdreg s18;
	s0 =	sadd.s32 $0x27000, s0  }
0x21: {  	v0 =	vimm.f32 $0.0e+00;
	v1 =	vand.u32 $0x7FFFFFFF, v1;
	s18 =	simm.s32 $0xA;
	[dreg:$0x11] =	wrdreg s0;
	s0 =	sadd.s32 $0xF000, s8  }
.LBB2_1:
0x22: {  	s20 =	simm.s32 $0x0;
	s12 =	rddreg [dreg:$0x4]  }
0x23: {  	[tilespmem:s20], [sflag:$0xD] =	stream.linear.gather [hbm4b:s12+s20], $0x2780, $0x38;
	[tilespmem:$0x1E000] =	vst v63  }
0x24: {  	_ =	swait.ge [sflag:s9], $0x2780  }
0x25: {  	[sflag:s9] =	ssyncset.done $0x0  }
0x26: {  	[sflag:s9] =	ssyncadd.s32 $0xFFFFD880  }
0x27: {  	s31 =	rddreg [dreg:$0x1]  }
0x28: {  	[tilespmem:s10], [sflag:$0xD] =	stream.linear.gather [hbm4b:s31+s20], $0x2780, $0x38;
	[tilespmem:$0x1E000] =	vst v63  }
0x29: {  	_ =	swait.ge [sflag:s9], $0x2780  }
0x2a: {  	[sflag:s9] =	ssyncset.done $0x0  }
0x2b: {  	s12 =	simm.s32 $0x0;
	s20 =	simm.s32 $0x200;
	[sflag:s9] =	ssyncadd.s32 $0xFFFFD880  }
.LBB2_2:
0x2c: {  	p1 =	sne.s32 s20, $0x4E00;
	[tilespmem:s12+$0x57F0] =	vst v0  }
0x2d: {  	[tilespmem:s12+$0x5780] =	vst v0  }
0x2e: {  	[tilespmem:s12+$0x5790] =	vst v0  }
.Ltmp0:
0x2f: {  	[tilespmem:s12+$0x57A0] =	vst v0;
	(pc) =	sbr.rel @p1 .LBB2_2-.Ltmp0, $4  }
0x30: {  	[tilespmem:s12+$0x57B0] =	vst v0  }
0x31: {  	[tilespmem:s12+$0x57C0] =	vst v0  }
0x32: {  	[tilespmem:s12+$0x57D0] =	vst v0  }
0x33: {  	[tilespmem:s12+$0x57E0] =	vst v0;
	s12 =	sshra.s32 s20, $0x2;
	s20 =	sadd.s32 $0x200, s20  }
0x34: {  	[tilespmem:s12+$0x57F0] =	vst v0  }
0x35: {  	[tilespmem:s12+$0x5780] =	vst v0  }
0x36: {  	[tilespmem:s12+$0x5790] =	vst v0  }
0x37: {  	[tilespmem:s12+$0x57A0] =	vst v0  }
0x38: {  	[tilespmem:s12+$0x57B0] =	vst v0  }
0x39: {  	[tilespmem:s12+$0x57C0] =	vst v0  }
0x3a: {  	[tilespmem:s12+$0x57D0] =	vst v0  }
0x3b: {  	[tilespmem:s12+$0x57E0] =	vst v0  }
0x3c: {  	[spmem:s8] =	stream.linear.scatter [tilespmem:s11], [sflag:$0xD], $0x1400, $0x38;
	[tilespmem:$0x1E000] =	vst v63  }
0x3d: {  	_ =	swait.ge [sflag:s9], $0x1400  }
0x3e: {  	[sflag:s9] =	ssyncset.done $0x0  }
0x3f: {  	s25 =	rddreg [dreg:$0x5];
	[sflag:s9] =	ssyncadd.s32 $0xFFFFEC00  }
0x40: {  	[spmem:s25] =	stream.linear.scatter [tilespmem:s11], [sflag:$0xD], $0x1400, $0x38;
	[tilespmem:$0x1E000] =	vst v63  }
0x41: {  	_ =	swait.ge [sflag:s9], $0x1400  }
0x42: {  	[sflag:s9] =	ssyncset.done $0x0  }
0x43: {  	s26 =	rddreg [dreg:$0x6];
	[sflag:s9] =	ssyncadd.s32 $0xFFFFEC00  }
0x44: {  	[spmem:s26] =	stream.linear.scatter [tilespmem:s11], [sflag:$0xD], $0x1400, $0x38;
	[tilespmem:$0x1E000] =	vst v63  }
0x45: {  	_ =	swait.ge [sflag:s9], $0x1400  }
0x46: {  	[sflag:s9] =	ssyncset.done $0x0  }
0x47: {  	s28 =	rddreg [dreg:$0x7];
	[sflag:s9] =	ssyncadd.s32 $0xFFFFEC00  }
0x48: {  	[spmem:s28] =	stream.linear.scatter [tilespmem:s11], [sflag:$0xD], $0x1400, $0x38;
	[tilespmem:$0x1E000] =	vst v63  }
0x49: {  	_ =	swait.ge [sflag:s9], $0x1400  }
0x4a: {  	[sflag:s9] =	ssyncset.done $0x0  }
0x4b: {  	s29 =	rddreg [dreg:$0x8];
	[sflag:s9] =	ssyncadd.s32 $0xFFFFEC00  }
0x4c: {  	[spmem:s29] =	stream.linear.scatter [tilespmem:s11], [sflag:$0xD], $0x1400, $0x38;
	[tilespmem:$0x1E000] =	vst v63  }
0x4d: {  	_ =	swait.ge [sflag:s9], $0x1400  }
0x4e: {  	[sflag:s9] =	ssyncset.done $0x0  }
0x4f: {  	s30 =	rddreg [dreg:$0x9];
	[sflag:s9] =	ssyncadd.s32 $0xFFFFEC00  }
0x50: {  	[spmem:s30] =	stream.linear.scatter [tilespmem:s11], [sflag:$0xD], $0x1400, $0x38;
	[tilespmem:$0x1E000] =	vst v63  }
0x51: {  	_ =	swait.ge [sflag:s9], $0x1400  }
0x52: {  	[sflag:s9] =	ssyncset.done $0x0  }
0x53: {  	s31 =	rddreg [dreg:$0xa];
	[sflag:s9] =	ssyncadd.s32 $0xFFFFEC00  }
0x54: {  	[spmem:s31] =	stream.linear.scatter [tilespmem:s11], [sflag:$0xD], $0x1400, $0x38;
	[tilespmem:$0x1E000] =	vst v63  }
0x55: {  	_ =	swait.ge [sflag:s9], $0x1400  }
0x56: {  	[sflag:s9] =	ssyncset.done $0x0  }
0x57: {  	s20 =	rddreg [dreg:$0x15];
	[sflag:s9] =	ssyncadd.s32 $0xFFFFEC00  }
0x58: {  	[spmem:s20] =	stream.linear.scatter [tilespmem:s11], [sflag:$0xD], $0x1400, $0x38;
	[tilespmem:$0x1E000] =	vst v63  }
0x59: {  	_ =	swait.ge [sflag:s9], $0x1400  }
0x5a: {  	[sflag:s9] =	ssyncset.done $0x0  }
0x5b: {  	s21 =	rddreg [dreg:$0x16];
	[sflag:s9] =	ssyncadd.s32 $0xFFFFEC00  }
0x5c: {  	[spmem:s21] =	stream.linear.scatter [tilespmem:s11], [sflag:$0xD], $0x1400, $0x38;
	[tilespmem:$0x1E000] =	vst v63  }
0x5d: {  	_ =	swait.ge [sflag:s9], $0x1400  }
0x5e: {  	[sflag:s9] =	ssyncset.done $0x0  }
0x5f: {  	s22 =	rddreg [dreg:$0x17];
	[sflag:s9] =	ssyncadd.s32 $0xFFFFEC00  }
0x60: {  	[spmem:s22] =	stream.linear.scatter [tilespmem:s11], [sflag:$0xD], $0x1400, $0x38;
	[tilespmem:$0x1E000] =	vst v63  }
0x61: {  	_ =	swait.ge [sflag:s9], $0x1400  }
0x62: {  	[sflag:s9] =	ssyncset.done $0x0  }
0x63: {  	s23 =	rddreg [dreg:$0x18];
	[sflag:s9] =	ssyncadd.s32 $0xFFFFEC00  }
0x64: {  	[spmem:s23] =	stream.linear.scatter [tilespmem:s11], [sflag:$0xD], $0x1400, $0x38;
	[tilespmem:$0x1E000] =	vst v63  }
0x65: {  	_ =	swait.ge [sflag:s9], $0x1400  }
0x66: {  	[sflag:s9] =	ssyncset.done $0x0  }
0x67: {  	s24 =	rddreg [dreg:$0x19];
	[sflag:s9] =	ssyncadd.s32 $0xFFFFEC00  }
0x68: {  	[spmem:s24] =	stream.linear.scatter [tilespmem:s11], [sflag:$0xD], $0x1400, $0x38;
	[tilespmem:$0x1E000] =	vst v63  }
0x69: {  	_ =	swait.ge [sflag:s9], $0x1400  }
0x6a: {  	[sflag:s9] =	ssyncset.done $0x0  }
0x6b: {  	[sflag:s9] =	ssyncadd.s32 $0xFFFFEC00  }
0x6c: {  	[spmem:s0] =	stream.linear.scatter [tilespmem:s11], [sflag:$0xD], $0x1400, $0x38;
	[tilespmem:$0x1E000] =	vst v63  }
0x6d: {  	_ =	swait.ge [sflag:s9], $0x1400  }
0x6e: {  	[sflag:s9] =	ssyncset.done $0x0  }
0x6f: {  	[sflag:s9] =	ssyncadd.s32 $0xFFFFEC00  }
0x70: {  	[spmem:s1] =	stream.linear.scatter [tilespmem:s11], [sflag:$0xD], $0x1400, $0x38;
	[tilespmem:$0x1E000] =	vst v63  }
0x71: {  	_ =	swait.ge [sflag:s9], $0x1400  }
0x72: {  	[sflag:s9] =	ssyncset.done $0x0  }
0x73: {  	[sflag:s9] =	ssyncadd.s32 $0xFFFFEC00  }
0x74: {  	[spmem:s4] =	stream.linear.scatter [tilespmem:s11], [sflag:$0xD], $0x1400, $0x38;
	[tilespmem:$0x1E000] =	vst v63  }
0x75: {  	_ =	swait.ge [sflag:s9], $0x1400  }
0x76: {  	[sflag:s9] =	ssyncset.done $0x0  }
0x77: {  	[sflag:s9] =	ssyncadd.s32 $0xFFFFEC00  }
0x78: {  	[spmem:s3] =	stream.linear.scatter [tilespmem:s11], [sflag:$0xD], $0xC00, $0x38;
	[tilespmem:$0x1E000] =	vst v63  }
0x79: {  	_ =	swait.ge [sflag:s9], $0xC00  }
0x7a: {  	[sflag:s9] =	ssyncset.done $0x0  }
0x7b: {  	s12 =	simm.s32 @!p0 $0x5780;
	[sflag:s9] =	ssyncadd.s32 $0xFFFFF400  }
0x7c: {  	[spmem:s7] =	stream.linear.scatter @!p0 [tilespmem:s12], [sflag:$0xD], $0x800, $0x38;
	[tilespmem:$0x1E000] =	vst v63  }
0x7d: {  	s12 =	simm.s32 @!p0 $0xD  }
0x7e: {  	_ =	swait.ge @!p0 [sflag:s12], $0x800  }
0x7f: {  	[sflag:s12] =	ssyncset.done @!p0 $0x0  }
0x80: {  	[sflag:s12] =	ssyncadd.s32 @!p0 $0xFFFFF800  }
0x81: {  	[bflag:$0x0] =	sbarrier.arrive $0xFFFF  }
0x82: {  	s20 =	simm.s32 $0x0;
	s21 =	simm.s32 $0x4F00;
	s25 =	rddreg [dreg:$0xb]  }
0x83: {  	[tilespmem:s21], [sflag:$0x1] =	stream.linear.gather [hbm4b:s25+s20], $0x200, $0x38;
	[tilespmem:$0x1E000] =	vst v63  }
0x84: {  	s22 =	simm.s32 $0x5100;
	s26 =	rddreg [dreg:$0xf]  }
0x85: {  	[tilespmem:s22], [sflag:$0x2] =	stream.linear.gather [hbm4b:s26+s20], $0x200, $0x38;
	[tilespmem:$0x1E000] =	vst v63  }
0x86: {  	s29 =	simm.s32 $0x5300;
	s28 =	rddreg [dreg:$0x10]  }
0x87: {  	[tilespmem:s29], [sflag:$0x3] =	stream.linear.gather [hbm4b:s28+s20], $0x200, $0x38;
	[tilespmem:$0x1E000] =	vst v63  }
0x88: {  	_ =	swait.ge [sflag:s13], $0x200  }
0x89: {  	[sflag:s13] =	ssyncset.done $0x0  }
0x8a: {  	[sflag:s13] =	ssyncadd.s32 $0xFFFFFE00  }
0x8b: {  	[tilespmem:s11], [sflag:$0x5] =	stream.indirect.gather [hbm4b:s5+s14], $0x80, s21, s14, $0xb8;
	[tilespmem:$0x1E000] =	vst v63  }
0x8c: {  	p1 =	por $0x0, $0x0;
	s30 =	simm.s32 $0x4F80;
	s31 =	simm.s32 $0x6B80  }
0x8d: {  	[tilespmem:s31], [sflag:$0x6] =	stream.indirect.gather [hbm4b:s5+s14], $0x80, s30, s14, $0xb8;
	[tilespmem:$0x1E000] =	vst v63  }
.LBB2_4:
0x8e: {  	s23 =	sshll.u32 s20, $0x1  }
0x8f: {  	s12 =	sand.u32 $0x2, s23  }
0x90: {  	s21 =	sor.u32 $0x5, s12  }
0x91: {  	p2 =	seq.s32 s20, $0x0;
	_ =	swait.ge [sflag:s21], $0x1400  }
0x92: {  	s22 =	sxor.u32 @!p2 $0x2, s12;
	[sflag:s21] =	ssyncset.done $0x0  }
0x93: {  	[sflag:s21] =	ssyncadd.s32 $0xFFFFEC00;
	s21 =	sadd.s32 @!p2 $0x9, s22  }
0x94: {  	p3 =	seq.s32 @!p2 s20, $0x7C;
	_ =	swait.ge @!p2 [sflag:s21], $0x1400  }
0x95: {  	p3 =	por p2, !p3;
	[sflag:s21] =	ssyncset.done @!p2 $0x0  }
0x96: {  	[sflag:s21] =	ssyncadd.s32 @!p2 $0xFFFFEC00;
	s21 =	sadd.s32 @p3 $0x1, s20  }
0x97: {  	s22 =	sadd.s32 @p3 $0x2, s23;
	s21 =	sand.u32 @p3 $0x3, s21  }
0x98: {  	s24 =	sand.u32 @p3 $0x2, s22;
	s21 =	sadd.s32 @p3 $0x1, s21  }
0x99: {  	s25 =	smul.u32 @p3 $0x5000, s24;
	_ =	swait.ge @p3 [sflag:s21], $0x200  }
0x9a: {  	s22 =	sshll.u32 @p3 s22, $0x8;
	[sflag:s21] =	ssyncset.done @p3 $0x0  }
0x9b: {  	s22 =	sand.u32 @p3 $0x600, s22;
	[sflag:s21] =	ssyncadd.s32 @p3 $0xFFFFFE00;
	s21 =	sshrl.u32 @p3 s25, $0x2  }
0x9c: {  	s24 =	sor.u32 @p3 $0x5, s24;
	s22 =	sadd.s32 @p3 $0x4F00, s22;
	s21 =	sadd.s32 @p3 $0x5780, s21  }
0x9d: {  	[tilespmem:s21], [sflag:s24] =	stream.indirect.gather @p3 [hbm4b:s5+s14], $0x80, s22, s14, $0xb8;
	[tilespmem:$0x1E000] =	vst v63  }
0x9e: {  	s24 =	sshll.u32 s20, $0x9  }
0x9f: {  	s22 =	sand.u32 $0x600, s24  }
0xa0: {  	v2 =	vld [tilespmem:s22+$0x4F00]  }
0xa1: {  	v3 =	vld [tilespmem:s22+$0x5000];
	_ =	sdelay $0x5  }
0xa2: {  	s25 =	simm.s32 $0x0  }
0xa3: {  	v2 =	vld.idx.msk [tilespmem:v2+s25+$0x0], $0xffff  }
0xa4: {  	v3 =	vld.idx.msk [tilespmem:v3+s10+$0x0], $0xffff;
	_ =	sdelay $0x4  }
0xa5: {  	v2 =	vadd.f32 v3, v2;
	_ =	sdelay $0x1  }
0xa6: {  	v3 =	vand.u32 $0x7FFFFFFF, v2  }
0xa7: {  	v3 =	vmul.f32 $-2.000000000e+00, v3;
	_ =	sdelay $0x1  }
0xa8: {  	v3 =	vmul.f32 $1.442695020e+00, v3;
	_ =	sdelay $0x1  }
0xa9: {  	(erf) = vpow2.f32 v3;
	_ =	sdelay $0x8  }
0xaa: {  	v3 =	vpop (erf)  }
0xab: {  	v4 =	vadd.f32 $1.000000000e+00, v3;
	_ =	sdelay $0x1  }
0xac: {  	(erf) = vrcp.f32 v4;
	_ =	sdelay $0x7  }
0xad: {  	v3 =	vsub.f32 $1.000000000e+00, v3  }
0xae: {  	v5 =	vand.u32 $0x80000000, v2;
	vm0 =	vlt.f32 v2, $0.0e+00;
	vm1 =	vgt.f32 v2, $0.0e+00;
	v4 =	vpop (erf)  }
0xaf: {  	vm0 =	vmor vm1, vm0;
	v3 =	vmul.f32 v4, v3;
	v4 =	vor.u32 v5, v1  }
0xb0: {  	v2 =	vsel vm0, v4, v2  }
0xb1: {  	v2 =	vmul.f32 v3, v2;
	_ =	sdelay $0x1  }
0xb2: {  	[tilespmem:$0x5700] =	vst v2  }
0xb3: {  	v2 =	vld [tilespmem:s22+$0x4F10]  }
0xb4: {  	v3 =	vld [tilespmem:s22+$0x5010];
	_ =	sdelay $0x6  }
0xb5: {  	v2 =	vld.idx.msk [tilespmem:v2+s25+$0x0], $0xffff  }
0xb6: {  	v3 =	vld.idx.msk [tilespmem:v3+s10+$0x0], $0xffff;
	_ =	sdelay $0x4  }
0xb7: {  	v2 =	vadd.f32 v3, v2;
	_ =	sdelay $0x1  }
0xb8: {  	v3 =	vand.u32 $0x7FFFFFFF, v2  }
0xb9: {  	v3 =	vmul.f32 $-2.000000000e+00, v3;
	_ =	sdelay $0x1  }
0xba: {  	v3 =	vmul.f32 $1.442695020e+00, v3;
	_ =	sdelay $0x1  }
0xbb: {  	(erf) = vpow2.f32 v3;
	_ =	sdelay $0x8  }
0xbc: {  	v3 =	vpop (erf)  }
0xbd: {  	v4 =	vadd.f32 $1.000000000e+00, v3;
	_ =	sdelay $0x1  }
0xbe: {  	(erf) = vrcp.f32 v4;
	_ =	sdelay $0x7  }
0xbf: {  	v3 =	vsub.f32 $1.000000000e+00, v3  }
0xc0: {  	v5 =	vand.u32 $0x80000000, v2;
	vm12 =	vlt.f32 v2, $0.0e+00;
	vm13 =	vgt.f32 v2, $0.0e+00;
	v4 =	vpop (erf)  }
0xc1: {  	vm0 =	vmor vm13, vm12;
	v3 =	vmul.f32 v4, v3;
	v4 =	vor.u32 v5, v1  }
0xc2: {  	v2 =	vsel vm0, v4, v2  }
0xc3: {  	v2 =	vmul.f32 v3, v2;
	_ =	sdelay $0x1  }
0xc4: {  	[tilespmem:$0x5710] =	vst v2  }
0xc5: {  	v2 =	vld [tilespmem:s22+$0x4F18]  }
0xc6: {  	v3 =	vld [tilespmem:s22+$0x5018];
	_ =	sdelay $0x6  }
0xc7: {  	v2 =	vld.idx.msk [tilespmem:v2+s25+$0x0], $0xffff  }
0xc8: {  	v3 =	vld.idx.msk [tilespmem:v3+s10+$0x0], $0xffff;
	_ =	sdelay $0x4  }
0xc9: {  	v2 =	vadd.f32 v3, v2;
	_ =	sdelay $0x1  }
0xca: {  	v3 =	vand.u32 $0x7FFFFFFF, v2  }
0xcb: {  	v3 =	vmul.f32 $-2.000000000e+00, v3;
	_ =	sdelay $0x1  }
0xcc: {  	v3 =	vmul.f32 $1.442695020e+00, v3;
	_ =	sdelay $0x1  }
0xcd: {  	(erf) = vpow2.f32 v3;
	_ =	sdelay $0x8  }
0xce: {  	v3 =	vpop (erf)  }
0xcf: {  	v4 =	vadd.f32 $1.000000000e+00, v3;
	_ =	sdelay $0x1  }
0xd0: {  	(erf) = vrcp.f32 v4;
	_ =	sdelay $0x6  }
0xd1: {  	s26 =	simm.s32 $0x2;
	v5 =	vmov s25  }
0xd2: {  	v6 =	vmov s26;
	v5 =	vand.u32 $0xFFFFFFFC, v5;
	v3 =	vsub.f32 $1.000000000e+00, v3  }
0xd3: {  	v6 =	vand.u32 $0xFFFFFFFE, v6;
	v5 =	vbroadcast v5, $0x0;
	vm14 =	vlt.f32 v2, $0.0e+00;
	v4 =	vpop (erf)  }
0xd4: {  	vm15 =	vgt.f32 v2, $0.0e+00;
	v3 =	vmul.f32 v4, v3;
	v4 =	vand.u32 $0x80000000, v2  }
0xd5: {  	v6 =	vbroadcast v6, $0x0;
	vm0 =	vmor vm15, vm14;
	v4 =	vor.u32 v4, v1  }
0xd6: {  	s21 =	simm.s32 $0x1;
	v2 =	vsel vm0, v4, v2  }
0xd7: {  	s21 =	simm.s32 @!p1 $0x0;
	v2 =	vmul.f32 v3, v2  }
0xd8: {  	s21 =	smul.u32 $0xA000, s21  }
0xd9: {  	[tilespmem:$0x5718] =	vst v2  }
0xda: {  	s21 =	sshrl.u32 s21, $0x2;
	v2 =	vld.idx.msk [tilespmem:v5+s16+$0x0], $0xffff  }
0xdb: {  	s26 =	sadd.s32 $0x5880, s21;
	v3 =	vld.idx.msk [tilespmem:v6+s16+$0x0], $0xffff  }
0xdc: {  	s31 =	simm.s32 $0x1;
	v5 =	vld [tilespmem:s26+$0x70]  }
0xdd: {  	v4 =	vmov s31;
	v6 =	vld [tilespmem:s26+$0xFFFFFF00]  }
0xde: {  	v4 =	vand.u32 $0xFFFFFFFD, v4;
	v7 =	vld [tilespmem:s26+$0xFFFFFF10]  }
0xdf: {  	v4 =	vbroadcast v4, $0x0;
	v8 =	vld [tilespmem:s26+$0xFFFFFF20]  }
0xe0: {  	v9 =	vld [tilespmem:s26+$0xFFFFFF30]  }
0xe1: {  	v10 =	vld [tilespmem:s26+$0xFFFFFF40]  }
0xe2: {  	v11 =	vld [tilespmem:s26+$0xFFFFFF50]  }
0xe3: {  	v12 =	vld [tilespmem:s26+$0xFFFFFF60];
	v6 =	vmul.f32 v6, v2  }
0xe4: {  	v14 =	vld [tilespmem:s26+$0x40];
	v5 =	vmul.f32 v5, v3  }
0xe5: {  	v4 =	vld.idx.msk [tilespmem:v4+s16+$0x0], $0xffff;
	[tilespmem:s26+$0xFFFFFF00] =	vst v6;
	v6 =	vmul.f32 v7, v2  }
0xe6: {  	v7 =	vld [tilespmem:s26+$0xFFFFFF70];
	[tilespmem:s26+$0x70] =	vst v5;
	v5 =	vmul.f32 v8, v2  }
0xe7: {  	v8 =	vld [tilespmem:s26+$0xFFFFFF80];
	[tilespmem:s26+$0xFFFFFF10] =	vst v6;
	v6 =	vmul.f32 v9, v2  }
0xe8: {  	v9 =	vld [tilespmem:s26+$0xFFFFFF90];
	[tilespmem:s26+$0xFFFFFF20] =	vst v5;
	v5 =	vmul.f32 v10, v2  }
0xe9: {  	v10 =	vld [tilespmem:s26+$0xFFFFFFA0];
	[tilespmem:s26+$0xFFFFFF30] =	vst v6;
	v6 =	vmul.f32 v11, v2  }
0xea: {  	v11 =	vld [tilespmem:s26+$0xFFFFFFB0];
	[tilespmem:s26+$0xFFFFFF40] =	vst v5;
	v5 =	vmul.f32 v12, v2  }
0xeb: {  	v12 =	vld [tilespmem:s26+$0xFFFFFFC0];
	v7 =	vmul.f32 v7, v2;
	[tilespmem:s26+$0xFFFFFF50] =	vst v6  }
0xec: {  	v6 =	vmul.f32 v8, v4;
	v8 =	vld [tilespmem:s26+$0xFFFFFFD0];
	[tilespmem:s26+$0xFFFFFF60] =	vst v5  }
0xed: {  	s25 =	simm.s32 $0x3;
	v5 =	vld [tilespmem:s26+$0xFFFFFFE0];
	v9 =	vmul.f32 v9, v4;
	[tilespmem:s26+$0xFFFFFF70] =	vst v7  }
0xee: {  	v13 =	vmov s25;
	v7 =	vld [tilespmem:s26+$0xFFFFFFF0];
	[tilespmem:s26+$0xFFFFFF80] =	vst v6;
	v6 =	vmul.f32 v10, v4  }
0xef: {  	v10 =	vld [tilespmem:s26+$0x0];
	[tilespmem:s26+$0xFFFFFF90] =	vst v9;
	v9 =	vmul.f32 v11, v4  }
0xf0: {  	v11 =	vld [tilespmem:s26+$0x10];
	[tilespmem:s26+$0xFFFFFFA0] =	vst v6;
	v6 =	vmul.f32 v12, v4  }
0xf1: {  	[tilespmem:s26+$0xFFFFFFB0] =	vst v9;
	v8 =	vmul.f32 v8, v4;
	v9 =	vld [tilespmem:s26+$0x20]  }
0xf2: {  	v12 =	vld [tilespmem:s26+$0x30];
	v5 =	vmul.f32 v5, v4;
	[tilespmem:s26+$0xFFFFFFC0] =	vst v6  }
0xf3: {  	v2 =	vld.idx.msk [tilespmem:v13+s16+$0x0], $0xffff;
	v6 =	vmul.f32 v7, v4;
	[tilespmem:s26+$0xFFFFFFD0] =	vst v8  }
0xf4: {  	v4 =	vld [tilespmem:s26+$0x50];
	[tilespmem:s26+$0xFFFFFFE0] =	vst v5;
	v7 =	vmul.f32 v10, v3  }
0xf5: {  	s25 =	smul.u32 $0x5000, s12;
	s31 =	simm.s32 $0x4;
	v5 =	vld [tilespmem:s26+$0x60];
	[tilespmem:s26+$0xFFFFFFF0] =	vst v6;
	v8 =	vmul.f32 v11, v3  }
0xf6: {  	s28 =	simm.s32 $0x7;
	s29 =	simm.s32 $0x5;
	s30 =	simm.s32 $0x6;
	v6 =	vmov s31;
	[tilespmem:s26+$0x0] =	vst v7;
	v10 =	vmul.f32 v9, v3;
	v9 =	vld [tilespmem:s26+$0x80]  }
0xf7: {  	s24 =	sor.u32 $0x5000, s22;
	s21 =	sadd.s32 $0x6D70, s21;
	s25 =	sshrl.u32 s25, $0x2;
	v13 =	vmov s29;
	v7 =	vand.u32 $0xFFFFFFFC, v6;
	v11 =	vmul.f32 v12, v3;
	[tilespmem:s26+$0x10] =	vst v8;
	v8 =	vld [tilespmem:s26+$0x90]  }
0xf8: {  	s25 =	sadd.s32 $0x5780, s25;
	s29 =	simm.s32 $0x8;
	v6 =	vmov s28;
	v12 =	vmul.f32 v14, v3;
	s28 =	smov.u32 s26;
	v7 =	vbroadcast v7, $0x0;
	[tilespmem:s26+$0x20] =	vst v10;
	v10 =	vld [tilespmem:s26+$0xA0]  }
.LBB2_5:
0xf9: {  	p4 =	slt.u32 s29, $0x24;
	v13 =	vand.u32 $0xFFFFFFFD, v13;
	v14 =	vmov s30;
	[tilespmem:s26+$0x30] =	vst v11;
	v4 =	vmul.f32 v4, v3;
	v11 =	vld [tilespmem:s26+$0xB0]  }
0xfa: {  	v13 =	vbroadcast v13, $0x0;
	v14 =	vand.u32 $0xFFFFFFFE, v14;
	[tilespmem:s26+$0x40] =	vst v12;
	v3 =	vmul.f32 v5, v3;
	v5 =	vld [tilespmem:s26+$0xC0]  }
0xfb: {  	v12 =	vbroadcast v14, $0x0;
	[tilespmem:s26+$0x50] =	vst v4;
	v4 =	vmul.f32 v9, v2;
	v9 =	vld [tilespmem:s26+$0xD0]  }
0xfc: {  	[tilespmem:s26+$0x60] =	vst v3;
	v3 =	vmul.f32 v8, v2;
	v8 =	vld [tilespmem:s26+$0xE0]  }
0xfd: {  	[tilespmem:s26+$0x80] =	vst v4;
	v4 =	vmul.f32 v10, v2;
	v10 =	vld [tilespmem:s26+$0xF0]  }
0xfe: {  	v6 =	vld.idx.msk [tilespmem:v6+s16+$0x0], $0xffff;
	[tilespmem:s26+$0x90] =	vst v3;
	v3 =	vmul.f32 v11, v2  }
0xff: {  	v7 =	vld.idx.msk [tilespmem:v7+s16+$0x0], $0xffff;
	[tilespmem:s26+$0xA0] =	vst v4;
	v4 =	vmul.f32 v5, v2  }
0x100: {  	v5 =	vld.idx.msk [tilespmem:v13+s16+$0x0], $0xffff;
	[tilespmem:s26+$0xB0] =	vst v3;
	v9 =	vmul.f32 v9, v2  }
0x101: {  	s26 =	sadd.s32 $0x200, s26;
	v3 =	vld.idx.msk [tilespmem:v12+s16+$0x0], $0xffff;
	[tilespmem:s28+$0xC0] =	vst v4;
	v4 =	vmul.f32 v8, v2  }
0x102: {  	v8 =	vld [tilespmem:s26+$0x70];
	[tilespmem:s28+$0xD0] =	vst v9;
	v10 =	vmul.f32 v10, v2  }
0x103: {  	v9 =	vld [tilespmem:s26+$0xFFFFFF00];
	[tilespmem:s28+$0xE0] =	vst v4  }
0x104: {  	v2 =	vmov v6;
	v4 =	vld [tilespmem:s26+$0xFFFFFF10];
	[tilespmem:s28+$0xF0] =	vst v10;
	s28 =	smov.u32 s26  }
0x105: {  	v6 =	vld [tilespmem:s26+$0xFFFFFF20]  }
0x106: {  	v10 =	vld [tilespmem:s26+$0xFFFFFF30]  }
0x107: {  	v11 =	vld [tilespmem:s26+$0xFFFFFF40];
	v8 =	vmul.f32 v8, v3  }
0x108: {  	v9 =	vmul.f32 v9, v7;
	v12 =	vld [tilespmem:s26+$0xFFFFFF50]  }
0x109: {  	v4 =	vmul.f32 v4, v7;
	v13 =	vld [tilespmem:s26+$0xFFFFFF60];
	[tilespmem:s26+$0x70] =	vst v8  }
0x10a: {  	[tilespmem:s26+$0xFFFFFF00] =	vst v9;
	v6 =	vmul.f32 v6, v7;
	v8 =	vld [tilespmem:s26+$0xFFFFFF70]  }
0x10b: {  	[tilespmem:s26+$0xFFFFFF10] =	vst v4;
	v4 =	vmul.f32 v10, v7;
	v9 =	vld [tilespmem:s26+$0xFFFFFF80]  }
0x10c: {  	[tilespmem:s26+$0xFFFFFF20] =	vst v6;
	v6 =	vmul.f32 v11, v7;
	v10 =	vld [tilespmem:s26+$0xFFFFFF90]  }
0x10d: {  	[tilespmem:s26+$0xFFFFFF30] =	vst v4;
	v4 =	vmul.f32 v12, v7;
	v11 =	vld [tilespmem:s26+$0xFFFFFFA0]  }
0x10e: {  	[tilespmem:s26+$0xFFFFFF40] =	vst v6;
	v6 =	vmul.f32 v13, v7;
	v12 =	vld [tilespmem:s26+$0xFFFFFFB0]  }
0x10f: {  	[tilespmem:s26+$0xFFFFFF50] =	vst v4;
	v4 =	vmul.f32 v8, v7;
	v7 =	vld [tilespmem:s26+$0xFFFFFFC0]  }
0x110: {  	[tilespmem:s26+$0xFFFFFF60] =	vst v6;
	v6 =	vmul.f32 v9, v5;
	v8 =	vld [tilespmem:s26+$0xFFFFFFD0]  }
0x111: {  	[tilespmem:s26+$0xFFFFFF70] =	vst v4;
	v4 =	vmul.f32 v10, v5;
	v9 =	vld [tilespmem:s26+$0xFFFFFFE0]  }
0x112: {  	[tilespmem:s26+$0xFFFFFF80] =	vst v6;
	v6 =	vmul.f32 v11, v5;
	v10 =	vld [tilespmem:s26+$0xFFFFFFF0]  }
0x113: {  	[tilespmem:s26+$0xFFFFFF90] =	vst v4;
	v4 =	vmul.f32 v12, v5;
	v11 =	vld [tilespmem:s26+$0x0]  }
0x114: {  	[tilespmem:s26+$0xFFFFFFA0] =	vst v6;
	v6 =	vmul.f32 v7, v5;
	v7 =	vld [tilespmem:s26+$0x10]  }
0x115: {  	[tilespmem:s26+$0xFFFFFFB0] =	vst v4;
	v4 =	vmul.f32 v8, v5;
	v8 =	vld [tilespmem:s26+$0x20]  }
0x116: {  	[tilespmem:s26+$0xFFFFFFC0] =	vst v6;
	v6 =	vmul.f32 v9, v5;
	v12 =	vld [tilespmem:s26+$0x30]  }
0x117: {  	[tilespmem:s26+$0xFFFFFFD0] =	vst v4;
	v5 =	vmul.f32 v10, v5;
	v10 =	vld [tilespmem:s26+$0x40]  }
.Ltmp1:
0x118: {  	[tilespmem:s26+$0xFFFFFFE0] =	vst v6;
	v6 =	vmul.f32 v11, v3;
	v4 =	vld [tilespmem:s26+$0x50];
	(pc) =	sbr.rel @p4 .LBB2_5-.Ltmp1, $4  }
0x119: {  	[tilespmem:s26+$0xFFFFFFF0] =	vst v5;
	v7 =	vmul.f32 v7, v3;
	v5 =	vld [tilespmem:s26+$0x60]  }
0x11a: {  	s30 =	sadd.s32 $0x3, s29;
	v11 =	vmov s29;
	[tilespmem:s26+$0x0] =	vst v6;
	v14 =	vmul.f32 v8, v3;
	v9 =	vld [tilespmem:s26+$0x80]  }
0x11b: {  	s31 =	sadd.s32 $0x1, s29;
	v13 =	vand.u32 $0xFFFFFFFC, v11;
	v6 =	vmov s30;
	[tilespmem:s26+$0x10] =	vst v7;
	v11 =	vmul.f32 v12, v3;
	v8 =	vld [tilespmem:s26+$0x90]  }
0x11c: {  	s30 =	sadd.s32 $0x2, s29;
	s29 =	sadd.s32 $0x4, s29;
	v7 =	vbroadcast v13, $0x0;
	v13 =	vmov s31;
	[tilespmem:s26+$0x20] =	vst v14;
	v12 =	vmul.f32 v10, v3;
	v10 =	vld [tilespmem:s26+$0xA0]  }
0x11d: {  	v14 =	vld [tilespmem:s26+$0xB0]  }
0x11e: {  	v16 =	vld [tilespmem:s26+$0xC0]  }
0x11f: {  	v17 =	vld [tilespmem:s26+$0xD0]  }
0x120: {  	v18 =	vld [tilespmem:s26+$0xE0]  }
0x121: {  	v23 =	vld [tilespmem:s26+$0xF0];
	[tilespmem:s26+$0x30] =	vst v11;
	v4 =	vmul.f32 v4, v3  }
0x122: {  	v6 =	vld.idx.msk [tilespmem:v6+s16+$0x0], $0xffff;
	[tilespmem:s26+$0x40] =	vst v12;
	v3 =	vmul.f32 v5, v3  }
0x123: {  	s29 =	sadd.s32 $0x200, s26;
	v24 =	vld.idx.msk [tilespmem:v7+s16+$0x0], $0xffff;
	v9 =	vmul.f32 v9, v2;
	[tilespmem:s26+$0x50] =	vst v4  }
0x124: {  	v29 =	vld [tilespmem:s29+$0x70];
	v25 =	vmul.f32 v8, v2;
	[tilespmem:s26+$0x60] =	vst v3  }
0x125: {  	v30 =	vld [tilespmem:s29+$0xFFFFFF00];
	[tilespmem:s26+$0x80] =	vst v9;
	v3 =	vmul.f32 v10, v2  }
0x126: {  	v15 =	vmov s30;
	v32 =	vld [tilespmem:s29+$0xFFFFFF10];
	[tilespmem:s26+$0x90] =	vst v25;
	v28 =	vmul.f32 v14, v2  }
0x127: {  	v15 =	vand.u32 $0xFFFFFFFE, v15;
	v33 =	vld [tilespmem:s29+$0xFFFFFF20];
	[tilespmem:s26+$0xA0] =	vst v3;
	v3 =	vmul.f32 v16, v2  }
0x128: {  	v13 =	vand.u32 $0xFFFFFFFD, v13;
	v34 =	vld [tilespmem:s29+$0xFFFFFF30];
	v15 =	vbroadcast v15, $0x0;
	v31 =	vmul.f32 v17, v2;
	[tilespmem:s26+$0xB0] =	vst v28  }
0x129: {  	v13 =	vbroadcast v13, $0x0;
	v36 =	vld [tilespmem:s29+$0xFFFFFF50];
	[tilespmem:s28+$0xC0] =	vst v3;
	v3 =	vmul.f32 v18, v2  }
0x12a: {  	v38 =	vld [tilespmem:s29+$0xFFFFFF60];
	[tilespmem:s28+$0xD0] =	vst v31;
	v2 =	vmul.f32 v23, v2  }
0x12b: {  	v37 =	vmul.f32 v32, v24;
	[tilespmem:s28+$0xE0] =	vst v3;
	v3 =	vld [tilespmem:s29+$0xFFFFFF40]  }
0x12c: {  	v39 =	vld [tilespmem:s29+$0xFFFFFF70];
	[tilespmem:s28+$0xF0] =	vst v2;
	v2 =	vmul.f32 v30, v24  }
0x12d: {  	v40 =	vld [tilespmem:s29+$0xFFFFFF80];
	v4 =	vmul.f32 v34, v24;
	[tilespmem:s29+$0xFFFFFF10] =	vst v37  }
0x12e: {  	v27 =	vld.idx.msk [tilespmem:v15+s16+$0x0], $0xffff;
	[tilespmem:s29+$0xFFFFFF00] =	vst v2;
	v2 =	vmul.f32 v33, v24  }
0x12f: {  	v41 =	vmul.f32 v36, v24;
	v26 =	vld.idx.msk [tilespmem:v13+s16+$0x0], $0xffff;
	[tilespmem:s29+$0xFFFFFF30] =	vst v4  }
0x130: {  	[tilespmem:s29+$0xFFFFFF20] =	vst v2;
	v2 =	vmul.f32 v3, v24;
	v3 =	vld [tilespmem:s29+$0xFFFFFF90]  }
0x131: {  	v42 =	vld [tilespmem:s29+$0xFFFFFFA0];
	v44 =	vmul.f32 v39, v24;
	[tilespmem:s29+$0xFFFFFF50] =	vst v41  }
0x132: {  	v43 =	vld [tilespmem:s29+$0xFFFFFFB0];
	[tilespmem:s29+$0xFFFFFF40] =	vst v2;
	v2 =	vmul.f32 v38, v24  }
0x133: {  	v45 =	vld [tilespmem:s29+$0xFFFFFFC0];
	[tilespmem:s29+$0xFFFFFF70] =	vst v44;
	v35 =	vmul.f32 v29, v27  }
0x134: {  	v46 =	vld [tilespmem:s29+$0xFFFFFFD0];
	[tilespmem:s29+$0xFFFFFF60] =	vst v2;
	v2 =	vmul.f32 v40, v26  }
0x135: {  	v47 =	vld [tilespmem:s29+$0xFFFFFFE0];
	[tilespmem:s29+$0x70] =	vst v35;
	v3 =	vmul.f32 v3, v26  }
0x136: {  	v48 =	vld [tilespmem:s29+$0xFFFFFFF0];
	[tilespmem:s29+$0xFFFFFF80] =	vst v2;
	v2 =	vmul.f32 v42, v26  }
0x137: {  	v49 =	vld [tilespmem:s29+$0x0];
	[tilespmem:s29+$0xFFFFFF90] =	vst v3;
	v3 =	vmul.f32 v43, v26  }
0x138: {  	v50 =	vld [tilespmem:s29+$0x10];
	[tilespmem:s29+$0xFFFFFFA0] =	vst v2;
	v2 =	vmul.f32 v45, v26  }
0x139: {  	v51 =	vld [tilespmem:s29+$0x20];
	[tilespmem:s29+$0xFFFFFFB0] =	vst v3;
	v3 =	vmul.f32 v46, v26  }
0x13a: {  	v52 =	vld [tilespmem:s29+$0x30];
	[tilespmem:s29+$0xFFFFFFC0] =	vst v2;
	v2 =	vmul.f32 v47, v26  }
0x13b: {  	v53 =	vld [tilespmem:s29+$0x40];
	[tilespmem:s29+$0xFFFFFFD0] =	vst v3;
	v3 =	vmul.f32 v48, v26  }
0x13c: {  	v54 =	vld [tilespmem:s29+$0x50];
	[tilespmem:s29+$0xFFFFFFE0] =	vst v2;
	v2 =	vmul.f32 v49, v27  }
0x13d: {  	v55 =	vld [tilespmem:s29+$0x60];
	[tilespmem:s29+$0xFFFFFFF0] =	vst v3;
	v3 =	vmul.f32 v50, v27  }
0x13e: {  	v56 =	vld [tilespmem:s29+$0x80];
	[tilespmem:s29+$0x0] =	vst v2;
	v2 =	vmul.f32 v51, v27  }
0x13f: {  	v57 =	vld [tilespmem:s29+$0x90];
	[tilespmem:s29+$0x10] =	vst v3;
	v3 =	vmul.f32 v52, v27  }
0x140: {  	v58 =	vld [tilespmem:s29+$0xA0];
	[tilespmem:s29+$0x20] =	vst v2;
	v2 =	vmul.f32 v53, v27  }
0x141: {  	v59 =	vld [tilespmem:s29+$0xB0];
	[tilespmem:s29+$0x30] =	vst v3;
	v3 =	vmul.f32 v54, v27  }
0x142: {  	v60 =	vld [tilespmem:s29+$0xC0];
	[tilespmem:s29+$0x40] =	vst v2;
	v2 =	vmul.f32 v55, v27  }
0x143: {  	v61 =	vld [tilespmem:s29+$0xD0];
	[tilespmem:s29+$0x50] =	vst v3;
	v3 =	vmul.f32 v56, v6  }
0x144: {  	v62 =	vld [tilespmem:s29+$0xE0];
	[tilespmem:s29+$0x60] =	vst v2;
	v2 =	vmul.f32 v57, v6  }
0x145: {  	v63 =	vld [tilespmem:s29+$0xF0];
	[tilespmem:s29+$0x80] =	vst v3;
	v3 =	vmul.f32 v58, v6  }
0x146: {  	[tilespmem:s29+$0x90] =	vst v2;
	v2 =	vmul.f32 v59, v6  }
0x147: {  	[tilespmem:s29+$0xA0] =	vst v3;
	v3 =	vmul.f32 v60, v6  }
0x148: {  	[tilespmem:s29+$0xB0] =	vst v2;
	v2 =	vmul.f32 v61, v6  }
0x149: {  	[tilespmem:s29+$0xC0] =	vst v3;
	v3 =	vmul.f32 v62, v6  }
0x14a: {  	[tilespmem:s29+$0xD0] =	vst v2;
	v2 =	vmul.f32 v63, v6  }
0x14b: {  	[tilespmem:s29+$0xE0] =	vst v3  }
0x14c: {  	s30 =	sadd.s32 $0x9, s12;
	s31 =	sadd.s32 $0x6, s12;
	[tilespmem:s29+$0xF0] =	vst v2  }
0x14d: {  	[spmem:s2] =	stream.indirect.scatter.add.f32 [tilespmem:s25], [sflag:s30], $0x80, s24, s14, $0xb8;
	[tilespmem:$0x1E000] =	vst v63  }
0x14e: {  	s24 =	sadd.s32 @!p2 $0x3, s23;
	_ =	swait.ge [sflag:s31], $0x1400  }
.Ltmp2:
0x14f: {  	s23 =	sand.u32 @!p2 $0x3, s24;
	[sflag:s31] =	ssyncset.done $0x0;
	(pc) =	sbr.rel @!p3 .LBB2_8-.Ltmp2, $4  }
0x150: {  	s25 =	sadd.s32 @!p2 $0x9, s23;
	[sflag:s31] =	ssyncadd.s32 $0xFFFFEC00  }
0x151: {  	_ =	swait.ge @!p2 [sflag:s25], $0x1400  }
0x152: {  	[sflag:s25] =	ssyncset.done @!p2 $0x0  }
0x153: {  	[sflag:s25] =	ssyncadd.s32 @!p2 $0xFFFFEC00  }
0x154: {  	s23 =	simm.s32 @p2 $0x3  }
0x155: {  	s24 =	simm.s32 @p2 $0x3;
	s25 =	smul.u32 $0x5000, s23  }
0x156: {  	s24 =	sshll.u32 s24, $0x8  }
0x157: {  	p2 =	sgt.u32 s20, $0x79;
	s24 =	sand.u32 $0x600, s24;
	s25 =	sshrl.u32 s25, $0x2  }
0x158: {  	s23 =	sadd.s32 $0x5, s23;
	s24 =	sadd.s32 $0x4F80, s24;
	s25 =	sadd.s32 $0x5780, s25  }
0x159: {  	[tilespmem:s25], [sflag:s23] =	stream.indirect.gather [hbm4b:s5+s14], $0x80, s24, s14, $0xb8;
	[tilespmem:$0x1E000] =	vst v63  }
0x15a: {  	s23 =	sadd.s32 @!p2 $0x3, s20  }
0x15b: {  	s24 =	sand.u32 @!p2 $0x3, s23;
	s23 =	sadd.s32 @!p2 s15, s23  }
0x15c: {  	s23 =	sshll.u32 @!p2 s23, $0x6  }
0x15d: {  	s26 =	simm.s32 @!p2 $0x0;
	s25 =	sshll.u32 @!p2 s24, $0x9;
	s23 =	sand.u32 @!p2 $0x1FFFFFC0, s23  }
0x15e: {  	s24 =	sadd.s32 @!p2 $0x1, s24;
	s25 =	sadd.s32 @!p2 $0x4F00, s25;
	s23 =	sadd.s32 @!p2 s6, s23  }
0x15f: {  	[tilespmem:s25], [sflag:s24] =	stream.linear.gather @!p2 [hbm4b:s23+s26], $0x200, $0x38;
	[tilespmem:$0x1E000] =	vst v63  }
.LBB2_8:
0x160: {  	v2 =	vld [tilespmem:s22+$0x4F80]  }
0x161: {  	v3 =	vld [tilespmem:s22+$0x5080];
	_ =	sdelay $0x5  }
0x162: {  	s23 =	simm.s32 $0x0  }
0x163: {  	v2 =	vld.idx.msk [tilespmem:v2+s23+$0x0], $0xffff  }
0x164: {  	v3 =	vld.idx.msk [tilespmem:v3+s10+$0x0], $0xffff;
	_ =	sdelay $0x4  }
0x165: {  	v2 =	vadd.f32 v3, v2;
	_ =	sdelay $0x1  }
0x166: {  	v3 =	vand.u32 $0x7FFFFFFF, v2  }
0x167: {  	v3 =	vmul.f32 $-2.000000000e+00, v3;
	_ =	sdelay $0x1  }
0x168: {  	v3 =	vmul.f32 $1.442695020e+00, v3;
	_ =	sdelay $0x1  }
0x169: {  	(erf) = vpow2.f32 v3;
	_ =	sdelay $0x8  }
0x16a: {  	v3 =	vpop (erf)  }
0x16b: {  	v4 =	vadd.f32 $1.000000000e+00, v3;
	_ =	sdelay $0x1  }
0x16c: {  	(erf) = vrcp.f32 v4;
	_ =	sdelay $0x7  }
0x16d: {  	v3 =	vsub.f32 $1.000000000e+00, v3  }
0x16e: {  	v5 =	vand.u32 $0x80000000, v2;
	vm0 =	vlt.f32 v2, $0.0e+00;
	vm1 =	vgt.f32 v2, $0.0e+00;
	v4 =	vpop (erf)  }
0x16f: {  	vm0 =	vmor vm1, vm0;
	v3 =	vmul.f32 v4, v3;
	v4 =	vor.u32 v5, v1  }
0x170: {  	v2 =	vsel vm0, v4, v2  }
0x171: {  	v2 =	vmul.f32 v3, v2;
	_ =	sdelay $0x1  }
0x172: {  	[tilespmem:$0x5700] =	vst v2  }
0x173: {  	v2 =	vld [tilespmem:s22+$0x4F90]  }
0x174: {  	v3 =	vld [tilespmem:s22+$0x5090];
	_ =	sdelay $0x6  }
0x175: {  	v2 =	vld.idx.msk [tilespmem:v2+s23+$0x0], $0xffff  }
0x176: {  	v3 =	vld.idx.msk [tilespmem:v3+s10+$0x0], $0xffff;
	_ =	sdelay $0x4  }
0x177: {  	v2 =	vadd.f32 v3, v2;
	_ =	sdelay $0x1  }
0x178: {  	v3 =	vand.u32 $0x7FFFFFFF, v2  }
0x179: {  	v3 =	vmul.f32 $-2.000000000e+00, v3;
	_ =	sdelay $0x1  }
0x17a: {  	v3 =	vmul.f32 $1.442695020e+00, v3;
	_ =	sdelay $0x1  }
0x17b: {  	(erf) = vpow2.f32 v3;
	_ =	sdelay $0x8  }
0x17c: {  	v3 =	vpop (erf)  }
0x17d: {  	v4 =	vadd.f32 $1.000000000e+00, v3;
	_ =	sdelay $0x1  }
0x17e: {  	(erf) = vrcp.f32 v4;
	_ =	sdelay $0x7  }
0x17f: {  	v3 =	vsub.f32 $1.000000000e+00, v3  }
0x180: {  	v5 =	vand.u32 $0x80000000, v2;
	vm12 =	vlt.f32 v2, $0.0e+00;
	vm13 =	vgt.f32 v2, $0.0e+00;
	v4 =	vpop (erf)  }
0x181: {  	vm0 =	vmor vm13, vm12;
	v3 =	vmul.f32 v4, v3;
	v4 =	vor.u32 v5, v1  }
0x182: {  	v2 =	vsel vm0, v4, v2  }
0x183: {  	v2 =	vmul.f32 v3, v2;
	_ =	sdelay $0x1  }
0x184: {  	[tilespmem:$0x5710] =	vst v2  }
0x185: {  	v2 =	vld [tilespmem:s22+$0x4F98]  }
0x186: {  	v3 =	vld [tilespmem:s22+$0x5098];
	_ =	sdelay $0x6  }
0x187: {  	v2 =	vld.idx.msk [tilespmem:v2+s23+$0x0], $0xffff  }
0x188: {  	v3 =	vld.idx.msk [tilespmem:v3+s10+$0x0], $0xffff;
	_ =	sdelay $0x4  }
0x189: {  	v2 =	vadd.f32 v3, v2;
	_ =	sdelay $0x1  }
0x18a: {  	v3 =	vand.u32 $0x7FFFFFFF, v2  }
0x18b: {  	v3 =	vmul.f32 $-2.000000000e+00, v3;
	_ =	sdelay $0x1  }
0x18c: {  	v3 =	vmul.f32 $1.442695020e+00, v3;
	_ =	sdelay $0x1  }
0x18d: {  	(erf) = vpow2.f32 v3;
	_ =	sdelay $0x8  }
0x18e: {  	v3 =	vpop (erf)  }
0x18f: {  	v4 =	vadd.f32 $1.000000000e+00, v3;
	_ =	sdelay $0x1  }
0x190: {  	(erf) = vrcp.f32 v4;
	_ =	sdelay $0x6  }
0x191: {  	s26 =	simm.s32 $0x2;
	v5 =	vmov s23  }
0x192: {  	v6 =	vmov s26;
	v5 =	vand.u32 $0xFFFFFFFC, v5;
	v3 =	vsub.f32 $1.000000000e+00, v3  }
0x193: {  	v6 =	vand.u32 $0xFFFFFFFE, v6;
	v5 =	vbroadcast v5, $0x0;
	vm14 =	vlt.f32 v2, $0.0e+00;
	v4 =	vpop (erf)  }
0x194: {  	vm15 =	vgt.f32 v2, $0.0e+00;
	v3 =	vmul.f32 v4, v3;
	v4 =	vand.u32 $0x80000000, v2  }
0x195: {  	v6 =	vbroadcast v6, $0x0;
	vm0 =	vmor vm15, vm14;
	v4 =	vor.u32 v4, v1  }
0x196: {  	v2 =	vsel vm0, v4, v2  }
0x197: {  	v2 =	vmul.f32 v3, v2;
	_ =	sdelay $0x1  }
0x198: {  	[tilespmem:$0x5718] =	vst v2  }
0x199: {  	v2 =	vld.idx.msk [tilespmem:v5+s16+$0x0], $0xffff  }
0x19a: {  	v3 =	vld.idx.msk [tilespmem:v6+s16+$0x0], $0xffff  }
0x19b: {  	s28 =	simm.s32 $0x1;
	v5 =	vld [tilespmem:s21+$0xFFFFFF80]  }
0x19c: {  	v4 =	vmov s28;
	v6 =	vld [tilespmem:s21+$0xFFFFFE10]  }
0x19d: {  	v4 =	vand.u32 $0xFFFFFFFD, v4;
	v7 =	vld [tilespmem:s21+$0xFFFFFE20]  }
0x19e: {  	v4 =	vbroadcast v4, $0x0;
	v8 =	vld [tilespmem:s21+$0xFFFFFE30]  }
0x19f: {  	v9 =	vld [tilespmem:s21+$0xFFFFFE40]  }
0x1a0: {  	v10 =	vld [tilespmem:s21+$0xFFFFFE50]  }
0x1a1: {  	v11 =	vld [tilespmem:s21+$0xFFFFFE60]  }
0x1a2: {  	v12 =	vld [tilespmem:s21+$0xFFFFFE70];
	v6 =	vmul.f32 v6, v2  }
0x1a3: {  	v14 =	vld [tilespmem:s21+$0xFFFFFF50];
	v5 =	vmul.f32 v5, v3  }
0x1a4: {  	v4 =	vld.idx.msk [tilespmem:v4+s16+$0x0], $0xffff;
	[tilespmem:s21+$0xFFFFFE10] =	vst v6;
	v6 =	vmul.f32 v7, v2  }
0x1a5: {  	v7 =	vld [tilespmem:s21+$0xFFFFFE80];
	[tilespmem:s21+$0xFFFFFF80] =	vst v5;
	v5 =	vmul.f32 v8, v2  }
0x1a6: {  	v8 =	vld [tilespmem:s21+$0xFFFFFE90];
	[tilespmem:s21+$0xFFFFFE20] =	vst v6;
	v6 =	vmul.f32 v9, v2  }
0x1a7: {  	v9 =	vld [tilespmem:s21+$0xFFFFFEA0];
	[tilespmem:s21+$0xFFFFFE30] =	vst v5;
	v5 =	vmul.f32 v10, v2  }
0x1a8: {  	v10 =	vld [tilespmem:s21+$0xFFFFFEB0];
	[tilespmem:s21+$0xFFFFFE40] =	vst v6;
	v6 =	vmul.f32 v11, v2  }
0x1a9: {  	v11 =	vld [tilespmem:s21+$0xFFFFFEC0];
	[tilespmem:s21+$0xFFFFFE50] =	vst v5;
	v5 =	vmul.f32 v12, v2  }
0x1aa: {  	v12 =	vld [tilespmem:s21+$0xFFFFFED0];
	v7 =	vmul.f32 v7, v2;
	[tilespmem:s21+$0xFFFFFE60] =	vst v6  }
0x1ab: {  	v6 =	vmul.f32 v8, v4;
	v8 =	vld [tilespmem:s21+$0xFFFFFEE0];
	[tilespmem:s21+$0xFFFFFE70] =	vst v5  }
0x1ac: {  	s29 =	simm.s32 $0x3;
	v5 =	vld [tilespmem:s21+$0xFFFFFEF0];
	v9 =	vmul.f32 v9, v4;
	[tilespmem:s21+$0xFFFFFE80] =	vst v7  }
0x1ad: {  	v13 =	vmov s29;
	v7 =	vld [tilespmem:s21+$0xFFFFFF00];
	[tilespmem:s21+$0xFFFFFE90] =	vst v6;
	v6 =	vmul.f32 v10, v4  }
0x1ae: {  	v10 =	vld [tilespmem:s21+$0xFFFFFF10];
	[tilespmem:s21+$0xFFFFFEA0] =	vst v9;
	v9 =	vmul.f32 v11, v4  }
0x1af: {  	v11 =	vld [tilespmem:s21+$0xFFFFFF20];
	[tilespmem:s21+$0xFFFFFEB0] =	vst v6;
	v6 =	vmul.f32 v12, v4  }
0x1b0: {  	[tilespmem:s21+$0xFFFFFEC0] =	vst v9;
	v8 =	vmul.f32 v8, v4;
	v9 =	vld [tilespmem:s21+$0xFFFFFF30]  }
0x1b1: {  	v12 =	vld [tilespmem:s21+$0xFFFFFF40];
	v5 =	vmul.f32 v5, v4;
	[tilespmem:s21+$0xFFFFFED0] =	vst v6  }
0x1b2: {  	v2 =	vld.idx.msk [tilespmem:v13+s16+$0x0], $0xffff;
	v6 =	vmul.f32 v7, v4;
	[tilespmem:s21+$0xFFFFFEE0] =	vst v8  }
0x1b3: {  	s12 =	sor.u32 $0x1, s12;
	v4 =	vld [tilespmem:s21+$0xFFFFFF60];
	[tilespmem:s21+$0xFFFFFEF0] =	vst v5;
	v7 =	vmul.f32 v10, v3  }
0x1b4: {  	s24 =	simm.s32 $0x4;
	s30 =	smul.u32 $0x5000, s12;
	v5 =	vld [tilespmem:s21+$0xFFFFFF70];
	[tilespmem:s21+$0xFFFFFF00] =	vst v6;
	v8 =	vmul.f32 v11, v3  }
0x1b5: {  	s31 =	simm.s32 $0x7;
	s25 =	simm.s32 $0x5;
	v6 =	vmov s24;
	[tilespmem:s21+$0xFFFFFF10] =	vst v7;
	v10 =	vmul.f32 v9, v3;
	v9 =	vld [tilespmem:s21+$0xFFFFFF90]  }
0x1b6: {  	s26 =	simm.s32 $0x6;
	s22 =	sadd.s32 $0x5080, s22;
	s23 =	sshrl.u32 s30, $0x2;
	v13 =	vmov s25;
	v7 =	vand.u32 $0xFFFFFFFC, v6;
	v11 =	vmul.f32 v12, v3;
	[tilespmem:s21+$0xFFFFFF20] =	vst v8;
	v8 =	vld [tilespmem:s21+$0xFFFFFFA0]  }
0x1b7: {  	s23 =	sadd.s32 $0x5780, s23;
	s25 =	simm.s32 $0x8;
	s24 =	smov.u32 s21;
	v6 =	vmov s31;
	v12 =	vmul.f32 v14, v3;
	v7 =	vbroadcast v7, $0x0;
	[tilespmem:s21+$0xFFFFFF30] =	vst v10;
	v10 =	vld [tilespmem:s21+$0xFFFFFFB0]  }
.LBB2_9:
0x1b8: {  	p2 =	slt.u32 s25, $0x24;
	v13 =	vand.u32 $0xFFFFFFFD, v13;
	v14 =	vmov s26;
	[tilespmem:s21+$0xFFFFFF40] =	vst v11;
	v4 =	vmul.f32 v4, v3;
	v11 =	vld [tilespmem:s21+$0xFFFFFFC0]  }
0x1b9: {  	v13 =	vbroadcast v13, $0x0;
	v14 =	vand.u32 $0xFFFFFFFE, v14;
	[tilespmem:s21+$0xFFFFFF50] =	vst v12;
	v3 =	vmul.f32 v5, v3;
	v5 =	vld [tilespmem:s21+$0xFFFFFFD0]  }
0x1ba: {  	v12 =	vbroadcast v14, $0x0;
	[tilespmem:s21+$0xFFFFFF60] =	vst v4;
	v4 =	vmul.f32 v9, v2;
	v9 =	vld [tilespmem:s21+$0xFFFFFFE0]  }
0x1bb: {  	[tilespmem:s21+$0xFFFFFF70] =	vst v3;
	v3 =	vmul.f32 v8, v2;
	v8 =	vld [tilespmem:s21+$0xFFFFFFF0]  }
0x1bc: {  	[tilespmem:s21+$0xFFFFFF90] =	vst v4;
	v4 =	vmul.f32 v10, v2;
	v10 =	vld [tilespmem:s21+$0x0]  }
0x1bd: {  	v6 =	vld.idx.msk [tilespmem:v6+s16+$0x0], $0xffff;
	[tilespmem:s21+$0xFFFFFFA0] =	vst v3;
	v3 =	vmul.f32 v11, v2  }
0x1be: {  	v7 =	vld.idx.msk [tilespmem:v7+s16+$0x0], $0xffff;
	[tilespmem:s21+$0xFFFFFFB0] =	vst v4;
	v4 =	vmul.f32 v5, v2  }
0x1bf: {  	v5 =	vld.idx.msk [tilespmem:v13+s16+$0x0], $0xffff;
	[tilespmem:s21+$0xFFFFFFC0] =	vst v3;
	v9 =	vmul.f32 v9, v2  }
0x1c0: {  	s21 =	sadd.s32 $0x200, s21;
	v3 =	vld.idx.msk [tilespmem:v12+s16+$0x0], $0xffff;
	[tilespmem:s24+$0xFFFFFFD0] =	vst v4;
	v4 =	vmul.f32 v8, v2  }
0x1c1: {  	v8 =	vld [tilespmem:s21+$0xFFFFFF80];
	[tilespmem:s24+$0xFFFFFFE0] =	vst v9;
	v10 =	vmul.f32 v10, v2  }
0x1c2: {  	v9 =	vld [tilespmem:s21+$0xFFFFFE10];
	[tilespmem:s24+$0xFFFFFFF0] =	vst v4  }
0x1c3: {  	v2 =	vmov v6;
	v4 =	vld [tilespmem:s21+$0xFFFFFE20];
	[tilespmem:s24+$0x0] =	vst v10;
	s24 =	smov.u32 s21  }
0x1c4: {  	v6 =	vld [tilespmem:s21+$0xFFFFFE30]  }
0x1c5: {  	v10 =	vld [tilespmem:s21+$0xFFFFFE40]  }
0x1c6: {  	v11 =	vld [tilespmem:s21+$0xFFFFFE50];
	v8 =	vmul.f32 v8, v3  }
0x1c7: {  	v9 =	vmul.f32 v9, v7;
	v12 =	vld [tilespmem:s21+$0xFFFFFE60]  }
0x1c8: {  	v4 =	vmul.f32 v4, v7;
	v13 =	vld [tilespmem:s21+$0xFFFFFE70];
	[tilespmem:s21+$0xFFFFFF80] =	vst v8  }
0x1c9: {  	[tilespmem:s21+$0xFFFFFE10] =	vst v9;
	v6 =	vmul.f32 v6, v7;
	v8 =	vld [tilespmem:s21+$0xFFFFFE80]  }
0x1ca: {  	[tilespmem:s21+$0xFFFFFE20] =	vst v4;
	v4 =	vmul.f32 v10, v7;
	v9 =	vld [tilespmem:s21+$0xFFFFFE90]  }
0x1cb: {  	[tilespmem:s21+$0xFFFFFE30] =	vst v6;
	v6 =	vmul.f32 v11, v7;
	v10 =	vld [tilespmem:s21+$0xFFFFFEA0]  }
0x1cc: {  	[tilespmem:s21+$0xFFFFFE40] =	vst v4;
	v4 =	vmul.f32 v12, v7;
	v11 =	vld [tilespmem:s21+$0xFFFFFEB0]  }
0x1cd: {  	[tilespmem:s21+$0xFFFFFE50] =	vst v6;
	v6 =	vmul.f32 v13, v7;
	v12 =	vld [tilespmem:s21+$0xFFFFFEC0]  }
0x1ce: {  	[tilespmem:s21+$0xFFFFFE60] =	vst v4;
	v4 =	vmul.f32 v8, v7;
	v7 =	vld [tilespmem:s21+$0xFFFFFED0]  }
0x1cf: {  	[tilespmem:s21+$0xFFFFFE70] =	vst v6;
	v6 =	vmul.f32 v9, v5;
	v8 =	vld [tilespmem:s21+$0xFFFFFEE0]  }
0x1d0: {  	[tilespmem:s21+$0xFFFFFE80] =	vst v4;
	v4 =	vmul.f32 v10, v5;
	v9 =	vld [tilespmem:s21+$0xFFFFFEF0]  }
0x1d1: {  	[tilespmem:s21+$0xFFFFFE90] =	vst v6;
	v6 =	vmul.f32 v11, v5;
	v10 =	vld [tilespmem:s21+$0xFFFFFF00]  }
0x1d2: {  	[tilespmem:s21+$0xFFFFFEA0] =	vst v4;
	v4 =	vmul.f32 v12, v5;
	v11 =	vld [tilespmem:s21+$0xFFFFFF10]  }
0x1d3: {  	[tilespmem:s21+$0xFFFFFEB0] =	vst v6;
	v6 =	vmul.f32 v7, v5;
	v7 =	vld [tilespmem:s21+$0xFFFFFF20]  }
0x1d4: {  	[tilespmem:s21+$0xFFFFFEC0] =	vst v4;
	v4 =	vmul.f32 v8, v5;
	v8 =	vld [tilespmem:s21+$0xFFFFFF30]  }
0x1d5: {  	[tilespmem:s21+$0xFFFFFED0] =	vst v6;
	v6 =	vmul.f32 v9, v5;
	v12 =	vld [tilespmem:s21+$0xFFFFFF40]  }
0x1d6: {  	[tilespmem:s21+$0xFFFFFEE0] =	vst v4;
	v5 =	vmul.f32 v10, v5;
	v10 =	vld [tilespmem:s21+$0xFFFFFF50]  }
.Ltmp3:
0x1d7: {  	[tilespmem:s21+$0xFFFFFEF0] =	vst v6;
	v6 =	vmul.f32 v11, v3;
	v4 =	vld [tilespmem:s21+$0xFFFFFF60];
	(pc) =	sbr.rel @p2 .LBB2_9-.Ltmp3, $4  }
0x1d8: {  	[tilespmem:s21+$0xFFFFFF00] =	vst v5;
	v7 =	vmul.f32 v7, v3;
	v5 =	vld [tilespmem:s21+$0xFFFFFF70]  }
0x1d9: {  	s26 =	sadd.s32 $0x3, s25;
	v11 =	vmov s25;
	[tilespmem:s21+$0xFFFFFF10] =	vst v6;
	v14 =	vmul.f32 v8, v3;
	v9 =	vld [tilespmem:s21+$0xFFFFFF90]  }
0x1da: {  	s28 =	sadd.s32 $0x1, s25;
	v13 =	vand.u32 $0xFFFFFFFC, v11;
	v6 =	vmov s26;
	[tilespmem:s21+$0xFFFFFF20] =	vst v7;
	v11 =	vmul.f32 v12, v3;
	v8 =	vld [tilespmem:s21+$0xFFFFFFA0]  }
0x1db: {  	s26 =	sadd.s32 $0x2, s25;
	s25 =	sadd.s32 $0x4, s25;
	v7 =	vbroadcast v13, $0x0;
	v13 =	vmov s28;
	[tilespmem:s21+$0xFFFFFF30] =	vst v14;
	v12 =	vmul.f32 v10, v3;
	v10 =	vld [tilespmem:s21+$0xFFFFFFB0]  }
0x1dc: {  	v14 =	vld [tilespmem:s21+$0xFFFFFFC0]  }
0x1dd: {  	v16 =	vld [tilespmem:s21+$0xFFFFFFD0]  }
0x1de: {  	v17 =	vld [tilespmem:s21+$0xFFFFFFE0]  }
0x1df: {  	v18 =	vld [tilespmem:s21+$0xFFFFFFF0]  }
0x1e0: {  	v23 =	vld [tilespmem:s21+$0x0];
	[tilespmem:s21+$0xFFFFFF40] =	vst v11;
	v4 =	vmul.f32 v4, v3  }
0x1e1: {  	v6 =	vld.idx.msk [tilespmem:v6+s16+$0x0], $0xffff;
	[tilespmem:s21+$0xFFFFFF50] =	vst v12;
	v3 =	vmul.f32 v5, v3  }
0x1e2: {  	s25 =	sadd.s32 $0x200, s21;
	v24 =	vld.idx.msk [tilespmem:v7+s16+$0x0], $0xffff;
	v9 =	vmul.f32 v9, v2;
	[tilespmem:s21+$0xFFFFFF60] =	vst v4  }
0x1e3: {  	v29 =	vld [tilespmem:s25+$0xFFFFFF80];
	v25 =	vmul.f32 v8, v2;
	[tilespmem:s21+$0xFFFFFF70] =	vst v3  }
0x1e4: {  	v30 =	vld [tilespmem:s25+$0xFFFFFE10];
	[tilespmem:s21+$0xFFFFFF90] =	vst v9;
	v3 =	vmul.f32 v10, v2  }
0x1e5: {  	v15 =	vmov s26;
	v32 =	vld [tilespmem:s25+$0xFFFFFE20];
	[tilespmem:s21+$0xFFFFFFA0] =	vst v25;
	v28 =	vmul.f32 v14, v2  }
0x1e6: {  	v15 =	vand.u32 $0xFFFFFFFE, v15;
	v33 =	vld [tilespmem:s25+$0xFFFFFE30];
	[tilespmem:s21+$0xFFFFFFB0] =	vst v3;
	v3 =	vmul.f32 v16, v2  }
0x1e7: {  	v13 =	vand.u32 $0xFFFFFFFD, v13;
	v34 =	vld [tilespmem:s25+$0xFFFFFE40];
	v15 =	vbroadcast v15, $0x0;
	v31 =	vmul.f32 v17, v2;
	[tilespmem:s21+$0xFFFFFFC0] =	vst v28  }
0x1e8: {  	v13 =	vbroadcast v13, $0x0;
	v36 =	vld [tilespmem:s25+$0xFFFFFE60];
	[tilespmem:s24+$0xFFFFFFD0] =	vst v3;
	v3 =	vmul.f32 v18, v2  }
0x1e9: {  	v38 =	vld [tilespmem:s25+$0xFFFFFE70];
	[tilespmem:s24+$0xFFFFFFE0] =	vst v31;
	v2 =	vmul.f32 v23, v2  }
0x1ea: {  	v37 =	vmul.f32 v32, v24;
	[tilespmem:s24+$0xFFFFFFF0] =	vst v3;
	v3 =	vld [tilespmem:s25+$0xFFFFFE50]  }
0x1eb: {  	v39 =	vld [tilespmem:s25+$0xFFFFFE80];
	[tilespmem:s24+$0x0] =	vst v2;
	v2 =	vmul.f32 v30, v24  }
0x1ec: {  	v40 =	vld [tilespmem:s25+$0xFFFFFE90];
	v4 =	vmul.f32 v34, v24;
	[tilespmem:s25+$0xFFFFFE20] =	vst v37  }
0x1ed: {  	v27 =	vld.idx.msk [tilespmem:v15+s16+$0x0], $0xffff;
	[tilespmem:s25+$0xFFFFFE10] =	vst v2;
	v2 =	vmul.f32 v33, v24  }
0x1ee: {  	v41 =	vmul.f32 v36, v24;
	v26 =	vld.idx.msk [tilespmem:v13+s16+$0x0], $0xffff;
	[tilespmem:s25+$0xFFFFFE40] =	vst v4  }
0x1ef: {  	[tilespmem:s25+$0xFFFFFE30] =	vst v2;
	v2 =	vmul.f32 v3, v24;
	v3 =	vld [tilespmem:s25+$0xFFFFFEA0]  }
0x1f0: {  	v42 =	vld [tilespmem:s25+$0xFFFFFEB0];
	v44 =	vmul.f32 v39, v24;
	[tilespmem:s25+$0xFFFFFE60] =	vst v41  }
0x1f1: {  	v43 =	vld [tilespmem:s25+$0xFFFFFEC0];
	[tilespmem:s25+$0xFFFFFE50] =	vst v2;
	v2 =	vmul.f32 v38, v24  }
0x1f2: {  	v45 =	vld [tilespmem:s25+$0xFFFFFED0];
	[tilespmem:s25+$0xFFFFFE80] =	vst v44;
	v35 =	vmul.f32 v29, v27  }
0x1f3: {  	v46 =	vld [tilespmem:s25+$0xFFFFFEE0];
	[tilespmem:s25+$0xFFFFFE70] =	vst v2;
	v2 =	vmul.f32 v40, v26  }
0x1f4: {  	v47 =	vld [tilespmem:s25+$0xFFFFFEF0];
	[tilespmem:s25+$0xFFFFFF80] =	vst v35;
	v3 =	vmul.f32 v3, v26  }
0x1f5: {  	v48 =	vld [tilespmem:s25+$0xFFFFFF00];
	[tilespmem:s25+$0xFFFFFE90] =	vst v2;
	v2 =	vmul.f32 v42, v26  }
0x1f6: {  	v49 =	vld [tilespmem:s25+$0xFFFFFF10];
	[tilespmem:s25+$0xFFFFFEA0] =	vst v3;
	v3 =	vmul.f32 v43, v26  }
0x1f7: {  	v50 =	vld [tilespmem:s25+$0xFFFFFF20];
	[tilespmem:s25+$0xFFFFFEB0] =	vst v2;
	v2 =	vmul.f32 v45, v26  }
0x1f8: {  	v51 =	vld [tilespmem:s25+$0xFFFFFF30];
	[tilespmem:s25+$0xFFFFFEC0] =	vst v3;
	v3 =	vmul.f32 v46, v26  }
0x1f9: {  	v52 =	vld [tilespmem:s25+$0xFFFFFF40];
	[tilespmem:s25+$0xFFFFFED0] =	vst v2;
	v2 =	vmul.f32 v47, v26  }
0x1fa: {  	v53 =	vld [tilespmem:s25+$0xFFFFFF50];
	[tilespmem:s25+$0xFFFFFEE0] =	vst v3;
	v3 =	vmul.f32 v48, v26  }
0x1fb: {  	v54 =	vld [tilespmem:s25+$0xFFFFFF60];
	[tilespmem:s25+$0xFFFFFEF0] =	vst v2;
	v2 =	vmul.f32 v49, v27  }
0x1fc: {  	v55 =	vld [tilespmem:s25+$0xFFFFFF70];
	[tilespmem:s25+$0xFFFFFF00] =	vst v3;
	v3 =	vmul.f32 v50, v27  }
0x1fd: {  	v56 =	vld [tilespmem:s25+$0xFFFFFF90];
	[tilespmem:s25+$0xFFFFFF10] =	vst v2;
	v2 =	vmul.f32 v51, v27  }
0x1fe: {  	v57 =	vld [tilespmem:s25+$0xFFFFFFA0];
	[tilespmem:s25+$0xFFFFFF20] =	vst v3;
	v3 =	vmul.f32 v52, v27  }
0x1ff: {  	v58 =	vld [tilespmem:s25+$0xFFFFFFB0];
	[tilespmem:s25+$0xFFFFFF30] =	vst v2;
	v2 =	vmul.f32 v53, v27  }
0x200: {  	v59 =	vld [tilespmem:s25+$0xFFFFFFC0];
	[tilespmem:s25+$0xFFFFFF40] =	vst v3;
	v3 =	vmul.f32 v54, v27  }
0x201: {  	v60 =	vld [tilespmem:s25+$0xFFFFFFD0];
	[tilespmem:s25+$0xFFFFFF50] =	vst v2;
	v2 =	vmul.f32 v55, v27  }
0x202: {  	v61 =	vld [tilespmem:s25+$0xFFFFFFE0];
	[tilespmem:s25+$0xFFFFFF60] =	vst v3;
	v3 =	vmul.f32 v56, v6  }
0x203: {  	v62 =	vld [tilespmem:s25+$0xFFFFFFF0];
	[tilespmem:s25+$0xFFFFFF70] =	vst v2;
	v2 =	vmul.f32 v57, v6  }
0x204: {  	v63 =	vld [tilespmem:s25+$0x0];
	[tilespmem:s25+$0xFFFFFF90] =	vst v3;
	v3 =	vmul.f32 v58, v6  }
0x205: {  	[tilespmem:s25+$0xFFFFFFA0] =	vst v2;
	v2 =	vmul.f32 v59, v6  }
0x206: {  	s20 =	sadd.s32 $0x1, s20;
	[tilespmem:s25+$0xFFFFFFB0] =	vst v3;
	v3 =	vmul.f32 v60, v6  }
0x207: {  	p2 =	sne.s32 s20, $0x7D;
	[tilespmem:s25+$0xFFFFFFC0] =	vst v2;
	v2 =	vmul.f32 v61, v6  }
.Ltmp4:
0x208: {  	[tilespmem:s25+$0xFFFFFFD0] =	vst v3;
	v3 =	vmul.f32 v62, v6;
	(pc) =	sbr.rel @p2 .LBB2_4-.Ltmp4, $4  }
0x209: {  	[tilespmem:s25+$0xFFFFFFE0] =	vst v2;
	v2 =	vmul.f32 v63, v6  }
0x20a: {  	[tilespmem:s25+$0xFFFFFFF0] =	vst v3  }
0x20b: {  	s12 =	sadd.s32 $0x9, s12;
	p1 =	por !p1, !p1;
	[tilespmem:s25+$0x0] =	vst v2  }
0x20c: {  	[spmem:s2] =	stream.indirect.scatter.add.f32 [tilespmem:s23], [sflag:s12], $0x80, s22, s14, $0xb8;
	[tilespmem:$0x1E000] =	vst v63  }
0x20d: {  	_ =	swait.ge [sflag:s17], $0x1400  }
0x20e: {  	[sflag:s17] =	ssyncset.done $0x0  }
0x20f: {  	[sflag:s17] =	ssyncadd.s32 $0xFFFFEC00  }
0x210: {  	_ =	swait.ge [sflag:s18], $0x1400  }
0x211: {  	[sflag:s18] =	ssyncset.done $0x0  }
0x212: {  	s12 =	stileid.u32;
	[sflag:s18] =	ssyncadd.s32 $0xFFFFEC00  }
0x213: {  	s12 =	sshll.u32 s12, $0x6;
	[bflag:$0x0] =	sbarrier.arrive $0xFFFF  }
0x214: {  	s20 =	sshrl.u32 s8, $0x3;
	s12 =	sor.u32 $0x1C0D, s12;
	s21 =	rddreg [dreg:$0xc]  }
0x215: {  	[hbm:s21], [sflag:s12] =	dma.local [spmem:s20], $0xD00  }
0x216: {  	_ =	swait.ge [sflag:s9], $0xD00  }
0x217: {  	[sflag:s9] =	ssyncset.done $0x0;
	s26 =	rddreg [dreg:$0xd]  }
0x218: {  	s28 =	rddreg [dreg:$0x13];
	[sflag:s9] =	ssyncadd.s32 $0xFFFFF300  }
0x219: {  	[hbm:s26], [sflag:s12] =	dma.local [spmem:s28], $0xD00  }
0x21a: {  	_ =	swait.ge [sflag:s9], $0xD00  }
0x21b: {  	[sflag:s9] =	ssyncset.done $0x0;
	s29 =	rddreg [dreg:$0xe]  }
0x21c: {  	s30 =	rddreg [dreg:$0x14];
	[sflag:s9] =	ssyncadd.s32 $0xFFFFF300  }
0x21d: {  	[hbm:s29], [sflag:s12] =	dma.local [spmem:s30], $0xD00  }
0x21e: {  	_ =	swait.ge [sflag:s9], $0xD00  }
0x21f: {  	[sflag:s9] =	ssyncset.done $0x0  }
0x220: {  	s20 =	sshrl.u32 @!p0 s7, $0x3;
	s21 =	rddreg [dreg:$0x11];
	[sflag:s9] =	ssyncadd.s32 $0xFFFFF300  }
0x221: {  	[hbm:s21], [sflag:s12] =	dma.local @!p0 [spmem:s20], $0x100  }
0x222: {  	s12 =	simm.s32 @!p0 $0xD  }
0x223: {  	_ =	swait.ge @!p0 [sflag:s12], $0x100  }
0x224: {  	s19 =	sadd.s32 $0x1, s19;
	s31 =	rddreg [dreg:$0x12]  }
0x225: {  	p1 =	sne.s32 s19, s31  }
.Ltmp5:
0x226: {  	_ = 	snop;
	(pc) =	sbr.rel @p1 .LBB2_1-.Ltmp5, $3  }
0x227: {  	_ =	sdelay $0x1  }
0x228: {  	[sflag:s12] =	ssyncset.done @!p0 $0x0  }
0x229: {  	[sflag:s12] =	ssyncadd.s32 @!p0 $0xFFFFFF00  }
0x22a: {  	_ =	sfence.sel $0x180000  }
0x22b: {  	[bflag:$0x0] =	sbarrier.arrive $0xFFFF  }
0x22c: {  	_ =	strace $0x9000004A  }
0x22d: {  	s0 =	stileid.u32;
	[bflag:$0x2] =	sbarrier.arrive $0xFFFF  }
0x22e: {  	p0 =	sne.s32 s0, $0x0;
	s0 =	rddreg [dreg:$0x3]  }
0x22f: {  	s0 =	sadd.s32 @!p0 $0x100000, s0  }
0x230: {  	[sflag:s0] =	ssyncadd.tile.s32 @!p0 $0x1;
	_ =	shalt  }
.Lfunc_end2:
_tile_overlayer_lowered:
.L_overlay_start_2:
0x231: {  	(tag) =	ssettag $0x2  }
0x232: {  	s0 =	rddreg [dreg:$0x0];
	s2 =	stileid.u32  }
0x233: {  	s1 =	rddreg [dreg:$0x1];
	p0 =	sne.s32 s2, $0x0  }
0x234: {  	s3 =	rddreg [dreg:$0x2];
	[bflag:$0x3] =	sbarrier.arrive $0xFFFF;
	s2 =	simm.s32 @!p0 $0x1C0D  }
0x235: {  	[timem:s3], [sflag:s2] =	dma.local @!p0 [hbm:s0], s1  }
0x236: {  	s0 =	simm.s32 @!p0 $0xD  }
0x237: {  	_ =	swait.ge @!p0 [sflag:s0], s1  }
0x238: {  	s1 =	ssub.s32 @!p0 $0x0, s1;
	[sflag:s0] =	ssyncset.done @!p0 $0x0  }
0x239: {  	[sflag:s0] =	ssyncadd.s32 @!p0 s1  }
0x23a: {  	[bflag:$0x3] =	sbarrier.arrive $0xFFFF  }
0x23b: {  	_ =	shalt  }

// kernel: kernel.7.cloned.1.call-start
scs
__scs_entry_jumppad:
0x0: {  	(pc) =	sbr.rel $0x88, $3  }
0x1: {  	(tag) =	ssettag $0x0;
	lr =	simm.s32 $0x1  }
0x2: {  	[smem:$0x3F95] =	sst lr;
	_ =	strace $0xD0000000  }
0x3: {  	_ = 	snop  }
0x4: {  	_ = 	snop  }
0x5: {  	_ = 	snop  }
0x6: {  	_ = 	snop  }
0x7: {  	_ = 	snop  }
__scs_overlays_trampoline_lowered:
0x8: {  	[smem:$0x3FA4] =	sst s0  }
0x9: {  	[smem:$0x3FA5] =	sst s1  }
0xa: {  	[smem:$0x3FA6] =	sst s2  }
0xb: {  	[smem:$0x3FA7] =	sst s3  }
0xc: {  	[smem:$0x3FA8] =	sst s4  }
0xd: {  	[smem:$0x3FA9] =	sst s5  }
0xe: {  	[smem:$0x3FAA] =	sst s6  }
0xf: {  	[smem:$0x3FAB] =	sst s7  }
0x10: {  	[smem:$0x3FAC] =	sst s8  }
0x11: {  	[smem:$0x3FAD] =	sst s9;
	s0 =	simm.s32 @!p0 $0x0  }
0x12: {  	s1 =	sld [smem:$0x3F93];
	s0 =	simm.s32 @p0 $0x1  }
0x13: {  	[smem:$0x3FAE] =	sst s0;
	s0 =	simm.s32 @!p1 $0x0  }
0x14: {  	s2 =	sld [smem:$0x3F92];
	s0 =	simm.s32 @p1 $0x1  }
0x15: {  	[smem:$0x3FAF] =	sst s0;
	s0 =	simm.s32 @!p2 $0x0  }
0x16: {  	s3 =	sld [smem:$0x3FDB];
	s0 =	simm.s32 @p2 $0x1  }
0x17: {  	s4 =	simm.s32 $0x1BF5;
	[smem:$0x3FB1] =	sst s0  }
0x18: {  	s0 =	sld [smem:$0x3F94];
	_ =	swait.ge [sflag:s4], $0x0  }
0x19: {  	s7 =	sld [smem:$0x3F95]  }
0x1a: {  	s8 =	sadd.s32 $0xFFFFE003, lr  }
0x1b: {  	s9 =	sadd.s32 $0xFFFFFEF7, lr;
	s5 =	simm.s32 $0xFFFFFFFF;
	p2 =	slt.u32 s8, $0xFFFFF086  }
0x1c: {  	p1 =	slt.u32 s9, $0xF7A;
	s5 =	simm.s32 @!p2 $0x0  }
0x1d: {  	s5 =	simm.s32 @p1 $0x1;
	p0 =	seq.s32 s7, s2  }
0x1e: {  	s7 =	smul.u32 @!p0 $0xF7A, s2;
	p2 =	seq.s32 @!p0 s5, $0x0  }
0x1f: {  	s9 =	smul.u32 $0xF7A, s1;
	s8 =	simm.s32 @!p0 $0x1BF5;
	p2 =	por !p2, p0  }
0x20: {  	[sflag:s8] =	ssyncset.s32 @!p0 $0xFFFFF086;
	s6 =	sadd.s32 @!p0 s3, s7;
	s7 =	simm.s32 @!p0 $0x108  }
0x21: {  	s3 =	sadd.s32 s3, s9;
	s6 =	sadd.s32 @!p0 $0x88, s6;
	s7 =	simm.s32 @p2 $0x1082  }
0x22: {  	[simem:s7], [sflag:s8] =	dma.local @!p0 [hbm:s6], $0xF7A  }
0x23: {  	s9 =	sor.u32 $0xD0000000, s2;
	s6 =	simm.s32 $0x108;
	_ =	swait.ge @!p0 [sflag:s8], $0x0  }
0x24: {  	s3 =	sadd.s32 $0x88, s3;
	s6 =	simm.s32 @!p1 $0x1082;
	[sflag:s4] =	ssyncset.s32 $0xFFFFF086  }
0x25: {  	[simem:s6], [sflag:s4] =	dma.local [hbm:s3], $0xF7A  }
0x26: {  	[smem:$0x3F95] =	sst s1;
	(tag) =	ssettag s2;
	_ =	strace s9  }
0x27: {  	s1 =	sld [smem:$0x3FA5]  }
0x28: {  	s2 =	sld [smem:$0x3FA6]  }
0x29: {  	s4 =	sld [smem:$0x3FA8]  }
0x2a: {  	p0 =	seq.s32 s5, $0x0;
	s5 =	sld [smem:$0x3FA9]  }
0x2b: {  	s6 =	sld [smem:$0x3FAA]  }
0x2c: {  	s7 =	sld [smem:$0x3FAB]  }
0x2d: {  	s3 =	simm.s32 $0x108;
	s8 =	sld [smem:$0x3FAC]  }
0x2e: {  	s3 =	simm.s32 @!p0 $0x1082;
	s9 =	sld [smem:$0x3FAD]  }
0x2f: {  	lr =	sadd.s32 s0, s3;
	s0 =	sld [smem:$0x3FA4]  }
0x30: {  	s3 =	sld [smem:$0x3FA7]  }
0x31: {  	[smem:$0x3FB0] =	sst s10  }
0x32: {  	s10 =	sld [smem:$0x3FAE];
	_ =	sdelay $0x3  }
0x33: {  	p0 =	seq.s32 s10, $0x1;
	s10 =	sld [smem:$0x3FB0];
	_ =	sdelay $0x3  }
0x34: {  	[smem:$0x3FB0] =	sst s10  }
0x35: {  	s10 =	sld [smem:$0x3FAF];
	_ =	sdelay $0x3  }
0x36: {  	p1 =	seq.s32 s10, $0x1;
	s10 =	sld [smem:$0x3FB0];
	_ =	sdelay $0x3  }
0x37: {  	[smem:$0x3FB0] =	sst s10  }
0x38: {  	s10 =	sld [smem:$0x3FB1]  }
0x39: {  	_ = 	snop;
	(pc) =	sbr.ind lr, $3  }
0x3a: {  	_ = 	snop  }
0x3b: {  	_ = 	snop  }
0x3c: {  	p2 =	seq.s32 s10, $0x1;
	s10 =	sld [smem:$0x3FB0]  }
0x3d: {  	_ =	shalt  }
0x3e: {  	_ =	shalt  }
0x3f: {  	_ =	shalt  }
0x40: {  	_ =	shalt  }
0x41: {  	_ =	shalt  }
0x42: {  	_ =	shalt  }
0x43: {  	_ =	shalt  }
0x44: {  	_ =	shalt  }
0x45: {  	_ =	shalt  }
0x46: {  	_ =	shalt  }
0x47: {  	_ =	shalt  }
0x48: {  	_ =	shalt  }
0x49: {  	_ =	shalt  }
0x4a: {  	_ =	shalt  }
0x4b: {  	_ =	shalt  }
0x4c: {  	_ =	shalt  }
0x4d: {  	_ =	shalt  }
0x4e: {  	_ =	shalt  }
0x4f: {  	_ =	shalt  }
0x50: {  	_ =	shalt  }
0x51: {  	_ =	shalt  }
0x52: {  	_ =	shalt  }
0x53: {  	_ =	shalt  }
0x54: {  	_ =	shalt  }
0x55: {  	_ =	shalt  }
0x56: {  	_ =	shalt  }
0x57: {  	_ =	shalt  }
0x58: {  	_ =	shalt  }
0x59: {  	_ =	shalt  }
0x5a: {  	_ =	shalt  }
0x5b: {  	_ =	shalt  }
0x5c: {  	_ =	shalt  }
0x5d: {  	_ =	shalt  }
0x5e: {  	_ =	shalt  }
0x5f: {  	_ =	shalt  }
0x60: {  	_ =	shalt  }
0x61: {  	_ =	shalt  }
0x62: {  	_ =	shalt  }
0x63: {  	_ =	shalt  }
0x64: {  	_ =	shalt  }
0x65: {  	_ =	shalt  }
0x66: {  	_ =	shalt  }
0x67: {  	_ =	shalt  }
0x68: {  	_ =	shalt  }
0x69: {  	_ =	shalt  }
0x6a: {  	_ =	shalt  }
0x6b: {  	_ =	shalt  }
0x6c: {  	_ =	shalt  }
0x6d: {  	_ =	shalt  }
0x6e: {  	_ =	shalt  }
0x6f: {  	_ =	shalt  }
0x70: {  	_ =	shalt  }
0x71: {  	_ =	shalt  }
0x72: {  	_ =	shalt  }
0x73: {  	_ =	shalt  }
0x74: {  	_ =	shalt  }
0x75: {  	_ =	shalt  }
0x76: {  	_ =	shalt  }
0x77: {  	_ =	shalt  }
0x78: {  	_ =	shalt  }
0x79: {  	_ =	shalt  }
0x7a: {  	_ =	shalt  }
0x7b: {  	_ =	shalt  }
0x7c: {  	_ =	shalt  }
0x7d: {  	_ =	shalt  }
0x7e: {  	_ =	shalt  }
0x7f: {  	_ =	shalt  }
0x80: {  	_ =	shalt  }
0x81: {  	_ =	shalt  }
0x82: {  	_ =	shalt  }
0x83: {  	_ =	shalt  }
0x84: {  	_ =	shalt  }
0x85: {  	_ =	shalt  }
0x86: {  	_ =	shalt  }
0x87: {  	_ =	shalt  }
.Lfunc_end0:
.L_simem_size_0:
called_computation_lowered:
.L_overlay_start_0:
0x88: {  	s2 =	sld [smem:$0x3FD9]  }
0x89: {  	s3 =	sld [smem:$0x3FFE];
	_ =	sdelay $0x1  }
0x8a: {  	s1 =	srdreg.scid  }
0x8b: {  	s0 =	sand.u32 $0x1, s1  }
0x8c: {  	s17 =	sshll.u32 s0, $0xA;
	s2 =	sadd.s32 s3, s2  }
0x8d: {  	s2 =	sadd.s32 s2, s17  }
0x8e: {  	[smem:$0x3FBC] =	sst s2  }
0x8f: {  	_ = 	snop  }
0x90: {  	s2 =	sld [smem:$0x3FD0];
	(tm) =	ssettm $0x1  }
0x91: {  	s18 =	sld [smem:$0x3FFB];
	_ =	sdelay $0x3  }
0x92: {  	_ =	strace s18  }
0x93: {  	s3 =	sld [smem:$0x3FFC];
	_ =	sdelay $0x3  }
0x94: {  	_ =	strace s3  }
0x95: {  	s3 =	sld [smem:$0x3FFD];
	_ =	sdelay $0x3  }
0x96: {  	_ =	strace s3  }
0x97: {  	_ =	strace $0x8FFFFFFF  }
0x98: {  	s19 =	sld [smem:$0x3FDB];
	_ =	sdelay $0x1  }
0x99: {  	s4 =	simm.s32 $_scs_section_size  }
0x9a: {  	s5 =	simm.s32 $_size__tile_overlayer_lowered;
	s6 =	simm.s32 $_tile_overlayer_lowered  }
0x9b: {  	s22 =	simm.s32 $0x1BFF;
	s21 =	sshll.u32 s6, $0x1;
	s3 =	sadd.s32 s4, s19  }
0x9c: {  	s7 =	simm.s32 $0x0;
	s20 =	sshll.u32 s5, $0x1;
	s5 =	sadd.s32 s21, s3  }
0x9d: {  	[timem:s7], [sflag:s22] =	dma.local [hbm:s5], s20  }
0x9e: {  	_ =	swait.ge [sflag:s22], s20  }
0x9f: {  	s4 =	ssub.s32 $0x0, s20;
	[sflag:s22] =	ssyncset.done $0x0  }
0xa0: {  	[sflag:s22] =	ssyncadd.s32 s4;
	_ =	sdelay $0x1  }
0xa1: {  	s23 =	simm.s32 $0x1B8B  }
0xa2: {  	_ =	swait.ge [sflag:s23], $0x1  }
0xa3: {  	[sflag:s23] =	ssyncset.done $0x0  }
0xa4: {  	s25 =	simm.s32 $0x1B8E;
	s24 =	sld [smem:$0x3FFE];
	[sflag:s23] =	ssyncadd.s32 $0xFFFFFFFF  }
0xa5: {  	s26 =	simm.s32 $execute0_lowered;
	[smem:$0x3FD2] =	sst s25  }
0xa6: {  	s5 =	sshll.u32 s26, $0x1;
	_ =	strace $0x80000046;
	[dreg:$0x1] =	wrdreg $0xFFFFFFFF  }
0xa7: {  	s28 =	simm.s32 $_size_execute0_lowered;
	s3 =	sadd.s32 s3, s5;
	[dreg:$0x0] =	wrdreg $0x0  }
0xa8: {  	s5 =	sshll.u32 s28, $0x1;
	[dreg:$0x2] =	wrdreg s3  }
0xa9: {  	[dreg:$0x3] =	wrdreg s5  }
0xaa: {  	[dreg:$0x4] =	wrdreg $0xC0  }
0xab: {  	_ =	task [dreg:s7], $0x5FFFF  }
0xac: {  	[dreg:$0x1] =	wrdreg $0xFFFFFFFF  }
0xad: {  	[dreg:$0x0] =	wrdreg $0x60  }
0xae: {  	[dreg:$0x2] =	wrdreg s24  }
0xaf: {  	[dreg:$0x3] =	wrdreg s2  }
0xb0: {  	[dreg:$0x4] =	wrdreg $0xA7800  }
0xb1: {  	[dreg:$0x5] =	wrdreg $0x9  }
0xb2: {  	_ =	task.clear_ibuf [dreg:s7], $0x6FFFF;
	_ =	strace $0x90000046  }
0xb3: {  	s29 =	simm.s32 $0x9;
	_ =	strace $0x80000048  }
0xb4: {  	_ =	swait.ge [sflag:s29], $0x1  }
0xb5: {  	[sflag:s29] =	ssyncadd.s32 $0xFFFFFFFF  }
0xb6: {  	_ =	strace $0x90000048  }
0xb7: {  	_ =	sfence  }
0xb8: {  	s30 =	sld [smem:$0x0];
	_ =	sdelay $0x2  }
0xb9: {  	s31 =	sshll.u32 s1, $0xD;
	s1 =	sshrl.u32 s1, $0x2  }
0xba: {  	s3 =	sand.u32 $0x4000, s31;
	s1 =	sadd.s32 s1, s30  }
0xbb: {  	s0 =	sor.u32 s3, s0;
	s1 =	sshll.u32 s1, $0x11  }
0xbc: {  	s0 =	sor.u32 s1, s0  }
0xbd: {  	s0 =	sadd.s32 $0x8F2B, s0  }
0xbe: {  	[sflag:s0] =	ssyncadd.remote.s32 $0x1  }
0xbf: {  	_ =	sfence.sel $0xFFFF  }
0xc0: {  	[dreg:$0x0] =	wrdreg $0xFFFFFFFF;
	(pc) =	sbr.abs _section_cstart, $3  }
0xc1: {  	[dreg:$0x1] =	wrdreg $0xFFFFFFFF  }
0xc2: {  	_ =	task.clear_ibuf [dreg:s7], $0x2FFFF;
	_ =	strace $0x9FFFFFFF  }
0xc3: {  	(tm) =	ssettm $0x7FFFFFFF  }
tec
execute0_lowered:
.L_overlay_start_1:
0x0: {  	(tag) =	ssettag $0x1  }
0x1: {  	s0 =	rddreg [dreg:$0x0]  }
0x2: {  	s2 =	rddreg [dreg:$0x2];
	s1 =	simm.s32 $0x0;
	s21 =	srdreg.scid  }
0x3: {  	s12 =	stileid.u32;
	[smem:$0x7FF] =	sst s1;
	s5 =	sadd.s32 $0x1200, s0  }
0x4: {  	s6 =	sadd.s32 $0x28A00, s0;
	s1 =	sand.u32 $0x1, s21;
	s3 =	smul.u32 $0x4E000, s12  }
0x5: {  	s4 =	sadd.s32 $0x28400, s0;
	s0 =	sadd.s32 $0x67200, s0;
	s30 =	smul.u32 $0x13800, s12  }
0x6: {  	p0 =	sne.s32 s12, $0xF;
	_ =	strace $0x80000047;
	[dreg:$0x4] =	wrdreg s4  }
0x7: {  	s22 =	sshll.u32 s1, $0x4;
	s7 =	ssub.s32 $0x2, s1;
	s1 =	smul.u32 $0x138800, s1  }
0x8: {  	s3 =	sshrl.u32 s3, $0x2;
	s4 =	sor.u32 s12, s22;
	s9 =	sshrl.u32 s7, $0x1  }
0x9: {  	s14 =	sadd.s32 $0x6800, s30;
	s8 =	sadd.s32 s3, s2;
	s23 =	smul.u32 $0x1F40, s4  }
0xa: {  	s7 =	ssub.s32 s7, s9;
	s25 =	smul.u32 $0xFA00, s4;
	s24 =	sadd.s32 $0x1400, s8  }
0xb: {  	s15 =	smul.u32 $0x7D, s4;
	s10 =	sadd.s32 $0x2800, s8;
	[dreg:$0x5] =	wrdreg s24  }
0xc: {  	s13 =	sadd.s32 s30, s1;
	s26 =	sadd.s32 $0x3C00, s8;
	[dreg:$0x6] =	wrdreg s10  }
0xd: {  	s16 =	sadd.s32 s1, s14;
	s28 =	sadd.s32 $0x5000, s8;
	[dreg:$0x7] =	wrdreg s26  }
0xe: {  	s21 =	sadd.s32 s14, s2;
	s29 =	sadd.s32 $0x6400, s8;
	[dreg:$0x8] =	wrdreg s28  }
0xf: {  	s14 =	simm.s32 $0x28;
	s11 =	sadd.s32 $0x7800, s8;
	[dreg:$0x9] =	wrdreg s29  }
0x10: {  	s4 =	sshrl.u32 s13, $0x3;
	[dreg:$0xa] =	wrdreg s11;
	s3 =	sadd.s32 s6, s23  }
0x11: {  	s13 =	simm.s32 $0x1;
	s4 =	sadd.s32 s0, s4;
	[dreg:$0xb] =	wrdreg s3  }
0x12: {  	s31 =	sshrl.u32 s25, $0x3;
	s23 =	smax.u32 s7, $0x1;
	[dreg:$0xc] =	wrdreg s4  }
0x13: {  	s10 =	sadd.s32 $0xD000, s30;
	s24 =	sshrl.u32 s21, $0x3;
	[dreg:$0x12] =	wrdreg s23  }
0x14: {  	s26 =	sadd.s32 $0x8C00, s8;
	s28 =	sadd.s32 $0xA000, s8;
	[dreg:$0x13] =	wrdreg s24  }
0x15: {  	s29 =	sadd.s32 $0xB400, s8;
	s30 =	sadd.s32 $0xC800, s8;
	[dreg:$0x15] =	wrdreg s26  }
0x16: {  	s7 =	sadd.s32 $0x138000, s2;
	s9 =	sadd.s32 s6, s31;
	[dreg:$0x16] =	wrdreg s28  }
0x17: {  	s17 =	sadd.s32 s1, s10;
	s4 =	sshrl.u32 s16, $0x3;
	[dreg:$0x17] =	wrdreg s29  }
0x18: {  	s1 =	sshrl.u32 s1, $0x3;
	s22 =	sadd.s32 s10, s2;
	[dreg:$0x18] =	wrdreg s30  }
0x19: {  	s31 =	sadd.s32 $0xDC00, s8;
	s3 =	sadd.s32 $0x12C00, s8;
	s10 =	simm.s32 $0x2780  }
0x1a: {  	s16 =	simm.s32 $0x5700;
	s4 =	sadd.s32 s0, s4;
	[dreg:$0x19] =	wrdreg s31  }
0x1b: {  	s11 =	sshrl.u32 s17, $0x3;
	s19 =	sadd.s32 $0x40, s9;
	[dreg:$0xd] =	wrdreg s4  }
0x1c: {  	s20 =	sadd.s32 $0x80, s9;
	s25 =	sshrl.u32 s22, $0x3;
	[dreg:$0xf] =	wrdreg s19  }
0x1d: {  	s9 =	simm.s32 $0xD;
	s17 =	simm.s32 $0x9;
	[dreg:$0x10] =	wrdreg s20  }
0x1e: {  	s18 =	sadd.s32 s0, s11;
	s0 =	sadd.s32 s0, s1;
	[dreg:$0x14] =	wrdreg s25  }
0x1f: {  	s1 =	sadd.s32 $0x10400, s8;
	s4 =	sadd.s32 $0x11800, s8;
	s11 =	simm.s32 $0x5780  }
0x20: {  	v1 =	vimm.f32 $1.000000000e+00;
	s19 =	simm.s32 $0x0;
	[dreg:$0xe] =	wrdreg s18;
	s0 =	sadd.s32 $0x27000, s0  }
0x21: {  	v0 =	vimm.f32 $0.0e+00;
	v1 =	vand.u32 $0x7FFFFFFF, v1;
	s18 =	simm.s32 $0xA;
	[dreg:$0x11] =	wrdreg s0;
	s0 =	sadd.s32 $0xF000, s8  }
.LBB2_1:
0x22: {  	s20 =	simm.s32 $0x0;
	s12 =	rddreg [dreg:$0x4]  }
0x23: {  	[tilespmem:s20], [sflag:$0xD] =	stream.linear.gather [hbm4b:s12+s20], $0x2780, $0x38;
	[tilespmem:$0x1E000] =	vst v63  }
0x24: {  	_ =	swait.ge [sflag:s9], $0x2780  }
0x25: {  	[sflag:s9] =	ssyncset.done $0x0  }
0x26: {  	[sflag:s9] =	ssyncadd.s32 $0xFFFFD880  }
0x27: {  	s31 =	rddreg [dreg:$0x1]  }
0x28: {  	[tilespmem:s10], [sflag:$0xD] =	stream.linear.gather [hbm4b:s31+s20], $0x2780, $0x38;
	[tilespmem:$0x1E000] =	vst v63  }
0x29: {  	_ =	swait.ge [sflag:s9], $0x2780  }
0x2a: {  	[sflag:s9] =	ssyncset.done $0x0  }
0x2b: {  	s12 =	simm.s32 $0x0;
	s20 =	simm.s32 $0x200;
	[sflag:s9] =	ssyncadd.s32 $0xFFFFD880  }
.LBB2_2:
0x2c: {  	p1 =	sne.s32 s20, $0x4E00;
	[tilespmem:s12+$0x57F0] =	vst v0  }
0x2d: {  	[tilespmem:s12+$0x5780] =	vst v0  }
0x2e: {  	[tilespmem:s12+$0x5790] =	vst v0  }
.Ltmp0:
0x2f: {  	[tilespmem:s12+$0x57A0] =	vst v0;
	(pc) =	sbr.rel @p1 .LBB2_2-.Ltmp0, $4  }
0x30: {  	[tilespmem:s12+$0x57B0] =	vst v0  }
0x31: {  	[tilespmem:s12+$0x57C0] =	vst v0  }
0x32: {  	[tilespmem:s12+$0x57D0] =	vst v0  }
0x33: {  	[tilespmem:s12+$0x57E0] =	vst v0;
	s12 =	sshra.s32 s20, $0x2;
	s20 =	sadd.s32 $0x200, s20  }
0x34: {  	[tilespmem:s12+$0x57F0] =	vst v0  }
0x35: {  	[tilespmem:s12+$0x5780] =	vst v0  }
0x36: {  	[tilespmem:s12+$0x5790] =	vst v0  }
0x37: {  	[tilespmem:s12+$0x57A0] =	vst v0  }
0x38: {  	[tilespmem:s12+$0x57B0] =	vst v0  }
0x39: {  	[tilespmem:s12+$0x57C0] =	vst v0  }
0x3a: {  	[tilespmem:s12+$0x57D0] =	vst v0  }
0x3b: {  	[tilespmem:s12+$0x57E0] =	vst v0  }
0x3c: {  	[spmem:s8] =	stream.linear.scatter [tilespmem:s11], [sflag:$0xD], $0x1400, $0x38;
	[tilespmem:$0x1E000] =	vst v63  }
0x3d: {  	_ =	swait.ge [sflag:s9], $0x1400  }
0x3e: {  	[sflag:s9] =	ssyncset.done $0x0  }
0x3f: {  	s25 =	rddreg [dreg:$0x5];
	[sflag:s9] =	ssyncadd.s32 $0xFFFFEC00  }
0x40: {  	[spmem:s25] =	stream.linear.scatter [tilespmem:s11], [sflag:$0xD], $0x1400, $0x38;
	[tilespmem:$0x1E000] =	vst v63  }
0x41: {  	_ =	swait.ge [sflag:s9], $0x1400  }
0x42: {  	[sflag:s9] =	ssyncset.done $0x0  }
0x43: {  	s26 =	rddreg [dreg:$0x6];
	[sflag:s9] =	ssyncadd.s32 $0xFFFFEC00  }
0x44: {  	[spmem:s26] =	stream.linear.scatter [tilespmem:s11], [sflag:$0xD], $0x1400, $0x38;
	[tilespmem:$0x1E000] =	vst v63  }
0x45: {  	_ =	swait.ge [sflag:s9], $0x1400  }
0x46: {  	[sflag:s9] =	ssyncset.done $0x0  }
0x47: {  	s28 =	rddreg [dreg:$0x7];
	[sflag:s9] =	ssyncadd.s32 $0xFFFFEC00  }
0x48: {  	[spmem:s28] =	stream.linear.scatter [tilespmem:s11], [sflag:$0xD], $0x1400, $0x38;
	[tilespmem:$0x1E000] =	vst v63  }
0x49: {  	_ =	swait.ge [sflag:s9], $0x1400  }
0x4a: {  	[sflag:s9] =	ssyncset.done $0x0  }
0x4b: {  	s29 =	rddreg [dreg:$0x8];
	[sflag:s9] =	ssyncadd.s32 $0xFFFFEC00  }
0x4c: {  	[spmem:s29] =	stream.linear.scatter [tilespmem:s11], [sflag:$0xD], $0x1400, $0x38;
	[tilespmem:$0x1E000] =	vst v63  }
0x4d: {  	_ =	swait.ge [sflag:s9], $0x1400  }
0x4e: {  	[sflag:s9] =	ssyncset.done $0x0  }
0x4f: {  	s30 =	rddreg [dreg:$0x9];
	[sflag:s9] =	ssyncadd.s32 $0xFFFFEC00  }
0x50: {  	[spmem:s30] =	stream.linear.scatter [tilespmem:s11], [sflag:$0xD], $0x1400, $0x38;
	[tilespmem:$0x1E000] =	vst v63  }
0x51: {  	_ =	swait.ge [sflag:s9], $0x1400  }
0x52: {  	[sflag:s9] =	ssyncset.done $0x0  }
0x53: {  	s31 =	rddreg [dreg:$0xa];
	[sflag:s9] =	ssyncadd.s32 $0xFFFFEC00  }
0x54: {  	[spmem:s31] =	stream.linear.scatter [tilespmem:s11], [sflag:$0xD], $0x1400, $0x38;
	[tilespmem:$0x1E000] =	vst v63  }
0x55: {  	_ =	swait.ge [sflag:s9], $0x1400  }
0x56: {  	[sflag:s9] =	ssyncset.done $0x0  }
0x57: {  	s20 =	rddreg [dreg:$0x15];
	[sflag:s9] =	ssyncadd.s32 $0xFFFFEC00  }
0x58: {  	[spmem:s20] =	stream.linear.scatter [tilespmem:s11], [sflag:$0xD], $0x1400, $0x38;
	[tilespmem:$0x1E000] =	vst v63  }
0x59: {  	_ =	swait.ge [sflag:s9], $0x1400  }
0x5a: {  	[sflag:s9] =	ssyncset.done $0x0  }
0x5b: {  	s21 =	rddreg [dreg:$0x16];
	[sflag:s9] =	ssyncadd.s32 $0xFFFFEC00  }
0x5c: {  	[spmem:s21] =	stream.linear.scatter [tilespmem:s11], [sflag:$0xD], $0x1400, $0x38;
	[tilespmem:$0x1E000] =	vst v63  }
0x5d: {  	_ =	swait.ge [sflag:s9], $0x1400  }
0x5e: {  	[sflag:s9] =	ssyncset.done $0x0  }
0x5f: {  	s22 =	rddreg [dreg:$0x17];
	[sflag:s9] =	ssyncadd.s32 $0xFFFFEC00  }
0x60: {  	[spmem:s22] =	stream.linear.scatter [tilespmem:s11], [sflag:$0xD], $0x1400, $0x38;
	[tilespmem:$0x1E000] =	vst v63  }
0x61: {  	_ =	swait.ge [sflag:s9], $0x1400  }
0x62: {  	[sflag:s9] =	ssyncset.done $0x0  }
0x63: {  	s23 =	rddreg [dreg:$0x18];
	[sflag:s9] =	ssyncadd.s32 $0xFFFFEC00  }
0x64: {  	[spmem:s23] =	stream.linear.scatter [tilespmem:s11], [sflag:$0xD], $0x1400, $0x38;
	[tilespmem:$0x1E000] =	vst v63  }
0x65: {  	_ =	swait.ge [sflag:s9], $0x1400  }
0x66: {  	[sflag:s9] =	ssyncset.done $0x0  }
0x67: {  	s24 =	rddreg [dreg:$0x19];
	[sflag:s9] =	ssyncadd.s32 $0xFFFFEC00  }
0x68: {  	[spmem:s24] =	stream.linear.scatter [tilespmem:s11], [sflag:$0xD], $0x1400, $0x38;
	[tilespmem:$0x1E000] =	vst v63  }
0x69: {  	_ =	swait.ge [sflag:s9], $0x1400  }
0x6a: {  	[sflag:s9] =	ssyncset.done $0x0  }
0x6b: {  	[sflag:s9] =	ssyncadd.s32 $0xFFFFEC00  }
0x6c: {  	[spmem:s0] =	stream.linear.scatter [tilespmem:s11], [sflag:$0xD], $0x1400, $0x38;
	[tilespmem:$0x1E000] =	vst v63  }
0x6d: {  	_ =	swait.ge [sflag:s9], $0x1400  }
0x6e: {  	[sflag:s9] =	ssyncset.done $0x0  }
0x6f: {  	[sflag:s9] =	ssyncadd.s32 $0xFFFFEC00  }
0x70: {  	[spmem:s1] =	stream.linear.scatter [tilespmem:s11], [sflag:$0xD], $0x1400, $0x38;
	[tilespmem:$0x1E000] =	vst v63  }
0x71: {  	_ =	swait.ge [sflag:s9], $0x1400  }
0x72: {  	[sflag:s9] =	ssyncset.done $0x0  }
0x73: {  	[sflag:s9] =	ssyncadd.s32 $0xFFFFEC00  }
0x74: {  	[spmem:s4] =	stream.linear.scatter [tilespmem:s11], [sflag:$0xD], $0x1400, $0x38;
	[tilespmem:$0x1E000] =	vst v63  }
0x75: {  	_ =	swait.ge [sflag:s9], $0x1400  }
0x76: {  	[sflag:s9] =	ssyncset.done $0x0  }
0x77: {  	[sflag:s9] =	ssyncadd.s32 $0xFFFFEC00  }
0x78: {  	[spmem:s3] =	stream.linear.scatter [tilespmem:s11], [sflag:$0xD], $0xC00, $0x38;
	[tilespmem:$0x1E000] =	vst v63  }
0x79: {  	_ =	swait.ge [sflag:s9], $0xC00  }
0x7a: {  	[sflag:s9] =	ssyncset.done $0x0  }
0x7b: {  	s12 =	simm.s32 @!p0 $0x5780;
	[sflag:s9] =	ssyncadd.s32 $0xFFFFF400  }
0x7c: {  	[spmem:s7] =	stream.linear.scatter @!p0 [tilespmem:s12], [sflag:$0xD], $0x800, $0x38;
	[tilespmem:$0x1E000] =	vst v63  }
0x7d: {  	s12 =	simm.s32 @!p0 $0xD  }
0x7e: {  	_ =	swait.ge @!p0 [sflag:s12], $0x800  }
0x7f: {  	[sflag:s12] =	ssyncset.done @!p0 $0x0  }
0x80: {  	[sflag:s12] =	ssyncadd.s32 @!p0 $0xFFFFF800  }
0x81: {  	[bflag:$0x0] =	sbarrier.arrive $0xFFFF  }
0x82: {  	s20 =	simm.s32 $0x0;
	s21 =	simm.s32 $0x4F00;
	s25 =	rddreg [dreg:$0xb]  }
0x83: {  	[tilespmem:s21], [sflag:$0x1] =	stream.linear.gather [hbm4b:s25+s20], $0x200, $0x38;
	[tilespmem:$0x1E000] =	vst v63  }
0x84: {  	s22 =	simm.s32 $0x5100;
	s26 =	rddreg [dreg:$0xf]  }
0x85: {  	[tilespmem:s22], [sflag:$0x2] =	stream.linear.gather [hbm4b:s26+s20], $0x200, $0x38;
	[tilespmem:$0x1E000] =	vst v63  }
0x86: {  	s29 =	simm.s32 $0x5300;
	s28 =	rddreg [dreg:$0x10]  }
0x87: {  	[tilespmem:s29], [sflag:$0x3] =	stream.linear.gather [hbm4b:s28+s20], $0x200, $0x38;
	[tilespmem:$0x1E000] =	vst v63  }
0x88: {  	_ =	swait.ge [sflag:s13], $0x200  }
0x89: {  	[sflag:s13] =	ssyncset.done $0x0  }
0x8a: {  	[sflag:s13] =	ssyncadd.s32 $0xFFFFFE00  }
0x8b: {  	[tilespmem:s11], [sflag:$0x5] =	stream.indirect.gather [hbm4b:s5+s14], $0x80, s21, s14, $0xb8;
	[tilespmem:$0x1E000] =	vst v63  }
0x8c: {  	p1 =	por $0x0, $0x0;
	s30 =	simm.s32 $0x4F80;
	s31 =	simm.s32 $0x6B80  }
0x8d: {  	[tilespmem:s31], [sflag:$0x6] =	stream.indirect.gather [hbm4b:s5+s14], $0x80, s30, s14, $0xb8;
	[tilespmem:$0x1E000] =	vst v63  }
.LBB2_4:
0x8e: {  	s23 =	sshll.u32 s20, $0x1  }
0x8f: {  	s12 =	sand.u32 $0x2, s23  }
0x90: {  	s21 =	sor.u32 $0x5, s12  }
0x91: {  	p2 =	seq.s32 s20, $0x0;
	_ =	swait.ge [sflag:s21], $0x1400  }
0x92: {  	s22 =	sxor.u32 @!p2 $0x2, s12;
	[sflag:s21] =	ssyncset.done $0x0  }
0x93: {  	[sflag:s21] =	ssyncadd.s32 $0xFFFFEC00;
	s21 =	sadd.s32 @!p2 $0x9, s22  }
0x94: {  	p3 =	seq.s32 @!p2 s20, $0x7C;
	_ =	swait.ge @!p2 [sflag:s21], $0x1400  }
0x95: {  	p3 =	por p2, !p3;
	[sflag:s21] =	ssyncset.done @!p2 $0x0  }
0x96: {  	[sflag:s21] =	ssyncadd.s32 @!p2 $0xFFFFEC00;
	s21 =	sadd.s32 @p3 $0x1, s20  }
0x97: {  	s22 =	sadd.s32 @p3 $0x2, s23;
	s21 =	sand.u32 @p3 $0x3, s21  }
0x98: {  	s24 =	sand.u32 @p3 $0x2, s22;
	s21 =	sadd.s32 @p3 $0x1, s21  }
0x99: {  	s25 =	smul.u32 @p3 $0x5000, s24;
	_ =	swait.ge @p3 [sflag:s21], $0x200  }
0x9a: {  	s22 =	sshll.u32 @p3 s22, $0x8;
	[sflag:s21] =	ssyncset.done @p3 $0x0  }
0x9b: {  	s22 =	sand.u32 @p3 $0x600, s22;
	[sflag:s21] =	ssyncadd.s32 @p3 $0xFFFFFE00;
	s21 =	sshrl.u32 @p3 s25, $0x2  }
0x9c: {  	s24 =	sor.u32 @p3 $0x5, s24;
	s22 =	sadd.s32 @p3 $0x4F00, s22;
	s21 =	sadd.s32 @p3 $0x5780, s21  }
0x9d: {  	[tilespmem:s21], [sflag:s24] =	stream.indirect.gather @p3 [hbm4b:s5+s14], $0x80, s22, s14, $0xb8;
	[tilespmem:$0x1E000] =	vst v63  }
0x9e: {  	s24 =	sshll.u32 s20, $0x9  }
0x9f: {  	s22 =	sand.u32 $0x600, s24  }
0xa0: {  	v2 =	vld [tilespmem:s22+$0x4F00]  }
0xa1: {  	v3 =	vld [tilespmem:s22+$0x5000];
	_ =	sdelay $0x5  }
0xa2: {  	s25 =	simm.s32 $0x0  }
0xa3: {  	v2 =	vld.idx.msk [tilespmem:v2+s25+$0x0], $0xffff  }
0xa4: {  	v3 =	vld.idx.msk [tilespmem:v3+s10+$0x0], $0xffff;
	_ =	sdelay $0x4  }
0xa5: {  	v2 =	vadd.f32 v3, v2;
	_ =	sdelay $0x1  }
0xa6: {  	v3 =	vand.u32 $0x7FFFFFFF, v2  }
0xa7: {  	v3 =	vmul.f32 $-2.000000000e+00, v3;
	_ =	sdelay $0x1  }
0xa8: {  	v3 =	vmul.f32 $1.442695020e+00, v3;
	_ =	sdelay $0x1  }
0xa9: {  	(erf) = vpow2.f32 v3;
	_ =	sdelay $0x8  }
0xaa: {  	v3 =	vpop (erf)  }
0xab: {  	v4 =	vadd.f32 $1.000000000e+00, v3;
	_ =	sdelay $0x1  }
0xac: {  	(erf) = vrcp.f32 v4;
	_ =	sdelay $0x7  }
0xad: {  	v3 =	vsub.f32 $1.000000000e+00, v3  }
0xae: {  	v5 =	vand.u32 $0x80000000, v2;
	vm0 =	vlt.f32 v2, $0.0e+00;
	vm1 =	vgt.f32 v2, $0.0e+00;
	v4 =	vpop (erf)  }
0xaf: {  	vm0 =	vmor vm1, vm0;
	v3 =	vmul.f32 v4, v3;
	v4 =	vor.u32 v5, v1  }
0xb0: {  	v2 =	vsel vm0, v4, v2  }
0xb1: {  	v2 =	vmul.f32 v3, v2;
	_ =	sdelay $0x1  }
0xb2: {  	[tilespmem:$0x5700] =	vst v2  }
0xb3: {  	v2 =	vld [tilespmem:s22+$0x4F10]  }
0xb4: {  	v3 =	vld [tilespmem:s22+$0x5010];
	_ =	sdelay $0x6  }
0xb5: {  	v2 =	vld.idx.msk [tilespmem:v2+s25+$0x0], $0xffff  }
0xb6: {  	v3 =	vld.idx.msk [tilespmem:v3+s10+$0x0], $0xffff;
	_ =	sdelay $0x4  }
0xb7: {  	v2 =	vadd.f32 v3, v2;
	_ =	sdelay $0x1  }
0xb8: {  	v3 =	vand.u32 $0x7FFFFFFF, v2  }
0xb9: {  	v3 =	vmul.f32 $-2.000000000e+00, v3;
	_ =	sdelay $0x1  }
0xba: {  	v3 =	vmul.f32 $1.442695020e+00, v3;
	_ =	sdelay $0x1  }
0xbb: {  	(erf) = vpow2.f32 v3;
	_ =	sdelay $0x8  }
0xbc: {  	v3 =	vpop (erf)  }
0xbd: {  	v4 =	vadd.f32 $1.000000000e+00, v3;
	_ =	sdelay $0x1  }
0xbe: {  	(erf) = vrcp.f32 v4;
	_ =	sdelay $0x7  }
0xbf: {  	v3 =	vsub.f32 $1.000000000e+00, v3  }
0xc0: {  	v5 =	vand.u32 $0x80000000, v2;
	vm12 =	vlt.f32 v2, $0.0e+00;
	vm13 =	vgt.f32 v2, $0.0e+00;
	v4 =	vpop (erf)  }
0xc1: {  	vm0 =	vmor vm13, vm12;
	v3 =	vmul.f32 v4, v3;
	v4 =	vor.u32 v5, v1  }
0xc2: {  	v2 =	vsel vm0, v4, v2  }
0xc3: {  	v2 =	vmul.f32 v3, v2;
	_ =	sdelay $0x1  }
0xc4: {  	[tilespmem:$0x5710] =	vst v2  }
0xc5: {  	v2 =	vld [tilespmem:s22+$0x4F18]  }
0xc6: {  	v3 =	vld [tilespmem:s22+$0x5018];
	_ =	sdelay $0x6  }
0xc7: {  	v2 =	vld.idx.msk [tilespmem:v2+s25+$0x0], $0xffff  }
0xc8: {  	v3 =	vld.idx.msk [tilespmem:v3+s10+$0x0], $0xffff;
	_ =	sdelay $0x4  }
0xc9: {  	v2 =	vadd.f32 v3, v2;
	_ =	sdelay $0x1  }
0xca: {  	v3 =	vand.u32 $0x7FFFFFFF, v2  }
0xcb: {  	v3 =	vmul.f32 $-2.000000000e+00, v3;
	_ =	sdelay $0x1  }
0xcc: {  	v3 =	vmul.f32 $1.442695020e+00, v3;
	_ =	sdelay $0x1  }
0xcd: {  	(erf) = vpow2.f32 v3;
	_ =	sdelay $0x8  }
0xce: {  	v3 =	vpop (erf)  }
0xcf: {  	v4 =	vadd.f32 $1.000000000e+00, v3;
	_ =	sdelay $0x1  }
0xd0: {  	(erf) = vrcp.f32 v4;
	_ =	sdelay $0x6  }
0xd1: {  	s26 =	simm.s32 $0x2;
	v5 =	vmov s25  }
0xd2: {  	v6 =	vmov s26;
	v5 =	vand.u32 $0xFFFFFFFC, v5;
	v3 =	vsub.f32 $1.000000000e+00, v3  }
0xd3: {  	v6 =	vand.u32 $0xFFFFFFFE, v6;
	v5 =	vbroadcast v5, $0x0;
	vm14 =	vlt.f32 v2, $0.0e+00;
	v4 =	vpop (erf)  }
0xd4: {  	vm15 =	vgt.f32 v2, $0.0e+00;
	v3 =	vmul.f32 v4, v3;
	v4 =	vand.u32 $0x80000000, v2  }
0xd5: {  	v6 =	vbroadcast v6, $0x0;
	vm0 =	vmor vm15, vm14;
	v4 =	vor.u32 v4, v1  }
0xd6: {  	s21 =	simm.s32 $0x1;
	v2 =	vsel vm0, v4, v2  }
0xd7: {  	s21 =	simm.s32 @!p1 $0x0;
	v2 =	vmul.f32 v3, v2  }
0xd8: {  	s21 =	smul.u32 $0xA000, s21  }
0xd9: {  	[tilespmem:$0x5718] =	vst v2  }
0xda: {  	s21 =	sshrl.u32 s21, $0x2;
	v2 =	vld.idx.msk [tilespmem:v5+s16+$0x0], $0xffff  }
0xdb: {  	s26 =	sadd.s32 $0x5880, s21;
	v3 =	vld.idx.msk [tilespmem:v6+s16+$0x0], $0xffff  }
0xdc: {  	s31 =	simm.s32 $0x1;
	v5 =	vld [tilespmem:s26+$0x70]  }
0xdd: {  	v4 =	vmov s31;
	v6 =	vld [tilespmem:s26+$0xFFFFFF00]  }
0xde: {  	v4 =	vand.u32 $0xFFFFFFFD, v4;
	v7 =	vld [tilespmem:s26+$0xFFFFFF10]  }
0xdf: {  	v4 =	vbroadcast v4, $0x0;
	v8 =	vld [tilespmem:s26+$0xFFFFFF20]  }
0xe0: {  	v9 =	vld [tilespmem:s26+$0xFFFFFF30]  }
0xe1: {  	v10 =	vld [tilespmem:s26+$0xFFFFFF40]  }
0xe2: {  	v11 =	vld [tilespmem:s26+$0xFFFFFF50]  }
0xe3: {  	v12 =	vld [tilespmem:s26+$0xFFFFFF60];
	v6 =	vmul.f32 v6, v2  }
0xe4: {  	v14 =	vld [tilespmem:s26+$0x40];
	v5 =	vmul.f32 v5, v3  }
0xe5: {  	v4 =	vld.idx.msk [tilespmem:v4+s16+$0x0], $0xffff;
	[tilespmem:s26+$0xFFFFFF00] =	vst v6;
	v6 =	vmul.f32 v7, v2  }
0xe6: {  	v7 =	vld [tilespmem:s26+$0xFFFFFF70];
	[tilespmem:s26+$0x70] =	vst v5;
	v5 =	vmul.f32 v8, v2  }
0xe7: {  	v8 =	vld [tilespmem:s26+$0xFFFFFF80];
	[tilespmem:s26+$0xFFFFFF10] =	vst v6;
	v6 =	vmul.f32 v9, v2  }
0xe8: {  	v9 =	vld [tilespmem:s26+$0xFFFFFF90];
	[tilespmem:s26+$0xFFFFFF20] =	vst v5;
	v5 =	vmul.f32 v10, v2  }
0xe9: {  	v10 =	vld [tilespmem:s26+$0xFFFFFFA0];
	[tilespmem:s26+$0xFFFFFF30] =	vst v6;
	v6 =	vmul.f32 v11, v2  }
0xea: {  	v11 =	vld [tilespmem:s26+$0xFFFFFFB0];
	[tilespmem:s26+$0xFFFFFF40] =	vst v5;
	v5 =	vmul.f32 v12, v2  }
0xeb: {  	v12 =	vld [tilespmem:s26+$0xFFFFFFC0];
	v7 =	vmul.f32 v7, v2;
	[tilespmem:s26+$0xFFFFFF50] =	vst v6  }
0xec: {  	v6 =	vmul.f32 v8, v4;
	v8 =	vld [tilespmem:s26+$0xFFFFFFD0];
	[tilespmem:s26+$0xFFFFFF60] =	vst v5  }
0xed: {  	s25 =	simm.s32 $0x3;
	v5 =	vld [tilespmem:s26+$0xFFFFFFE0];
	v9 =	vmul.f32 v9, v4;
	[tilespmem:s26+$0xFFFFFF70] =	vst v7  }
0xee: {  	v13 =	vmov s25;
	v7 =	vld [tilespmem:s26+$0xFFFFFFF0];
	[tilespmem:s26+$0xFFFFFF80] =	vst v6;
	v6 =	vmul.f32 v10, v4  }
0xef: {  	v10 =	vld [tilespmem:s26+$0x0];
	[tilespmem:s26+$0xFFFFFF90] =	vst v9;
	v9 =	vmul.f32 v11, v4  }
0xf0: {  	v11 =	vld [tilespmem:s26+$0x10];
	[tilespmem:s26+$0xFFFFFFA0] =	vst v6;
	v6 =	vmul.f32 v12, v4  }
0xf1: {  	[tilespmem:s26+$0xFFFFFFB0] =	vst v9;
	v8 =	vmul.f32 v8, v4;
	v9 =	vld [tilespmem:s26+$0x20]  }
0xf2: {  	v12 =	vld [tilespmem:s26+$0x30];
	v5 =	vmul.f32 v5, v4;
	[tilespmem:s26+$0xFFFFFFC0] =	vst v6  }
0xf3: {  	v2 =	vld.idx.msk [tilespmem:v13+s16+$0x0], $0xffff;
	v6 =	vmul.f32 v7, v4;
	[tilespmem:s26+$0xFFFFFFD0] =	vst v8  }
0xf4: {  	v4 =	vld [tilespmem:s26+$0x50];
	[tilespmem:s26+$0xFFFFFFE0] =	vst v5;
	v7 =	vmul.f32 v10, v3  }
0xf5: {  	s25 =	smul.u32 $0x5000, s12;
	s31 =	simm.s32 $0x4;
	v5 =	vld [tilespmem:s26+$0x60];
	[tilespmem:s26+$0xFFFFFFF0] =	vst v6;
	v8 =	vmul.f32 v11, v3  }
0xf6: {  	s28 =	simm.s32 $0x7;
	s29 =	simm.s32 $0x5;
	s30 =	simm.s32 $0x6;
	v6 =	vmov s31;
	[tilespmem:s26+$0x0] =	vst v7;
	v10 =	vmul.f32 v9, v3;
	v9 =	vld [tilespmem:s26+$0x80]  }
0xf7: {  	s24 =	sor.u32 $0x5000, s22;
	s21 =	sadd.s32 $0x6D70, s21;
	s25 =	sshrl.u32 s25, $0x2;
	v13 =	vmov s29;
	v7 =	vand.u32 $0xFFFFFFFC, v6;
	v11 =	vmul.f32 v12, v3;
	[tilespmem:s26+$0x10] =	vst v8;
	v8 =	vld [tilespmem:s26+$0x90]  }
0xf8: {  	s25 =	sadd.s32 $0x5780, s25;
	s29 =	simm.s32 $0x8;
	v6 =	vmov s28;
	v12 =	vmul.f32 v14, v3;
	s28 =	smov.u32 s26;
	v7 =	vbroadcast v7, $0x0;
	[tilespmem:s26+$0x20] =	vst v10;
	v10 =	vld [tilespmem:s26+$0xA0]  }
.LBB2_5:
0xf9: {  	p4 =	slt.u32 s29, $0x24;
	v13 =	vand.u32 $0xFFFFFFFD, v13;
	v14 =	vmov s30;
	[tilespmem:s26+$0x30] =	vst v11;
	v4 =	vmul.f32 v4, v3;
	v11 =	vld [tilespmem:s26+$0xB0]  }
0xfa: {  	v13 =	vbroadcast v13, $0x0;
	v14 =	vand.u32 $0xFFFFFFFE, v14;
	[tilespmem:s26+$0x40] =	vst v12;
	v3 =	vmul.f32 v5, v3;
	v5 =	vld [tilespmem:s26+$0xC0]  }
0xfb: {  	v12 =	vbroadcast v14, $0x0;
	[tilespmem:s26+$0x50] =	vst v4;
	v4 =	vmul.f32 v9, v2;
	v9 =	vld [tilespmem:s26+$0xD0]  }
0xfc: {  	[tilespmem:s26+$0x60] =	vst v3;
	v3 =	vmul.f32 v8, v2;
	v8 =	vld [tilespmem:s26+$0xE0]  }
0xfd: {  	[tilespmem:s26+$0x80] =	vst v4;
	v4 =	vmul.f32 v10, v2;
	v10 =	vld [tilespmem:s26+$0xF0]  }
0xfe: {  	v6 =	vld.idx.msk [tilespmem:v6+s16+$0x0], $0xffff;
	[tilespmem:s26+$0x90] =	vst v3;
	v3 =	vmul.f32 v11, v2  }
0xff: {  	v7 =	vld.idx.msk [tilespmem:v7+s16+$0x0], $0xffff;
	[tilespmem:s26+$0xA0] =	vst v4;
	v4 =	vmul.f32 v5, v2  }
0x100: {  	v5 =	vld.idx.msk [tilespmem:v13+s16+$0x0], $0xffff;
	[tilespmem:s26+$0xB0] =	vst v3;
	v9 =	vmul.f32 v9, v2  }
0x101: {  	s26 =	sadd.s32 $0x200, s26;
	v3 =	vld.idx.msk [tilespmem:v12+s16+$0x0], $0xffff;
	[tilespmem:s28+$0xC0] =	vst v4;
	v4 =	vmul.f32 v8, v2  }
0x102: {  	v8 =	vld [tilespmem:s26+$0x70];
	[tilespmem:s28+$0xD0] =	vst v9;
	v10 =	vmul.f32 v10, v2  }
0x103: {  	v9 =	vld [tilespmem:s26+$0xFFFFFF00];
	[tilespmem:s28+$0xE0] =	vst v4  }
0x104: {  	v2 =	vmov v6;
	v4 =	vld [tilespmem:s26+$0xFFFFFF10];
	[tilespmem:s28+$0xF0] =	vst v10;
	s28 =	smov.u32 s26  }
0x105: {  	v6 =	vld [tilespmem:s26+$0xFFFFFF20]  }
0x106: {  	v10 =	vld [tilespmem:s26+$0xFFFFFF30]  }
0x107: {  	v11 =	vld [tilespmem:s26+$0xFFFFFF40];
	v8 =	vmul.f32 v8, v3  }
0x108: {  	v9 =	vmul.f32 v9, v7;
	v12 =	vld [tilespmem:s26+$0xFFFFFF50]  }
0x109: {  	v4 =	vmul.f32 v4, v7;
	v13 =	vld [tilespmem:s26+$0xFFFFFF60];
	[tilespmem:s26+$0x70] =	vst v8  }
0x10a: {  	[tilespmem:s26+$0xFFFFFF00] =	vst v9;
	v6 =	vmul.f32 v6, v7;
	v8 =	vld [tilespmem:s26+$0xFFFFFF70]  }
0x10b: {  	[tilespmem:s26+$0xFFFFFF10] =	vst v4;
	v4 =	vmul.f32 v10, v7;
	v9 =	vld [tilespmem:s26+$0xFFFFFF80]  }
0x10c: {  	[tilespmem:s26+$0xFFFFFF20] =	vst v6;
	v6 =	vmul.f32 v11, v7;
	v10 =	vld [tilespmem:s26+$0xFFFFFF90]  }
0x10d: {  	[tilespmem:s26+$0xFFFFFF30] =	vst v4;
	v4 =	vmul.f32 v12, v7;
	v11 =	vld [tilespmem:s26+$0xFFFFFFA0]  }
0x10e: {  	[tilespmem:s26+$0xFFFFFF40] =	vst v6;
	v6 =	vmul.f32 v13, v7;
	v12 =	vld [tilespmem:s26+$0xFFFFFFB0]  }
0x10f: {  	[tilespmem:s26+$0xFFFFFF50] =	vst v4;
	v4 =	vmul.f32 v8, v7;
	v7 =	vld [tilespmem:s26+$0xFFFFFFC0]  }
0x110: {  	[tilespmem:s26+$0xFFFFFF60] =	vst v6;
	v6 =	vmul.f32 v9, v5;
	v8 =	vld [tilespmem:s26+$0xFFFFFFD0]  }
0x111: {  	[tilespmem:s26+$0xFFFFFF70] =	vst v4;
	v4 =	vmul.f32 v10, v5;
	v9 =	vld [tilespmem:s26+$0xFFFFFFE0]  }
0x112: {  	[tilespmem:s26+$0xFFFFFF80] =	vst v6;
	v6 =	vmul.f32 v11, v5;
	v10 =	vld [tilespmem:s26+$0xFFFFFFF0]  }
0x113: {  	[tilespmem:s26+$0xFFFFFF90] =	vst v4;
	v4 =	vmul.f32 v12, v5;
	v11 =	vld [tilespmem:s26+$0x0]  }
0x114: {  	[tilespmem:s26+$0xFFFFFFA0] =	vst v6;
	v6 =	vmul.f32 v7, v5;
	v7 =	vld [tilespmem:s26+$0x10]  }
0x115: {  	[tilespmem:s26+$0xFFFFFFB0] =	vst v4;
	v4 =	vmul.f32 v8, v5;
	v8 =	vld [tilespmem:s26+$0x20]  }
0x116: {  	[tilespmem:s26+$0xFFFFFFC0] =	vst v6;
	v6 =	vmul.f32 v9, v5;
	v12 =	vld [tilespmem:s26+$0x30]  }
0x117: {  	[tilespmem:s26+$0xFFFFFFD0] =	vst v4;
	v5 =	vmul.f32 v10, v5;
	v10 =	vld [tilespmem:s26+$0x40]  }
.Ltmp1:
0x118: {  	[tilespmem:s26+$0xFFFFFFE0] =	vst v6;
	v6 =	vmul.f32 v11, v3;
	v4 =	vld [tilespmem:s26+$0x50];
	(pc) =	sbr.rel @p4 .LBB2_5-.Ltmp1, $4  }
0x119: {  	[tilespmem:s26+$0xFFFFFFF0] =	vst v5;
	v7 =	vmul.f32 v7, v3;
	v5 =	vld [tilespmem:s26+$0x60]  }
0x11a: {  	s30 =	sadd.s32 $0x3, s29;
	v11 =	vmov s29;
	[tilespmem:s26+$0x0] =	vst v6;
	v14 =	vmul.f32 v8, v3;
	v9 =	vld [tilespmem:s26+$0x80]  }
0x11b: {  	s31 =	sadd.s32 $0x1, s29;
	v13 =	vand.u32 $0xFFFFFFFC, v11;
	v6 =	vmov s30;
	[tilespmem:s26+$0x10] =	vst v7;
	v11 =	vmul.f32 v12, v3;
	v8 =	vld [tilespmem:s26+$0x90]  }
0x11c: {  	s30 =	sadd.s32 $0x2, s29;
	s29 =	sadd.s32 $0x4, s29;
	v7 =	vbroadcast v13, $0x0;
	v13 =	vmov s31;
	[tilespmem:s26+$0x20] =	vst v14;
	v12 =	vmul.f32 v10, v3;
	v10 =	vld [tilespmem:s26+$0xA0]  }
0x11d: {  	v14 =	vld [tilespmem:s26+$0xB0]  }
0x11e: {  	v16 =	vld [tilespmem:s26+$0xC0]  }
0x11f: {  	v17 =	vld [tilespmem:s26+$0xD0]  }
0x120: {  	v18 =	vld [tilespmem:s26+$0xE0]  }
0x121: {  	v23 =	vld [tilespmem:s26+$0xF0];
	[tilespmem:s26+$0x30] =	vst v11;
	v4 =	vmul.f32 v4, v3  }
0x122: {  	v6 =	vld.idx.msk [tilespmem:v6+s16+$0x0], $0xffff;
	[tilespmem:s26+$0x40] =	vst v12;
	v3 =	vmul.f32 v5, v3  }
0x123: {  	s29 =	sadd.s32 $0x200, s26;
	v24 =	vld.idx.msk [tilespmem:v7+s16+$0x0], $0xffff;
	v9 =	vmul.f32 v9, v2;
	[tilespmem:s26+$0x50] =	vst v4  }
0x124: {  	v29 =	vld [tilespmem:s29+$0x70];
	v25 =	vmul.f32 v8, v2;
	[tilespmem:s26+$0x60] =	vst v3  }
0x125: {  	v30 =	vld [tilespmem:s29+$0xFFFFFF00];
	[tilespmem:s26+$0x80] =	vst v9;
	v3 =	vmul.f32 v10, v2  }
0x126: {  	v15 =	vmov s30;
	v32 =	vld [tilespmem:s29+$0xFFFFFF10];
	[tilespmem:s26+$0x90] =	vst v25;
	v28 =	vmul.f32 v14, v2  }
0x127: {  	v15 =	vand.u32 $0xFFFFFFFE, v15;
	v33 =	vld [tilespmem:s29+$0xFFFFFF20];
	[tilespmem:s26+$0xA0] =	vst v3;
	v3 =	vmul.f32 v16, v2  }
0x128: {  	v13 =	vand.u32 $0xFFFFFFFD, v13;
	v34 =	vld [tilespmem:s29+$0xFFFFFF30];
	v15 =	vbroadcast v15, $0x0;
	v31 =	vmul.f32 v17, v2;
	[tilespmem:s26+$0xB0] =	vst v28  }
0x129: {  	v13 =	vbroadcast v13, $0x0;
	v36 =	vld [tilespmem:s29+$0xFFFFFF50];
	[tilespmem:s28+$0xC0] =	vst v3;
	v3 =	vmul.f32 v18, v2  }
0x12a: {  	v38 =	vld [tilespmem:s29+$0xFFFFFF60];
	[tilespmem:s28+$0xD0] =	vst v31;
	v2 =	vmul.f32 v23, v2  }
0x12b: {  	v37 =	vmul.f32 v32, v24;
	[tilespmem:s28+$0xE0] =	vst v3;
	v3 =	vld [tilespmem:s29+$0xFFFFFF40]  }
0x12c: {  	v39 =	vld [tilespmem:s29+$0xFFFFFF70];
	[tilespmem:s28+$0xF0] =	vst v2;
	v2 =	vmul.f32 v30, v24  }
0x12d: {  	v40 =	vld [tilespmem:s29+$0xFFFFFF80];
	v4 =	vmul.f32 v34, v24;
	[tilespmem:s29+$0xFFFFFF10] =	vst v37  }
0x12e: {  	v27 =	vld.idx.msk [tilespmem:v15+s16+$0x0], $0xffff;
	[tilespmem:s29+$0xFFFFFF00] =	vst v2;
	v2 =	vmul.f32 v33, v24  }
0x12f: {  	v41 =	vmul.f32 v36, v24;
	v26 =	vld.idx.msk [tilespmem:v13+s16+$0x0], $0xffff;
	[tilespmem:s29+$0xFFFFFF30] =	vst v4  }
0x130: {  	[tilespmem:s29+$0xFFFFFF20] =	vst v2;
	v2 =	vmul.f32 v3, v24;
	v3 =	vld [tilespmem:s29+$0xFFFFFF90]  }
0x131: {  	v42 =	vld [tilespmem:s29+$0xFFFFFFA0];
	v44 =	vmul.f32 v39, v24;
	[tilespmem:s29+$0xFFFFFF50] =	vst v41  }
0x132: {  	v43 =	vld [tilespmem:s29+$0xFFFFFFB0];
	[tilespmem:s29+$0xFFFFFF40] =	vst v2;
	v2 =	vmul.f32 v38, v24  }
0x133: {  	v45 =	vld [tilespmem:s29+$0xFFFFFFC0];
	[tilespmem:s29+$0xFFFFFF70] =	vst v44;
	v35 =	vmul.f32 v29, v27  }
0x134: {  	v46 =	vld [tilespmem:s29+$0xFFFFFFD0];
	[tilespmem:s29+$0xFFFFFF60] =	vst v2;
	v2 =	vmul.f32 v40, v26  }
0x135: {  	v47 =	vld [tilespmem:s29+$0xFFFFFFE0];
	[tilespmem:s29+$0x70] =	vst v35;
	v3 =	vmul.f32 v3, v26  }
0x136: {  	v48 =	vld [tilespmem:s29+$0xFFFFFFF0];
	[tilespmem:s29+$0xFFFFFF80] =	vst v2;
	v2 =	vmul.f32 v42, v26  }
0x137: {  	v49 =	vld [tilespmem:s29+$0x0];
	[tilespmem:s29+$0xFFFFFF90] =	vst v3;
	v3 =	vmul.f32 v43, v26  }
0x138: {  	v50 =	vld [tilespmem:s29+$0x10];
	[tilespmem:s29+$0xFFFFFFA0] =	vst v2;
	v2 =	vmul.f32 v45, v26  }
0x139: {  	v51 =	vld [tilespmem:s29+$0x20];
	[tilespmem:s29+$0xFFFFFFB0] =	vst v3;
	v3 =	vmul.f32 v46, v26  }
0x13a: {  	v52 =	vld [tilespmem:s29+$0x30];
	[tilespmem:s29+$0xFFFFFFC0] =	vst v2;
	v2 =	vmul.f32 v47, v26  }
0x13b: {  	v53 =	vld [tilespmem:s29+$0x40];
	[tilespmem:s29+$0xFFFFFFD0] =	vst v3;
	v3 =	vmul.f32 v48, v26  }
0x13c: {  	v54 =	vld [tilespmem:s29+$0x50];
	[tilespmem:s29+$0xFFFFFFE0] =	vst v2;
	v2 =	vmul.f32 v49, v27  }
0x13d: {  	v55 =	vld [tilespmem:s29+$0x60];
	[tilespmem:s29+$0xFFFFFFF0] =	vst v3;
	v3 =	vmul.f32 v50, v27  }
0x13e: {  	v56 =	vld [tilespmem:s29+$0x80];
	[tilespmem:s29+$0x0] =	vst v2;
	v2 =	vmul.f32 v51, v27  }
0x13f: {  	v57 =	vld [tilespmem:s29+$0x90];
	[tilespmem:s29+$0x10] =	vst v3;
	v3 =	vmul.f32 v52, v27  }
0x140: {  	v58 =	vld [tilespmem:s29+$0xA0];
	[tilespmem:s29+$0x20] =	vst v2;
	v2 =	vmul.f32 v53, v27  }
0x141: {  	v59 =	vld [tilespmem:s29+$0xB0];
	[tilespmem:s29+$0x30] =	vst v3;
	v3 =	vmul.f32 v54, v27  }
0x142: {  	v60 =	vld [tilespmem:s29+$0xC0];
	[tilespmem:s29+$0x40] =	vst v2;
	v2 =	vmul.f32 v55, v27  }
0x143: {  	v61 =	vld [tilespmem:s29+$0xD0];
	[tilespmem:s29+$0x50] =	vst v3;
	v3 =	vmul.f32 v56, v6  }
0x144: {  	v62 =	vld [tilespmem:s29+$0xE0];
	[tilespmem:s29+$0x60] =	vst v2;
	v2 =	vmul.f32 v57, v6  }
0x145: {  	v63 =	vld [tilespmem:s29+$0xF0];
	[tilespmem:s29+$0x80] =	vst v3;
	v3 =	vmul.f32 v58, v6  }
0x146: {  	[tilespmem:s29+$0x90] =	vst v2;
	v2 =	vmul.f32 v59, v6  }
0x147: {  	[tilespmem:s29+$0xA0] =	vst v3;
	v3 =	vmul.f32 v60, v6  }
0x148: {  	[tilespmem:s29+$0xB0] =	vst v2;
	v2 =	vmul.f32 v61, v6  }
0x149: {  	[tilespmem:s29+$0xC0] =	vst v3;
	v3 =	vmul.f32 v62, v6  }
0x14a: {  	[tilespmem:s29+$0xD0] =	vst v2;
	v2 =	vmul.f32 v63, v6  }
0x14b: {  	[tilespmem:s29+$0xE0] =	vst v3  }
0x14c: {  	s30 =	sadd.s32 $0x9, s12;
	s31 =	sadd.s32 $0x6, s12;
	[tilespmem:s29+$0xF0] =	vst v2  }
0x14d: {  	[spmem:s2] =	stream.indirect.scatter.add.f32 [tilespmem:s25], [sflag:s30], $0x80, s24, s14, $0xb8;
	[tilespmem:$0x1E000] =	vst v63  }
0x14e: {  	s24 =	sadd.s32 @!p2 $0x3, s23;
	_ =	swait.ge [sflag:s31], $0x1400  }
.Ltmp2:
0x14f: {  	s23 =	sand.u32 @!p2 $0x3, s24;
	[sflag:s31] =	ssyncset.done $0x0;
	(pc) =	sbr.rel @!p3 .LBB2_8-.Ltmp2, $4  }
0x150: {  	s25 =	sadd.s32 @!p2 $0x9, s23;
	[sflag:s31] =	ssyncadd.s32 $0xFFFFEC00  }
0x151: {  	_ =	swait.ge @!p2 [sflag:s25], $0x1400  }
0x152: {  	[sflag:s25] =	ssyncset.done @!p2 $0x0  }
0x153: {  	[sflag:s25] =	ssyncadd.s32 @!p2 $0xFFFFEC00  }
0x154: {  	s23 =	simm.s32 @p2 $0x3  }
0x155: {  	s24 =	simm.s32 @p2 $0x3;
	s25 =	smul.u32 $0x5000, s23  }
0x156: {  	s24 =	sshll.u32 s24, $0x8  }
0x157: {  	p2 =	sgt.u32 s20, $0x79;
	s24 =	sand.u32 $0x600, s24;
	s25 =	sshrl.u32 s25, $0x2  }
0x158: {  	s23 =	sadd.s32 $0x5, s23;
	s24 =	sadd.s32 $0x4F80, s24;
	s25 =	sadd.s32 $0x5780, s25  }
0x159: {  	[tilespmem:s25], [sflag:s23] =	stream.indirect.gather [hbm4b:s5+s14], $0x80, s24, s14, $0xb8;
	[tilespmem:$0x1E000] =	vst v63  }
0x15a: {  	s23 =	sadd.s32 @!p2 $0x3, s20  }
0x15b: {  	s24 =	sand.u32 @!p2 $0x3, s23;
	s23 =	sadd.s32 @!p2 s15, s23  }
0x15c: {  	s23 =	sshll.u32 @!p2 s23, $0x6  }
0x15d: {  	s26 =	simm.s32 @!p2 $0x0;
	s25 =	sshll.u32 @!p2 s24, $0x9;
	s23 =	sand.u32 @!p2 $0x1FFFFFC0, s23  }
0x15e: {  	s24 =	sadd.s32 @!p2 $0x1, s24;
	s25 =	sadd.s32 @!p2 $0x4F00, s25;
	s23 =	sadd.s32 @!p2 s6, s23  }
0x15f: {  	[tilespmem:s25], [sflag:s24] =	stream.linear.gather @!p2 [hbm4b:s23+s26], $0x200, $0x38;
	[tilespmem:$0x1E000] =	vst v63  }
.LBB2_8:
0x160: {  	v2 =	vld [tilespmem:s22+$0x4F80]  }
0x161: {  	v3 =	vld [tilespmem:s22+$0x5080];
	_ =	sdelay $0x5  }
0x162: {  	s23 =	simm.s32 $0x0  }
0x163: {  	v2 =	vld.idx.msk [tilespmem:v2+s23+$0x0], $0xffff  }
0x164: {  	v3 =	vld.idx.msk [tilespmem:v3+s10+$0x0], $0xffff;
	_ =	sdelay $0x4  }
0x165: {  	v2 =	vadd.f32 v3, v2;
	_ =	sdelay $0x1  }
0x166: {  	v3 =	vand.u32 $0x7FFFFFFF, v2  }
0x167: {  	v3 =	vmul.f32 $-2.000000000e+00, v3;
	_ =	sdelay $0x1  }
0x168: {  	v3 =	vmul.f32 $1.442695020e+00, v3;
	_ =	sdelay $0x1  }
0x169: {  	(erf) = vpow2.f32 v3;
	_ =	sdelay $0x8  }
0x16a: {  	v3 =	vpop (erf)  }
0x16b: {  	v4 =	vadd.f32 $1.000000000e+00, v3;
	_ =	sdelay $0x1  }
0x16c: {  	(erf) = vrcp.f32 v4;
	_ =	sdelay $0x7  }
0x16d: {  	v3 =	vsub.f32 $1.000000000e+00, v3  }
0x16e: {  	v5 =	vand.u32 $0x80000000, v2;
	vm0 =	vlt.f32 v2, $0.0e+00;
	vm1 =	vgt.f32 v2, $0.0e+00;
	v4 =	vpop (erf)  }
0x16f: {  	vm0 =	vmor vm1, vm0;
	v3 =	vmul.f32 v4, v3;
	v4 =	vor.u32 v5, v1  }
0x170: {  	v2 =	vsel vm0, v4, v2  }
0x171: {  	v2 =	vmul.f32 v3, v2;
	_ =	sdelay $0x1  }
0x172: {  	[tilespmem:$0x5700] =	vst v2  }
0x173: {  	v2 =	vld [tilespmem:s22+$0x4F90]  }
0x174: {  	v3 =	vld [tilespmem:s22+$0x5090];
	_ =	sdelay $0x6  }
0x175: {  	v2 =	vld.idx.msk [tilespmem:v2+s23+$0x0], $0xffff  }
0x176: {  	v3 =	vld.idx.msk [tilespmem:v3+s10+$0x0], $0xffff;
	_ =	sdelay $0x4  }
0x177: {  	v2 =	vadd.f32 v3, v2;
	_ =	sdelay $0x1  }
0x178: {  	v3 =	vand.u32 $0x7FFFFFFF, v2  }
0x179: {  	v3 =	vmul.f32 $-2.000000000e+00, v3;
	_ =	sdelay $0x1  }
0x17a: {  	v3 =	vmul.f32 $1.442695020e+00, v3;
	_ =	sdelay $0x1  }
0x17b: {  	(erf) = vpow2.f32 v3;
	_ =	sdelay $0x8  }
0x17c: {  	v3 =	vpop (erf)  }
0x17d: {  	v4 =	vadd.f32 $1.000000000e+00, v3;
	_ =	sdelay $0x1  }
0x17e: {  	(erf) = vrcp.f32 v4;
	_ =	sdelay $0x7  }
0x17f: {  	v3 =	vsub.f32 $1.000000000e+00, v3  }
0x180: {  	v5 =	vand.u32 $0x80000000, v2;
	vm12 =	vlt.f32 v2, $0.0e+00;
	vm13 =	vgt.f32 v2, $0.0e+00;
	v4 =	vpop (erf)  }
0x181: {  	vm0 =	vmor vm13, vm12;
	v3 =	vmul.f32 v4, v3;
	v4 =	vor.u32 v5, v1  }
0x182: {  	v2 =	vsel vm0, v4, v2  }
0x183: {  	v2 =	vmul.f32 v3, v2;
	_ =	sdelay $0x1  }
0x184: {  	[tilespmem:$0x5710] =	vst v2  }
0x185: {  	v2 =	vld [tilespmem:s22+$0x4F98]  }
0x186: {  	v3 =	vld [tilespmem:s22+$0x5098];
	_ =	sdelay $0x6  }
0x187: {  	v2 =	vld.idx.msk [tilespmem:v2+s23+$0x0], $0xffff  }
0x188: {  	v3 =	vld.idx.msk [tilespmem:v3+s10+$0x0], $0xffff;
	_ =	sdelay $0x4  }
0x189: {  	v2 =	vadd.f32 v3, v2;
	_ =	sdelay $0x1  }
0x18a: {  	v3 =	vand.u32 $0x7FFFFFFF, v2  }
0x18b: {  	v3 =	vmul.f32 $-2.000000000e+00, v3;
	_ =	sdelay $0x1  }
0x18c: {  	v3 =	vmul.f32 $1.442695020e+00, v3;
	_ =	sdelay $0x1  }
0x18d: {  	(erf) = vpow2.f32 v3;
	_ =	sdelay $0x8  }
0x18e: {  	v3 =	vpop (erf)  }
0x18f: {  	v4 =	vadd.f32 $1.000000000e+00, v3;
	_ =	sdelay $0x1  }
0x190: {  	(erf) = vrcp.f32 v4;
	_ =	sdelay $0x6  }
0x191: {  	s26 =	simm.s32 $0x2;
	v5 =	vmov s23  }
0x192: {  	v6 =	vmov s26;
	v5 =	vand.u32 $0xFFFFFFFC, v5;
	v3 =	vsub.f32 $1.000000000e+00, v3  }
0x193: {  	v6 =	vand.u32 $0xFFFFFFFE, v6;
	v5 =	vbroadcast v5, $0x0;
	vm14 =	vlt.f32 v2, $0.0e+00;
	v4 =	vpop (erf)  }
0x194: {  	vm15 =	vgt.f32 v2, $0.0e+00;
	v3 =	vmul.f32 v4, v3;
	v4 =	vand.u32 $0x80000000, v2  }
0x195: {  	v6 =	vbroadcast v6, $0x0;
	vm0 =	vmor vm15, vm14;
	v4 =	vor.u32 v4, v1  }
0x196: {  	v2 =	vsel vm0, v4, v2  }
0x197: {  	v2 =	vmul.f32 v3, v2;
	_ =	sdelay $0x1  }
0x198: {  	[tilespmem:$0x5718] =	vst v2  }
0x199: {  	v2 =	vld.idx.msk [tilespmem:v5+s16+$0x0], $0xffff  }
0x19a: {  	v3 =	vld.idx.msk [tilespmem:v6+s16+$0x0], $0xffff  }
0x19b: {  	s28 =	simm.s32 $0x1;
	v5 =	vld [tilespmem:s21+$0xFFFFFF80]  }
0x19c: {  	v4 =	vmov s28;
	v6 =	vld [tilespmem:s21+$0xFFFFFE10]  }
0x19d: {  	v4 =	vand.u32 $0xFFFFFFFD, v4;
	v7 =	vld [tilespmem:s21+$0xFFFFFE20]  }
0x19e: {  	v4 =	vbroadcast v4, $0x0;
	v8 =	vld [tilespmem:s21+$0xFFFFFE30]  }
0x19f: {  	v9 =	vld [tilespmem:s21+$0xFFFFFE40]  }
0x1a0: {  	v10 =	vld [tilespmem:s21+$0xFFFFFE50]  }
0x1a1: {  	v11 =	vld [tilespmem:s21+$0xFFFFFE60]  }
0x1a2: {  	v12 =	vld [tilespmem:s21+$0xFFFFFE70];
	v6 =	vmul.f32 v6, v2  }
0x1a3: {  	v14 =	vld [tilespmem:s21+$0xFFFFFF50];
	v5 =	vmul.f32 v5, v3  }
0x1a4: {  	v4 =	vld.idx.msk [tilespmem:v4+s16+$0x0], $0xffff;
	[tilespmem:s21+$0xFFFFFE10] =	vst v6;
	v6 =	vmul.f32 v7, v2  }
0x1a5: {  	v7 =	vld [tilespmem:s21+$0xFFFFFE80];
	[tilespmem:s21+$0xFFFFFF80] =	vst v5;
	v5 =	vmul.f32 v8, v2  }
0x1a6: {  	v8 =	vld [tilespmem:s21+$0xFFFFFE90];
	[tilespmem:s21+$0xFFFFFE20] =	vst v6;
	v6 =	vmul.f32 v9, v2  }
0x1a7: {  	v9 =	vld [tilespmem:s21+$0xFFFFFEA0];
	[tilespmem:s21+$0xFFFFFE30] =	vst v5;
	v5 =	vmul.f32 v10, v2  }
0x1a8: {  	v10 =	vld [tilespmem:s21+$0xFFFFFEB0];
	[tilespmem:s21+$0xFFFFFE40] =	vst v6;
	v6 =	vmul.f32 v11, v2  }
0x1a9: {  	v11 =	vld [tilespmem:s21+$0xFFFFFEC0];
	[tilespmem:s21+$0xFFFFFE50] =	vst v5;
	v5 =	vmul.f32 v12, v2  }
0x1aa: {  	v12 =	vld [tilespmem:s21+$0xFFFFFED0];
	v7 =	vmul.f32 v7, v2;
	[tilespmem:s21+$0xFFFFFE60] =	vst v6  }
0x1ab: {  	v6 =	vmul.f32 v8, v4;
	v8 =	vld [tilespmem:s21+$0xFFFFFEE0];
	[tilespmem:s21+$0xFFFFFE70] =	vst v5  }
0x1ac: {  	s29 =	simm.s32 $0x3;
	v5 =	vld [tilespmem:s21+$0xFFFFFEF0];
	v9 =	vmul.f32 v9, v4;
	[tilespmem:s21+$0xFFFFFE80] =	vst v7  }
0x1ad: {  	v13 =	vmov s29;
	v7 =	vld [tilespmem:s21+$0xFFFFFF00];
	[tilespmem:s21+$0xFFFFFE90] =	vst v6;
	v6 =	vmul.f32 v10, v4  }
0x1ae: {  	v10 =	vld [tilespmem:s21+$0xFFFFFF10];
	[tilespmem:s21+$0xFFFFFEA0] =	vst v9;
	v9 =	vmul.f32 v11, v4  }
0x1af: {  	v11 =	vld [tilespmem:s21+$0xFFFFFF20];
	[tilespmem:s21+$0xFFFFFEB0] =	vst v6;
	v6 =	vmul.f32 v12, v4  }
0x1b0: {  	[tilespmem:s21+$0xFFFFFEC0] =	vst v9;
	v8 =	vmul.f32 v8, v4;
	v9 =	vld [tilespmem:s21+$0xFFFFFF30]  }
0x1b1: {  	v12 =	vld [tilespmem:s21+$0xFFFFFF40];
	v5 =	vmul.f32 v5, v4;
	[tilespmem:s21+$0xFFFFFED0] =	vst v6  }
0x1b2: {  	v2 =	vld.idx.msk [tilespmem:v13+s16+$0x0], $0xffff;
	v6 =	vmul.f32 v7, v4;
	[tilespmem:s21+$0xFFFFFEE0] =	vst v8  }
0x1b3: {  	s12 =	sor.u32 $0x1, s12;
	v4 =	vld [tilespmem:s21+$0xFFFFFF60];
	[tilespmem:s21+$0xFFFFFEF0] =	vst v5;
	v7 =	vmul.f32 v10, v3  }
0x1b4: {  	s24 =	simm.s32 $0x4;
	s30 =	smul.u32 $0x5000, s12;
	v5 =	vld [tilespmem:s21+$0xFFFFFF70];
	[tilespmem:s21+$0xFFFFFF00] =	vst v6;
	v8 =	vmul.f32 v11, v3  }
0x1b5: {  	s31 =	simm.s32 $0x7;
	s25 =	simm.s32 $0x5;
	v6 =	vmov s24;
	[tilespmem:s21+$0xFFFFFF10] =	vst v7;
	v10 =	vmul.f32 v9, v3;
	v9 =	vld [tilespmem:s21+$0xFFFFFF90]  }
0x1b6: {  	s26 =	simm.s32 $0x6;
	s22 =	sadd.s32 $0x5080, s22;
	s23 =	sshrl.u32 s30, $0x2;
	v13 =	vmov s25;
	v7 =	vand.u32 $0xFFFFFFFC, v6;
	v11 =	vmul.f32 v12, v3;
	[tilespmem:s21+$0xFFFFFF20] =	vst v8;
	v8 =	vld [tilespmem:s21+$0xFFFFFFA0]  }
0x1b7: {  	s23 =	sadd.s32 $0x5780, s23;
	s25 =	simm.s32 $0x8;
	s24 =	smov.u32 s21;
	v6 =	vmov s31;
	v12 =	vmul.f32 v14, v3;
	v7 =	vbroadcast v7, $0x0;
	[tilespmem:s21+$0xFFFFFF30] =	vst v10;
	v10 =	vld [tilespmem:s21+$0xFFFFFFB0]  }
.LBB2_9:
0x1b8: {  	p2 =	slt.u32 s25, $0x24;
	v13 =	vand.u32 $0xFFFFFFFD, v13;
	v14 =	vmov s26;
	[tilespmem:s21+$0xFFFFFF40] =	vst v11;
	v4 =	vmul.f32 v4, v3;
	v11 =	vld [tilespmem:s21+$0xFFFFFFC0]  }
0x1b9: {  	v13 =	vbroadcast v13, $0x0;
	v14 =	vand.u32 $0xFFFFFFFE, v14;
	[tilespmem:s21+$0xFFFFFF50] =	vst v12;
	v3 =	vmul.f32 v5, v3;
	v5 =	vld [tilespmem:s21+$0xFFFFFFD0]  }
0x1ba: {  	v12 =	vbroadcast v14, $0x0;
	[tilespmem:s21+$0xFFFFFF60] =	vst v4;
	v4 =	vmul.f32 v9, v2;
	v9 =	vld [tilespmem:s21+$0xFFFFFFE0]  }
0x1bb: {  	[tilespmem:s21+$0xFFFFFF70] =	vst v3;
	v3 =	vmul.f32 v8, v2;
	v8 =	vld [tilespmem:s21+$0xFFFFFFF0]  }
0x1bc: {  	[tilespmem:s21+$0xFFFFFF90] =	vst v4;
	v4 =	vmul.f32 v10, v2;
	v10 =	vld [tilespmem:s21+$0x0]  }
0x1bd: {  	v6 =	vld.idx.msk [tilespmem:v6+s16+$0x0], $0xffff;
	[tilespmem:s21+$0xFFFFFFA0] =	vst v3;
	v3 =	vmul.f32 v11, v2  }
0x1be: {  	v7 =	vld.idx.msk [tilespmem:v7+s16+$0x0], $0xffff;
	[tilespmem:s21+$0xFFFFFFB0] =	vst v4;
	v4 =	vmul.f32 v5, v2  }
0x1bf: {  	v5 =	vld.idx.msk [tilespmem:v13+s16+$0x0], $0xffff;
	[tilespmem:s21+$0xFFFFFFC0] =	vst v3;
	v9 =	vmul.f32 v9, v2  }
0x1c0: {  	s21 =	sadd.s32 $0x200, s21;
	v3 =	vld.idx.msk [tilespmem:v12+s16+$0x0], $0xffff;
	[tilespmem:s24+$0xFFFFFFD0] =	vst v4;
	v4 =	vmul.f32 v8, v2  }
0x1c1: {  	v8 =	vld [tilespmem:s21+$0xFFFFFF80];
	[tilespmem:s24+$0xFFFFFFE0] =	vst v9;
	v10 =	vmul.f32 v10, v2  }
0x1c2: {  	v9 =	vld [tilespmem:s21+$0xFFFFFE10];
	[tilespmem:s24+$0xFFFFFFF0] =	vst v4  }
0x1c3: {  	v2 =	vmov v6;
	v4 =	vld [tilespmem:s21+$0xFFFFFE20];
	[tilespmem:s24+$0x0] =	vst v10;
	s24 =	smov.u32 s21  }
0x1c4: {  	v6 =	vld [tilespmem:s21+$0xFFFFFE30]  }
0x1c5: {  	v10 =	vld [tilespmem:s21+$0xFFFFFE40]  }
0x1c6: {  	v11 =	vld [tilespmem:s21+$0xFFFFFE50];
	v8 =	vmul.f32 v8, v3  }
0x1c7: {  	v9 =	vmul.f32 v9, v7;
	v12 =	vld [tilespmem:s21+$0xFFFFFE60]  }
0x1c8: {  	v4 =	vmul.f32 v4, v7;
	v13 =	vld [tilespmem:s21+$0xFFFFFE70];
	[tilespmem:s21+$0xFFFFFF80] =	vst v8  }
0x1c9: {  	[tilespmem:s21+$0xFFFFFE10] =	vst v9;
	v6 =	vmul.f32 v6, v7;
	v8 =	vld [tilespmem:s21+$0xFFFFFE80]  }
0x1ca: {  	[tilespmem:s21+$0xFFFFFE20] =	vst v4;
	v4 =	vmul.f32 v10, v7;
	v9 =	vld [tilespmem:s21+$0xFFFFFE90]  }
0x1cb: {  	[tilespmem:s21+$0xFFFFFE30] =	vst v6;
	v6 =	vmul.f32 v11, v7;
	v10 =	vld [tilespmem:s21+$0xFFFFFEA0]  }
0x1cc: {  	[tilespmem:s21+$0xFFFFFE40] =	vst v4;
	v4 =	vmul.f32 v12, v7;
	v11 =	vld [tilespmem:s21+$0xFFFFFEB0]  }
0x1cd: {  	[tilespmem:s21+$0xFFFFFE50] =	vst v6;
	v6 =	vmul.f32 v13, v7;
	v12 =	vld [tilespmem:s21+$0xFFFFFEC0]  }
0x1ce: {  	[tilespmem:s21+$0xFFFFFE60] =	vst v4;
	v4 =	vmul.f32 v8, v7;
	v7 =	vld [tilespmem:s21+$0xFFFFFED0]  }
0x1cf: {  	[tilespmem:s21+$0xFFFFFE70] =	vst v6;
	v6 =	vmul.f32 v9, v5;
	v8 =	vld [tilespmem:s21+$0xFFFFFEE0]  }
0x1d0: {  	[tilespmem:s21+$0xFFFFFE80] =	vst v4;
	v4 =	vmul.f32 v10, v5;
	v9 =	vld [tilespmem:s21+$0xFFFFFEF0]  }
0x1d1: {  	[tilespmem:s21+$0xFFFFFE90] =	vst v6;
	v6 =	vmul.f32 v11, v5;
	v10 =	vld [tilespmem:s21+$0xFFFFFF00]  }
0x1d2: {  	[tilespmem:s21+$0xFFFFFEA0] =	vst v4;
	v4 =	vmul.f32 v12, v5;
	v11 =	vld [tilespmem:s21+$0xFFFFFF10]  }
0x1d3: {  	[tilespmem:s21+$0xFFFFFEB0] =	vst v6;
	v6 =	vmul.f32 v7, v5;
	v7 =	vld [tilespmem:s21+$0xFFFFFF20]  }
0x1d4: {  	[tilespmem:s21+$0xFFFFFEC0] =	vst v4;
	v4 =	vmul.f32 v8, v5;
	v8 =	vld [tilespmem:s21+$0xFFFFFF30]  }
0x1d5: {  	[tilespmem:s21+$0xFFFFFED0] =	vst v6;
	v6 =	vmul.f32 v9, v5;
	v12 =	vld [tilespmem:s21+$0xFFFFFF40]  }
0x1d6: {  	[tilespmem:s21+$0xFFFFFEE0] =	vst v4;
	v5 =	vmul.f32 v10, v5;
	v10 =	vld [tilespmem:s21+$0xFFFFFF50]  }
.Ltmp3:
0x1d7: {  	[tilespmem:s21+$0xFFFFFEF0] =	vst v6;
	v6 =	vmul.f32 v11, v3;
	v4 =	vld [tilespmem:s21+$0xFFFFFF60];
	(pc) =	sbr.rel @p2 .LBB2_9-.Ltmp3, $4  }
0x1d8: {  	[tilespmem:s21+$0xFFFFFF00] =	vst v5;
	v7 =	vmul.f32 v7, v3;
	v5 =	vld [tilespmem:s21+$0xFFFFFF70]  }
0x1d9: {  	s26 =	sadd.s32 $0x3, s25;
	v11 =	vmov s25;
	[tilespmem:s21+$0xFFFFFF10] =	vst v6;
	v14 =	vmul.f32 v8, v3;
	v9 =	vld [tilespmem:s21+$0xFFFFFF90]  }
0x1da: {  	s28 =	sadd.s32 $0x1, s25;
	v13 =	vand.u32 $0xFFFFFFFC, v11;
	v6 =	vmov s26;
	[tilespmem:s21+$0xFFFFFF20] =	vst v7;
	v11 =	vmul.f32 v12, v3;
	v8 =	vld [tilespmem:s21+$0xFFFFFFA0]  }
0x1db: {  	s26 =	sadd.s32 $0x2, s25;
	s25 =	sadd.s32 $0x4, s25;
	v7 =	vbroadcast v13, $0x0;
	v13 =	vmov s28;
	[tilespmem:s21+$0xFFFFFF30] =	vst v14;
	v12 =	vmul.f32 v10, v3;
	v10 =	vld [tilespmem:s21+$0xFFFFFFB0]  }
0x1dc: {  	v14 =	vld [tilespmem:s21+$0xFFFFFFC0]  }
0x1dd: {  	v16 =	vld [tilespmem:s21+$0xFFFFFFD0]  }
0x1de: {  	v17 =	vld [tilespmem:s21+$0xFFFFFFE0]  }
0x1df: {  	v18 =	vld [tilespmem:s21+$0xFFFFFFF0]  }
0x1e0: {  	v23 =	vld [tilespmem:s21+$0x0];
	[tilespmem:s21+$0xFFFFFF40] =	vst v11;
	v4 =	vmul.f32 v4, v3  }
0x1e1: {  	v6 =	vld.idx.msk [tilespmem:v6+s16+$0x0], $0xffff;
	[tilespmem:s21+$0xFFFFFF50] =	vst v12;
	v3 =	vmul.f32 v5, v3  }
0x1e2: {  	s25 =	sadd.s32 $0x200, s21;
	v24 =	vld.idx.msk [tilespmem:v7+s16+$0x0], $0xffff;
	v9 =	vmul.f32 v9, v2;
	[tilespmem:s21+$0xFFFFFF60] =	vst v4  }
0x1e3: {  	v29 =	vld [tilespmem:s25+$0xFFFFFF80];
	v25 =	vmul.f32 v8, v2;
	[tilespmem:s21+$0xFFFFFF70] =	vst v3  }
0x1e4: {  	v30 =	vld [tilespmem:s25+$0xFFFFFE10];
	[tilespmem:s21+$0xFFFFFF90] =	vst v9;
	v3 =	vmul.f32 v10, v2  }
0x1e5: {  	v15 =	vmov s26;
	v32 =	vld [tilespmem:s25+$0xFFFFFE20];
	[tilespmem:s21+$0xFFFFFFA0] =	vst v25;
	v28 =	vmul.f32 v14, v2  }
0x1e6: {  	v15 =	vand.u32 $0xFFFFFFFE, v15;
	v33 =	vld [tilespmem:s25+$0xFFFFFE30];
	[tilespmem:s21+$0xFFFFFFB0] =	vst v3;
	v3 =	vmul.f32 v16, v2  }
0x1e7: {  	v13 =	vand.u32 $0xFFFFFFFD, v13;
	v34 =	vld [tilespmem:s25+$0xFFFFFE40];
	v15 =	vbroadcast v15, $0x0;
	v31 =	vmul.f32 v17, v2;
	[tilespmem:s21+$0xFFFFFFC0] =	vst v28  }
0x1e8: {  	v13 =	vbroadcast v13, $0x0;
	v36 =	vld [tilespmem:s25+$0xFFFFFE60];
	[tilespmem:s24+$0xFFFFFFD0] =	vst v3;
	v3 =	vmul.f32 v18, v2  }
0x1e9: {  	v38 =	vld [tilespmem:s25+$0xFFFFFE70];
	[tilespmem:s24+$0xFFFFFFE0] =	vst v31;
	v2 =	vmul.f32 v23, v2  }
0x1ea: {  	v37 =	vmul.f32 v32, v24;
	[tilespmem:s24+$0xFFFFFFF0] =	vst v3;
	v3 =	vld [tilespmem:s25+$0xFFFFFE50]  }
0x1eb: {  	v39 =	vld [tilespmem:s25+$0xFFFFFE80];
	[tilespmem:s24+$0x0] =	vst v2;
	v2 =	vmul.f32 v30, v24  }
0x1ec: {  	v40 =	vld [tilespmem:s25+$0xFFFFFE90];
	v4 =	vmul.f32 v34, v24;
	[tilespmem:s25+$0xFFFFFE20] =	vst v37  }
0x1ed: {  	v27 =	vld.idx.msk [tilespmem:v15+s16+$0x0], $0xffff;
	[tilespmem:s25+$0xFFFFFE10] =	vst v2;
	v2 =	vmul.f32 v33, v24  }
0x1ee: {  	v41 =	vmul.f32 v36, v24;
	v26 =	vld.idx.msk [tilespmem:v13+s16+$0x0], $0xffff;
	[tilespmem:s25+$0xFFFFFE40] =	vst v4  }
0x1ef: {  	[tilespmem:s25+$0xFFFFFE30] =	vst v2;
	v2 =	vmul.f32 v3, v24;
	v3 =	vld [tilespmem:s25+$0xFFFFFEA0]  }
0x1f0: {  	v42 =	vld [tilespmem:s25+$0xFFFFFEB0];
	v44 =	vmul.f32 v39, v24;
	[tilespmem:s25+$0xFFFFFE60] =	vst v41  }
0x1f1: {  	v43 =	vld [tilespmem:s25+$0xFFFFFEC0];
	[tilespmem:s25+$0xFFFFFE50] =	vst v2;
	v2 =	vmul.f32 v38, v24  }
0x1f2: {  	v45 =	vld [tilespmem:s25+$0xFFFFFED0];
	[tilespmem:s25+$0xFFFFFE80] =	vst v44;
	v35 =	vmul.f32 v29, v27  }
0x1f3: {  	v46 =	vld [tilespmem:s25+$0xFFFFFEE0];
	[tilespmem:s25+$0xFFFFFE70] =	vst v2;
	v2 =	vmul.f32 v40, v26  }
0x1f4: {  	v47 =	vld [tilespmem:s25+$0xFFFFFEF0];
	[tilespmem:s25+$0xFFFFFF80] =	vst v35;
	v3 =	vmul.f32 v3, v26  }
0x1f5: {  	v48 =	vld [tilespmem:s25+$0xFFFFFF00];
	[tilespmem:s25+$0xFFFFFE90] =	vst v2;
	v2 =	vmul.f32 v42, v26  }
0x1f6: {  	v49 =	vld [tilespmem:s25+$0xFFFFFF10];
	[tilespmem:s25+$0xFFFFFEA0] =	vst v3;
	v3 =	vmul.f32 v43, v26  }
0x1f7: {  	v50 =	vld [tilespmem:s25+$0xFFFFFF20];
	[tilespmem:s25+$0xFFFFFEB0] =	vst v2;
	v2 =	vmul.f32 v45, v26  }
0x1f8: {  	v51 =	vld [tilespmem:s25+$0xFFFFFF30];
	[tilespmem:s25+$0xFFFFFEC0] =	vst v3;
	v3 =	vmul.f32 v46, v26  }
0x1f9: {  	v52 =	vld [tilespmem:s25+$0xFFFFFF40];
	[tilespmem:s25+$0xFFFFFED0] =	vst v2;
	v2 =	vmul.f32 v47, v26  }
0x1fa: {  	v53 =	vld [tilespmem:s25+$0xFFFFFF50];
	[tilespmem:s25+$0xFFFFFEE0] =	vst v3;
	v3 =	vmul.f32 v48, v26  }
0x1fb: {  	v54 =	vld [tilespmem:s25+$0xFFFFFF60];
	[tilespmem:s25+$0xFFFFFEF0] =	vst v2;
	v2 =	vmul.f32 v49, v27  }
0x1fc: {  	v55 =	vld [tilespmem:s25+$0xFFFFFF70];
	[tilespmem:s25+$0xFFFFFF00] =	vst v3;
	v3 =	vmul.f32 v50, v27  }
0x1fd: {  	v56 =	vld [tilespmem:s25+$0xFFFFFF90];
	[tilespmem:s25+$0xFFFFFF10] =	vst v2;
	v2 =	vmul.f32 v51, v27  }
0x1fe: {  	v57 =	vld [tilespmem:s25+$0xFFFFFFA0];
	[tilespmem:s25+$0xFFFFFF20] =	vst v3;
	v3 =	vmul.f32 v52, v27  }
0x1ff: {  	v58 =	vld [tilespmem:s25+$0xFFFFFFB0];
	[tilespmem:s25+$0xFFFFFF30] =	vst v2;
	v2 =	vmul.f32 v53, v27  }
0x200: {  	v59 =	vld [tilespmem:s25+$0xFFFFFFC0];
	[tilespmem:s25+$0xFFFFFF40] =	vst v3;
	v3 =	vmul.f32 v54, v27  }
0x201: {  	v60 =	vld [tilespmem:s25+$0xFFFFFFD0];
	[tilespmem:s25+$0xFFFFFF50] =	vst v2;
	v2 =	vmul.f32 v55, v27  }
0x202: {  	v61 =	vld [tilespmem:s25+$0xFFFFFFE0];
	[tilespmem:s25+$0xFFFFFF60] =	vst v3;
	v3 =	vmul.f32 v56, v6  }
0x203: {  	v62 =	vld [tilespmem:s25+$0xFFFFFFF0];
	[tilespmem:s25+$0xFFFFFF70] =	vst v2;
	v2 =	vmul.f32 v57, v6  }
0x204: {  	v63 =	vld [tilespmem:s25+$0x0];
	[tilespmem:s25+$0xFFFFFF90] =	vst v3;
	v3 =	vmul.f32 v58, v6  }
0x205: {  	[tilespmem:s25+$0xFFFFFFA0] =	vst v2;
	v2 =	vmul.f32 v59, v6  }
0x206: {  	s20 =	sadd.s32 $0x1, s20;
	[tilespmem:s25+$0xFFFFFFB0] =	vst v3;
	v3 =	vmul.f32 v60, v6  }
0x207: {  	p2 =	sne.s32 s20, $0x7D;
	[tilespmem:s25+$0xFFFFFFC0] =	vst v2;
	v2 =	vmul.f32 v61, v6  }
.Ltmp4:
0x208: {  	[tilespmem:s25+$0xFFFFFFD0] =	vst v3;
	v3 =	vmul.f32 v62, v6;
	(pc) =	sbr.rel @p2 .LBB2_4-.Ltmp4, $4  }
0x209: {  	[tilespmem:s25+$0xFFFFFFE0] =	vst v2;
	v2 =	vmul.f32 v63, v6  }
0x20a: {  	[tilespmem:s25+$0xFFFFFFF0] =	vst v3  }
0x20b: {  	s12 =	sadd.s32 $0x9, s12;
	p1 =	por !p1, !p1;
	[tilespmem:s25+$0x0] =	vst v2  }
0x20c: {  	[spmem:s2] =	stream.indirect.scatter.add.f32 [tilespmem:s23], [sflag:s12], $0x80, s22, s14, $0xb8;
	[tilespmem:$0x1E000] =	vst v63  }
0x20d: {  	_ =	swait.ge [sflag:s17], $0x1400  }
0x20e: {  	[sflag:s17] =	ssyncset.done $0x0  }
0x20f: {  	[sflag:s17] =	ssyncadd.s32 $0xFFFFEC00  }
0x210: {  	_ =	swait.ge [sflag:s18], $0x1400  }
0x211: {  	[sflag:s18] =	ssyncset.done $0x0  }
0x212: {  	s12 =	stileid.u32;
	[sflag:s18] =	ssyncadd.s32 $0xFFFFEC00  }
0x213: {  	s12 =	sshll.u32 s12, $0x6;
	[bflag:$0x0] =	sbarrier.arrive $0xFFFF  }
0x214: {  	s20 =	sshrl.u32 s8, $0x3;
	s12 =	sor.u32 $0x1C0D, s12;
	s21 =	rddreg [dreg:$0xc]  }
0x215: {  	[hbm:s21], [sflag:s12] =	dma.local [spmem:s20], $0xD00  }
0x216: {  	_ =	swait.ge [sflag:s9], $0xD00  }
0x217: {  	[sflag:s9] =	ssyncset.done $0x0;
	s26 =	rddreg [dreg:$0xd]  }
0x218: {  	s28 =	rddreg [dreg:$0x13];
	[sflag:s9] =	ssyncadd.s32 $0xFFFFF300  }
0x219: {  	[hbm:s26], [sflag:s12] =	dma.local [spmem:s28], $0xD00  }
0x21a: {  	_ =	swait.ge [sflag:s9], $0xD00  }
0x21b: {  	[sflag:s9] =	ssyncset.done $0x0;
	s29 =	rddreg [dreg:$0xe]  }
0x21c: {  	s30 =	rddreg [dreg:$0x14];
	[sflag:s9] =	ssyncadd.s32 $0xFFFFF300  }
0x21d: {  	[hbm:s29], [sflag:s12] =	dma.local [spmem:s30], $0xD00  }
0x21e: {  	_ =	swait.ge [sflag:s9], $0xD00  }
0x21f: {  	[sflag:s9] =	ssyncset.done $0x0  }
0x220: {  	s20 =	sshrl.u32 @!p0 s7, $0x3;
	s21 =	rddreg [dreg:$0x11];
	[sflag:s9] =	ssyncadd.s32 $0xFFFFF300  }
0x221: {  	[hbm:s21], [sflag:s12] =	dma.local @!p0 [spmem:s20], $0x100  }
0x222: {  	s12 =	simm.s32 @!p0 $0xD  }
0x223: {  	_ =	swait.ge @!p0 [sflag:s12], $0x100  }
0x224: {  	s19 =	sadd.s32 $0x1, s19;
	s31 =	rddreg [dreg:$0x12]  }
0x225: {  	p1 =	sne.s32 s19, s31  }
.Ltmp5:
0x226: {  	_ = 	snop;
	(pc) =	sbr.rel @p1 .LBB2_1-.Ltmp5, $3  }
0x227: {  	_ =	sdelay $0x1  }
0x228: {  	[sflag:s12] =	ssyncset.done @!p0 $0x0  }
0x229: {  	[sflag:s12] =	ssyncadd.s32 @!p0 $0xFFFFFF00  }
0x22a: {  	_ =	sfence.sel $0x180000  }
0x22b: {  	[bflag:$0x0] =	sbarrier.arrive $0xFFFF  }
0x22c: {  	_ =	strace $0x90000047  }
0x22d: {  	s0 =	stileid.u32;
	[bflag:$0x2] =	sbarrier.arrive $0xFFFF  }
0x22e: {  	p0 =	sne.s32 s0, $0x0;
	s0 =	rddreg [dreg:$0x3]  }
0x22f: {  	s0 =	sadd.s32 @!p0 $0x100000, s0  }
0x230: {  	[sflag:s0] =	ssyncadd.tile.s32 @!p0 $0x1;
	_ =	shalt  }
.Lfunc_end2:
_tile_overlayer_lowered:
.L_overlay_start_2:
0x231: {  	(tag) =	ssettag $0x2  }
0x232: {  	s0 =	rddreg [dreg:$0x0];
	s2 =	stileid.u32  }
0x233: {  	s1 =	rddreg [dreg:$0x1];
	p0 =	sne.s32 s2, $0x0  }
0x234: {  	s3 =	rddreg [dreg:$0x2];
	[bflag:$0x3] =	sbarrier.arrive $0xFFFF;
	s2 =	simm.s32 @!p0 $0x1C0D  }
0x235: {  	[timem:s3], [sflag:s2] =	dma.local @!p0 [hbm:s0], s1  }
0x236: {  	s0 =	simm.s32 @!p0 $0xD  }
0x237: {  	_ =	swait.ge @!p0 [sflag:s0], s1  }
0x238: {  	s1 =	ssub.s32 @!p0 $0x0, s1;
	[sflag:s0] =	ssyncset.done @!p0 $0x0  }
0x239: {  	[sflag:s0] =	ssyncadd.s32 @!p0 s1  }
0x23a: {  	[bflag:$0x3] =	sbarrier.arrive $0xFFFF  }
0x23b: {  	_ =	shalt  }

</sc_bundles>
